<compile_context>
chip_gen: v7x
topology: tpu7x:2x2x1
jax: 0.10.2.dev20260603
libtpu: 0.0.44.dev20260713+nightly
codegen_flags: <defaults>
</compile_context>

<pallas_src>
import functools

import jax
import jax.numpy as jnp
from jax import lax
from jax.experimental import pallas as pl
from jax.experimental.pallas import tpu as pltpu
from jax.experimental.pallas import tpu_sc as plsc

_NC = 2
_NS = 16
_NW = _NC * _NS
_L = 16

_SEQ = 32
_D = 32
_GATHER = 128
_CHUNK = 1024


def _tec_body(idx_hbm, table_hbm, pos_hbm, typ_hbm, out_hbm,
              idx_v, rows_a, rows_b, bias_v, typ_v,
              gsem_a, gsem_b, wsem_a, wsem_b):
  n_tokens = idx_hbm.shape[0] * idx_hbm.shape[1]
  rows_w = n_tokens // _NW
  grows_w = rows_w // _GATHER
  n_chunks = rows_w // _CHUNK
  calls_per_chunk = _CHUNK // _GATHER

  wid = lax.axis_index("s") * _NC + lax.axis_index("c")
  wbase = wid * rows_w

  tblr = table_hbm
  outr = out_hbm

  rows = (rows_a, rows_b)
  gsem = (gsem_a, gsem_b)
  wsem = (wsem_a, wsem_b)

  pltpu.sync_copy(idx_hbm.at[pl.ds(wid * grows_w, grows_w)], idx_v)

  def scale_idx(q, carry):
    for h in range(_GATHER // _L):
      idx_v[q, pl.ds(h * _L, _L)] = lax.shift_left(
          idx_v[q, pl.ds(h * _L, _L)], 2)
    return carry

  lax.fori_loop(0, grows_w, scale_idx, 0)

  pltpu.sync_copy(pos_hbm, bias_v)
  pltpu.sync_copy(typ_hbm, typ_v)
  for h in range(_D // _L):
    t = typ_v[0, pl.ds(h * _L, _L)]
    for r in range(_SEQ):
      bias_v[r, pl.ds(h * _L, _L)] = bias_v[r, pl.ds(h * _L, _L)] + t

  def issue_gather(c, b):
    for j in range(calls_per_chunk):
      pltpu.make_async_copy(
          tblr.at[idx_v.at[c * calls_per_chunk + j]],
          rows[b].at[pl.ds(j * _GATHER, _GATHER)],
          gsem[b]).start()

  def drain(sem):
    pltpu.make_async_copy(tblr.at[pl.ds(0, _CHUNK)], rows[0], sem).wait()

  issue_gather(0, 0)

  def chunk_body(c, carry):
    b = lax.rem(c, 2)

    def do_chunk(bi):
      ob = 1 - bi
      rbuf = rows[bi]

      @pl.when(c + 1 < n_chunks)
      def _prefetch():
        @pl.when(c >= 1)
        def _wait_wb():
          drain(wsem[ob])

        issue_gather(c + 1, ob)

      drain(gsem[bi])

      def add_bias(g, carry2):
        for r in range(_SEQ):
          for h in range(_D // _L):
            plsc.addupdate(rbuf.at[g * _SEQ + r, pl.ds(h * _L, _L)],
                           bias_v[r, pl.ds(h * _L, _L)])
        return carry2

      lax.fori_loop(0, _CHUNK // _SEQ, add_bias, 0)

      pltpu.make_async_copy(
          rbuf, outr.at[pl.ds(wbase + c * _CHUNK, _CHUNK)], wsem[bi]).start()

    @pl.when(b == 0)
    def _even():
      do_chunk(0)

    @pl.when(b == 1)
    def _odd():
      do_chunk(1)

    return carry

  lax.fori_loop(0, n_chunks, chunk_body, 0)
  drain(wsem[0])
  drain(wsem[1])


def kernel(token_ids, token_table, pos_embed, type_embed):
  batch, seq = token_ids.shape
  n_tokens = batch * seq
  idx = jnp.reshape(token_ids.astype(jnp.int32), (n_tokens // 128, 128))
  tblw = jnp.pad(token_table, ((0, 0), (0, 128 - _D)))
  tbl = jnp.reshape(tblw, (token_table.shape[0] * (128 // _D), _D))

  run = functools.partial(
      pl.kernel,
      out_type=jax.ShapeDtypeStruct((n_tokens, _D), jnp.float32),
      mesh=plsc.VectorSubcoreMesh(core_axis_name="c", subcore_axis_name="s"),
      compiler_params=pltpu.CompilerParams(use_tc_tiling_on_sc=False),
      scratch_types=[
          pltpu.VMEM((n_tokens // _NW // _GATHER, _GATHER), jnp.int32),
          pltpu.VMEM((_CHUNK, _D), jnp.float32),
          pltpu.VMEM((_CHUNK, _D), jnp.float32),
          pltpu.VMEM((_SEQ, _D), jnp.float32),
          pltpu.VMEM((1, _D), jnp.float32),
          pltpu.SemaphoreType.DMA,
          pltpu.SemaphoreType.DMA,
          pltpu.SemaphoreType.DMA,
          pltpu.SemaphoreType.DMA,
      ],
  )(_tec_body)

  out = run(idx, tbl, pos_embed, type_embed)
  return jnp.reshape(out, (batch, seq, _D))

# --- scband reference (transcript-rebuilt; emitter-appended) ---
"""Pipeline reference for scband-text-embeddings-58858231824901 (READ-ONLY COPY).

The authoritative reference and input builder live on the scoring server;
editing this copy changes nothing except your own understanding.
"""

import jax, jax.numpy as jnp
import numpy as np

VOCAB = 1000000
EMBED = 32
MAX_LEN = 32
BATCH = 16384
SEQ = 32


def setup_inputs(seed: int = 0) -> dict:
    key = jax.random.key(seed)
    k1, k2, k3, k4 = jax.random.split(key, 4)
    token_ids = jax.random.randint(k1, (BATCH, SEQ), 0, VOCAB, dtype=jnp.int64 if jax.config.jax_enable_x64 else jnp.int32)
    token_table = jax.random.normal(k2, (VOCAB, EMBED), dtype=jnp.float32) * 0.02
    pos_embed = jax.random.normal(k3, (MAX_LEN, EMBED), dtype=jnp.float32)
    type_embed = jax.random.normal(k4, (1, EMBED), dtype=jnp.float32)
    return {"token_ids": token_ids, "token_table": token_table, "pos_embed": pos_embed, "type_embed": type_embed}


def reference(token_ids, token_table, pos_embed, type_embed):
    # x = self.token_embed(token_ids)
    x = jnp.take(token_table, token_ids, axis=0)  # [B, S, D]
    # pos = self.pos_embed[:x.size(1)]
    pos = pos_embed[: x.shape[1]]  # [S, D]
    # type_embed = self.type_embed.expand_as(pos)
    typ = jnp.broadcast_to(type_embed, pos.shape)  # [S, D]
    return x + pos + typ

if __name__ == "__main__":
    import jax
    _d = setup_inputs()
    print(jax.jit(kernel)(*tuple(_d.values())))

</pallas_src>

<mosaic_0001>
#map = affine_map<(d0, d1) -> (0, 0)>
module attributes {stable_mosaic.version = 14 : i64} {
  func.func @_tec_body(%arg0: i32, %arg1: i32, %arg2: memref<4096x128xi32, #tpu.memory_space<hbm>>, %arg3: memref<4000000x32xf32, #tpu.memory_space<hbm>>, %arg4: memref<32x32xf32, #tpu.memory_space<hbm>>, %arg5: memref<1x32xf32, #tpu.memory_space<hbm>>, %arg6: memref<524288x32xf32, #tpu.memory_space<hbm>>, %arg7: memref<128x128xi32, #tpu.memory_space<vmem>>, %arg8: memref<1024x32xf32, #tpu.memory_space<vmem>>, %arg9: memref<1024x32xf32, #tpu.memory_space<vmem>>, %arg10: memref<32x32xf32, #tpu.memory_space<vmem>>, %arg11: memref<1x32xf32, #tpu.memory_space<vmem>>, %arg12: memref<!tpu.dma_semaphore, #tpu.memory_space<semaphore_mem>>, %arg13: memref<!tpu.dma_semaphore, #tpu.memory_space<semaphore_mem>>, %arg14: memref<!tpu.dma_semaphore, #tpu.memory_space<semaphore_mem>>, %arg15: memref<!tpu.dma_semaphore, #tpu.memory_space<semaphore_mem>>) attributes {dimension_semantics = [#tpu.dimension_semantics<core_parallel>, #tpu.dimension_semantics<subcore_parallel>], iteration_bounds = array<i64: 2, 16>, scalar_prefetch = 0 : i64, scratch_operands = 9 : i64, tpu.core_type = #tpu.core_type<sc_vector_subcore>, window_params = [{transform_indices = #map}, {transform_indices = #map}, {transform_indices = #map}, {transform_indices = #map}, {transform_indices = #map}]} {
    %mul3A = arith.constant 2 : i32
    %mul3A_0 = arith.muli %arg1, %mul3A : i32
    %add3A = arith.addi %mul3A_0, %arg0 : i32
    %mul3A_1 = arith.constant 16384 : i32
    %mul3A_2 = arith.muli %add3A, %mul3A_1 : i32
    %mul3A_3 = arith.constant 128 : i32
    %mul3A_4 = arith.muli %add3A, %mul3A_3 : i32
    "tpu.region"() ({
      %run_scoped3A = tpu.sem_alloc : memref<!tpu.dma_semaphore, #tpu.memory_space<semaphore_mem>>
      %dma_start3A_882 = arith.constant 0 : i32
      %dma_start3A_883 = tpu.memref_slice %arg2[%mul3A_4, %dma_start3A_882] : memref<4096x128xi32, #tpu.memory_space<hbm>> -> memref<128x128xi32, #tpu.memory_space<hbm>>
      %dma_start3A_884 = arith.constant 0 : i32
      %dma_start3A_885 = tpu.memref_slice %arg2[%mul3A_4, %dma_start3A_884] : memref<4096x128xi32, #tpu.memory_space<hbm>> -> memref<128x128xi32, #tpu.memory_space<hbm>>
      tpu.enqueue_dma source(%dma_start3A_885 : memref<128x128xi32, #tpu.memory_space<hbm>>) target(%arg7 : memref<128x128xi32, #tpu.memory_space<vmem>>) target_semaphore(%run_scoped3A : memref<!tpu.dma_semaphore, #tpu.memory_space<semaphore_mem>>)
      %dma_wait3A_886 = arith.constant 0 : i32
      %dma_wait3A_887 = tpu.memref_slice %arg2[%mul3A_4, %dma_wait3A_886] : memref<4096x128xi32, #tpu.memory_space<hbm>> -> memref<128x128xi32, #tpu.memory_space<hbm>>
      %dma_wait3A_888 = arith.constant 0 : i32
      %dma_wait3A_889 = tpu.memref_slice %arg2[%mul3A_4, %dma_wait3A_888] : memref<4096x128xi32, #tpu.memory_space<hbm>> -> memref<128x128xi32, #tpu.memory_space<hbm>>
      tpu.wait_dma2 semaphore(%run_scoped3A : memref<!tpu.dma_semaphore, #tpu.memory_space<semaphore_mem>>) src(%dma_wait3A_889 : memref<128x128xi32, #tpu.memory_space<hbm>>) dst(%arg7 : memref<128x128xi32, #tpu.memory_space<vmem>>)
      tpu.yield
    }) : () -> ()
    %scan3A = arith.constant 0 : i32
    %scan3A_5 = arith.constant 0 : i32
    %scan3A_6 = arith.constant 128 : i32
    %scan3A_7 = arith.addi %scan3A_5, %scan3A_6 : i32
    %scan3A_8 = arith.constant 1 : i32
    scf.for %scan3A_882 = %scan3A_5 to %scan3A_7 step %scan3A_8  : i32 {
      %get3A_883 = arith.index_cast %scan3A_882 : i32 to index
      %get3A_884 = arith.constant 0 : index
      %get3A_885 = tpu.vector_load %arg7[%get3A_883, %get3A_884] {strides = array<i32>} : memref<128x128xi32, #tpu.memory_space<vmem>>, vector<1x16xi32>,
      %get3A_886 = vector.shape_cast %get3A_885 : vector<1x16xi32> to vector<16xi32>
      %shift_left3A = arith.constant 2 : i32
      %shift_left3A_887 = vector.broadcast %shift_left3A : i32 to vector<16xi32>
      %shift_left3A_888 = arith.shli %get3A_886, %shift_left3A_887 : vector<16xi32>
      %swap3A_889 = arith.index_cast %scan3A_882 : i32 to index
      %swap3A_890 = arith.constant 0 : index
      %swap3A_891 = tpu.vector_load %arg7[%swap3A_889, %swap3A_890] {strides = array<i32>} : memref<128x128xi32, #tpu.memory_space<vmem>>, vector<1x16xi32>,
      %swap3A_892 = vector.shape_cast %swap3A_891 : vector<1x16xi32> to vector<16xi32>
      %swap3A_893 = vector.shape_cast %shift_left3A_888 : vector<16xi32> to vector<1x16xi32>
      tpu.vector_store %arg7[%swap3A_889, %swap3A_890], %swap3A_893 {strides = array<i32>} : memref<128x128xi32, #tpu.memory_space<vmem>>, vector<1x16xi32>,
      %get3A_894 = arith.index_cast %scan3A_882 : i32 to index
      %get3A_895 = arith.constant 16 : index
      %get3A_896 = tpu.vector_load %arg7[%get3A_894, %get3A_895] {strides = array<i32>} : memref<128x128xi32, #tpu.memory_space<vmem>>, vector<1x16xi32>,
      %get3A_897 = vector.shape_cast %get3A_896 : vector<1x16xi32> to vector<16xi32>
      %shift_left3A_898 = arith.constant 2 : i32
      %shift_left3A_899 = vector.broadcast %shift_left3A_898 : i32 to vector<16xi32>
      %shift_left3A_900 = arith.shli %get3A_897, %shift_left3A_899 : vector<16xi32>
      %swap3A_901 = arith.index_cast %scan3A_882 : i32 to index
      %swap3A_902 = arith.constant 16 : index
      %swap3A_903 = tpu.vector_load %arg7[%swap3A_901, %swap3A_902] {strides = array<i32>} : memref<128x128xi32, #tpu.memory_space<vmem>>, vector<1x16xi32>,
      %swap3A_904 = vector.shape_cast %swap3A_903 : vector<1x16xi32> to vector<16xi32>
      %swap3A_905 = vector.shape_cast %shift_left3A_900 : vector<16xi32> to vector<1x16xi32>
      tpu.vector_store %arg7[%swap3A_901, %swap3A_902], %swap3A_905 {strides = array<i32>} : memref<128x128xi32, #tpu.memory_space<vmem>>, vector<1x16xi32>,
      %get3A_906 = arith.index_cast %scan3A_882 : i32 to index
      %get3A_907 = arith.constant 32 : index
      %get3A_908 = tpu.vector_load %arg7[%get3A_906, %get3A_907] {strides = array<i32>} : memref<128x128xi32, #tpu.memory_space<vmem>>, vector<1x16xi32>,
      %get3A_909 = vector.shape_cast %get3A_908 : vector<1x16xi32> to vector<16xi32>
      %shift_left3A_910 = arith.constant 2 : i32
      %shift_left3A_911 = vector.broadcast %shift_left3A_910 : i32 to vector<16xi32>
      %shift_left3A_912 = arith.shli %get3A_909, %shift_left3A_911 : vector<16xi32>
      %swap3A_913 = arith.index_cast %scan3A_882 : i32 to index
      %swap3A_914 = arith.constant 32 : index
      %swap3A_915 = tpu.vector_load %arg7[%swap3A_913, %swap3A_914] {strides = array<i32>} : memref<128x128xi32, #tpu.memory_space<vmem>>, vector<1x16xi32>,
      %swap3A_916 = vector.shape_cast %swap3A_915 : vector<1x16xi32> to vector<16xi32>
      %swap3A_917 = vector.shape_cast %shift_left3A_912 : vector<16xi32> to vector<1x16xi32>
      tpu.vector_store %arg7[%swap3A_913, %swap3A_914], %swap3A_917 {strides = array<i32>} : memref<128x128xi32, #tpu.memory_space<vmem>>, vector<1x16xi32>,
      %get3A_918 = arith.index_cast %scan3A_882 : i32 to index
      %get3A_919 = arith.constant 48 : index
      %get3A_920 = tpu.vector_load %arg7[%get3A_918, %get3A_919] {strides = array<i32>} : memref<128x128xi32, #tpu.memory_space<vmem>>, vector<1x16xi32>,
      %get3A_921 = vector.shape_cast %get3A_920 : vector<1x16xi32> to vector<16xi32>
      %shift_left3A_922 = arith.constant 2 : i32
      %shift_left3A_923 = vector.broadcast %shift_left3A_922 : i32 to vector<16xi32>
      %shift_left3A_924 = arith.shli %get3A_921, %shift_left3A_923 : vector<16xi32>
      %swap3A_925 = arith.index_cast %scan3A_882 : i32 to index
      %swap3A_926 = arith.constant 48 : index
      %swap3A_927 = tpu.vector_load %arg7[%swap3A_925, %swap3A_926] {strides = array<i32>} : memref<128x128xi32, #tpu.memory_space<vmem>>, vector<1x16xi32>,
      %swap3A_928 = vector.shape_cast %swap3A_927 : vector<1x16xi32> to vector<16xi32>
      %swap3A_929 = vector.shape_cast %shift_left3A_924 : vector<16xi32> to vector<1x16xi32>
      tpu.vector_store %arg7[%swap3A_925, %swap3A_926], %swap3A_929 {strides = array<i32>} : memref<128x128xi32, #tpu.memory_space<vmem>>, vector<1x16xi32>,
      %get3A_930 = arith.index_cast %scan3A_882 : i32 to index
      %get3A_931 = arith.constant 64 : index
      %get3A_932 = tpu.vector_load %arg7[%get3A_930, %get3A_931] {strides = array<i32>} : memref<128x128xi32, #tpu.memory_space<vmem>>, vector<1x16xi32>,
      %get3A_933 = vector.shape_cast %get3A_932 : vector<1x16xi32> to vector<16xi32>
      %shift_left3A_934 = arith.constant 2 : i32
      %shift_left3A_935 = vector.broadcast %shift_left3A_934 : i32 to vector<16xi32>
      %shift_left3A_936 = arith.shli %get3A_933, %shift_left3A_935 : vector<16xi32>
      %swap3A_937 = arith.index_cast %scan3A_882 : i32 to index
      %swap3A_938 = arith.constant 64 : index
      %swap3A_939 = tpu.vector_load %arg7[%swap3A_937, %swap3A_938] {strides = array<i32>} : memref<128x128xi32, #tpu.memory_space<vmem>>, vector<1x16xi32>,
      %swap3A_940 = vector.shape_cast %swap3A_939 : vector<1x16xi32> to vector<16xi32>
      %swap3A_941 = vector.shape_cast %shift_left3A_936 : vector<16xi32> to vector<1x16xi32>
      tpu.vector_store %arg7[%swap3A_937, %swap3A_938], %swap3A_941 {strides = array<i32>} : memref<128x128xi32, #tpu.memory_space<vmem>>, vector<1x16xi32>,
      %get3A_942 = arith.index_cast %scan3A_882 : i32 to index
      %get3A_943 = arith.constant 80 : index
      %get3A_944 = tpu.vector_load %arg7[%get3A_942, %get3A_943] {strides = array<i32>} : memref<128x128xi32, #tpu.memory_space<vmem>>, vector<1x16xi32>,
      %get3A_945 = vector.shape_cast %get3A_944 : vector<1x16xi32> to vector<16xi32>
      %shift_left3A_946 = arith.constant 2 : i32
      %shift_left3A_947 = vector.broadcast %shift_left3A_946 : i32 to vector<16xi32>
      %shift_left3A_948 = arith.shli %get3A_945, %shift_left3A_947 : vector<16xi32>
      %swap3A_949 = arith.index_cast %scan3A_882 : i32 to index
      %swap3A_950 = arith.constant 80 : index
      %swap3A_951 = tpu.vector_load %arg7[%swap3A_949, %swap3A_950] {strides = array<i32>} : memref<128x128xi32, #tpu.memory_space<vmem>>, vector<1x16xi32>,
      %swap3A_952 = vector.shape_cast %swap3A_951 : vector<1x16xi32> to vector<16xi32>
      %swap3A_953 = vector.shape_cast %shift_left3A_948 : vector<16xi32> to vector<1x16xi32>
      tpu.vector_store %arg7[%swap3A_949, %swap3A_950], %swap3A_953 {strides = array<i32>} : memref<128x128xi32, #tpu.memory_space<vmem>>, vector<1x16xi32>,
      %get3A_954 = arith.index_cast %scan3A_882 : i32 to index
      %get3A_955 = arith.constant 96 : index
      %get3A_956 = tpu.vector_load %arg7[%get3A_954, %get3A_955] {strides = array<i32>} : memref<128x128xi32, #tpu.memory_space<vmem>>, vector<1x16xi32>,
      %get3A_957 = vector.shape_cast %get3A_956 : vector<1x16xi32> to vector<16xi32>
      %shift_left3A_958 = arith.constant 2 : i32
      %shift_left3A_959 = vector.broadcast %shift_left3A_958 : i32 to vector<16xi32>
      %shift_left3A_960 = arith.shli %get3A_957, %shift_left3A_959 : vector<16xi32>
      %swap3A_961 = arith.index_cast %scan3A_882 : i32 to index
      %swap3A_962 = arith.constant 96 : index
      %swap3A_963 = tpu.vector_load %arg7[%swap3A_961, %swap3A_962] {strides = array<i32>} : memref<128x128xi32, #tpu.memory_space<vmem>>, vector<1x16xi32>,
      %swap3A_964 = vector.shape_cast %swap3A_963 : vector<1x16xi32> to vector<16xi32>
      %swap3A_965 = vector.shape_cast %shift_left3A_960 : vector<16xi32> to vector<1x16xi32>
      tpu.vector_store %arg7[%swap3A_961, %swap3A_962], %swap3A_965 {strides = array<i32>} : memref<128x128xi32, #tpu.memory_space<vmem>>, vector<1x16xi32>,
      %get3A_966 = arith.index_cast %scan3A_882 : i32 to index
      %get3A_967 = arith.constant 112 : index
      %get3A_968 = tpu.vector_load %arg7[%get3A_966, %get3A_967] {strides = array<i32>} : memref<128x128xi32, #tpu.memory_space<vmem>>, vector<1x16xi32>,
      %get3A_969 = vector.shape_cast %get3A_968 : vector<1x16xi32> to vector<16xi32>
      %shift_left3A_970 = arith.constant 2 : i32
      %shift_left3A_971 = vector.broadcast %shift_left3A_970 : i32 to vector<16xi32>
      %shift_left3A_972 = arith.shli %get3A_969, %shift_left3A_971 : vector<16xi32>
      %swap3A_973 = arith.index_cast %scan3A_882 : i32 to index
      %swap3A_974 = arith.constant 112 : index
      %swap3A_975 = tpu.vector_load %arg7[%swap3A_973, %swap3A_974] {strides = array<i32>} : memref<128x128xi32, #tpu.memory_space<vmem>>, vector<1x16xi32>,
      %swap3A_976 = vector.shape_cast %swap3A_975 : vector<1x16xi32> to vector<16xi32>
      %swap3A_977 = vector.shape_cast %shift_left3A_972 : vector<16xi32> to vector<1x16xi32>
      tpu.vector_store %arg7[%swap3A_973, %swap3A_974], %swap3A_977 {strides = array<i32>} : memref<128x128xi32, #tpu.memory_space<vmem>>, vector<1x16xi32>,
    }
    %scan3A_9 = arith.constant 128 : i32
    "tpu.region"() ({
      %run_scoped3A = tpu.sem_alloc : memref<!tpu.dma_semaphore, #tpu.memory_space<semaphore_mem>>
      tpu.enqueue_dma source(%arg4 : memref<32x32xf32, #tpu.memory_space<hbm>>) target(%arg10 : memref<32x32xf32, #tpu.memory_space<vmem>>) target_semaphore(%run_scoped3A : memref<!tpu.dma_semaphore, #tpu.memory_space<semaphore_mem>>)
      tpu.wait_dma2 semaphore(%run_scoped3A : memref<!tpu.dma_semaphore, #tpu.memory_space<semaphore_mem>>) src(%arg4 : memref<32x32xf32, #tpu.memory_space<hbm>>) dst(%arg10 : memref<32x32xf32, #tpu.memory_space<vmem>>)
      tpu.yield
    }) : () -> ()
    "tpu.region"() ({
      %run_scoped3A = tpu.sem_alloc : memref<!tpu.dma_semaphore, #tpu.memory_space<semaphore_mem>>
      tpu.enqueue_dma source(%arg5 : memref<1x32xf32, #tpu.memory_space<hbm>>) target(%arg11 : memref<1x32xf32, #tpu.memory_space<vmem>>) target_semaphore(%run_scoped3A : memref<!tpu.dma_semaphore, #tpu.memory_space<semaphore_mem>>)
      tpu.wait_dma2 semaphore(%run_scoped3A : memref<!tpu.dma_semaphore, #tpu.memory_space<semaphore_mem>>) src(%arg5 : memref<1x32xf32, #tpu.memory_space<hbm>>) dst(%arg11 : memref<1x32xf32, #tpu.memory_space<vmem>>)
      tpu.yield
    }) : () -> ()
    %get3A = arith.constant 0 : i32
    %get3A_10 = arith.index_cast %get3A : i32 to index
    %get3A_11 = arith.constant 0 : index
    %get3A_12 = tpu.vector_load %arg11[%get3A_10, %get3A_11] {strides = array<i32>} : memref<1x32xf32, #tpu.memory_space<vmem>>, vector<1x16xf32>,
    %get3A_13 = vector.shape_cast %get3A_12 : vector<1x16xf32> to vector<16xf32>
    %get3A_14 = arith.constant 0 : i32
    %get3A_15 = arith.index_cast %get3A_14 : i32 to index
    %get3A_16 = arith.constant 0 : index
    %get3A_17 = tpu.vector_load %arg10[%get3A_15, %get3A_16] {strides = array<i32>} : memref<32x32xf32, #tpu.memory_space<vmem>>, vector<1x16xf32>,
    %get3A_18 = vector.shape_cast %get3A_17 : vector<1x16xf32> to vector<16xf32>
    %add3A_19 = arith.addf %get3A_18, %get3A_13 : vector<16xf32>
    %swap3A = arith.constant 0 : i32
    %swap3A_20 = arith.index_cast %swap3A : i32 to index
    %swap3A_21 = arith.constant 0 : index
    %swap3A_22 = tpu.vector_load %arg10[%swap3A_20, %swap3A_21] {strides = array<i32>} : memref<32x32xf32, #tpu.memory_space<vmem>>, vector<1x16xf32>,
    %swap3A_23 = vector.shape_cast %swap3A_22 : vector<1x16xf32> to vector<16xf32>
    %swap3A_24 = vector.shape_cast %add3A_19 : vector<16xf32> to vector<1x16xf32>
    tpu.vector_store %arg10[%swap3A_20, %swap3A_21], %swap3A_24 {strides = array<i32>} : memref<32x32xf32, #tpu.memory_space<vmem>>, vector<1x16xf32>,
    %get3A_25 = arith.constant 1 : i32
    %get3A_26 = arith.index_cast %get3A_25 : i32 to index
    %get3A_27 = arith.constant 0 : index
    %get3A_28 = tpu.vector_load %arg10[%get3A_26, %get3A_27] {strides = array<i32>} : memref<32x32xf32, #tpu.memory_space<vmem>>, vector<1x16xf32>,
    %get3A_29 = vector.shape_cast %get3A_28 : vector<1x16xf32> to vector<16xf32>
    %add3A_30 = arith.addf %get3A_29, %get3A_13 : vector<16xf32>
    %swap3A_31 = arith.constant 1 : i32
    %swap3A_32 = arith.index_cast %swap3A_31 : i32 to index
    %swap3A_33 = arith.constant 0 : index
    %swap3A_34 = tpu.vector_load %arg10[%swap3A_32, %swap3A_33] {strides = array<i32>} : memref<32x32xf32, #tpu.memory_space<vmem>>, vector<1x16xf32>,
    %swap3A_35 = vector.shape_cast %swap3A_34 : vector<1x16xf32> to vector<16xf32>
    %swap3A_36 = vector.shape_cast %add3A_30 : vector<16xf32> to vector<1x16xf32>
    tpu.vector_store %arg10[%swap3A_32, %swap3A_33], %swap3A_36 {strides = array<i32>} : memref<32x32xf32, #tpu.memory_space<vmem>>, vector<1x16xf32>,
    %get3A_37 = arith.constant 2 : i32
    %get3A_38 = arith.index_cast %get3A_37 : i32 to index
    %get3A_39 = arith.constant 0 : index
    %get3A_40 = tpu.vector_load %arg10[%get3A_38, %get3A_39] {strides = array<i32>} : memref<32x32xf32, #tpu.memory_space<vmem>>, vector<1x16xf32>,
    %get3A_41 = vector.shape_cast %get3A_40 : vector<1x16xf32> to vector<16xf32>
    %add3A_42 = arith.addf %get3A_41, %get3A_13 : vector<16xf32>
    %swap3A_43 = arith.constant 2 : i32
    %swap3A_44 = arith.index_cast %swap3A_43 : i32 to index
    %swap3A_45 = arith.constant 0 : index
    %swap3A_46 = tpu.vector_load %arg10[%swap3A_44, %swap3A_45] {strides = array<i32>} : memref<32x32xf32, #tpu.memory_space<vmem>>, vector<1x16xf32>,
    %swap3A_47 = vector.shape_cast %swap3A_46 : vector<1x16xf32> to vector<16xf32>
    %swap3A_48 = vector.shape_cast %add3A_42 : vector<16xf32> to vector<1x16xf32>
    tpu.vector_store %arg10[%swap3A_44, %swap3A_45], %swap3A_48 {strides = array<i32>} : memref<32x32xf32, #tpu.memory_space<vmem>>, vector<1x16xf32>,
    %get3A_49 = arith.constant 3 : i32
    %get3A_50 = arith.index_cast %get3A_49 : i32 to index
    %get3A_51 = arith.constant 0 : index
    %get3A_52 = tpu.vector_load %arg10[%get3A_50, %get3A_51] {strides = array<i32>} : memref<32x32xf32, #tpu.memory_space<vmem>>, vector<1x16xf32>,
    %get3A_53 = vector.shape_cast %get3A_52 : vector<1x16xf32> to vector<16xf32>
    %add3A_54 = arith.addf %get3A_53, %get3A_13 : vector<16xf32>
    %swap3A_55 = arith.constant 3 : i32
    %swap3A_56 = arith.index_cast %swap3A_55 : i32 to index
    %swap3A_57 = arith.constant 0 : index
    %swap3A_58 = tpu.vector_load %arg10[%swap3A_56, %swap3A_57] {strides = array<i32>} : memref<32x32xf32, #tpu.memory_space<vmem>>, vector<1x16xf32>,
    %swap3A_59 = vector.shape_cast %swap3A_58 : vector<1x16xf32> to vector<16xf32>
    %swap3A_60 = vector.shape_cast %add3A_54 : vector<16xf32> to vector<1x16xf32>
    tpu.vector_store %arg10[%swap3A_56, %swap3A_57], %swap3A_60 {strides = array<i32>} : memref<32x32xf32, #tpu.memory_space<vmem>>, vector<1x16xf32>,
    %get3A_61 = arith.constant 4 : i32
    %get3A_62 = arith.index_cast %get3A_61 : i32 to index
    %get3A_63 = arith.constant 0 : index
    %get3A_64 = tpu.vector_load %arg10[%get3A_62, %get3A_63] {strides = array<i32>} : memref<32x32xf32, #tpu.memory_space<vmem>>, vector<1x16xf32>,
    %get3A_65 = vector.shape_cast %get3A_64 : vector<1x16xf32> to vector<16xf32>
    %add3A_66 = arith.addf %get3A_65, %get3A_13 : vector<16xf32>
    %swap3A_67 = arith.constant 4 : i32
    %swap3A_68 = arith.index_cast %swap3A_67 : i32 to index
    %swap3A_69 = arith.constant 0 : index
    %swap3A_70 = tpu.vector_load %arg10[%swap3A_68, %swap3A_69] {strides = array<i32>} : memref<32x32xf32, #tpu.memory_space<vmem>>, vector<1x16xf32>,
    %swap3A_71 = vector.shape_cast %swap3A_70 : vector<1x16xf32> to vector<16xf32>
    %swap3A_72 = vector.shape_cast %add3A_66 : vector<16xf32> to vector<1x16xf32>
    tpu.vector_store %arg10[%swap3A_68, %swap3A_69], %swap3A_72 {strides = array<i32>} : memref<32x32xf32, #tpu.memory_space<vmem>>, vector<1x16xf32>,
    %get3A_73 = arith.constant 5 : i32
    %get3A_74 = arith.index_cast %get3A_73 : i32 to index
    %get3A_75 = arith.constant 0 : index
    %get3A_76 = tpu.vector_load %arg10[%get3A_74, %get3A_75] {strides = array<i32>} : memref<32x32xf32, #tpu.memory_space<vmem>>, vector<1x16xf32>,
    %get3A_77 = vector.shape_cast %get3A_76 : vector<1x16xf32> to vector<16xf32>
    %add3A_78 = arith.addf %get3A_77, %get3A_13 : vector<16xf32>
    %swap3A_79 = arith.constant 5 : i32
    %swap3A_80 = arith.index_cast %swap3A_79 : i32 to index
    %swap3A_81 = arith.constant 0 : index
    %swap3A_82 = tpu.vector_load %arg10[%swap3A_80, %swap3A_81] {strides = array<i32>} : memref<32x32xf32, #tpu.memory_space<vmem>>, vector<1x16xf32>,
    %swap3A_83 = vector.shape_cast %swap3A_82 : vector<1x16xf32> to vector<16xf32>
    %swap3A_84 = vector.shape_cast %add3A_78 : vector<16xf32> to vector<1x16xf32>
    tpu.vector_store %arg10[%swap3A_80, %swap3A_81], %swap3A_84 {strides = array<i32>} : memref<32x32xf32, #tpu.memory_space<vmem>>, vector<1x16xf32>,
    %get3A_85 = arith.constant 6 : i32
    %get3A_86 = arith.index_cast %get3A_85 : i32 to index
    %get3A_87 = arith.constant 0 : index
    %get3A_88 = tpu.vector_load %arg10[%get3A_86, %get3A_87] {strides = array<i32>} : memref<32x32xf32, #tpu.memory_space<vmem>>, vector<1x16xf32>,
    %get3A_89 = vector.shape_cast %get3A_88 : vector<1x16xf32> to vector<16xf32>
    %add3A_90 = arith.addf %get3A_89, %get3A_13 : vector<16xf32>
    %swap3A_91 = arith.constant 6 : i32
    %swap3A_92 = arith.index_cast %swap3A_91 : i32 to index
    %swap3A_93 = arith.constant 0 : index
    %swap3A_94 = tpu.vector_load %arg10[%swap3A_92, %swap3A_93] {strides = array<i32>} : memref<32x32xf32, #tpu.memory_space<vmem>>, vector<1x16xf32>,
    %swap3A_95 = vector.shape_cast %swap3A_94 : vector<1x16xf32> to vector<16xf32>
    %swap3A_96 = vector.shape_cast %add3A_90 : vector<16xf32> to vector<1x16xf32>
    tpu.vector_store %arg10[%swap3A_92, %swap3A_93], %swap3A_96 {strides = array<i32>} : memref<32x32xf32, #tpu.memory_space<vmem>>, vector<1x16xf32>,
    %get3A_97 = arith.constant 7 : i32
    %get3A_98 = arith.index_cast %get3A_97 : i32 to index
    %get3A_99 = arith.constant 0 : index
    %get3A_100 = tpu.vector_load %arg10[%get3A_98, %get3A_99] {strides = array<i32>} : memref<32x32xf32, #tpu.memory_space<vmem>>, vector<1x16xf32>,
    %get3A_101 = vector.shape_cast %get3A_100 : vector<1x16xf32> to vector<16xf32>
    %add3A_102 = arith.addf %get3A_101, %get3A_13 : vector<16xf32>
    %swap3A_103 = arith.constant 7 : i32
    %swap3A_104 = arith.index_cast %swap3A_103 : i32 to index
    %swap3A_105 = arith.constant 0 : index
    %swap3A_106 = tpu.vector_load %arg10[%swap3A_104, %swap3A_105] {strides = array<i32>} : memref<32x32xf32, #tpu.memory_space<vmem>>, vector<1x16xf32>,
    %swap3A_107 = vector.shape_cast %swap3A_106 : vector<1x16xf32> to vector<16xf32>
    %swap3A_108 = vector.shape_cast %add3A_102 : vector<16xf32> to vector<1x16xf32>
    tpu.vector_store %arg10[%swap3A_104, %swap3A_105], %swap3A_108 {strides = array<i32>} : memref<32x32xf32, #tpu.memory_space<vmem>>, vector<1x16xf32>,
    %get3A_109 = arith.constant 8 : i32
    %get3A_110 = arith.index_cast %get3A_109 : i32 to index
    %get3A_111 = arith.constant 0 : index
    %get3A_112 = tpu.vector_load %arg10[%get3A_110, %get3A_111] {strides = array<i32>} : memref<32x32xf32, #tpu.memory_space<vmem>>, vector<1x16xf32>,
    %get3A_113 = vector.shape_cast %get3A_112 : vector<1x16xf32> to vector<16xf32>
    %add3A_114 = arith.addf %get3A_113, %get3A_13 : vector<16xf32>
    %swap3A_115 = arith.constant 8 : i32
    %swap3A_116 = arith.index_cast %swap3A_115 : i32 to index
    %swap3A_117 = arith.constant 0 : index
    %swap3A_118 = tpu.vector_load %arg10[%swap3A_116, %swap3A_117] {strides = array<i32>} : memref<32x32xf32, #tpu.memory_space<vmem>>, vector<1x16xf32>,
    %swap3A_119 = vector.shape_cast %swap3A_118 : vector<1x16xf32> to vector<16xf32>
    %swap3A_120 = vector.shape_cast %add3A_114 : vector<16xf32> to vector<1x16xf32>
    tpu.vector_store %arg10[%swap3A_116, %swap3A_117], %swap3A_120 {strides = array<i32>} : memref<32x32xf32, #tpu.memory_space<vmem>>, vector<1x16xf32>,
    %get3A_121 = arith.constant 9 : i32
    %get3A_122 = arith.index_cast %get3A_121 : i32 to index
    %get3A_123 = arith.constant 0 : index
    %get3A_124 = tpu.vector_load %arg10[%get3A_122, %get3A_123] {strides = array<i32>} : memref<32x32xf32, #tpu.memory_space<vmem>>, vector<1x16xf32>,
    %get3A_125 = vector.shape_cast %get3A_124 : vector<1x16xf32> to vector<16xf32>
    %add3A_126 = arith.addf %get3A_125, %get3A_13 : vector<16xf32>
    %swap3A_127 = arith.constant 9 : i32
    %swap3A_128 = arith.index_cast %swap3A_127 : i32 to index
    %swap3A_129 = arith.constant 0 : index
    %swap3A_130 = tpu.vector_load %arg10[%swap3A_128, %swap3A_129] {strides = array<i32>} : memref<32x32xf32, #tpu.memory_space<vmem>>, vector<1x16xf32>,
    %swap3A_131 = vector.shape_cast %swap3A_130 : vector<1x16xf32> to vector<16xf32>
    %swap3A_132 = vector.shape_cast %add3A_126 : vector<16xf32> to vector<1x16xf32>
    tpu.vector_store %arg10[%swap3A_128, %swap3A_129], %swap3A_132 {strides = array<i32>} : memref<32x32xf32, #tpu.memory_space<vmem>>, vector<1x16xf32>,
    %get3A_133 = arith.constant 10 : i32
    %get3A_134 = arith.index_cast %get3A_133 : i32 to index
    %get3A_135 = arith.constant 0 : index
    %get3A_136 = tpu.vector_load %arg10[%get3A_134, %get3A_135] {strides = array<i32>} : memref<32x32xf32, #tpu.memory_space<vmem>>, vector<1x16xf32>,
    %get3A_137 = vector.shape_cast %get3A_136 : vector<1x16xf32> to vector<16xf32>
    %add3A_138 = arith.addf %get3A_137, %get3A_13 : vector<16xf32>
    %swap3A_139 = arith.constant 10 : i32
    %swap3A_140 = arith.index_cast %swap3A_139 : i32 to index
    %swap3A_141 = arith.constant 0 : index
    %swap3A_142 = tpu.vector_load %arg10[%swap3A_140, %swap3A_141] {strides = array<i32>} : memref<32x32xf32, #tpu.memory_space<vmem>>, vector<1x16xf32>,
    %swap3A_143 = vector.shape_cast %swap3A_142 : vector<1x16xf32> to vector<16xf32>
    %swap3A_144 = vector.shape_cast %add3A_138 : vector<16xf32> to vector<1x16xf32>
    tpu.vector_store %arg10[%swap3A_140, %swap3A_141], %swap3A_144 {strides = array<i32>} : memref<32x32xf32, #tpu.memory_space<vmem>>, vector<1x16xf32>,
    %get3A_145 = arith.constant 11 : i32
    %get3A_146 = arith.index_cast %get3A_145 : i32 to index
    %get3A_147 = arith.constant 0 : index
    %get3A_148 = tpu.vector_load %arg10[%get3A_146, %get3A_147] {strides = array<i32>} : memref<32x32xf32, #tpu.memory_space<vmem>>, vector<1x16xf32>,
    %get3A_149 = vector.shape_cast %get3A_148 : vector<1x16xf32> to vector<16xf32>
    %add3A_150 = arith.addf %get3A_149, %get3A_13 : vector<16xf32>
    %swap3A_151 = arith.constant 11 : i32
    %swap3A_152 = arith.index_cast %swap3A_151 : i32 to index
    %swap3A_153 = arith.constant 0 : index
    %swap3A_154 = tpu.vector_load %arg10[%swap3A_152, %swap3A_153] {strides = array<i32>} : memref<32x32xf32, #tpu.memory_space<vmem>>, vector<1x16xf32>,
    %swap3A_155 = vector.shape_cast %swap3A_154 : vector<1x16xf32> to vector<16xf32>
    %swap3A_156 = vector.shape_cast %add3A_150 : vector<16xf32> to vector<1x16xf32>
    tpu.vector_store %arg10[%swap3A_152, %swap3A_153], %swap3A_156 {strides = array<i32>} : memref<32x32xf32, #tpu.memory_space<vmem>>, vector<1x16xf32>,
    %get3A_157 = arith.constant 12 : i32
    %get3A_158 = arith.index_cast %get3A_157 : i32 to index
    %get3A_159 = arith.constant 0 : index
    %get3A_160 = tpu.vector_load %arg10[%get3A_158, %get3A_159] {strides = array<i32>} : memref<32x32xf32, #tpu.memory_space<vmem>>, vector<1x16xf32>,
    %get3A_161 = vector.shape_cast %get3A_160 : vector<1x16xf32> to vector<16xf32>
    %add3A_162 = arith.addf %get3A_161, %get3A_13 : vector<16xf32>
    %swap3A_163 = arith.constant 12 : i32
    %swap3A_164 = arith.index_cast %swap3A_163 : i32 to index
    %swap3A_165 = arith.constant 0 : index
    %swap3A_166 = tpu.vector_load %arg10[%swap3A_164, %swap3A_165] {strides = array<i32>} : memref<32x32xf32, #tpu.memory_space<vmem>>, vector<1x16xf32>,
    %swap3A_167 = vector.shape_cast %swap3A_166 : vector<1x16xf32> to vector<16xf32>
    %swap3A_168 = vector.shape_cast %add3A_162 : vector<16xf32> to vector<1x16xf32>
    tpu.vector_store %arg10[%swap3A_164, %swap3A_165], %swap3A_168 {strides = array<i32>} : memref<32x32xf32, #tpu.memory_space<vmem>>, vector<1x16xf32>,
    %get3A_169 = arith.constant 13 : i32
    %get3A_170 = arith.index_cast %get3A_169 : i32 to index
    %get3A_171 = arith.constant 0 : index
    %get3A_172 = tpu.vector_load %arg10[%get3A_170, %get3A_171] {strides = array<i32>} : memref<32x32xf32, #tpu.memory_space<vmem>>, vector<1x16xf32>,
    %get3A_173 = vector.shape_cast %get3A_172 : vector<1x16xf32> to vector<16xf32>
    %add3A_174 = arith.addf %get3A_173, %get3A_13 : vector<16xf32>
    %swap3A_175 = arith.constant 13 : i32
    %swap3A_176 = arith.index_cast %swap3A_175 : i32 to index
    %swap3A_177 = arith.constant 0 : index
    %swap3A_178 = tpu.vector_load %arg10[%swap3A_176, %swap3A_177] {strides = array<i32>} : memref<32x32xf32, #tpu.memory_space<vmem>>, vector<1x16xf32>,
    %swap3A_179 = vector.shape_cast %swap3A_178 : vector<1x16xf32> to vector<16xf32>
    %swap3A_180 = vector.shape_cast %add3A_174 : vector<16xf32> to vector<1x16xf32>
    tpu.vector_store %arg10[%swap3A_176, %swap3A_177], %swap3A_180 {strides = array<i32>} : memref<32x32xf32, #tpu.memory_space<vmem>>, vector<1x16xf32>,
    %get3A_181 = arith.constant 14 : i32
    %get3A_182 = arith.index_cast %get3A_181 : i32 to index
    %get3A_183 = arith.constant 0 : index
    %get3A_184 = tpu.vector_load %arg10[%get3A_182, %get3A_183] {strides = array<i32>} : memref<32x32xf32, #tpu.memory_space<vmem>>, vector<1x16xf32>,
    %get3A_185 = vector.shape_cast %get3A_184 : vector<1x16xf32> to vector<16xf32>
    %add3A_186 = arith.addf %get3A_185, %get3A_13 : vector<16xf32>
    %swap3A_187 = arith.constant 14 : i32
    %swap3A_188 = arith.index_cast %swap3A_187 : i32 to index
    %swap3A_189 = arith.constant 0 : index
    %swap3A_190 = tpu.vector_load %arg10[%swap3A_188, %swap3A_189] {strides = array<i32>} : memref<32x32xf32, #tpu.memory_space<vmem>>, vector<1x16xf32>,
    %swap3A_191 = vector.shape_cast %swap3A_190 : vector<1x16xf32> to vector<16xf32>
    %swap3A_192 = vector.shape_cast %add3A_186 : vector<16xf32> to vector<1x16xf32>
    tpu.vector_store %arg10[%swap3A_188, %swap3A_189], %swap3A_192 {strides = array<i32>} : memref<32x32xf32, #tpu.memory_space<vmem>>, vector<1x16xf32>,
    %get3A_193 = arith.constant 15 : i32
    %get3A_194 = arith.index_cast %get3A_193 : i32 to index
    %get3A_195 = arith.constant 0 : index
    %get3A_196 = tpu.vector_load %arg10[%get3A_194, %get3A_195] {strides = array<i32>} : memref<32x32xf32, #tpu.memory_space<vmem>>, vector<1x16xf32>,
    %get3A_197 = vector.shape_cast %get3A_196 : vector<1x16xf32> to vector<16xf32>
    %add3A_198 = arith.addf %get3A_197, %get3A_13 : vector<16xf32>
    %swap3A_199 = arith.constant 15 : i32
    %swap3A_200 = arith.index_cast %swap3A_199 : i32 to index
    %swap3A_201 = arith.constant 0 : index
    %swap3A_202 = tpu.vector_load %arg10[%swap3A_200, %swap3A_201] {strides = array<i32>} : memref<32x32xf32, #tpu.memory_space<vmem>>, vector<1x16xf32>,
    %swap3A_203 = vector.shape_cast %swap3A_202 : vector<1x16xf32> to vector<16xf32>
    %swap3A_204 = vector.shape_cast %add3A_198 : vector<16xf32> to vector<1x16xf32>
    tpu.vector_store %arg10[%swap3A_200, %swap3A_201], %swap3A_204 {strides = array<i32>} : memref<32x32xf32, #tpu.memory_space<vmem>>, vector<1x16xf32>,
    %get3A_205 = arith.constant 16 : i32
    %get3A_206 = arith.index_cast %get3A_205 : i32 to index
    %get3A_207 = arith.constant 0 : index
    %get3A_208 = tpu.vector_load %arg10[%get3A_206, %get3A_207] {strides = array<i32>} : memref<32x32xf32, #tpu.memory_space<vmem>>, vector<1x16xf32>,
    %get3A_209 = vector.shape_cast %get3A_208 : vector<1x16xf32> to vector<16xf32>
    %add3A_210 = arith.addf %get3A_209, %get3A_13 : vector<16xf32>
    %swap3A_211 = arith.constant 16 : i32
    %swap3A_212 = arith.index_cast %swap3A_211 : i32 to index
    %swap3A_213 = arith.constant 0 : index
    %swap3A_214 = tpu.vector_load %arg10[%swap3A_212, %swap3A_213] {strides = array<i32>} : memref<32x32xf32, #tpu.memory_space<vmem>>, vector<1x16xf32>,
    %swap3A_215 = vector.shape_cast %swap3A_214 : vector<1x16xf32> to vector<16xf32>
    %swap3A_216 = vector.shape_cast %add3A_210 : vector<16xf32> to vector<1x16xf32>
    tpu.vector_store %arg10[%swap3A_212, %swap3A_213], %swap3A_216 {strides = array<i32>} : memref<32x32xf32, #tpu.memory_space<vmem>>, vector<1x16xf32>,
    %get3A_217 = arith.constant 17 : i32
    %get3A_218 = arith.index_cast %get3A_217 : i32 to index
    %get3A_219 = arith.constant 0 : index
    %get3A_220 = tpu.vector_load %arg10[%get3A_218, %get3A_219] {strides = array<i32>} : memref<32x32xf32, #tpu.memory_space<vmem>>, vector<1x16xf32>,
    %get3A_221 = vector.shape_cast %get3A_220 : vector<1x16xf32> to vector<16xf32>
    %add3A_222 = arith.addf %get3A_221, %get3A_13 : vector<16xf32>
    %swap3A_223 = arith.constant 17 : i32
    %swap3A_224 = arith.index_cast %swap3A_223 : i32 to index
    %swap3A_225 = arith.constant 0 : index
    %swap3A_226 = tpu.vector_load %arg10[%swap3A_224, %swap3A_225] {strides = array<i32>} : memref<32x32xf32, #tpu.memory_space<vmem>>, vector<1x16xf32>,
    %swap3A_227 = vector.shape_cast %swap3A_226 : vector<1x16xf32> to vector<16xf32>
    %swap3A_228 = vector.shape_cast %add3A_222 : vector<16xf32> to vector<1x16xf32>
    tpu.vector_store %arg10[%swap3A_224, %swap3A_225], %swap3A_228 {strides = array<i32>} : memref<32x32xf32, #tpu.memory_space<vmem>>, vector<1x16xf32>,
    %get3A_229 = arith.constant 18 : i32
    %get3A_230 = arith.index_cast %get3A_229 : i32 to index
    %get3A_231 = arith.constant 0 : index
    %get3A_232 = tpu.vector_load %arg10[%get3A_230, %get3A_231] {strides = array<i32>} : memref<32x32xf32, #tpu.memory_space<vmem>>, vector<1x16xf32>,
    %get3A_233 = vector.shape_cast %get3A_232 : vector<1x16xf32> to vector<16xf32>
    %add3A_234 = arith.addf %get3A_233, %get3A_13 : vector<16xf32>
    %swap3A_235 = arith.constant 18 : i32
    %swap3A_236 = arith.index_cast %swap3A_235 : i32 to index
    %swap3A_237 = arith.constant 0 : index
    %swap3A_238 = tpu.vector_load %arg10[%swap3A_236, %swap3A_237] {strides = array<i32>} : memref<32x32xf32, #tpu.memory_space<vmem>>, vector<1x16xf32>,
    %swap3A_239 = vector.shape_cast %swap3A_238 : vector<1x16xf32> to vector<16xf32>
    %swap3A_240 = vector.shape_cast %add3A_234 : vector<16xf32> to vector<1x16xf32>
    tpu.vector_store %arg10[%swap3A_236, %swap3A_237], %swap3A_240 {strides = array<i32>} : memref<32x32xf32, #tpu.memory_space<vmem>>, vector<1x16xf32>,
    %get3A_241 = arith.constant 19 : i32
    %get3A_242 = arith.index_cast %get3A_241 : i32 to index
    %get3A_243 = arith.constant 0 : index
    %get3A_244 = tpu.vector_load %arg10[%get3A_242, %get3A_243] {strides = array<i32>} : memref<32x32xf32, #tpu.memory_space<vmem>>, vector<1x16xf32>,
    %get3A_245 = vector.shape_cast %get3A_244 : vector<1x16xf32> to vector<16xf32>
    %add3A_246 = arith.addf %get3A_245, %get3A_13 : vector<16xf32>
    %swap3A_247 = arith.constant 19 : i32
    %swap3A_248 = arith.index_cast %swap3A_247 : i32 to index
    %swap3A_249 = arith.constant 0 : index
    %swap3A_250 = tpu.vector_load %arg10[%swap3A_248, %swap3A_249] {strides = array<i32>} : memref<32x32xf32, #tpu.memory_space<vmem>>, vector<1x16xf32>,
    %swap3A_251 = vector.shape_cast %swap3A_250 : vector<1x16xf32> to vector<16xf32>
    %swap3A_252 = vector.shape_cast %add3A_246 : vector<16xf32> to vector<1x16xf32>
    tpu.vector_store %arg10[%swap3A_248, %swap3A_249], %swap3A_252 {strides = array<i32>} : memref<32x32xf32, #tpu.memory_space<vmem>>, vector<1x16xf32>,
    %get3A_253 = arith.constant 20 : i32
    %get3A_254 = arith.index_cast %get3A_253 : i32 to index
    %get3A_255 = arith.constant 0 : index
    %get3A_256 = tpu.vector_load %arg10[%get3A_254, %get3A_255] {strides = array<i32>} : memref<32x32xf32, #tpu.memory_space<vmem>>, vector<1x16xf32>,
    %get3A_257 = vector.shape_cast %get3A_256 : vector<1x16xf32> to vector<16xf32>
    %add3A_258 = arith.addf %get3A_257, %get3A_13 : vector<16xf32>
    %swap3A_259 = arith.constant 20 : i32
    %swap3A_260 = arith.index_cast %swap3A_259 : i32 to index
    %swap3A_261 = arith.constant 0 : index
    %swap3A_262 = tpu.vector_load %arg10[%swap3A_260, %swap3A_261] {strides = array<i32>} : memref<32x32xf32, #tpu.memory_space<vmem>>, vector<1x16xf32>,
    %swap3A_263 = vector.shape_cast %swap3A_262 : vector<1x16xf32> to vector<16xf32>
    %swap3A_264 = vector.shape_cast %add3A_258 : vector<16xf32> to vector<1x16xf32>
    tpu.vector_store %arg10[%swap3A_260, %swap3A_261], %swap3A_264 {strides = array<i32>} : memref<32x32xf32, #tpu.memory_space<vmem>>, vector<1x16xf32>,
    %get3A_265 = arith.constant 21 : i32
    %get3A_266 = arith.index_cast %get3A_265 : i32 to index
    %get3A_267 = arith.constant 0 : index
    %get3A_268 = tpu.vector_load %arg10[%get3A_266, %get3A_267] {strides = array<i32>} : memref<32x32xf32, #tpu.memory_space<vmem>>, vector<1x16xf32>,
    %get3A_269 = vector.shape_cast %get3A_268 : vector<1x16xf32> to vector<16xf32>
    %add3A_270 = arith.addf %get3A_269, %get3A_13 : vector<16xf32>
    %swap3A_271 = arith.constant 21 : i32
    %swap3A_272 = arith.index_cast %swap3A_271 : i32 to index
    %swap3A_273 = arith.constant 0 : index
    %swap3A_274 = tpu.vector_load %arg10[%swap3A_272, %swap3A_273] {strides = array<i32>} : memref<32x32xf32, #tpu.memory_space<vmem>>, vector<1x16xf32>,
    %swap3A_275 = vector.shape_cast %swap3A_274 : vector<1x16xf32> to vector<16xf32>
    %swap3A_276 = vector.shape_cast %add3A_270 : vector<16xf32> to vector<1x16xf32>
    tpu.vector_store %arg10[%swap3A_272, %swap3A_273], %swap3A_276 {strides = array<i32>} : memref<32x32xf32, #tpu.memory_space<vmem>>, vector<1x16xf32>,
    %get3A_277 = arith.constant 22 : i32
    %get3A_278 = arith.index_cast %get3A_277 : i32 to index
    %get3A_279 = arith.constant 0 : index
    %get3A_280 = tpu.vector_load %arg10[%get3A_278, %get3A_279] {strides = array<i32>} : memref<32x32xf32, #tpu.memory_space<vmem>>, vector<1x16xf32>,
    %get3A_281 = vector.shape_cast %get3A_280 : vector<1x16xf32> to vector<16xf32>
    %add3A_282 = arith.addf %get3A_281, %get3A_13 : vector<16xf32>
    %swap3A_283 = arith.constant 22 : i32
    %swap3A_284 = arith.index_cast %swap3A_283 : i32 to index
    %swap3A_285 = arith.constant 0 : index
    %swap3A_286 = tpu.vector_load %arg10[%swap3A_284, %swap3A_285] {strides = array<i32>} : memref<32x32xf32, #tpu.memory_space<vmem>>, vector<1x16xf32>,
    %swap3A_287 = vector.shape_cast %swap3A_286 : vector<1x16xf32> to vector<16xf32>
    %swap3A_288 = vector.shape_cast %add3A_282 : vector<16xf32> to vector<1x16xf32>
    tpu.vector_store %arg10[%swap3A_284, %swap3A_285], %swap3A_288 {strides = array<i32>} : memref<32x32xf32, #tpu.memory_space<vmem>>, vector<1x16xf32>,
    %get3A_289 = arith.constant 23 : i32
    %get3A_290 = arith.index_cast %get3A_289 : i32 to index
    %get3A_291 = arith.constant 0 : index
    %get3A_292 = tpu.vector_load %arg10[%get3A_290, %get3A_291] {strides = array<i32>} : memref<32x32xf32, #tpu.memory_space<vmem>>, vector<1x16xf32>,
    %get3A_293 = vector.shape_cast %get3A_292 : vector<1x16xf32> to vector<16xf32>
    %add3A_294 = arith.addf %get3A_293, %get3A_13 : vector<16xf32>
    %swap3A_295 = arith.constant 23 : i32
    %swap3A_296 = arith.index_cast %swap3A_295 : i32 to index
    %swap3A_297 = arith.constant 0 : index
    %swap3A_298 = tpu.vector_load %arg10[%swap3A_296, %swap3A_297] {strides = array<i32>} : memref<32x32xf32, #tpu.memory_space<vmem>>, vector<1x16xf32>,
    %swap3A_299 = vector.shape_cast %swap3A_298 : vector<1x16xf32> to vector<16xf32>
    %swap3A_300 = vector.shape_cast %add3A_294 : vector<16xf32> to vector<1x16xf32>
    tpu.vector_store %arg10[%swap3A_296, %swap3A_297], %swap3A_300 {strides = array<i32>} : memref<32x32xf32, #tpu.memory_space<vmem>>, vector<1x16xf32>,
    %get3A_301 = arith.constant 24 : i32
    %get3A_302 = arith.index_cast %get3A_301 : i32 to index
    %get3A_303 = arith.constant 0 : index
    %get3A_304 = tpu.vector_load %arg10[%get3A_302, %get3A_303] {strides = array<i32>} : memref<32x32xf32, #tpu.memory_space<vmem>>, vector<1x16xf32>,
    %get3A_305 = vector.shape_cast %get3A_304 : vector<1x16xf32> to vector<16xf32>
    %add3A_306 = arith.addf %get3A_305, %get3A_13 : vector<16xf32>
    %swap3A_307 = arith.constant 24 : i32
    %swap3A_308 = arith.index_cast %swap3A_307 : i32 to index
    %swap3A_309 = arith.constant 0 : index
    %swap3A_310 = tpu.vector_load %arg10[%swap3A_308, %swap3A_309] {strides = array<i32>} : memref<32x32xf32, #tpu.memory_space<vmem>>, vector<1x16xf32>,
    %swap3A_311 = vector.shape_cast %swap3A_310 : vector<1x16xf32> to vector<16xf32>
    %swap3A_312 = vector.shape_cast %add3A_306 : vector<16xf32> to vector<1x16xf32>
    tpu.vector_store %arg10[%swap3A_308, %swap3A_309], %swap3A_312 {strides = array<i32>} : memref<32x32xf32, #tpu.memory_space<vmem>>, vector<1x16xf32>,
    %get3A_313 = arith.constant 25 : i32
    %get3A_314 = arith.index_cast %get3A_313 : i32 to index
    %get3A_315 = arith.constant 0 : index
    %get3A_316 = tpu.vector_load %arg10[%get3A_314, %get3A_315] {strides = array<i32>} : memref<32x32xf32, #tpu.memory_space<vmem>>, vector<1x16xf32>,
    %get3A_317 = vector.shape_cast %get3A_316 : vector<1x16xf32> to vector<16xf32>
    %add3A_318 = arith.addf %get3A_317, %get3A_13 : vector<16xf32>
    %swap3A_319 = arith.constant 25 : i32
    %swap3A_320 = arith.index_cast %swap3A_319 : i32 to index
    %swap3A_321 = arith.constant 0 : index
    %swap3A_322 = tpu.vector_load %arg10[%swap3A_320, %swap3A_321] {strides = array<i32>} : memref<32x32xf32, #tpu.memory_space<vmem>>, vector<1x16xf32>,
    %swap3A_323 = vector.shape_cast %swap3A_322 : vector<1x16xf32> to vector<16xf32>
    %swap3A_324 = vector.shape_cast %add3A_318 : vector<16xf32> to vector<1x16xf32>
    tpu.vector_store %arg10[%swap3A_320, %swap3A_321], %swap3A_324 {strides = array<i32>} : memref<32x32xf32, #tpu.memory_space<vmem>>, vector<1x16xf32>,
    %get3A_325 = arith.constant 26 : i32
    %get3A_326 = arith.index_cast %get3A_325 : i32 to index
    %get3A_327 = arith.constant 0 : index
    %get3A_328 = tpu.vector_load %arg10[%get3A_326, %get3A_327] {strides = array<i32>} : memref<32x32xf32, #tpu.memory_space<vmem>>, vector<1x16xf32>,
    %get3A_329 = vector.shape_cast %get3A_328 : vector<1x16xf32> to vector<16xf32>
    %add3A_330 = arith.addf %get3A_329, %get3A_13 : vector<16xf32>
    %swap3A_331 = arith.constant 26 : i32
    %swap3A_332 = arith.index_cast %swap3A_331 : i32 to index
    %swap3A_333 = arith.constant 0 : index
    %swap3A_334 = tpu.vector_load %arg10[%swap3A_332, %swap3A_333] {strides = array<i32>} : memref<32x32xf32, #tpu.memory_space<vmem>>, vector<1x16xf32>,
    %swap3A_335 = vector.shape_cast %swap3A_334 : vector<1x16xf32> to vector<16xf32>
    %swap3A_336 = vector.shape_cast %add3A_330 : vector<16xf32> to vector<1x16xf32>
    tpu.vector_store %arg10[%swap3A_332, %swap3A_333], %swap3A_336 {strides = array<i32>} : memref<32x32xf32, #tpu.memory_space<vmem>>, vector<1x16xf32>,
    %get3A_337 = arith.constant 27 : i32
    %get3A_338 = arith.index_cast %get3A_337 : i32 to index
    %get3A_339 = arith.constant 0 : index
    %get3A_340 = tpu.vector_load %arg10[%get3A_338, %get3A_339] {strides = array<i32>} : memref<32x32xf32, #tpu.memory_space<vmem>>, vector<1x16xf32>,
    %get3A_341 = vector.shape_cast %get3A_340 : vector<1x16xf32> to vector<16xf32>
    %add3A_342 = arith.addf %get3A_341, %get3A_13 : vector<16xf32>
    %swap3A_343 = arith.constant 27 : i32
    %swap3A_344 = arith.index_cast %swap3A_343 : i32 to index
    %swap3A_345 = arith.constant 0 : index
    %swap3A_346 = tpu.vector_load %arg10[%swap3A_344, %swap3A_345] {strides = array<i32>} : memref<32x32xf32, #tpu.memory_space<vmem>>, vector<1x16xf32>,
    %swap3A_347 = vector.shape_cast %swap3A_346 : vector<1x16xf32> to vector<16xf32>
    %swap3A_348 = vector.shape_cast %add3A_342 : vector<16xf32> to vector<1x16xf32>
    tpu.vector_store %arg10[%swap3A_344, %swap3A_345], %swap3A_348 {strides = array<i32>} : memref<32x32xf32, #tpu.memory_space<vmem>>, vector<1x16xf32>,
    %get3A_349 = arith.constant 28 : i32
    %get3A_350 = arith.index_cast %get3A_349 : i32 to index
    %get3A_351 = arith.constant 0 : index
    %get3A_352 = tpu.vector_load %arg10[%get3A_350, %get3A_351] {strides = array<i32>} : memref<32x32xf32, #tpu.memory_space<vmem>>, vector<1x16xf32>,
    %get3A_353 = vector.shape_cast %get3A_352 : vector<1x16xf32> to vector<16xf32>
    %add3A_354 = arith.addf %get3A_353, %get3A_13 : vector<16xf32>
    %swap3A_355 = arith.constant 28 : i32
    %swap3A_356 = arith.index_cast %swap3A_355 : i32 to index
    %swap3A_357 = arith.constant 0 : index
    %swap3A_358 = tpu.vector_load %arg10[%swap3A_356, %swap3A_357] {strides = array<i32>} : memref<32x32xf32, #tpu.memory_space<vmem>>, vector<1x16xf32>,
    %swap3A_359 = vector.shape_cast %swap3A_358 : vector<1x16xf32> to vector<16xf32>
    %swap3A_360 = vector.shape_cast %add3A_354 : vector<16xf32> to vector<1x16xf32>
    tpu.vector_store %arg10[%swap3A_356, %swap3A_357], %swap3A_360 {strides = array<i32>} : memref<32x32xf32, #tpu.memory_space<vmem>>, vector<1x16xf32>,
    %get3A_361 = arith.constant 29 : i32
    %get3A_362 = arith.index_cast %get3A_361 : i32 to index
    %get3A_363 = arith.constant 0 : index
    %get3A_364 = tpu.vector_load %arg10[%get3A_362, %get3A_363] {strides = array<i32>} : memref<32x32xf32, #tpu.memory_space<vmem>>, vector<1x16xf32>,
    %get3A_365 = vector.shape_cast %get3A_364 : vector<1x16xf32> to vector<16xf32>
    %add3A_366 = arith.addf %get3A_365, %get3A_13 : vector<16xf32>
    %swap3A_367 = arith.constant 29 : i32
    %swap3A_368 = arith.index_cast %swap3A_367 : i32 to index
    %swap3A_369 = arith.constant 0 : index
    %swap3A_370 = tpu.vector_load %arg10[%swap3A_368, %swap3A_369] {strides = array<i32>} : memref<32x32xf32, #tpu.memory_space<vmem>>, vector<1x16xf32>,
    %swap3A_371 = vector.shape_cast %swap3A_370 : vector<1x16xf32> to vector<16xf32>
    %swap3A_372 = vector.shape_cast %add3A_366 : vector<16xf32> to vector<1x16xf32>
    tpu.vector_store %arg10[%swap3A_368, %swap3A_369], %swap3A_372 {strides = array<i32>} : memref<32x32xf32, #tpu.memory_space<vmem>>, vector<1x16xf32>,
    %get3A_373 = arith.constant 30 : i32
    %get3A_374 = arith.index_cast %get3A_373 : i32 to index
    %get3A_375 = arith.constant 0 : index
    %get3A_376 = tpu.vector_load %arg10[%get3A_374, %get3A_375] {strides = array<i32>} : memref<32x32xf32, #tpu.memory_space<vmem>>, vector<1x16xf32>,
    %get3A_377 = vector.shape_cast %get3A_376 : vector<1x16xf32> to vector<16xf32>
    %add3A_378 = arith.addf %get3A_377, %get3A_13 : vector<16xf32>
    %swap3A_379 = arith.constant 30 : i32
    %swap3A_380 = arith.index_cast %swap3A_379 : i32 to index
    %swap3A_381 = arith.constant 0 : index
    %swap3A_382 = tpu.vector_load %arg10[%swap3A_380, %swap3A_381] {strides = array<i32>} : memref<32x32xf32, #tpu.memory_space<vmem>>, vector<1x16xf32>,
    %swap3A_383 = vector.shape_cast %swap3A_382 : vector<1x16xf32> to vector<16xf32>
    %swap3A_384 = vector.shape_cast %add3A_378 : vector<16xf32> to vector<1x16xf32>
    tpu.vector_store %arg10[%swap3A_380, %swap3A_381], %swap3A_384 {strides = array<i32>} : memref<32x32xf32, #tpu.memory_space<vmem>>, vector<1x16xf32>,
    %get3A_385 = arith.constant 31 : i32
    %get3A_386 = arith.index_cast %get3A_385 : i32 to index
    %get3A_387 = arith.constant 0 : index
    %get3A_388 = tpu.vector_load %arg10[%get3A_386, %get3A_387] {strides = array<i32>} : memref<32x32xf32, #tpu.memory_space<vmem>>, vector<1x16xf32>,
    %get3A_389 = vector.shape_cast %get3A_388 : vector<1x16xf32> to vector<16xf32>
    %add3A_390 = arith.addf %get3A_389, %get3A_13 : vector<16xf32>
    %swap3A_391 = arith.constant 31 : i32
    %swap3A_392 = arith.index_cast %swap3A_391 : i32 to index
    %swap3A_393 = arith.constant 0 : index
    %swap3A_394 = tpu.vector_load %arg10[%swap3A_392, %swap3A_393] {strides = array<i32>} : memref<32x32xf32, #tpu.memory_space<vmem>>, vector<1x16xf32>,
    %swap3A_395 = vector.shape_cast %swap3A_394 : vector<1x16xf32> to vector<16xf32>
    %swap3A_396 = vector.shape_cast %add3A_390 : vector<16xf32> to vector<1x16xf32>
    tpu.vector_store %arg10[%swap3A_392, %swap3A_393], %swap3A_396 {strides = array<i32>} : memref<32x32xf32, #tpu.memory_space<vmem>>, vector<1x16xf32>,
    %get3A_397 = arith.constant 0 : i32
    %get3A_398 = arith.index_cast %get3A_397 : i32 to index
    %get3A_399 = arith.constant 16 : index
    %get3A_400 = tpu.vector_load %arg11[%get3A_398, %get3A_399] {strides = array<i32>} : memref<1x32xf32, #tpu.memory_space<vmem>>, vector<1x16xf32>,
    %get3A_401 = vector.shape_cast %get3A_400 : vector<1x16xf32> to vector<16xf32>
    %get3A_402 = arith.constant 0 : i32
    %get3A_403 = arith.index_cast %get3A_402 : i32 to index
    %get3A_404 = arith.constant 16 : index
    %get3A_405 = tpu.vector_load %arg10[%get3A_403, %get3A_404] {strides = array<i32>} : memref<32x32xf32, #tpu.memory_space<vmem>>, vector<1x16xf32>,
    %get3A_406 = vector.shape_cast %get3A_405 : vector<1x16xf32> to vector<16xf32>
    %add3A_407 = arith.addf %get3A_406, %get3A_401 : vector<16xf32>
    %swap3A_408 = arith.constant 0 : i32
    %swap3A_409 = arith.index_cast %swap3A_408 : i32 to index
    %swap3A_410 = arith.constant 16 : index
    %swap3A_411 = tpu.vector_load %arg10[%swap3A_409, %swap3A_410] {strides = array<i32>} : memref<32x32xf32, #tpu.memory_space<vmem>>, vector<1x16xf32>,
    %swap3A_412 = vector.shape_cast %swap3A_411 : vector<1x16xf32> to vector<16xf32>
    %swap3A_413 = vector.shape_cast %add3A_407 : vector<16xf32> to vector<1x16xf32>
    tpu.vector_store %arg10[%swap3A_409, %swap3A_410], %swap3A_413 {strides = array<i32>} : memref<32x32xf32, #tpu.memory_space<vmem>>, vector<1x16xf32>,
    %get3A_414 = arith.constant 1 : i32
    %get3A_415 = arith.index_cast %get3A_414 : i32 to index
    %get3A_416 = arith.constant 16 : index
    %get3A_417 = tpu.vector_load %arg10[%get3A_415, %get3A_416] {strides = array<i32>} : memref<32x32xf32, #tpu.memory_space<vmem>>, vector<1x16xf32>,
    %get3A_418 = vector.shape_cast %get3A_417 : vector<1x16xf32> to vector<16xf32>
    %add3A_419 = arith.addf %get3A_418, %get3A_401 : vector<16xf32>
    %swap3A_420 = arith.constant 1 : i32
    %swap3A_421 = arith.index_cast %swap3A_420 : i32 to index
    %swap3A_422 = arith.constant 16 : index
    %swap3A_423 = tpu.vector_load %arg10[%swap3A_421, %swap3A_422] {strides = array<i32>} : memref<32x32xf32, #tpu.memory_space<vmem>>, vector<1x16xf32>,
    %swap3A_424 = vector.shape_cast %swap3A_423 : vector<1x16xf32> to vector<16xf32>
    %swap3A_425 = vector.shape_cast %add3A_419 : vector<16xf32> to vector<1x16xf32>
    tpu.vector_store %arg10[%swap3A_421, %swap3A_422], %swap3A_425 {strides = array<i32>} : memref<32x32xf32, #tpu.memory_space<vmem>>, vector<1x16xf32>,
    %get3A_426 = arith.constant 2 : i32
    %get3A_427 = arith.index_cast %get3A_426 : i32 to index
    %get3A_428 = arith.constant 16 : index
    %get3A_429 = tpu.vector_load %arg10[%get3A_427, %get3A_428] {strides = array<i32>} : memref<32x32xf32, #tpu.memory_space<vmem>>, vector<1x16xf32>,
    %get3A_430 = vector.shape_cast %get3A_429 : vector<1x16xf32> to vector<16xf32>
    %add3A_431 = arith.addf %get3A_430, %get3A_401 : vector<16xf32>
    %swap3A_432 = arith.constant 2 : i32
    %swap3A_433 = arith.index_cast %swap3A_432 : i32 to index
    %swap3A_434 = arith.constant 16 : index
    %swap3A_435 = tpu.vector_load %arg10[%swap3A_433, %swap3A_434] {strides = array<i32>} : memref<32x32xf32, #tpu.memory_space<vmem>>, vector<1x16xf32>,
    %swap3A_436 = vector.shape_cast %swap3A_435 : vector<1x16xf32> to vector<16xf32>
    %swap3A_437 = vector.shape_cast %add3A_431 : vector<16xf32> to vector<1x16xf32>
    tpu.vector_store %arg10[%swap3A_433, %swap3A_434], %swap3A_437 {strides = array<i32>} : memref<32x32xf32, #tpu.memory_space<vmem>>, vector<1x16xf32>,
    %get3A_438 = arith.constant 3 : i32
    %get3A_439 = arith.index_cast %get3A_438 : i32 to index
    %get3A_440 = arith.constant 16 : index
    %get3A_441 = tpu.vector_load %arg10[%get3A_439, %get3A_440] {strides = array<i32>} : memref<32x32xf32, #tpu.memory_space<vmem>>, vector<1x16xf32>,
    %get3A_442 = vector.shape_cast %get3A_441 : vector<1x16xf32> to vector<16xf32>
    %add3A_443 = arith.addf %get3A_442, %get3A_401 : vector<16xf32>
    %swap3A_444 = arith.constant 3 : i32
    %swap3A_445 = arith.index_cast %swap3A_444 : i32 to index
    %swap3A_446 = arith.constant 16 : index
    %swap3A_447 = tpu.vector_load %arg10[%swap3A_445, %swap3A_446] {strides = array<i32>} : memref<32x32xf32, #tpu.memory_space<vmem>>, vector<1x16xf32>,
    %swap3A_448 = vector.shape_cast %swap3A_447 : vector<1x16xf32> to vector<16xf32>
    %swap3A_449 = vector.shape_cast %add3A_443 : vector<16xf32> to vector<1x16xf32>
    tpu.vector_store %arg10[%swap3A_445, %swap3A_446], %swap3A_449 {strides = array<i32>} : memref<32x32xf32, #tpu.memory_space<vmem>>, vector<1x16xf32>,
    %get3A_450 = arith.constant 4 : i32
    %get3A_451 = arith.index_cast %get3A_450 : i32 to index
    %get3A_452 = arith.constant 16 : index
    %get3A_453 = tpu.vector_load %arg10[%get3A_451, %get3A_452] {strides = array<i32>} : memref<32x32xf32, #tpu.memory_space<vmem>>, vector<1x16xf32>,
    %get3A_454 = vector.shape_cast %get3A_453 : vector<1x16xf32> to vector<16xf32>
    %add3A_455 = arith.addf %get3A_454, %get3A_401 : vector<16xf32>
    %swap3A_456 = arith.constant 4 : i32
    %swap3A_457 = arith.index_cast %swap3A_456 : i32 to index
    %swap3A_458 = arith.constant 16 : index
    %swap3A_459 = tpu.vector_load %arg10[%swap3A_457, %swap3A_458] {strides = array<i32>} : memref<32x32xf32, #tpu.memory_space<vmem>>, vector<1x16xf32>,
    %swap3A_460 = vector.shape_cast %swap3A_459 : vector<1x16xf32> to vector<16xf32>
    %swap3A_461 = vector.shape_cast %add3A_455 : vector<16xf32> to vector<1x16xf32>
    tpu.vector_store %arg10[%swap3A_457, %swap3A_458], %swap3A_461 {strides = array<i32>} : memref<32x32xf32, #tpu.memory_space<vmem>>, vector<1x16xf32>,
    %get3A_462 = arith.constant 5 : i32
    %get3A_463 = arith.index_cast %get3A_462 : i32 to index
    %get3A_464 = arith.constant 16 : index
    %get3A_465 = tpu.vector_load %arg10[%get3A_463, %get3A_464] {strides = array<i32>} : memref<32x32xf32, #tpu.memory_space<vmem>>, vector<1x16xf32>,
    %get3A_466 = vector.shape_cast %get3A_465 : vector<1x16xf32> to vector<16xf32>
    %add3A_467 = arith.addf %get3A_466, %get3A_401 : vector<16xf32>
    %swap3A_468 = arith.constant 5 : i32
    %swap3A_469 = arith.index_cast %swap3A_468 : i32 to index
    %swap3A_470 = arith.constant 16 : index
    %swap3A_471 = tpu.vector_load %arg10[%swap3A_469, %swap3A_470] {strides = array<i32>} : memref<32x32xf32, #tpu.memory_space<vmem>>, vector<1x16xf32>,
    %swap3A_472 = vector.shape_cast %swap3A_471 : vector<1x16xf32> to vector<16xf32>
    %swap3A_473 = vector.shape_cast %add3A_467 : vector<16xf32> to vector<1x16xf32>
    tpu.vector_store %arg10[%swap3A_469, %swap3A_470], %swap3A_473 {strides = array<i32>} : memref<32x32xf32, #tpu.memory_space<vmem>>, vector<1x16xf32>,
    %get3A_474 = arith.constant 6 : i32
    %get3A_475 = arith.index_cast %get3A_474 : i32 to index
    %get3A_476 = arith.constant 16 : index
    %get3A_477 = tpu.vector_load %arg10[%get3A_475, %get3A_476] {strides = array<i32>} : memref<32x32xf32, #tpu.memory_space<vmem>>, vector<1x16xf32>,
    %get3A_478 = vector.shape_cast %get3A_477 : vector<1x16xf32> to vector<16xf32>
    %add3A_479 = arith.addf %get3A_478, %get3A_401 : vector<16xf32>
    %swap3A_480 = arith.constant 6 : i32
    %swap3A_481 = arith.index_cast %swap3A_480 : i32 to index
    %swap3A_482 = arith.constant 16 : index
    %swap3A_483 = tpu.vector_load %arg10[%swap3A_481, %swap3A_482] {strides = array<i32>} : memref<32x32xf32, #tpu.memory_space<vmem>>, vector<1x16xf32>,
    %swap3A_484 = vector.shape_cast %swap3A_483 : vector<1x16xf32> to vector<16xf32>
    %swap3A_485 = vector.shape_cast %add3A_479 : vector<16xf32> to vector<1x16xf32>
    tpu.vector_store %arg10[%swap3A_481, %swap3A_482], %swap3A_485 {strides = array<i32>} : memref<32x32xf32, #tpu.memory_space<vmem>>, vector<1x16xf32>,
    %get3A_486 = arith.constant 7 : i32
    %get3A_487 = arith.index_cast %get3A_486 : i32 to index
    %get3A_488 = arith.constant 16 : index
    %get3A_489 = tpu.vector_load %arg10[%get3A_487, %get3A_488] {strides = array<i32>} : memref<32x32xf32, #tpu.memory_space<vmem>>, vector<1x16xf32>,
    %get3A_490 = vector.shape_cast %get3A_489 : vector<1x16xf32> to vector<16xf32>
    %add3A_491 = arith.addf %get3A_490, %get3A_401 : vector<16xf32>
    %swap3A_492 = arith.constant 7 : i32
    %swap3A_493 = arith.index_cast %swap3A_492 : i32 to index
    %swap3A_494 = arith.constant 16 : index
    %swap3A_495 = tpu.vector_load %arg10[%swap3A_493, %swap3A_494] {strides = array<i32>} : memref<32x32xf32, #tpu.memory_space<vmem>>, vector<1x16xf32>,
    %swap3A_496 = vector.shape_cast %swap3A_495 : vector<1x16xf32> to vector<16xf32>
    %swap3A_497 = vector.shape_cast %add3A_491 : vector<16xf32> to vector<1x16xf32>
    tpu.vector_store %arg10[%swap3A_493, %swap3A_494], %swap3A_497 {strides = array<i32>} : memref<32x32xf32, #tpu.memory_space<vmem>>, vector<1x16xf32>,
    %get3A_498 = arith.constant 8 : i32
    %get3A_499 = arith.index_cast %get3A_498 : i32 to index
    %get3A_500 = arith.constant 16 : index
    %get3A_501 = tpu.vector_load %arg10[%get3A_499, %get3A_500] {strides = array<i32>} : memref<32x32xf32, #tpu.memory_space<vmem>>, vector<1x16xf32>,
    %get3A_502 = vector.shape_cast %get3A_501 : vector<1x16xf32> to vector<16xf32>
    %add3A_503 = arith.addf %get3A_502, %get3A_401 : vector<16xf32>
    %swap3A_504 = arith.constant 8 : i32
    %swap3A_505 = arith.index_cast %swap3A_504 : i32 to index
    %swap3A_506 = arith.constant 16 : index
    %swap3A_507 = tpu.vector_load %arg10[%swap3A_505, %swap3A_506] {strides = array<i32>} : memref<32x32xf32, #tpu.memory_space<vmem>>, vector<1x16xf32>,
    %swap3A_508 = vector.shape_cast %swap3A_507 : vector<1x16xf32> to vector<16xf32>
    %swap3A_509 = vector.shape_cast %add3A_503 : vector<16xf32> to vector<1x16xf32>
    tpu.vector_store %arg10[%swap3A_505, %swap3A_506], %swap3A_509 {strides = array<i32>} : memref<32x32xf32, #tpu.memory_space<vmem>>, vector<1x16xf32>,
    %get3A_510 = arith.constant 9 : i32
    %get3A_511 = arith.index_cast %get3A_510 : i32 to index
    %get3A_512 = arith.constant 16 : index
    %get3A_513 = tpu.vector_load %arg10[%get3A_511, %get3A_512] {strides = array<i32>} : memref<32x32xf32, #tpu.memory_space<vmem>>, vector<1x16xf32>,
    %get3A_514 = vector.shape_cast %get3A_513 : vector<1x16xf32> to vector<16xf32>
    %add3A_515 = arith.addf %get3A_514, %get3A_401 : vector<16xf32>
    %swap3A_516 = arith.constant 9 : i32
    %swap3A_517 = arith.index_cast %swap3A_516 : i32 to index
    %swap3A_518 = arith.constant 16 : index
    %swap3A_519 = tpu.vector_load %arg10[%swap3A_517, %swap3A_518] {strides = array<i32>} : memref<32x32xf32, #tpu.memory_space<vmem>>, vector<1x16xf32>,
    %swap3A_520 = vector.shape_cast %swap3A_519 : vector<1x16xf32> to vector<16xf32>
    %swap3A_521 = vector.shape_cast %add3A_515 : vector<16xf32> to vector<1x16xf32>
    tpu.vector_store %arg10[%swap3A_517, %swap3A_518], %swap3A_521 {strides = array<i32>} : memref<32x32xf32, #tpu.memory_space<vmem>>, vector<1x16xf32>,
    %get3A_522 = arith.constant 10 : i32
    %get3A_523 = arith.index_cast %get3A_522 : i32 to index
    %get3A_524 = arith.constant 16 : index
    %get3A_525 = tpu.vector_load %arg10[%get3A_523, %get3A_524] {strides = array<i32>} : memref<32x32xf32, #tpu.memory_space<vmem>>, vector<1x16xf32>,
    %get3A_526 = vector.shape_cast %get3A_525 : vector<1x16xf32> to vector<16xf32>
    %add3A_527 = arith.addf %get3A_526, %get3A_401 : vector<16xf32>
    %swap3A_528 = arith.constant 10 : i32
    %swap3A_529 = arith.index_cast %swap3A_528 : i32 to index
    %swap3A_530 = arith.constant 16 : index
    %swap3A_531 = tpu.vector_load %arg10[%swap3A_529, %swap3A_530] {strides = array<i32>} : memref<32x32xf32, #tpu.memory_space<vmem>>, vector<1x16xf32>,
    %swap3A_532 = vector.shape_cast %swap3A_531 : vector<1x16xf32> to vector<16xf32>
    %swap3A_533 = vector.shape_cast %add3A_527 : vector<16xf32> to vector<1x16xf32>
    tpu.vector_store %arg10[%swap3A_529, %swap3A_530], %swap3A_533 {strides = array<i32>} : memref<32x32xf32, #tpu.memory_space<vmem>>, vector<1x16xf32>,
    %get3A_534 = arith.constant 11 : i32
    %get3A_535 = arith.index_cast %get3A_534 : i32 to index
    %get3A_536 = arith.constant 16 : index
    %get3A_537 = tpu.vector_load %arg10[%get3A_535, %get3A_536] {strides = array<i32>} : memref<32x32xf32, #tpu.memory_space<vmem>>, vector<1x16xf32>,
    %get3A_538 = vector.shape_cast %get3A_537 : vector<1x16xf32> to vector<16xf32>
    %add3A_539 = arith.addf %get3A_538, %get3A_401 : vector<16xf32>
    %swap3A_540 = arith.constant 11 : i32
    %swap3A_541 = arith.index_cast %swap3A_540 : i32 to index
    %swap3A_542 = arith.constant 16 : index
    %swap3A_543 = tpu.vector_load %arg10[%swap3A_541, %swap3A_542] {strides = array<i32>} : memref<32x32xf32, #tpu.memory_space<vmem>>, vector<1x16xf32>,
    %swap3A_544 = vector.shape_cast %swap3A_543 : vector<1x16xf32> to vector<16xf32>
    %swap3A_545 = vector.shape_cast %add3A_539 : vector<16xf32> to vector<1x16xf32>
    tpu.vector_store %arg10[%swap3A_541, %swap3A_542], %swap3A_545 {strides = array<i32>} : memref<32x32xf32, #tpu.memory_space<vmem>>, vector<1x16xf32>,
    %get3A_546 = arith.constant 12 : i32
    %get3A_547 = arith.index_cast %get3A_546 : i32 to index
    %get3A_548 = arith.constant 16 : index
    %get3A_549 = tpu.vector_load %arg10[%get3A_547, %get3A_548] {strides = array<i32>} : memref<32x32xf32, #tpu.memory_space<vmem>>, vector<1x16xf32>,
    %get3A_550 = vector.shape_cast %get3A_549 : vector<1x16xf32> to vector<16xf32>
    %add3A_551 = arith.addf %get3A_550, %get3A_401 : vector<16xf32>
    %swap3A_552 = arith.constant 12 : i32
    %swap3A_553 = arith.index_cast %swap3A_552 : i32 to index
    %swap3A_554 = arith.constant 16 : index
    %swap3A_555 = tpu.vector_load %arg10[%swap3A_553, %swap3A_554] {strides = array<i32>} : memref<32x32xf32, #tpu.memory_space<vmem>>, vector<1x16xf32>,
    %swap3A_556 = vector.shape_cast %swap3A_555 : vector<1x16xf32> to vector<16xf32>
    %swap3A_557 = vector.shape_cast %add3A_551 : vector<16xf32> to vector<1x16xf32>
    tpu.vector_store %arg10[%swap3A_553, %swap3A_554], %swap3A_557 {strides = array<i32>} : memref<32x32xf32, #tpu.memory_space<vmem>>, vector<1x16xf32>,
    %get3A_558 = arith.constant 13 : i32
    %get3A_559 = arith.index_cast %get3A_558 : i32 to index
    %get3A_560 = arith.constant 16 : index
    %get3A_561 = tpu.vector_load %arg10[%get3A_559, %get3A_560] {strides = array<i32>} : memref<32x32xf32, #tpu.memory_space<vmem>>, vector<1x16xf32>,
    %get3A_562 = vector.shape_cast %get3A_561 : vector<1x16xf32> to vector<16xf32>
    %add3A_563 = arith.addf %get3A_562, %get3A_401 : vector<16xf32>
    %swap3A_564 = arith.constant 13 : i32
    %swap3A_565 = arith.index_cast %swap3A_564 : i32 to index
    %swap3A_566 = arith.constant 16 : index
    %swap3A_567 = tpu.vector_load %arg10[%swap3A_565, %swap3A_566] {strides = array<i32>} : memref<32x32xf32, #tpu.memory_space<vmem>>, vector<1x16xf32>,
    %swap3A_568 = vector.shape_cast %swap3A_567 : vector<1x16xf32> to vector<16xf32>
    %swap3A_569 = vector.shape_cast %add3A_563 : vector<16xf32> to vector<1x16xf32>
    tpu.vector_store %arg10[%swap3A_565, %swap3A_566], %swap3A_569 {strides = array<i32>} : memref<32x32xf32, #tpu.memory_space<vmem>>, vector<1x16xf32>,
    %get3A_570 = arith.constant 14 : i32
    %get3A_571 = arith.index_cast %get3A_570 : i32 to index
    %get3A_572 = arith.constant 16 : index
    %get3A_573 = tpu.vector_load %arg10[%get3A_571, %get3A_572] {strides = array<i32>} : memref<32x32xf32, #tpu.memory_space<vmem>>, vector<1x16xf32>,
    %get3A_574 = vector.shape_cast %get3A_573 : vector<1x16xf32> to vector<16xf32>
    %add3A_575 = arith.addf %get3A_574, %get3A_401 : vector<16xf32>
    %swap3A_576 = arith.constant 14 : i32
    %swap3A_577 = arith.index_cast %swap3A_576 : i32 to index
    %swap3A_578 = arith.constant 16 : index
    %swap3A_579 = tpu.vector_load %arg10[%swap3A_577, %swap3A_578] {strides = array<i32>} : memref<32x32xf32, #tpu.memory_space<vmem>>, vector<1x16xf32>,
    %swap3A_580 = vector.shape_cast %swap3A_579 : vector<1x16xf32> to vector<16xf32>
    %swap3A_581 = vector.shape_cast %add3A_575 : vector<16xf32> to vector<1x16xf32>
    tpu.vector_store %arg10[%swap3A_577, %swap3A_578], %swap3A_581 {strides = array<i32>} : memref<32x32xf32, #tpu.memory_space<vmem>>, vector<1x16xf32>,
    %get3A_582 = arith.constant 15 : i32
    %get3A_583 = arith.index_cast %get3A_582 : i32 to index
    %get3A_584 = arith.constant 16 : index
    %get3A_585 = tpu.vector_load %arg10[%get3A_583, %get3A_584] {strides = array<i32>} : memref<32x32xf32, #tpu.memory_space<vmem>>, vector<1x16xf32>,
    %get3A_586 = vector.shape_cast %get3A_585 : vector<1x16xf32> to vector<16xf32>
    %add3A_587 = arith.addf %get3A_586, %get3A_401 : vector<16xf32>
    %swap3A_588 = arith.constant 15 : i32
    %swap3A_589 = arith.index_cast %swap3A_588 : i32 to index
    %swap3A_590 = arith.constant 16 : index
    %swap3A_591 = tpu.vector_load %arg10[%swap3A_589, %swap3A_590] {strides = array<i32>} : memref<32x32xf32, #tpu.memory_space<vmem>>, vector<1x16xf32>,
    %swap3A_592 = vector.shape_cast %swap3A_591 : vector<1x16xf32> to vector<16xf32>
    %swap3A_593 = vector.shape_cast %add3A_587 : vector<16xf32> to vector<1x16xf32>
    tpu.vector_store %arg10[%swap3A_589, %swap3A_590], %swap3A_593 {strides = array<i32>} : memref<32x32xf32, #tpu.memory_space<vmem>>, vector<1x16xf32>,
    %get3A_594 = arith.constant 16 : i32
    %get3A_595 = arith.index_cast %get3A_594 : i32 to index
    %get3A_596 = arith.constant 16 : index
    %get3A_597 = tpu.vector_load %arg10[%get3A_595, %get3A_596] {strides = array<i32>} : memref<32x32xf32, #tpu.memory_space<vmem>>, vector<1x16xf32>,
    %get3A_598 = vector.shape_cast %get3A_597 : vector<1x16xf32> to vector<16xf32>
    %add3A_599 = arith.addf %get3A_598, %get3A_401 : vector<16xf32>
    %swap3A_600 = arith.constant 16 : i32
    %swap3A_601 = arith.index_cast %swap3A_600 : i32 to index
    %swap3A_602 = arith.constant 16 : index
    %swap3A_603 = tpu.vector_load %arg10[%swap3A_601, %swap3A_602] {strides = array<i32>} : memref<32x32xf32, #tpu.memory_space<vmem>>, vector<1x16xf32>,
    %swap3A_604 = vector.shape_cast %swap3A_603 : vector<1x16xf32> to vector<16xf32>
    %swap3A_605 = vector.shape_cast %add3A_599 : vector<16xf32> to vector<1x16xf32>
    tpu.vector_store %arg10[%swap3A_601, %swap3A_602], %swap3A_605 {strides = array<i32>} : memref<32x32xf32, #tpu.memory_space<vmem>>, vector<1x16xf32>,
    %get3A_606 = arith.constant 17 : i32
    %get3A_607 = arith.index_cast %get3A_606 : i32 to index
    %get3A_608 = arith.constant 16 : index
    %get3A_609 = tpu.vector_load %arg10[%get3A_607, %get3A_608] {strides = array<i32>} : memref<32x32xf32, #tpu.memory_space<vmem>>, vector<1x16xf32>,
    %get3A_610 = vector.shape_cast %get3A_609 : vector<1x16xf32> to vector<16xf32>
    %add3A_611 = arith.addf %get3A_610, %get3A_401 : vector<16xf32>
    %swap3A_612 = arith.constant 17 : i32
    %swap3A_613 = arith.index_cast %swap3A_612 : i32 to index
    %swap3A_614 = arith.constant 16 : index
    %swap3A_615 = tpu.vector_load %arg10[%swap3A_613, %swap3A_614] {strides = array<i32>} : memref<32x32xf32, #tpu.memory_space<vmem>>, vector<1x16xf32>,
    %swap3A_616 = vector.shape_cast %swap3A_615 : vector<1x16xf32> to vector<16xf32>
    %swap3A_617 = vector.shape_cast %add3A_611 : vector<16xf32> to vector<1x16xf32>
    tpu.vector_store %arg10[%swap3A_613, %swap3A_614], %swap3A_617 {strides = array<i32>} : memref<32x32xf32, #tpu.memory_space<vmem>>, vector<1x16xf32>,
    %get3A_618 = arith.constant 18 : i32
    %get3A_619 = arith.index_cast %get3A_618 : i32 to index
    %get3A_620 = arith.constant 16 : index
    %get3A_621 = tpu.vector_load %arg10[%get3A_619, %get3A_620] {strides = array<i32>} : memref<32x32xf32, #tpu.memory_space<vmem>>, vector<1x16xf32>,
    %get3A_622 = vector.shape_cast %get3A_621 : vector<1x16xf32> to vector<16xf32>
    %add3A_623 = arith.addf %get3A_622, %get3A_401 : vector<16xf32>
    %swap3A_624 = arith.constant 18 : i32
    %swap3A_625 = arith.index_cast %swap3A_624 : i32 to index
    %swap3A_626 = arith.constant 16 : index
    %swap3A_627 = tpu.vector_load %arg10[%swap3A_625, %swap3A_626] {strides = array<i32>} : memref<32x32xf32, #tpu.memory_space<vmem>>, vector<1x16xf32>,
    %swap3A_628 = vector.shape_cast %swap3A_627 : vector<1x16xf32> to vector<16xf32>
    %swap3A_629 = vector.shape_cast %add3A_623 : vector<16xf32> to vector<1x16xf32>
    tpu.vector_store %arg10[%swap3A_625, %swap3A_626], %swap3A_629 {strides = array<i32>} : memref<32x32xf32, #tpu.memory_space<vmem>>, vector<1x16xf32>,
    %get3A_630 = arith.constant 19 : i32
    %get3A_631 = arith.index_cast %get3A_630 : i32 to index
    %get3A_632 = arith.constant 16 : index
    %get3A_633 = tpu.vector_load %arg10[%get3A_631, %get3A_632] {strides = array<i32>} : memref<32x32xf32, #tpu.memory_space<vmem>>, vector<1x16xf32>,
    %get3A_634 = vector.shape_cast %get3A_633 : vector<1x16xf32> to vector<16xf32>
    %add3A_635 = arith.addf %get3A_634, %get3A_401 : vector<16xf32>
    %swap3A_636 = arith.constant 19 : i32
    %swap3A_637 = arith.index_cast %swap3A_636 : i32 to index
    %swap3A_638 = arith.constant 16 : index
    %swap3A_639 = tpu.vector_load %arg10[%swap3A_637, %swap3A_638] {strides = array<i32>} : memref<32x32xf32, #tpu.memory_space<vmem>>, vector<1x16xf32>,
    %swap3A_640 = vector.shape_cast %swap3A_639 : vector<1x16xf32> to vector<16xf32>
    %swap3A_641 = vector.shape_cast %add3A_635 : vector<16xf32> to vector<1x16xf32>
    tpu.vector_store %arg10[%swap3A_637, %swap3A_638], %swap3A_641 {strides = array<i32>} : memref<32x32xf32, #tpu.memory_space<vmem>>, vector<1x16xf32>,
    %get3A_642 = arith.constant 20 : i32
    %get3A_643 = arith.index_cast %get3A_642 : i32 to index
    %get3A_644 = arith.constant 16 : index
    %get3A_645 = tpu.vector_load %arg10[%get3A_643, %get3A_644] {strides = array<i32>} : memref<32x32xf32, #tpu.memory_space<vmem>>, vector<1x16xf32>,
    %get3A_646 = vector.shape_cast %get3A_645 : vector<1x16xf32> to vector<16xf32>
    %add3A_647 = arith.addf %get3A_646, %get3A_401 : vector<16xf32>
    %swap3A_648 = arith.constant 20 : i32
    %swap3A_649 = arith.index_cast %swap3A_648 : i32 to index
    %swap3A_650 = arith.constant 16 : index
    %swap3A_651 = tpu.vector_load %arg10[%swap3A_649, %swap3A_650] {strides = array<i32>} : memref<32x32xf32, #tpu.memory_space<vmem>>, vector<1x16xf32>,
    %swap3A_652 = vector.shape_cast %swap3A_651 : vector<1x16xf32> to vector<16xf32>
    %swap3A_653 = vector.shape_cast %add3A_647 : vector<16xf32> to vector<1x16xf32>
    tpu.vector_store %arg10[%swap3A_649, %swap3A_650], %swap3A_653 {strides = array<i32>} : memref<32x32xf32, #tpu.memory_space<vmem>>, vector<1x16xf32>,
    %get3A_654 = arith.constant 21 : i32
    %get3A_655 = arith.index_cast %get3A_654 : i32 to index
    %get3A_656 = arith.constant 16 : index
    %get3A_657 = tpu.vector_load %arg10[%get3A_655, %get3A_656] {strides = array<i32>} : memref<32x32xf32, #tpu.memory_space<vmem>>, vector<1x16xf32>,
    %get3A_658 = vector.shape_cast %get3A_657 : vector<1x16xf32> to vector<16xf32>
    %add3A_659 = arith.addf %get3A_658, %get3A_401 : vector<16xf32>
    %swap3A_660 = arith.constant 21 : i32
    %swap3A_661 = arith.index_cast %swap3A_660 : i32 to index
    %swap3A_662 = arith.constant 16 : index
    %swap3A_663 = tpu.vector_load %arg10[%swap3A_661, %swap3A_662] {strides = array<i32>} : memref<32x32xf32, #tpu.memory_space<vmem>>, vector<1x16xf32>,
    %swap3A_664 = vector.shape_cast %swap3A_663 : vector<1x16xf32> to vector<16xf32>
    %swap3A_665 = vector.shape_cast %add3A_659 : vector<16xf32> to vector<1x16xf32>
    tpu.vector_store %arg10[%swap3A_661, %swap3A_662], %swap3A_665 {strides = array<i32>} : memref<32x32xf32, #tpu.memory_space<vmem>>, vector<1x16xf32>,
    %get3A_666 = arith.constant 22 : i32
    %get3A_667 = arith.index_cast %get3A_666 : i32 to index
    %get3A_668 = arith.constant 16 : index
    %get3A_669 = tpu.vector_load %arg10[%get3A_667, %get3A_668] {strides = array<i32>} : memref<32x32xf32, #tpu.memory_space<vmem>>, vector<1x16xf32>,
    %get3A_670 = vector.shape_cast %get3A_669 : vector<1x16xf32> to vector<16xf32>
    %add3A_671 = arith.addf %get3A_670, %get3A_401 : vector<16xf32>
    %swap3A_672 = arith.constant 22 : i32
    %swap3A_673 = arith.index_cast %swap3A_672 : i32 to index
    %swap3A_674 = arith.constant 16 : index
    %swap3A_675 = tpu.vector_load %arg10[%swap3A_673, %swap3A_674] {strides = array<i32>} : memref<32x32xf32, #tpu.memory_space<vmem>>, vector<1x16xf32>,
    %swap3A_676 = vector.shape_cast %swap3A_675 : vector<1x16xf32> to vector<16xf32>
    %swap3A_677 = vector.shape_cast %add3A_671 : vector<16xf32> to vector<1x16xf32>
    tpu.vector_store %arg10[%swap3A_673, %swap3A_674], %swap3A_677 {strides = array<i32>} : memref<32x32xf32, #tpu.memory_space<vmem>>, vector<1x16xf32>,
    %get3A_678 = arith.constant 23 : i32
    %get3A_679 = arith.index_cast %get3A_678 : i32 to index
    %get3A_680 = arith.constant 16 : index
    %get3A_681 = tpu.vector_load %arg10[%get3A_679, %get3A_680] {strides = array<i32>} : memref<32x32xf32, #tpu.memory_space<vmem>>, vector<1x16xf32>,
    %get3A_682 = vector.shape_cast %get3A_681 : vector<1x16xf32> to vector<16xf32>
    %add3A_683 = arith.addf %get3A_682, %get3A_401 : vector<16xf32>
    %swap3A_684 = arith.constant 23 : i32
    %swap3A_685 = arith.index_cast %swap3A_684 : i32 to index
    %swap3A_686 = arith.constant 16 : index
    %swap3A_687 = tpu.vector_load %arg10[%swap3A_685, %swap3A_686] {strides = array<i32>} : memref<32x32xf32, #tpu.memory_space<vmem>>, vector<1x16xf32>,
    %swap3A_688 = vector.shape_cast %swap3A_687 : vector<1x16xf32> to vector<16xf32>
    %swap3A_689 = vector.shape_cast %add3A_683 : vector<16xf32> to vector<1x16xf32>
    tpu.vector_store %arg10[%swap3A_685, %swap3A_686], %swap3A_689 {strides = array<i32>} : memref<32x32xf32, #tpu.memory_space<vmem>>, vector<1x16xf32>,
    %get3A_690 = arith.constant 24 : i32
    %get3A_691 = arith.index_cast %get3A_690 : i32 to index
    %get3A_692 = arith.constant 16 : index
    %get3A_693 = tpu.vector_load %arg10[%get3A_691, %get3A_692] {strides = array<i32>} : memref<32x32xf32, #tpu.memory_space<vmem>>, vector<1x16xf32>,
    %get3A_694 = vector.shape_cast %get3A_693 : vector<1x16xf32> to vector<16xf32>
    %add3A_695 = arith.addf %get3A_694, %get3A_401 : vector<16xf32>
    %swap3A_696 = arith.constant 24 : i32
    %swap3A_697 = arith.index_cast %swap3A_696 : i32 to index
    %swap3A_698 = arith.constant 16 : index
    %swap3A_699 = tpu.vector_load %arg10[%swap3A_697, %swap3A_698] {strides = array<i32>} : memref<32x32xf32, #tpu.memory_space<vmem>>, vector<1x16xf32>,
    %swap3A_700 = vector.shape_cast %swap3A_699 : vector<1x16xf32> to vector<16xf32>
    %swap3A_701 = vector.shape_cast %add3A_695 : vector<16xf32> to vector<1x16xf32>
    tpu.vector_store %arg10[%swap3A_697, %swap3A_698], %swap3A_701 {strides = array<i32>} : memref<32x32xf32, #tpu.memory_space<vmem>>, vector<1x16xf32>,
    %get3A_702 = arith.constant 25 : i32
    %get3A_703 = arith.index_cast %get3A_702 : i32 to index
    %get3A_704 = arith.constant 16 : index
    %get3A_705 = tpu.vector_load %arg10[%get3A_703, %get3A_704] {strides = array<i32>} : memref<32x32xf32, #tpu.memory_space<vmem>>, vector<1x16xf32>,
    %get3A_706 = vector.shape_cast %get3A_705 : vector<1x16xf32> to vector<16xf32>
    %add3A_707 = arith.addf %get3A_706, %get3A_401 : vector<16xf32>
    %swap3A_708 = arith.constant 25 : i32
    %swap3A_709 = arith.index_cast %swap3A_708 : i32 to index
    %swap3A_710 = arith.constant 16 : index
    %swap3A_711 = tpu.vector_load %arg10[%swap3A_709, %swap3A_710] {strides = array<i32>} : memref<32x32xf32, #tpu.memory_space<vmem>>, vector<1x16xf32>,
    %swap3A_712 = vector.shape_cast %swap3A_711 : vector<1x16xf32> to vector<16xf32>
    %swap3A_713 = vector.shape_cast %add3A_707 : vector<16xf32> to vector<1x16xf32>
    tpu.vector_store %arg10[%swap3A_709, %swap3A_710], %swap3A_713 {strides = array<i32>} : memref<32x32xf32, #tpu.memory_space<vmem>>, vector<1x16xf32>,
    %get3A_714 = arith.constant 26 : i32
    %get3A_715 = arith.index_cast %get3A_714 : i32 to index
    %get3A_716 = arith.constant 16 : index
    %get3A_717 = tpu.vector_load %arg10[%get3A_715, %get3A_716] {strides = array<i32>} : memref<32x32xf32, #tpu.memory_space<vmem>>, vector<1x16xf32>,
    %get3A_718 = vector.shape_cast %get3A_717 : vector<1x16xf32> to vector<16xf32>
    %add3A_719 = arith.addf %get3A_718, %get3A_401 : vector<16xf32>
    %swap3A_720 = arith.constant 26 : i32
    %swap3A_721 = arith.index_cast %swap3A_720 : i32 to index
    %swap3A_722 = arith.constant 16 : index
    %swap3A_723 = tpu.vector_load %arg10[%swap3A_721, %swap3A_722] {strides = array<i32>} : memref<32x32xf32, #tpu.memory_space<vmem>>, vector<1x16xf32>,
    %swap3A_724 = vector.shape_cast %swap3A_723 : vector<1x16xf32> to vector<16xf32>
    %swap3A_725 = vector.shape_cast %add3A_719 : vector<16xf32> to vector<1x16xf32>
    tpu.vector_store %arg10[%swap3A_721, %swap3A_722], %swap3A_725 {strides = array<i32>} : memref<32x32xf32, #tpu.memory_space<vmem>>, vector<1x16xf32>,
    %get3A_726 = arith.constant 27 : i32
    %get3A_727 = arith.index_cast %get3A_726 : i32 to index
    %get3A_728 = arith.constant 16 : index
    %get3A_729 = tpu.vector_load %arg10[%get3A_727, %get3A_728] {strides = array<i32>} : memref<32x32xf32, #tpu.memory_space<vmem>>, vector<1x16xf32>,
    %get3A_730 = vector.shape_cast %get3A_729 : vector<1x16xf32> to vector<16xf32>
    %add3A_731 = arith.addf %get3A_730, %get3A_401 : vector<16xf32>
    %swap3A_732 = arith.constant 27 : i32
    %swap3A_733 = arith.index_cast %swap3A_732 : i32 to index
    %swap3A_734 = arith.constant 16 : index
    %swap3A_735 = tpu.vector_load %arg10[%swap3A_733, %swap3A_734] {strides = array<i32>} : memref<32x32xf32, #tpu.memory_space<vmem>>, vector<1x16xf32>,
    %swap3A_736 = vector.shape_cast %swap3A_735 : vector<1x16xf32> to vector<16xf32>
    %swap3A_737 = vector.shape_cast %add3A_731 : vector<16xf32> to vector<1x16xf32>
    tpu.vector_store %arg10[%swap3A_733, %swap3A_734], %swap3A_737 {strides = array<i32>} : memref<32x32xf32, #tpu.memory_space<vmem>>, vector<1x16xf32>,
    %get3A_738 = arith.constant 28 : i32
    %get3A_739 = arith.index_cast %get3A_738 : i32 to index
    %get3A_740 = arith.constant 16 : index
    %get3A_741 = tpu.vector_load %arg10[%get3A_739, %get3A_740] {strides = array<i32>} : memref<32x32xf32, #tpu.memory_space<vmem>>, vector<1x16xf32>,
    %get3A_742 = vector.shape_cast %get3A_741 : vector<1x16xf32> to vector<16xf32>
    %add3A_743 = arith.addf %get3A_742, %get3A_401 : vector<16xf32>
    %swap3A_744 = arith.constant 28 : i32
    %swap3A_745 = arith.index_cast %swap3A_744 : i32 to index
    %swap3A_746 = arith.constant 16 : index
    %swap3A_747 = tpu.vector_load %arg10[%swap3A_745, %swap3A_746] {strides = array<i32>} : memref<32x32xf32, #tpu.memory_space<vmem>>, vector<1x16xf32>,
    %swap3A_748 = vector.shape_cast %swap3A_747 : vector<1x16xf32> to vector<16xf32>
    %swap3A_749 = vector.shape_cast %add3A_743 : vector<16xf32> to vector<1x16xf32>
    tpu.vector_store %arg10[%swap3A_745, %swap3A_746], %swap3A_749 {strides = array<i32>} : memref<32x32xf32, #tpu.memory_space<vmem>>, vector<1x16xf32>,
    %get3A_750 = arith.constant 29 : i32
    %get3A_751 = arith.index_cast %get3A_750 : i32 to index
    %get3A_752 = arith.constant 16 : index
    %get3A_753 = tpu.vector_load %arg10[%get3A_751, %get3A_752] {strides = array<i32>} : memref<32x32xf32, #tpu.memory_space<vmem>>, vector<1x16xf32>,
    %get3A_754 = vector.shape_cast %get3A_753 : vector<1x16xf32> to vector<16xf32>
    %add3A_755 = arith.addf %get3A_754, %get3A_401 : vector<16xf32>
    %swap3A_756 = arith.constant 29 : i32
    %swap3A_757 = arith.index_cast %swap3A_756 : i32 to index
    %swap3A_758 = arith.constant 16 : index
    %swap3A_759 = tpu.vector_load %arg10[%swap3A_757, %swap3A_758] {strides = array<i32>} : memref<32x32xf32, #tpu.memory_space<vmem>>, vector<1x16xf32>,
    %swap3A_760 = vector.shape_cast %swap3A_759 : vector<1x16xf32> to vector<16xf32>
    %swap3A_761 = vector.shape_cast %add3A_755 : vector<16xf32> to vector<1x16xf32>
    tpu.vector_store %arg10[%swap3A_757, %swap3A_758], %swap3A_761 {strides = array<i32>} : memref<32x32xf32, #tpu.memory_space<vmem>>, vector<1x16xf32>,
    %get3A_762 = arith.constant 30 : i32
    %get3A_763 = arith.index_cast %get3A_762 : i32 to index
    %get3A_764 = arith.constant 16 : index
    %get3A_765 = tpu.vector_load %arg10[%get3A_763, %get3A_764] {strides = array<i32>} : memref<32x32xf32, #tpu.memory_space<vmem>>, vector<1x16xf32>,
    %get3A_766 = vector.shape_cast %get3A_765 : vector<1x16xf32> to vector<16xf32>
    %add3A_767 = arith.addf %get3A_766, %get3A_401 : vector<16xf32>
    %swap3A_768 = arith.constant 30 : i32
    %swap3A_769 = arith.index_cast %swap3A_768 : i32 to index
    %swap3A_770 = arith.constant 16 : index
    %swap3A_771 = tpu.vector_load %arg10[%swap3A_769, %swap3A_770] {strides = array<i32>} : memref<32x32xf32, #tpu.memory_space<vmem>>, vector<1x16xf32>,
    %swap3A_772 = vector.shape_cast %swap3A_771 : vector<1x16xf32> to vector<16xf32>
    %swap3A_773 = vector.shape_cast %add3A_767 : vector<16xf32> to vector<1x16xf32>
    tpu.vector_store %arg10[%swap3A_769, %swap3A_770], %swap3A_773 {strides = array<i32>} : memref<32x32xf32, #tpu.memory_space<vmem>>, vector<1x16xf32>,
    %get3A_774 = arith.constant 31 : i32
    %get3A_775 = arith.index_cast %get3A_774 : i32 to index
    %get3A_776 = arith.constant 16 : index
    %get3A_777 = tpu.vector_load %arg10[%get3A_775, %get3A_776] {strides = array<i32>} : memref<32x32xf32, #tpu.memory_space<vmem>>, vector<1x16xf32>,
    %get3A_778 = vector.shape_cast %get3A_777 : vector<1x16xf32> to vector<16xf32>
    %add3A_779 = arith.addf %get3A_778, %get3A_401 : vector<16xf32>
    %swap3A_780 = arith.constant 31 : i32
    %swap3A_781 = arith.index_cast %swap3A_780 : i32 to index
    %swap3A_782 = arith.constant 16 : index
    %swap3A_783 = tpu.vector_load %arg10[%swap3A_781, %swap3A_782] {strides = array<i32>} : memref<32x32xf32, #tpu.memory_space<vmem>>, vector<1x16xf32>,
    %swap3A_784 = vector.shape_cast %swap3A_783 : vector<1x16xf32> to vector<16xf32>
    %swap3A_785 = vector.shape_cast %add3A_779 : vector<16xf32> to vector<1x16xf32>
    tpu.vector_store %arg10[%swap3A_781, %swap3A_782], %swap3A_785 {strides = array<i32>} : memref<32x32xf32, #tpu.memory_space<vmem>>, vector<1x16xf32>,
    %dma_start3A = arith.constant 0 : i32
    %dma_start3A_786 = arith.constant 0 : i32
    %dma_start3A_787 = arith.constant 0 : i32
    %dma_start3A_788 = tpu.memref_slice %arg8[%dma_start3A_786, %dma_start3A_787] : memref<1024x32xf32, #tpu.memory_space<vmem>> -> memref<128x32xf32, #tpu.memory_space<vmem>>
    %dma_start3A_789 = arith.constant 0 : i32
    %dma_start3A_790 = tpu.memref_slice %arg7[%dma_start3A, %dma_start3A_789] : memref<128x128xi32, #tpu.memory_space<vmem>> -> memref<1x128xi32, #tpu.memory_space<vmem>>
    %dma_start3A_791 = tpu.memref_squeeze %dma_start3A_790 : memref<1x128xi32, #tpu.memory_space<vmem>> -> memref<128xi32, #tpu.memory_space<vmem>>
    %dma_start3A_792 = arith.constant 0 : i32
    %dma_start3A_793 = arith.constant 0 : i32
    %dma_start3A_794 = tpu.memref_slice %arg3[%dma_start3A_792, %dma_start3A_793] : memref<4000000x32xf32, #tpu.memory_space<hbm>> -> memref<4000000x32xf32, #tpu.memory_space<hbm>>
    tpu.enqueue_indirect_dma source(%dma_start3A_794 : memref<4000000x32xf32, #tpu.memory_space<hbm>>) target(%dma_start3A_788 : memref<128x32xf32, #tpu.memory_space<vmem>>) offsets(%dma_start3A_791 : memref<128xi32, #tpu.memory_space<vmem>>) semaphore(%arg12 : memref<!tpu.dma_semaphore, #tpu.memory_space<semaphore_mem>>)
    %dma_start3A_795 = arith.constant 1 : i32
    %dma_start3A_796 = arith.constant 128 : i32
    %dma_start3A_797 = arith.constant 0 : i32
    %dma_start3A_798 = tpu.memref_slice %arg8[%dma_start3A_796, %dma_start3A_797] : memref<1024x32xf32, #tpu.memory_space<vmem>> -> memref<128x32xf32, #tpu.memory_space<vmem>>
    %dma_start3A_799 = arith.constant 0 : i32
    %dma_start3A_800 = tpu.memref_slice %arg7[%dma_start3A_795, %dma_start3A_799] : memref<128x128xi32, #tpu.memory_space<vmem>> -> memref<1x128xi32, #tpu.memory_space<vmem>>
    %dma_start3A_801 = tpu.memref_squeeze %dma_start3A_800 : memref<1x128xi32, #tpu.memory_space<vmem>> -> memref<128xi32, #tpu.memory_space<vmem>>
    %dma_start3A_802 = arith.constant 0 : i32
    %dma_start3A_803 = arith.constant 0 : i32
    %dma_start3A_804 = tpu.memref_slice %arg3[%dma_start3A_802, %dma_start3A_803] : memref<4000000x32xf32, #tpu.memory_space<hbm>> -> memref<4000000x32xf32, #tpu.memory_space<hbm>>
    tpu.enqueue_indirect_dma source(%dma_start3A_804 : memref<4000000x32xf32, #tpu.memory_space<hbm>>) target(%dma_start3A_798 : memref<128x32xf32, #tpu.memory_space<vmem>>) offsets(%dma_start3A_801 : memref<128xi32, #tpu.memory_space<vmem>>) semaphore(%arg12 : memref<!tpu.dma_semaphore, #tpu.memory_space<semaphore_mem>>)
    %dma_start3A_805 = arith.constant 2 : i32
    %dma_start3A_806 = arith.constant 256 : i32
    %dma_start3A_807 = arith.constant 0 : i32
    %dma_start3A_808 = tpu.memref_slice %arg8[%dma_start3A_806, %dma_start3A_807] : memref<1024x32xf32, #tpu.memory_space<vmem>> -> memref<128x32xf32, #tpu.memory_space<vmem>>
    %dma_start3A_809 = arith.constant 0 : i32
    %dma_start3A_810 = tpu.memref_slice %arg7[%dma_start3A_805, %dma_start3A_809] : memref<128x128xi32, #tpu.memory_space<vmem>> -> memref<1x128xi32, #tpu.memory_space<vmem>>
    %dma_start3A_811 = tpu.memref_squeeze %dma_start3A_810 : memref<1x128xi32, #tpu.memory_space<vmem>> -> memref<128xi32, #tpu.memory_space<vmem>>
    %dma_start3A_812 = arith.constant 0 : i32
    %dma_start3A_813 = arith.constant 0 : i32
    %dma_start3A_814 = tpu.memref_slice %arg3[%dma_start3A_812, %dma_start3A_813] : memref<4000000x32xf32, #tpu.memory_space<hbm>> -> memref<4000000x32xf32, #tpu.memory_space<hbm>>
    tpu.enqueue_indirect_dma source(%dma_start3A_814 : memref<4000000x32xf32, #tpu.memory_space<hbm>>) target(%dma_start3A_808 : memref<128x32xf32, #tpu.memory_space<vmem>>) offsets(%dma_start3A_811 : memref<128xi32, #tpu.memory_space<vmem>>) semaphore(%arg12 : memref<!tpu.dma_semaphore, #tpu.memory_space<semaphore_mem>>)
    %dma_start3A_815 = arith.constant 3 : i32
    %dma_start3A_816 = arith.constant 384 : i32
    %dma_start3A_817 = arith.constant 0 : i32
    %dma_start3A_818 = tpu.memref_slice %arg8[%dma_start3A_816, %dma_start3A_817] : memref<1024x32xf32, #tpu.memory_space<vmem>> -> memref<128x32xf32, #tpu.memory_space<vmem>>
    %dma_start3A_819 = arith.constant 0 : i32
    %dma_start3A_820 = tpu.memref_slice %arg7[%dma_start3A_815, %dma_start3A_819] : memref<128x128xi32, #tpu.memory_space<vmem>> -> memref<1x128xi32, #tpu.memory_space<vmem>>
    %dma_start3A_821 = tpu.memref_squeeze %dma_start3A_820 : memref<1x128xi32, #tpu.memory_space<vmem>> -> memref<128xi32, #tpu.memory_space<vmem>>
    %dma_start3A_822 = arith.constant 0 : i32
    %dma_start3A_823 = arith.constant 0 : i32
    %dma_start3A_824 = tpu.memref_slice %arg3[%dma_start3A_822, %dma_start3A_823] : memref<4000000x32xf32, #tpu.memory_space<hbm>> -> memref<4000000x32xf32, #tpu.memory_space<hbm>>
    tpu.enqueue_indirect_dma source(%dma_start3A_824 : memref<4000000x32xf32, #tpu.memory_space<hbm>>) target(%dma_start3A_818 : memref<128x32xf32, #tpu.memory_space<vmem>>) offsets(%dma_start3A_821 : memref<128xi32, #tpu.memory_space<vmem>>) semaphore(%arg12 : memref<!tpu.dma_semaphore, #tpu.memory_space<semaphore_mem>>)
    %dma_start3A_825 = arith.constant 4 : i32
    %dma_start3A_826 = arith.constant 512 : i32
    %dma_start3A_827 = arith.constant 0 : i32
    %dma_start3A_828 = tpu.memref_slice %arg8[%dma_start3A_826, %dma_start3A_827] : memref<1024x32xf32, #tpu.memory_space<vmem>> -> memref<128x32xf32, #tpu.memory_space<vmem>>
    %dma_start3A_829 = arith.constant 0 : i32
    %dma_start3A_830 = tpu.memref_slice %arg7[%dma_start3A_825, %dma_start3A_829] : memref<128x128xi32, #tpu.memory_space<vmem>> -> memref<1x128xi32, #tpu.memory_space<vmem>>
    %dma_start3A_831 = tpu.memref_squeeze %dma_start3A_830 : memref<1x128xi32, #tpu.memory_space<vmem>> -> memref<128xi32, #tpu.memory_space<vmem>>
    %dma_start3A_832 = arith.constant 0 : i32
    %dma_start3A_833 = arith.constant 0 : i32
    %dma_start3A_834 = tpu.memref_slice %arg3[%dma_start3A_832, %dma_start3A_833] : memref<4000000x32xf32, #tpu.memory_space<hbm>> -> memref<4000000x32xf32, #tpu.memory_space<hbm>>
    tpu.enqueue_indirect_dma source(%dma_start3A_834 : memref<4000000x32xf32, #tpu.memory_space<hbm>>) target(%dma_start3A_828 : memref<128x32xf32, #tpu.memory_space<vmem>>) offsets(%dma_start3A_831 : memref<128xi32, #tpu.memory_space<vmem>>) semaphore(%arg12 : memref<!tpu.dma_semaphore, #tpu.memory_space<semaphore_mem>>)
    %dma_start3A_835 = arith.constant 5 : i32
    %dma_start3A_836 = arith.constant 640 : i32
    %dma_start3A_837 = arith.constant 0 : i32
    %dma_start3A_838 = tpu.memref_slice %arg8[%dma_start3A_836, %dma_start3A_837] : memref<1024x32xf32, #tpu.memory_space<vmem>> -> memref<128x32xf32, #tpu.memory_space<vmem>>
    %dma_start3A_839 = arith.constant 0 : i32
    %dma_start3A_840 = tpu.memref_slice %arg7[%dma_start3A_835, %dma_start3A_839] : memref<128x128xi32, #tpu.memory_space<vmem>> -> memref<1x128xi32, #tpu.memory_space<vmem>>
    %dma_start3A_841 = tpu.memref_squeeze %dma_start3A_840 : memref<1x128xi32, #tpu.memory_space<vmem>> -> memref<128xi32, #tpu.memory_space<vmem>>
    %dma_start3A_842 = arith.constant 0 : i32
    %dma_start3A_843 = arith.constant 0 : i32
    %dma_start3A_844 = tpu.memref_slice %arg3[%dma_start3A_842, %dma_start3A_843] : memref<4000000x32xf32, #tpu.memory_space<hbm>> -> memref<4000000x32xf32, #tpu.memory_space<hbm>>
    tpu.enqueue_indirect_dma source(%dma_start3A_844 : memref<4000000x32xf32, #tpu.memory_space<hbm>>) target(%dma_start3A_838 : memref<128x32xf32, #tpu.memory_space<vmem>>) offsets(%dma_start3A_841 : memref<128xi32, #tpu.memory_space<vmem>>) semaphore(%arg12 : memref<!tpu.dma_semaphore, #tpu.memory_space<semaphore_mem>>)
    %dma_start3A_845 = arith.constant 6 : i32
    %dma_start3A_846 = arith.constant 768 : i32
    %dma_start3A_847 = arith.constant 0 : i32
    %dma_start3A_848 = tpu.memref_slice %arg8[%dma_start3A_846, %dma_start3A_847] : memref<1024x32xf32, #tpu.memory_space<vmem>> -> memref<128x32xf32, #tpu.memory_space<vmem>>
    %dma_start3A_849 = arith.constant 0 : i32
    %dma_start3A_850 = tpu.memref_slice %arg7[%dma_start3A_845, %dma_start3A_849] : memref<128x128xi32, #tpu.memory_space<vmem>> -> memref<1x128xi32, #tpu.memory_space<vmem>>
    %dma_start3A_851 = tpu.memref_squeeze %dma_start3A_850 : memref<1x128xi32, #tpu.memory_space<vmem>> -> memref<128xi32, #tpu.memory_space<vmem>>
    %dma_start3A_852 = arith.constant 0 : i32
    %dma_start3A_853 = arith.constant 0 : i32
    %dma_start3A_854 = tpu.memref_slice %arg3[%dma_start3A_852, %dma_start3A_853] : memref<4000000x32xf32, #tpu.memory_space<hbm>> -> memref<4000000x32xf32, #tpu.memory_space<hbm>>
    tpu.enqueue_indirect_dma source(%dma_start3A_854 : memref<4000000x32xf32, #tpu.memory_space<hbm>>) target(%dma_start3A_848 : memref<128x32xf32, #tpu.memory_space<vmem>>) offsets(%dma_start3A_851 : memref<128xi32, #tpu.memory_space<vmem>>) semaphore(%arg12 : memref<!tpu.dma_semaphore, #tpu.memory_space<semaphore_mem>>)
    %dma_start3A_855 = arith.constant 7 : i32
    %dma_start3A_856 = arith.constant 896 : i32
    %dma_start3A_857 = arith.constant 0 : i32
    %dma_start3A_858 = tpu.memref_slice %arg8[%dma_start3A_856, %dma_start3A_857] : memref<1024x32xf32, #tpu.memory_space<vmem>> -> memref<128x32xf32, #tpu.memory_space<vmem>>
    %dma_start3A_859 = arith.constant 0 : i32
    %dma_start3A_860 = tpu.memref_slice %arg7[%dma_start3A_855, %dma_start3A_859] : memref<128x128xi32, #tpu.memory_space<vmem>> -> memref<1x128xi32, #tpu.memory_space<vmem>>
    %dma_start3A_861 = tpu.memref_squeeze %dma_start3A_860 : memref<1x128xi32, #tpu.memory_space<vmem>> -> memref<128xi32, #tpu.memory_space<vmem>>
    %dma_start3A_862 = arith.constant 0 : i32
    %dma_start3A_863 = arith.constant 0 : i32
    %dma_start3A_864 = tpu.memref_slice %arg3[%dma_start3A_862, %dma_start3A_863] : memref<4000000x32xf32, #tpu.memory_space<hbm>> -> memref<4000000x32xf32, #tpu.memory_space<hbm>>
    tpu.enqueue_indirect_dma source(%dma_start3A_864 : memref<4000000x32xf32, #tpu.memory_space<hbm>>) target(%dma_start3A_858 : memref<128x32xf32, #tpu.memory_space<vmem>>) offsets(%dma_start3A_861 : memref<128xi32, #tpu.memory_space<vmem>>) semaphore(%arg12 : memref<!tpu.dma_semaphore, #tpu.memory_space<semaphore_mem>>)
    %scan3A_865 = arith.constant 0 : i32
    %scan3A_866 = arith.constant 0 : i32
    %scan3A_867 = arith.constant 16 : i32
    %scan3A_868 = arith.addi %scan3A_866, %scan3A_867 : i32
    %scan3A_869 = arith.constant 1 : i32
    scf.for %scan3A_882 = %scan3A_866 to %scan3A_868 step %scan3A_869  : i32 {
      %rem3A = arith.constant 2 : i32
      %rem3A_883 = arith.remsi %scan3A_882, %rem3A : i32
      %eq3A = arith.constant 0 : i32
      %eq3A_884 = arith.cmpi eq, %rem3A_883, %eq3A : i32
      %convert_element_type3A = arith.extui %eq3A_884 : i1 to i32
      %cond3A = arith.constant 0 : i32
      %cond3A_885 = arith.cmpi ne, %convert_element_type3A, %cond3A : i32
      scf.if %cond3A_885 {
        %add3A_891 = arith.constant 1 : i32
        %add3A_892 = arith.addi %scan3A_882, %add3A_891 : i32
        %lt3A = arith.constant 16 : i32
        %lt3A_893 = arith.cmpi slt, %add3A_892, %lt3A : i32
        %convert_element_type3A_894 = arith.extui %lt3A_893 : i1 to i32
        %cond3A_895 = arith.constant 0 : i32
        %cond3A_896 = arith.cmpi ne, %convert_element_type3A_894, %cond3A_895 : i32
        scf.if %cond3A_896 {
          %ge3A = arith.constant 1 : i32
          %ge3A_916 = arith.cmpi sge, %scan3A_882, %ge3A : i32
          %convert_element_type3A_917 = arith.extui %ge3A_916 : i1 to i32
          %cond3A_918 = arith.constant 0 : i32
          %cond3A_919 = arith.cmpi ne, %convert_element_type3A_917, %cond3A_918 : i32
          scf.if %cond3A_919 {
            %dma_wait3A_1026 = arith.constant 0 : i32
            %dma_wait3A_1027 = arith.constant 0 : i32
            %dma_wait3A_1028 = tpu.memref_slice %arg3[%dma_wait3A_1026, %dma_wait3A_1027] : memref<4000000x32xf32, #tpu.memory_space<hbm>> -> memref<1024x32xf32, #tpu.memory_space<hbm>>
            %dma_wait3A_1029 = arith.constant 0 : i32
            %dma_wait3A_1030 = arith.constant 0 : i32
            %dma_wait3A_1031 = tpu.memref_slice %arg3[%dma_wait3A_1029, %dma_wait3A_1030] : memref<4000000x32xf32, #tpu.memory_space<hbm>> -> memref<1024x32xf32, #tpu.memory_space<hbm>>
            tpu.wait_dma2 semaphore(%arg15 : memref<!tpu.dma_semaphore, #tpu.memory_space<semaphore_mem>>) src(%dma_wait3A_1031 : memref<1024x32xf32, #tpu.memory_space<hbm>>) dst(%arg8 : memref<1024x32xf32, #tpu.memory_space<vmem>>)
          } else {
          }
          %add3A_920 = arith.constant 1 : i32
          %add3A_921 = arith.addi %scan3A_882, %add3A_920 : i32
          %mul3A_922 = arith.constant 8 : i32
          %mul3A_923 = arith.muli %add3A_921, %mul3A_922 : i32
          %add3A_924 = arith.constant 0 : i32
          %add3A_925 = arith.addi %mul3A_923, %add3A_924 : i32
          %dma_start3A_926 = arith.constant 0 : i32
          %dma_start3A_927 = arith.constant 0 : i32
          %dma_start3A_928 = tpu.memref_slice %arg9[%dma_start3A_926, %dma_start3A_927] : memref<1024x32xf32, #tpu.memory_space<vmem>> -> memref<128x32xf32, #tpu.memory_space<vmem>>
          %dma_start3A_929 = arith.constant 0 : i32
          %dma_start3A_930 = tpu.memref_slice %arg7[%add3A_925, %dma_start3A_929] : memref<128x128xi32, #tpu.memory_space<vmem>> -> memref<1x128xi32, #tpu.memory_space<vmem>>
          %dma_start3A_931 = tpu.memref_squeeze %dma_start3A_930 : memref<1x128xi32, #tpu.memory_space<vmem>> -> memref<128xi32, #tpu.memory_space<vmem>>
          %dma_start3A_932 = arith.constant 0 : i32
          %dma_start3A_933 = arith.constant 0 : i32
          %dma_start3A_934 = tpu.memref_slice %arg3[%dma_start3A_932, %dma_start3A_933] : memref<4000000x32xf32, #tpu.memory_space<hbm>> -> memref<4000000x32xf32, #tpu.memory_space<hbm>>
          tpu.enqueue_indirect_dma source(%dma_start3A_934 : memref<4000000x32xf32, #tpu.memory_space<hbm>>) target(%dma_start3A_928 : memref<128x32xf32, #tpu.memory_space<vmem>>) offsets(%dma_start3A_931 : memref<128xi32, #tpu.memory_space<vmem>>) semaphore(%arg13 : memref<!tpu.dma_semaphore, #tpu.memory_space<semaphore_mem>>)
          %mul3A_935 = arith.constant 8 : i32
          %mul3A_936 = arith.muli %add3A_921, %mul3A_935 : i32
          %add3A_937 = arith.constant 1 : i32
          %add3A_938 = arith.addi %mul3A_936, %add3A_937 : i32
          %dma_start3A_939 = arith.constant 128 : i32
          %dma_start3A_940 = arith.constant 0 : i32
          %dma_start3A_941 = tpu.memref_slice %arg9[%dma_start3A_939, %dma_start3A_940] : memref<1024x32xf32, #tpu.memory_space<vmem>> -> memref<128x32xf32, #tpu.memory_space<vmem>>
          %dma_start3A_942 = arith.constant 0 : i32
          %dma_start3A_943 = tpu.memref_slice %arg7[%add3A_938, %dma_start3A_942] : memref<128x128xi32, #tpu.memory_space<vmem>> -> memref<1x128xi32, #tpu.memory_space<vmem>>
          %dma_start3A_944 = tpu.memref_squeeze %dma_start3A_943 : memref<1x128xi32, #tpu.memory_space<vmem>> -> memref<128xi32, #tpu.memory_space<vmem>>
          %dma_start3A_945 = arith.constant 0 : i32
          %dma_start3A_946 = arith.constant 0 : i32
          %dma_start3A_947 = tpu.memref_slice %arg3[%dma_start3A_945, %dma_start3A_946] : memref<4000000x32xf32, #tpu.memory_space<hbm>> -> memref<4000000x32xf32, #tpu.memory_space<hbm>>
          tpu.enqueue_indirect_dma source(%dma_start3A_947 : memref<4000000x32xf32, #tpu.memory_space<hbm>>) target(%dma_start3A_941 : memref<128x32xf32, #tpu.memory_space<vmem>>) offsets(%dma_start3A_944 : memref<128xi32, #tpu.memory_space<vmem>>) semaphore(%arg13 : memref<!tpu.dma_semaphore, #tpu.memory_space<semaphore_mem>>)
          %mul3A_948 = arith.constant 8 : i32
          %mul3A_949 = arith.muli %add3A_921, %mul3A_948 : i32
          %add3A_950 = arith.constant 2 : i32
          %add3A_951 = arith.addi %mul3A_949, %add3A_950 : i32
          %dma_start3A_952 = arith.constant 256 : i32
          %dma_start3A_953 = arith.constant 0 : i32
          %dma_start3A_954 = tpu.memref_slice %arg9[%dma_start3A_952, %dma_start3A_953] : memref<1024x32xf32, #tpu.memory_space<vmem>> -> memref<128x32xf32, #tpu.memory_space<vmem>>
          %dma_start3A_955 = arith.constant 0 : i32
          %dma_start3A_956 = tpu.memref_slice %arg7[%add3A_951, %dma_start3A_955] : memref<128x128xi32, #tpu.memory_space<vmem>> -> memref<1x128xi32, #tpu.memory_space<vmem>>
          %dma_start3A_957 = tpu.memref_squeeze %dma_start3A_956 : memref<1x128xi32, #tpu.memory_space<vmem>> -> memref<128xi32, #tpu.memory_space<vmem>>
          %dma_start3A_958 = arith.constant 0 : i32
          %dma_start3A_959 = arith.constant 0 : i32
          %dma_start3A_960 = tpu.memref_slice %arg3[%dma_start3A_958, %dma_start3A_959] : memref<4000000x32xf32, #tpu.memory_space<hbm>> -> memref<4000000x32xf32, #tpu.memory_space<hbm>>
          tpu.enqueue_indirect_dma source(%dma_start3A_960 : memref<4000000x32xf32, #tpu.memory_space<hbm>>) target(%dma_start3A_954 : memref<128x32xf32, #tpu.memory_space<vmem>>) offsets(%dma_start3A_957 : memref<128xi32, #tpu.memory_space<vmem>>) semaphore(%arg13 : memref<!tpu.dma_semaphore, #tpu.memory_space<semaphore_mem>>)
          %mul3A_961 = arith.constant 8 : i32
          %mul3A_962 = arith.muli %add3A_921, %mul3A_961 : i32
          %add3A_963 = arith.constant 3 : i32
          %add3A_964 = arith.addi %mul3A_962, %add3A_963 : i32
          %dma_start3A_965 = arith.constant 384 : i32
          %dma_start3A_966 = arith.constant 0 : i32
          %dma_start3A_967 = tpu.memref_slice %arg9[%dma_start3A_965, %dma_start3A_966] : memref<1024x32xf32, #tpu.memory_space<vmem>> -> memref<128x32xf32, #tpu.memory_space<vmem>>
          %dma_start3A_968 = arith.constant 0 : i32
          %dma_start3A_969 = tpu.memref_slice %arg7[%add3A_964, %dma_start3A_968] : memref<128x128xi32, #tpu.memory_space<vmem>> -> memref<1x128xi32, #tpu.memory_space<vmem>>
          %dma_start3A_970 = tpu.memref_squeeze %dma_start3A_969 : memref<1x128xi32, #tpu.memory_space<vmem>> -> memref<128xi32, #tpu.memory_space<vmem>>
          %dma_start3A_971 = arith.constant 0 : i32
          %dma_start3A_972 = arith.constant 0 : i32
          %dma_start3A_973 = tpu.memref_slice %arg3[%dma_start3A_971, %dma_start3A_972] : memref<4000000x32xf32, #tpu.memory_space<hbm>> -> memref<4000000x32xf32, #tpu.memory_space<hbm>>
          tpu.enqueue_indirect_dma source(%dma_start3A_973 : memref<4000000x32xf32, #tpu.memory_space<hbm>>) target(%dma_start3A_967 : memref<128x32xf32, #tpu.memory_space<vmem>>) offsets(%dma_start3A_970 : memref<128xi32, #tpu.memory_space<vmem>>) semaphore(%arg13 : memref<!tpu.dma_semaphore, #tpu.memory_space<semaphore_mem>>)
          %mul3A_974 = arith.constant 8 : i32
          %mul3A_975 = arith.muli %add3A_921, %mul3A_974 : i32
          %add3A_976 = arith.constant 4 : i32
          %add3A_977 = arith.addi %mul3A_975, %add3A_976 : i32
          %dma_start3A_978 = arith.constant 512 : i32
          %dma_start3A_979 = arith.constant 0 : i32
          %dma_start3A_980 = tpu.memref_slice %arg9[%dma_start3A_978, %dma_start3A_979] : memref<1024x32xf32, #tpu.memory_space<vmem>> -> memref<128x32xf32, #tpu.memory_space<vmem>>
          %dma_start3A_981 = arith.constant 0 : i32
          %dma_start3A_982 = tpu.memref_slice %arg7[%add3A_977, %dma_start3A_981] : memref<128x128xi32, #tpu.memory_space<vmem>> -> memref<1x128xi32, #tpu.memory_space<vmem>>
          %dma_start3A_983 = tpu.memref_squeeze %dma_start3A_982 : memref<1x128xi32, #tpu.memory_space<vmem>> -> memref<128xi32, #tpu.memory_space<vmem>>
          %dma_start3A_984 = arith.constant 0 : i32
          %dma_start3A_985 = arith.constant 0 : i32
          %dma_start3A_986 = tpu.memref_slice %arg3[%dma_start3A_984, %dma_start3A_985] : memref<4000000x32xf32, #tpu.memory_space<hbm>> -> memref<4000000x32xf32, #tpu.memory_space<hbm>>
          tpu.enqueue_indirect_dma source(%dma_start3A_986 : memref<4000000x32xf32, #tpu.memory_space<hbm>>) target(%dma_start3A_980 : memref<128x32xf32, #tpu.memory_space<vmem>>) offsets(%dma_start3A_983 : memref<128xi32, #tpu.memory_space<vmem>>) semaphore(%arg13 : memref<!tpu.dma_semaphore, #tpu.memory_space<semaphore_mem>>)
          %mul3A_987 = arith.constant 8 : i32
          %mul3A_988 = arith.muli %add3A_921, %mul3A_987 : i32
          %add3A_989 = arith.constant 5 : i32
          %add3A_990 = arith.addi %mul3A_988, %add3A_989 : i32
          %dma_start3A_991 = arith.constant 640 : i32
          %dma_start3A_992 = arith.constant 0 : i32
          %dma_start3A_993 = tpu.memref_slice %arg9[%dma_start3A_991, %dma_start3A_992] : memref<1024x32xf32, #tpu.memory_space<vmem>> -> memref<128x32xf32, #tpu.memory_space<vmem>>
          %dma_start3A_994 = arith.constant 0 : i32
          %dma_start3A_995 = tpu.memref_slice %arg7[%add3A_990, %dma_start3A_994] : memref<128x128xi32, #tpu.memory_space<vmem>> -> memref<1x128xi32, #tpu.memory_space<vmem>>
          %dma_start3A_996 = tpu.memref_squeeze %dma_start3A_995 : memref<1x128xi32, #tpu.memory_space<vmem>> -> memref<128xi32, #tpu.memory_space<vmem>>
          %dma_start3A_997 = arith.constant 0 : i32
          %dma_start3A_998 = arith.constant 0 : i32
          %dma_start3A_999 = tpu.memref_slice %arg3[%dma_start3A_997, %dma_start3A_998] : memref<4000000x32xf32, #tpu.memory_space<hbm>> -> memref<4000000x32xf32, #tpu.memory_space<hbm>>
          tpu.enqueue_indirect_dma source(%dma_start3A_999 : memref<4000000x32xf32, #tpu.memory_space<hbm>>) target(%dma_start3A_993 : memref<128x32xf32, #tpu.memory_space<vmem>>) offsets(%dma_start3A_996 : memref<128xi32, #tpu.memory_space<vmem>>) semaphore(%arg13 : memref<!tpu.dma_semaphore, #tpu.memory_space<semaphore_mem>>)
          %mul3A_1000 = arith.constant 8 : i32
          %mul3A_1001 = arith.muli %add3A_921, %mul3A_1000 : i32
          %add3A_1002 = arith.constant 6 : i32
          %add3A_1003 = arith.addi %mul3A_1001, %add3A_1002 : i32
          %dma_start3A_1004 = arith.constant 768 : i32
          %dma_start3A_1005 = arith.constant 0 : i32
          %dma_start3A_1006 = tpu.memref_slice %arg9[%dma_start3A_1004, %dma_start3A_1005] : memref<1024x32xf32, #tpu.memory_space<vmem>> -> memref<128x32xf32, #tpu.memory_space<vmem>>
          %dma_start3A_1007 = arith.constant 0 : i32
          %dma_start3A_1008 = tpu.memref_slice %arg7[%add3A_1003, %dma_start3A_1007] : memref<128x128xi32, #tpu.memory_space<vmem>> -> memref<1x128xi32, #tpu.memory_space<vmem>>
          %dma_start3A_1009 = tpu.memref_squeeze %dma_start3A_1008 : memref<1x128xi32, #tpu.memory_space<vmem>> -> memref<128xi32, #tpu.memory_space<vmem>>
          %dma_start3A_1010 = arith.constant 0 : i32
          %dma_start3A_1011 = arith.constant 0 : i32
          %dma_start3A_1012 = tpu.memref_slice %arg3[%dma_start3A_1010, %dma_start3A_1011] : memref<4000000x32xf32, #tpu.memory_space<hbm>> -> memref<4000000x32xf32, #tpu.memory_space<hbm>>
          tpu.enqueue_indirect_dma source(%dma_start3A_1012 : memref<4000000x32xf32, #tpu.memory_space<hbm>>) target(%dma_start3A_1006 : memref<128x32xf32, #tpu.memory_space<vmem>>) offsets(%dma_start3A_1009 : memref<128xi32, #tpu.memory_space<vmem>>) semaphore(%arg13 : memref<!tpu.dma_semaphore, #tpu.memory_space<semaphore_mem>>)
          %mul3A_1013 = arith.constant 8 : i32
          %mul3A_1014 = arith.muli %add3A_921, %mul3A_1013 : i32
          %add3A_1015 = arith.constant 7 : i32
          %add3A_1016 = arith.addi %mul3A_1014, %add3A_1015 : i32
          %dma_start3A_1017 = arith.constant 896 : i32
          %dma_start3A_1018 = arith.constant 0 : i32
          %dma_start3A_1019 = tpu.memref_slice %arg9[%dma_start3A_1017, %dma_start3A_1018] : memref<1024x32xf32, #tpu.memory_space<vmem>> -> memref<128x32xf32, #tpu.memory_space<vmem>>
          %dma_start3A_1020 = arith.constant 0 : i32
          %dma_start3A_1021 = tpu.memref_slice %arg7[%add3A_1016, %dma_start3A_1020] : memref<128x128xi32, #tpu.memory_space<vmem>> -> memref<1x128xi32, #tpu.memory_space<vmem>>
          %dma_start3A_1022 = tpu.memref_squeeze %dma_start3A_1021 : memref<1x128xi32, #tpu.memory_space<vmem>> -> memref<128xi32, #tpu.memory_space<vmem>>
          %dma_start3A_1023 = arith.constant 0 : i32
          %dma_start3A_1024 = arith.constant 0 : i32
          %dma_start3A_1025 = tpu.memref_slice %arg3[%dma_start3A_1023, %dma_start3A_1024] : memref<4000000x32xf32, #tpu.memory_space<hbm>> -> memref<4000000x32xf32, #tpu.memory_space<hbm>>
          tpu.enqueue_indirect_dma source(%dma_start3A_1025 : memref<4000000x32xf32, #tpu.memory_space<hbm>>) target(%dma_start3A_1019 : memref<128x32xf32, #tpu.memory_space<vmem>>) offsets(%dma_start3A_1022 : memref<128xi32, #tpu.memory_space<vmem>>) semaphore(%arg13 : memref<!tpu.dma_semaphore, #tpu.memory_space<semaphore_mem>>)
        } else {
        }
        %dma_wait3A_897 = arith.constant 0 : i32
        %dma_wait3A_898 = arith.constant 0 : i32
        %dma_wait3A_899 = tpu.memref_slice %arg3[%dma_wait3A_897, %dma_wait3A_898] : memref<4000000x32xf32, #tpu.memory_space<hbm>> -> memref<1024x32xf32, #tpu.memory_space<hbm>>
        %dma_wait3A_900 = arith.constant 0 : i32
        %dma_wait3A_901 = arith.constant 0 : i32
        %dma_wait3A_902 = tpu.memref_slice %arg3[%dma_wait3A_900, %dma_wait3A_901] : memref<4000000x32xf32, #tpu.memory_space<hbm>> -> memref<1024x32xf32, #tpu.memory_space<hbm>>
        tpu.wait_dma2 semaphore(%arg12 : memref<!tpu.dma_semaphore, #tpu.memory_space<semaphore_mem>>) src(%dma_wait3A_902 : memref<1024x32xf32, #tpu.memory_space<hbm>>) dst(%arg8 : memref<1024x32xf32, #tpu.memory_space<vmem>>)
        %scan3A_903 = arith.constant 0 : i32
        %scan3A_904 = arith.constant 0 : i32
        %scan3A_905 = arith.constant 32 : i32
        %scan3A_906 = arith.addi %scan3A_904, %scan3A_905 : i32
        %scan3A_907 = arith.constant 1 : i32
        scf.for %scan3A_916 = %scan3A_904 to %scan3A_906 step %scan3A_907  : i32 {
          %mul3A_917 = arith.constant 32 : i32
          %mul3A_918 = arith.muli %scan3A_916, %mul3A_917 : i32
          %add3A_919 = arith.constant 0 : i32
          %add3A_920 = arith.addi %mul3A_918, %add3A_919 : i32
          %get3A_921 = arith.constant 0 : i32
          %get3A_922 = arith.index_cast %get3A_921 : i32 to index
          %get3A_923 = arith.constant 0 : index
          %get3A_924 = tpu.vector_load %arg10[%get3A_922, %get3A_923] {strides = array<i32>} : memref<32x32xf32, #tpu.memory_space<vmem>>, vector<1x16xf32>,
          %get3A_925 = vector.shape_cast %get3A_924 : vector<1x16xf32> to vector<16xf32>
          %swap3A_926 = arith.index_cast %add3A_920 : i32 to index
          %swap3A_927 = arith.constant 0 : index
          %swap3A_928 = tpu.vector_load %arg8[%swap3A_926, %swap3A_927] {strides = array<i32>} : memref<1024x32xf32, #tpu.memory_space<vmem>>, vector<1x16xf32>,
          %swap3A_929 = vector.shape_cast %swap3A_928 : vector<1x16xf32> to vector<16xf32>
          %swap3A_930 = vector.shape_cast %get3A_925 : vector<16xf32> to vector<1x16xf32>
          tpu.vector_store %arg8[%swap3A_926, %swap3A_927], %swap3A_930 {add = true, strides = array<i32>} : memref<1024x32xf32, #tpu.memory_space<vmem>>, vector<1x16xf32>,
          %mul3A_931 = arith.constant 32 : i32
          %mul3A_932 = arith.muli %scan3A_916, %mul3A_931 : i32
          %add3A_933 = arith.constant 0 : i32
          %add3A_934 = arith.addi %mul3A_932, %add3A_933 : i32
          %get3A_935 = arith.constant 0 : i32
          %get3A_936 = arith.index_cast %get3A_935 : i32 to index
          %get3A_937 = arith.constant 16 : index
          %get3A_938 = tpu.vector_load %arg10[%get3A_936, %get3A_937] {strides = array<i32>} : memref<32x32xf32, #tpu.memory_space<vmem>>, vector<1x16xf32>,
          %get3A_939 = vector.shape_cast %get3A_938 : vector<1x16xf32> to vector<16xf32>
          %swap3A_940 = arith.index_cast %add3A_934 : i32 to index
          %swap3A_941 = arith.constant 16 : index
          %swap3A_942 = tpu.vector_load %arg8[%swap3A_940, %swap3A_941] {strides = array<i32>} : memref<1024x32xf32, #tpu.memory_space<vmem>>, vector<1x16xf32>,
          %swap3A_943 = vector.shape_cast %swap3A_942 : vector<1x16xf32> to vector<16xf32>
          %swap3A_944 = vector.shape_cast %get3A_939 : vector<16xf32> to vector<1x16xf32>
          tpu.vector_store %arg8[%swap3A_940, %swap3A_941], %swap3A_944 {add = true, strides = array<i32>} : memref<1024x32xf32, #tpu.memory_space<vmem>>, vector<1x16xf32>,
          %mul3A_945 = arith.constant 32 : i32
          %mul3A_946 = arith.muli %scan3A_916, %mul3A_945 : i32
          %add3A_947 = arith.constant 1 : i32
          %add3A_948 = arith.addi %mul3A_946, %add3A_947 : i32
          %get3A_949 = arith.constant 1 : i32
          %get3A_950 = arith.index_cast %get3A_949 : i32 to index
          %get3A_951 = arith.constant 0 : index
          %get3A_952 = tpu.vector_load %arg10[%get3A_950, %get3A_951] {strides = array<i32>} : memref<32x32xf32, #tpu.memory_space<vmem>>, vector<1x16xf32>,
          %get3A_953 = vector.shape_cast %get3A_952 : vector<1x16xf32> to vector<16xf32>
          %swap3A_954 = arith.index_cast %add3A_948 : i32 to index
          %swap3A_955 = arith.constant 0 : index
          %swap3A_956 = tpu.vector_load %arg8[%swap3A_954, %swap3A_955] {strides = array<i32>} : memref<1024x32xf32, #tpu.memory_space<vmem>>, vector<1x16xf32>,
          %swap3A_957 = vector.shape_cast %swap3A_956 : vector<1x16xf32> to vector<16xf32>
          %swap3A_958 = vector.shape_cast %get3A_953 : vector<16xf32> to vector<1x16xf32>
          tpu.vector_store %arg8[%swap3A_954, %swap3A_955], %swap3A_958 {add = true, strides = array<i32>} : memref<1024x32xf32, #tpu.memory_space<vmem>>, vector<1x16xf32>,
          %mul3A_959 = arith.constant 32 : i32
          %mul3A_960 = arith.muli %scan3A_916, %mul3A_959 : i32
          %add3A_961 = arith.constant 1 : i32
          %add3A_962 = arith.addi %mul3A_960, %add3A_961 : i32
          %get3A_963 = arith.constant 1 : i32
          %get3A_964 = arith.index_cast %get3A_963 : i32 to index
          %get3A_965 = arith.constant 16 : index
          %get3A_966 = tpu.vector_load %arg10[%get3A_964, %get3A_965] {strides = array<i32>} : memref<32x32xf32, #tpu.memory_space<vmem>>, vector<1x16xf32>,
          %get3A_967 = vector.shape_cast %get3A_966 : vector<1x16xf32> to vector<16xf32>
          %swap3A_968 = arith.index_cast %add3A_962 : i32 to index
          %swap3A_969 = arith.constant 16 : index
          %swap3A_970 = tpu.vector_load %arg8[%swap3A_968, %swap3A_969] {strides = array<i32>} : memref<1024x32xf32, #tpu.memory_space<vmem>>, vector<1x16xf32>,
          %swap3A_971 = vector.shape_cast %swap3A_970 : vector<1x16xf32> to vector<16xf32>
          %swap3A_972 = vector.shape_cast %get3A_967 : vector<16xf32> to vector<1x16xf32>
          tpu.vector_store %arg8[%swap3A_968, %swap3A_969], %swap3A_972 {add = true, strides = array<i32>} : memref<1024x32xf32, #tpu.memory_space<vmem>>, vector<1x16xf32>,
          %mul3A_973 = arith.constant 32 : i32
          %mul3A_974 = arith.muli %scan3A_916, %mul3A_973 : i32
          %add3A_975 = arith.constant 2 : i32
          %add3A_976 = arith.addi %mul3A_974, %add3A_975 : i32
          %get3A_977 = arith.constant 2 : i32
          %get3A_978 = arith.index_cast %get3A_977 : i32 to index
          %get3A_979 = arith.constant 0 : index
          %get3A_980 = tpu.vector_load %arg10[%get3A_978, %get3A_979] {strides = array<i32>} : memref<32x32xf32, #tpu.memory_space<vmem>>, vector<1x16xf32>,
          %get3A_981 = vector.shape_cast %get3A_980 : vector<1x16xf32> to vector<16xf32>
          %swap3A_982 = arith.index_cast %add3A_976 : i32 to index
          %swap3A_983 = arith.constant 0 : index
          %swap3A_984 = tpu.vector_load %arg8[%swap3A_982, %swap3A_983] {strides = array<i32>} : memref<1024x32xf32, #tpu.memory_space<vmem>>, vector<1x16xf32>,
          %swap3A_985 = vector.shape_cast %swap3A_984 : vector<1x16xf32> to vector<16xf32>
          %swap3A_986 = vector.shape_cast %get3A_981 : vector<16xf32> to vector<1x16xf32>
          tpu.vector_store %arg8[%swap3A_982, %swap3A_983], %swap3A_986 {add = true, strides = array<i32>} : memref<1024x32xf32, #tpu.memory_space<vmem>>, vector<1x16xf32>,
          %mul3A_987 = arith.constant 32 : i32
          %mul3A_988 = arith.muli %scan3A_916, %mul3A_987 : i32
          %add3A_989 = arith.constant 2 : i32
          %add3A_990 = arith.addi %mul3A_988, %add3A_989 : i32
          %get3A_991 = arith.constant 2 : i32
          %get3A_992 = arith.index_cast %get3A_991 : i32 to index
          %get3A_993 = arith.constant 16 : index
          %get3A_994 = tpu.vector_load %arg10[%get3A_992, %get3A_993] {strides = array<i32>} : memref<32x32xf32, #tpu.memory_space<vmem>>, vector<1x16xf32>,
          %get3A_995 = vector.shape_cast %get3A_994 : vector<1x16xf32> to vector<16xf32>
          %swap3A_996 = arith.index_cast %add3A_990 : i32 to index
          %swap3A_997 = arith.constant 16 : index
          %swap3A_998 = tpu.vector_load %arg8[%swap3A_996, %swap3A_997] {strides = array<i32>} : memref<1024x32xf32, #tpu.memory_space<vmem>>, vector<1x16xf32>,
          %swap3A_999 = vector.shape_cast %swap3A_998 : vector<1x16xf32> to vector<16xf32>
          %swap3A_1000 = vector.shape_cast %get3A_995 : vector<16xf32> to vector<1x16xf32>
          tpu.vector_store %arg8[%swap3A_996, %swap3A_997], %swap3A_1000 {add = true, strides = array<i32>} : memref<1024x32xf32, #tpu.memory_space<vmem>>, vector<1x16xf32>,
          %mul3A_1001 = arith.constant 32 : i32
          %mul3A_1002 = arith.muli %scan3A_916, %mul3A_1001 : i32
          %add3A_1003 = arith.constant 3 : i32
          %add3A_1004 = arith.addi %mul3A_1002, %add3A_1003 : i32
          %get3A_1005 = arith.constant 3 : i32
          %get3A_1006 = arith.index_cast %get3A_1005 : i32 to index
          %get3A_1007 = arith.constant 0 : index
          %get3A_1008 = tpu.vector_load %arg10[%get3A_1006, %get3A_1007] {strides = array<i32>} : memref<32x32xf32, #tpu.memory_space<vmem>>, vector<1x16xf32>,
          %get3A_1009 = vector.shape_cast %get3A_1008 : vector<1x16xf32> to vector<16xf32>
          %swap3A_1010 = arith.index_cast %add3A_1004 : i32 to index
          %swap3A_1011 = arith.constant 0 : index
          %swap3A_1012 = tpu.vector_load %arg8[%swap3A_1010, %swap3A_1011] {strides = array<i32>} : memref<1024x32xf32, #tpu.memory_space<vmem>>, vector<1x16xf32>,
          %swap3A_1013 = vector.shape_cast %swap3A_1012 : vector<1x16xf32> to vector<16xf32>
          %swap3A_1014 = vector.shape_cast %get3A_1009 : vector<16xf32> to vector<1x16xf32>
          tpu.vector_store %arg8[%swap3A_1010, %swap3A_1011], %swap3A_1014 {add = true, strides = array<i32>} : memref<1024x32xf32, #tpu.memory_space<vmem>>, vector<1x16xf32>,
          %mul3A_1015 = arith.constant 32 : i32
          %mul3A_1016 = arith.muli %scan3A_916, %mul3A_1015 : i32
          %add3A_1017 = arith.constant 3 : i32
          %add3A_1018 = arith.addi %mul3A_1016, %add3A_1017 : i32
          %get3A_1019 = arith.constant 3 : i32
          %get3A_1020 = arith.index_cast %get3A_1019 : i32 to index
          %get3A_1021 = arith.constant 16 : index
          %get3A_1022 = tpu.vector_load %arg10[%get3A_1020, %get3A_1021] {strides = array<i32>} : memref<32x32xf32, #tpu.memory_space<vmem>>, vector<1x16xf32>,
          %get3A_1023 = vector.shape_cast %get3A_1022 : vector<1x16xf32> to vector<16xf32>
          %swap3A_1024 = arith.index_cast %add3A_1018 : i32 to index
          %swap3A_1025 = arith.constant 16 : index
          %swap3A_1026 = tpu.vector_load %arg8[%swap3A_1024, %swap3A_1025] {strides = array<i32>} : memref<1024x32xf32, #tpu.memory_space<vmem>>, vector<1x16xf32>,
          %swap3A_1027 = vector.shape_cast %swap3A_1026 : vector<1x16xf32> to vector<16xf32>
          %swap3A_1028 = vector.shape_cast %get3A_1023 : vector<16xf32> to vector<1x16xf32>
          tpu.vector_store %arg8[%swap3A_1024, %swap3A_1025], %swap3A_1028 {add = true, strides = array<i32>} : memref<1024x32xf32, #tpu.memory_space<vmem>>, vector<1x16xf32>,
          %mul3A_1029 = arith.constant 32 : i32
          %mul3A_1030 = arith.muli %scan3A_916, %mul3A_1029 : i32
          %add3A_1031 = arith.constant 4 : i32
          %add3A_1032 = arith.addi %mul3A_1030, %add3A_1031 : i32
          %get3A_1033 = arith.constant 4 : i32
          %get3A_1034 = arith.index_cast %get3A_1033 : i32 to index
          %get3A_1035 = arith.constant 0 : index
          %get3A_1036 = tpu.vector_load %arg10[%get3A_1034, %get3A_1035] {strides = array<i32>} : memref<32x32xf32, #tpu.memory_space<vmem>>, vector<1x16xf32>,
          %get3A_1037 = vector.shape_cast %get3A_1036 : vector<1x16xf32> to vector<16xf32>
          %swap3A_1038 = arith.index_cast %add3A_1032 : i32 to index
          %swap3A_1039 = arith.constant 0 : index
          %swap3A_1040 = tpu.vector_load %arg8[%swap3A_1038, %swap3A_1039] {strides = array<i32>} : memref<1024x32xf32, #tpu.memory_space<vmem>>, vector<1x16xf32>,
          %swap3A_1041 = vector.shape_cast %swap3A_1040 : vector<1x16xf32> to vector<16xf32>
          %swap3A_1042 = vector.shape_cast %get3A_1037 : vector<16xf32> to vector<1x16xf32>
          tpu.vector_store %arg8[%swap3A_1038, %swap3A_1039], %swap3A_1042 {add = true, strides = array<i32>} : memref<1024x32xf32, #tpu.memory_space<vmem>>, vector<1x16xf32>,
          %mul3A_1043 = arith.constant 32 : i32
          %mul3A_1044 = arith.muli %scan3A_916, %mul3A_1043 : i32
          %add3A_1045 = arith.constant 4 : i32
          %add3A_1046 = arith.addi %mul3A_1044, %add3A_1045 : i32
          %get3A_1047 = arith.constant 4 : i32
          %get3A_1048 = arith.index_cast %get3A_1047 : i32 to index
          %get3A_1049 = arith.constant 16 : index
          %get3A_1050 = tpu.vector_load %arg10[%get3A_1048, %get3A_1049] {strides = array<i32>} : memref<32x32xf32, #tpu.memory_space<vmem>>, vector<1x16xf32>,
          %get3A_1051 = vector.shape_cast %get3A_1050 : vector<1x16xf32> to vector<16xf32>
          %swap3A_1052 = arith.index_cast %add3A_1046 : i32 to index
          %swap3A_1053 = arith.constant 16 : index
          %swap3A_1054 = tpu.vector_load %arg8[%swap3A_1052, %swap3A_1053] {strides = array<i32>} : memref<1024x32xf32, #tpu.memory_space<vmem>>, vector<1x16xf32>,
          %swap3A_1055 = vector.shape_cast %swap3A_1054 : vector<1x16xf32> to vector<16xf32>
          %swap3A_1056 = vector.shape_cast %get3A_1051 : vector<16xf32> to vector<1x16xf32>
          tpu.vector_store %arg8[%swap3A_1052, %swap3A_1053], %swap3A_1056 {add = true, strides = array<i32>} : memref<1024x32xf32, #tpu.memory_space<vmem>>, vector<1x16xf32>,
          %mul3A_1057 = arith.constant 32 : i32
          %mul3A_1058 = arith.muli %scan3A_916, %mul3A_1057 : i32
          %add3A_1059 = arith.constant 5 : i32
          %add3A_1060 = arith.addi %mul3A_1058, %add3A_1059 : i32
          %get3A_1061 = arith.constant 5 : i32
          %get3A_1062 = arith.index_cast %get3A_1061 : i32 to index
          %get3A_1063 = arith.constant 0 : index
          %get3A_1064 = tpu.vector_load %arg10[%get3A_1062, %get3A_1063] {strides = array<i32>} : memref<32x32xf32, #tpu.memory_space<vmem>>, vector<1x16xf32>,
          %get3A_1065 = vector.shape_cast %get3A_1064 : vector<1x16xf32> to vector<16xf32>
          %swap3A_1066 = arith.index_cast %add3A_1060 : i32 to index
          %swap3A_1067 = arith.constant 0 : index
          %swap3A_1068 = tpu.vector_load %arg8[%swap3A_1066, %swap3A_1067] {strides = array<i32>} : memref<1024x32xf32, #tpu.memory_space<vmem>>, vector<1x16xf32>,
          %swap3A_1069 = vector.shape_cast %swap3A_1068 : vector<1x16xf32> to vector<16xf32>
          %swap3A_1070 = vector.shape_cast %get3A_1065 : vector<16xf32> to vector<1x16xf32>
          tpu.vector_store %arg8[%swap3A_1066, %swap3A_1067], %swap3A_1070 {add = true, strides = array<i32>} : memref<1024x32xf32, #tpu.memory_space<vmem>>, vector<1x16xf32>,
          %mul3A_1071 = arith.constant 32 : i32
          %mul3A_1072 = arith.muli %scan3A_916, %mul3A_1071 : i32
          %add3A_1073 = arith.constant 5 : i32
          %add3A_1074 = arith.addi %mul3A_1072, %add3A_1073 : i32
          %get3A_1075 = arith.constant 5 : i32
          %get3A_1076 = arith.index_cast %get3A_1075 : i32 to index
          %get3A_1077 = arith.constant 16 : index
          %get3A_1078 = tpu.vector_load %arg10[%get3A_1076, %get3A_1077] {strides = array<i32>} : memref<32x32xf32, #tpu.memory_space<vmem>>, vector<1x16xf32>,
          %get3A_1079 = vector.shape_cast %get3A_1078 : vector<1x16xf32> to vector<16xf32>
          %swap3A_1080 = arith.index_cast %add3A_1074 : i32 to index
          %swap3A_1081 = arith.constant 16 : index
          %swap3A_1082 = tpu.vector_load %arg8[%swap3A_1080, %swap3A_1081] {strides = array<i32>} : memref<1024x32xf32, #tpu.memory_space<vmem>>, vector<1x16xf32>,
          %swap3A_1083 = vector.shape_cast %swap3A_1082 : vector<1x16xf32> to vector<16xf32>
          %swap3A_1084 = vector.shape_cast %get3A_1079 : vector<16xf32> to vector<1x16xf32>
          tpu.vector_store %arg8[%swap3A_1080, %swap3A_1081], %swap3A_1084 {add = true, strides = array<i32>} : memref<1024x32xf32, #tpu.memory_space<vmem>>, vector<1x16xf32>,
          %mul3A_1085 = arith.constant 32 : i32
          %mul3A_1086 = arith.muli %scan3A_916, %mul3A_1085 : i32
          %add3A_1087 = arith.constant 6 : i32
          %add3A_1088 = arith.addi %mul3A_1086, %add3A_1087 : i32
          %get3A_1089 = arith.constant 6 : i32
          %get3A_1090 = arith.index_cast %get3A_1089 : i32 to index
          %get3A_1091 = arith.constant 0 : index
          %get3A_1092 = tpu.vector_load %arg10[%get3A_1090, %get3A_1091] {strides = array<i32>} : memref<32x32xf32, #tpu.memory_space<vmem>>, vector<1x16xf32>,
          %get3A_1093 = vector.shape_cast %get3A_1092 : vector<1x16xf32> to vector<16xf32>
          %swap3A_1094 = arith.index_cast %add3A_1088 : i32 to index
          %swap3A_1095 = arith.constant 0 : index
          %swap3A_1096 = tpu.vector_load %arg8[%swap3A_1094, %swap3A_1095] {strides = array<i32>} : memref<1024x32xf32, #tpu.memory_space<vmem>>, vector<1x16xf32>,
          %swap3A_1097 = vector.shape_cast %swap3A_1096 : vector<1x16xf32> to vector<16xf32>
          %swap3A_1098 = vector.shape_cast %get3A_1093 : vector<16xf32> to vector<1x16xf32>
          tpu.vector_store %arg8[%swap3A_1094, %swap3A_1095], %swap3A_1098 {add = true, strides = array<i32>} : memref<1024x32xf32, #tpu.memory_space<vmem>>, vector<1x16xf32>,
          %mul3A_1099 = arith.constant 32 : i32
          %mul3A_1100 = arith.muli %scan3A_916, %mul3A_1099 : i32
          %add3A_1101 = arith.constant 6 : i32
          %add3A_1102 = arith.addi %mul3A_1100, %add3A_1101 : i32
          %get3A_1103 = arith.constant 6 : i32
          %get3A_1104 = arith.index_cast %get3A_1103 : i32 to index
          %get3A_1105 = arith.constant 16 : index
          %get3A_1106 = tpu.vector_load %arg10[%get3A_1104, %get3A_1105] {strides = array<i32>} : memref<32x32xf32, #tpu.memory_space<vmem>>, vector<1x16xf32>,
          %get3A_1107 = vector.shape_cast %get3A_1106 : vector<1x16xf32> to vector<16xf32>
          %swap3A_1108 = arith.index_cast %add3A_1102 : i32 to index
          %swap3A_1109 = arith.constant 16 : index
          %swap3A_1110 = tpu.vector_load %arg8[%swap3A_1108, %swap3A_1109] {strides = array<i32>} : memref<1024x32xf32, #tpu.memory_space<vmem>>, vector<1x16xf32>,
          %swap3A_1111 = vector.shape_cast %swap3A_1110 : vector<1x16xf32> to vector<16xf32>
          %swap3A_1112 = vector.shape_cast %get3A_1107 : vector<16xf32> to vector<1x16xf32>
          tpu.vector_store %arg8[%swap3A_1108, %swap3A_1109], %swap3A_1112 {add = true, strides = array<i32>} : memref<1024x32xf32, #tpu.memory_space<vmem>>, vector<1x16xf32>,
          %mul3A_1113 = arith.constant 32 : i32
          %mul3A_1114 = arith.muli %scan3A_916, %mul3A_1113 : i32
          %add3A_1115 = arith.constant 7 : i32
          %add3A_1116 = arith.addi %mul3A_1114, %add3A_1115 : i32
          %get3A_1117 = arith.constant 7 : i32
          %get3A_1118 = arith.index_cast %get3A_1117 : i32 to index
          %get3A_1119 = arith.constant 0 : index
          %get3A_1120 = tpu.vector_load %arg10[%get3A_1118, %get3A_1119] {strides = array<i32>} : memref<32x32xf32, #tpu.memory_space<vmem>>, vector<1x16xf32>,
          %get3A_1121 = vector.shape_cast %get3A_1120 : vector<1x16xf32> to vector<16xf32>
          %swap3A_1122 = arith.index_cast %add3A_1116 : i32 to index
          %swap3A_1123 = arith.constant 0 : index
          %swap3A_1124 = tpu.vector_load %arg8[%swap3A_1122, %swap3A_1123] {strides = array<i32>} : memref<1024x32xf32, #tpu.memory_space<vmem>>, vector<1x16xf32>,
          %swap3A_1125 = vector.shape_cast %swap3A_1124 : vector<1x16xf32> to vector<16xf32>
          %swap3A_1126 = vector.shape_cast %get3A_1121 : vector<16xf32> to vector<1x16xf32>
          tpu.vector_store %arg8[%swap3A_1122, %swap3A_1123], %swap3A_1126 {add = true, strides = array<i32>} : memref<1024x32xf32, #tpu.memory_space<vmem>>, vector<1x16xf32>,
          %mul3A_1127 = arith.constant 32 : i32
          %mul3A_1128 = arith.muli %scan3A_916, %mul3A_1127 : i32
          %add3A_1129 = arith.constant 7 : i32
          %add3A_1130 = arith.addi %mul3A_1128, %add3A_1129 : i32
          %get3A_1131 = arith.constant 7 : i32
          %get3A_1132 = arith.index_cast %get3A_1131 : i32 to index
          %get3A_1133 = arith.constant 16 : index
          %get3A_1134 = tpu.vector_load %arg10[%get3A_1132, %get3A_1133] {strides = array<i32>} : memref<32x32xf32, #tpu.memory_space<vmem>>, vector<1x16xf32>,
          %get3A_1135 = vector.shape_cast %get3A_1134 : vector<1x16xf32> to vector<16xf32>
          %swap3A_1136 = arith.index_cast %add3A_1130 : i32 to index
          %swap3A_1137 = arith.constant 16 : index
          %swap3A_1138 = tpu.vector_load %arg8[%swap3A_1136, %swap3A_1137] {strides = array<i32>} : memref<1024x32xf32, #tpu.memory_space<vmem>>, vector<1x16xf32>,
          %swap3A_1139 = vector.shape_cast %swap3A_1138 : vector<1x16xf32> to vector<16xf32>
          %swap3A_1140 = vector.shape_cast %get3A_1135 : vector<16xf32> to vector<1x16xf32>
          tpu.vector_store %arg8[%swap3A_1136, %swap3A_1137], %swap3A_1140 {add = true, strides = array<i32>} : memref<1024x32xf32, #tpu.memory_space<vmem>>, vector<1x16xf32>,
          %mul3A_1141 = arith.constant 32 : i32
          %mul3A_1142 = arith.muli %scan3A_916, %mul3A_1141 : i32
          %add3A_1143 = arith.constant 8 : i32
          %add3A_1144 = arith.addi %mul3A_1142, %add3A_1143 : i32
          %get3A_1145 = arith.constant 8 : i32
          %get3A_1146 = arith.index_cast %get3A_1145 : i32 to index
          %get3A_1147 = arith.constant 0 : index
          %get3A_1148 = tpu.vector_load %arg10[%get3A_1146, %get3A_1147] {strides = array<i32>} : memref<32x32xf32, #tpu.memory_space<vmem>>, vector<1x16xf32>,
          %get3A_1149 = vector.shape_cast %get3A_1148 : vector<1x16xf32> to vector<16xf32>
          %swap3A_1150 = arith.index_cast %add3A_1144 : i32 to index
          %swap3A_1151 = arith.constant 0 : index
          %swap3A_1152 = tpu.vector_load %arg8[%swap3A_1150, %swap3A_1151] {strides = array<i32>} : memref<1024x32xf32, #tpu.memory_space<vmem>>, vector<1x16xf32>,
          %swap3A_1153 = vector.shape_cast %swap3A_1152 : vector<1x16xf32> to vector<16xf32>
          %swap3A_1154 = vector.shape_cast %get3A_1149 : vector<16xf32> to vector<1x16xf32>
          tpu.vector_store %arg8[%swap3A_1150, %swap3A_1151], %swap3A_1154 {add = true, strides = array<i32>} : memref<1024x32xf32, #tpu.memory_space<vmem>>, vector<1x16xf32>,
          %mul3A_1155 = arith.constant 32 : i32
          %mul3A_1156 = arith.muli %scan3A_916, %mul3A_1155 : i32
          %add3A_1157 = arith.constant 8 : i32
          %add3A_1158 = arith.addi %mul3A_1156, %add3A_1157 : i32
          %get3A_1159 = arith.constant 8 : i32
          %get3A_1160 = arith.index_cast %get3A_1159 : i32 to index
          %get3A_1161 = arith.constant 16 : index
          %get3A_1162 = tpu.vector_load %arg10[%get3A_1160, %get3A_1161] {strides = array<i32>} : memref<32x32xf32, #tpu.memory_space<vmem>>, vector<1x16xf32>,
          %get3A_1163 = vector.shape_cast %get3A_1162 : vector<1x16xf32> to vector<16xf32>
          %swap3A_1164 = arith.index_cast %add3A_1158 : i32 to index
          %swap3A_1165 = arith.constant 16 : index
          %swap3A_1166 = tpu.vector_load %arg8[%swap3A_1164, %swap3A_1165] {strides = array<i32>} : memref<1024x32xf32, #tpu.memory_space<vmem>>, vector<1x16xf32>,
          %swap3A_1167 = vector.shape_cast %swap3A_1166 : vector<1x16xf32> to vector<16xf32>
          %swap3A_1168 = vector.shape_cast %get3A_1163 : vector<16xf32> to vector<1x16xf32>
          tpu.vector_store %arg8[%swap3A_1164, %swap3A_1165], %swap3A_1168 {add = true, strides = array<i32>} : memref<1024x32xf32, #tpu.memory_space<vmem>>, vector<1x16xf32>,
          %mul3A_1169 = arith.constant 32 : i32
          %mul3A_1170 = arith.muli %scan3A_916, %mul3A_1169 : i32
          %add3A_1171 = arith.constant 9 : i32
          %add3A_1172 = arith.addi %mul3A_1170, %add3A_1171 : i32
          %get3A_1173 = arith.constant 9 : i32
          %get3A_1174 = arith.index_cast %get3A_1173 : i32 to index
          %get3A_1175 = arith.constant 0 : index
          %get3A_1176 = tpu.vector_load %arg10[%get3A_1174, %get3A_1175] {strides = array<i32>} : memref<32x32xf32, #tpu.memory_space<vmem>>, vector<1x16xf32>,
          %get3A_1177 = vector.shape_cast %get3A_1176 : vector<1x16xf32> to vector<16xf32>
          %swap3A_1178 = arith.index_cast %add3A_1172 : i32 to index
          %swap3A_1179 = arith.constant 0 : index
          %swap3A_1180 = tpu.vector_load %arg8[%swap3A_1178, %swap3A_1179] {strides = array<i32>} : memref<1024x32xf32, #tpu.memory_space<vmem>>, vector<1x16xf32>,
          %swap3A_1181 = vector.shape_cast %swap3A_1180 : vector<1x16xf32> to vector<16xf32>
          %swap3A_1182 = vector.shape_cast %get3A_1177 : vector<16xf32> to vector<1x16xf32>
          tpu.vector_store %arg8[%swap3A_1178, %swap3A_1179], %swap3A_1182 {add = true, strides = array<i32>} : memref<1024x32xf32, #tpu.memory_space<vmem>>, vector<1x16xf32>,
          %mul3A_1183 = arith.constant 32 : i32
          %mul3A_1184 = arith.muli %scan3A_916, %mul3A_1183 : i32
          %add3A_1185 = arith.constant 9 : i32
          %add3A_1186 = arith.addi %mul3A_1184, %add3A_1185 : i32
          %get3A_1187 = arith.constant 9 : i32
          %get3A_1188 = arith.index_cast %get3A_1187 : i32 to index
          %get3A_1189 = arith.constant 16 : index
          %get3A_1190 = tpu.vector_load %arg10[%get3A_1188, %get3A_1189] {strides = array<i32>} : memref<32x32xf32, #tpu.memory_space<vmem>>, vector<1x16xf32>,
          %get3A_1191 = vector.shape_cast %get3A_1190 : vector<1x16xf32> to vector<16xf32>
          %swap3A_1192 = arith.index_cast %add3A_1186 : i32 to index
          %swap3A_1193 = arith.constant 16 : index
          %swap3A_1194 = tpu.vector_load %arg8[%swap3A_1192, %swap3A_1193] {strides = array<i32>} : memref<1024x32xf32, #tpu.memory_space<vmem>>, vector<1x16xf32>,
          %swap3A_1195 = vector.shape_cast %swap3A_1194 : vector<1x16xf32> to vector<16xf32>
          %swap3A_1196 = vector.shape_cast %get3A_1191 : vector<16xf32> to vector<1x16xf32>
          tpu.vector_store %arg8[%swap3A_1192, %swap3A_1193], %swap3A_1196 {add = true, strides = array<i32>} : memref<1024x32xf32, #tpu.memory_space<vmem>>, vector<1x16xf32>,
          %mul3A_1197 = arith.constant 32 : i32
          %mul3A_1198 = arith.muli %scan3A_916, %mul3A_1197 : i32
          %add3A_1199 = arith.constant 10 : i32
          %add3A_1200 = arith.addi %mul3A_1198, %add3A_1199 : i32
          %get3A_1201 = arith.constant 10 : i32
          %get3A_1202 = arith.index_cast %get3A_1201 : i32 to index
          %get3A_1203 = arith.constant 0 : index
          %get3A_1204 = tpu.vector_load %arg10[%get3A_1202, %get3A_1203] {strides = array<i32>} : memref<32x32xf32, #tpu.memory_space<vmem>>, vector<1x16xf32>,
          %get3A_1205 = vector.shape_cast %get3A_1204 : vector<1x16xf32> to vector<16xf32>
          %swap3A_1206 = arith.index_cast %add3A_1200 : i32 to index
          %swap3A_1207 = arith.constant 0 : index
          %swap3A_1208 = tpu.vector_load %arg8[%swap3A_1206, %swap3A_1207] {strides = array<i32>} : memref<1024x32xf32, #tpu.memory_space<vmem>>, vector<1x16xf32>,
          %swap3A_1209 = vector.shape_cast %swap3A_1208 : vector<1x16xf32> to vector<16xf32>
          %swap3A_1210 = vector.shape_cast %get3A_1205 : vector<16xf32> to vector<1x16xf32>
          tpu.vector_store %arg8[%swap3A_1206, %swap3A_1207], %swap3A_1210 {add = true, strides = array<i32>} : memref<1024x32xf32, #tpu.memory_space<vmem>>, vector<1x16xf32>,
          %mul3A_1211 = arith.constant 32 : i32
          %mul3A_1212 = arith.muli %scan3A_916, %mul3A_1211 : i32
          %add3A_1213 = arith.constant 10 : i32
          %add3A_1214 = arith.addi %mul3A_1212, %add3A_1213 : i32
          %get3A_1215 = arith.constant 10 : i32
          %get3A_1216 = arith.index_cast %get3A_1215 : i32 to index
          %get3A_1217 = arith.constant 16 : index
          %get3A_1218 = tpu.vector_load %arg10[%get3A_1216, %get3A_1217] {strides = array<i32>} : memref<32x32xf32, #tpu.memory_space<vmem>>, vector<1x16xf32>,
          %get3A_1219 = vector.shape_cast %get3A_1218 : vector<1x16xf32> to vector<16xf32>
          %swap3A_1220 = arith.index_cast %add3A_1214 : i32 to index
          %swap3A_1221 = arith.constant 16 : index
          %swap3A_1222 = tpu.vector_load %arg8[%swap3A_1220, %swap3A_1221] {strides = array<i32>} : memref<1024x32xf32, #tpu.memory_space<vmem>>, vector<1x16xf32>,
          %swap3A_1223 = vector.shape_cast %swap3A_1222 : vector<1x16xf32> to vector<16xf32>
          %swap3A_1224 = vector.shape_cast %get3A_1219 : vector<16xf32> to vector<1x16xf32>
          tpu.vector_store %arg8[%swap3A_1220, %swap3A_1221], %swap3A_1224 {add = true, strides = array<i32>} : memref<1024x32xf32, #tpu.memory_space<vmem>>, vector<1x16xf32>,
          %mul3A_1225 = arith.constant 32 : i32
          %mul3A_1226 = arith.muli %scan3A_916, %mul3A_1225 : i32
          %add3A_1227 = arith.constant 11 : i32
          %add3A_1228 = arith.addi %mul3A_1226, %add3A_1227 : i32
          %get3A_1229 = arith.constant 11 : i32
          %get3A_1230 = arith.index_cast %get3A_1229 : i32 to index
          %get3A_1231 = arith.constant 0 : index
          %get3A_1232 = tpu.vector_load %arg10[%get3A_1230, %get3A_1231] {strides = array<i32>} : memref<32x32xf32, #tpu.memory_space<vmem>>, vector<1x16xf32>,
          %get3A_1233 = vector.shape_cast %get3A_1232 : vector<1x16xf32> to vector<16xf32>
          %swap3A_1234 = arith.index_cast %add3A_1228 : i32 to index
          %swap3A_1235 = arith.constant 0 : index
          %swap3A_1236 = tpu.vector_load %arg8[%swap3A_1234, %swap3A_1235] {strides = array<i32>} : memref<1024x32xf32, #tpu.memory_space<vmem>>, vector<1x16xf32>,
          %swap3A_1237 = vector.shape_cast %swap3A_1236 : vector<1x16xf32> to vector<16xf32>
          %swap3A_1238 = vector.shape_cast %get3A_1233 : vector<16xf32> to vector<1x16xf32>
          tpu.vector_store %arg8[%swap3A_1234, %swap3A_1235], %swap3A_1238 {add = true, strides = array<i32>} : memref<1024x32xf32, #tpu.memory_space<vmem>>, vector<1x16xf32>,
          %mul3A_1239 = arith.constant 32 : i32
          %mul3A_1240 = arith.muli %scan3A_916, %mul3A_1239 : i32
          %add3A_1241 = arith.constant 11 : i32
          %add3A_1242 = arith.addi %mul3A_1240, %add3A_1241 : i32
          %get3A_1243 = arith.constant 11 : i32
          %get3A_1244 = arith.index_cast %get3A_1243 : i32 to index
          %get3A_1245 = arith.constant 16 : index
          %get3A_1246 = tpu.vector_load %arg10[%get3A_1244, %get3A_1245] {strides = array<i32>} : memref<32x32xf32, #tpu.memory_space<vmem>>, vector<1x16xf32>,
          %get3A_1247 = vector.shape_cast %get3A_1246 : vector<1x16xf32> to vector<16xf32>
          %swap3A_1248 = arith.index_cast %add3A_1242 : i32 to index
          %swap3A_1249 = arith.constant 16 : index
          %swap3A_1250 = tpu.vector_load %arg8[%swap3A_1248, %swap3A_1249] {strides = array<i32>} : memref<1024x32xf32, #tpu.memory_space<vmem>>, vector<1x16xf32>,
          %swap3A_1251 = vector.shape_cast %swap3A_1250 : vector<1x16xf32> to vector<16xf32>
          %swap3A_1252 = vector.shape_cast %get3A_1247 : vector<16xf32> to vector<1x16xf32>
          tpu.vector_store %arg8[%swap3A_1248, %swap3A_1249], %swap3A_1252 {add = true, strides = array<i32>} : memref<1024x32xf32, #tpu.memory_space<vmem>>, vector<1x16xf32>,
          %mul3A_1253 = arith.constant 32 : i32
          %mul3A_1254 = arith.muli %scan3A_916, %mul3A_1253 : i32
          %add3A_1255 = arith.constant 12 : i32
          %add3A_1256 = arith.addi %mul3A_1254, %add3A_1255 : i32
          %get3A_1257 = arith.constant 12 : i32
          %get3A_1258 = arith.index_cast %get3A_1257 : i32 to index
          %get3A_1259 = arith.constant 0 : index
          %get3A_1260 = tpu.vector_load %arg10[%get3A_1258, %get3A_1259] {strides = array<i32>} : memref<32x32xf32, #tpu.memory_space<vmem>>, vector<1x16xf32>,
          %get3A_1261 = vector.shape_cast %get3A_1260 : vector<1x16xf32> to vector<16xf32>
          %swap3A_1262 = arith.index_cast %add3A_1256 : i32 to index
          %swap3A_1263 = arith.constant 0 : index
          %swap3A_1264 = tpu.vector_load %arg8[%swap3A_1262, %swap3A_1263] {strides = array<i32>} : memref<1024x32xf32, #tpu.memory_space<vmem>>, vector<1x16xf32>,
          %swap3A_1265 = vector.shape_cast %swap3A_1264 : vector<1x16xf32> to vector<16xf32>
          %swap3A_1266 = vector.shape_cast %get3A_1261 : vector<16xf32> to vector<1x16xf32>
          tpu.vector_store %arg8[%swap3A_1262, %swap3A_1263], %swap3A_1266 {add = true, strides = array<i32>} : memref<1024x32xf32, #tpu.memory_space<vmem>>, vector<1x16xf32>,
          %mul3A_1267 = arith.constant 32 : i32
          %mul3A_1268 = arith.muli %scan3A_916, %mul3A_1267 : i32
          %add3A_1269 = arith.constant 12 : i32
          %add3A_1270 = arith.addi %mul3A_1268, %add3A_1269 : i32
          %get3A_1271 = arith.constant 12 : i32
          %get3A_1272 = arith.index_cast %get3A_1271 : i32 to index
          %get3A_1273 = arith.constant 16 : index
          %get3A_1274 = tpu.vector_load %arg10[%get3A_1272, %get3A_1273] {strides = array<i32>} : memref<32x32xf32, #tpu.memory_space<vmem>>, vector<1x16xf32>,
          %get3A_1275 = vector.shape_cast %get3A_1274 : vector<1x16xf32> to vector<16xf32>
          %swap3A_1276 = arith.index_cast %add3A_1270 : i32 to index
          %swap3A_1277 = arith.constant 16 : index
          %swap3A_1278 = tpu.vector_load %arg8[%swap3A_1276, %swap3A_1277] {strides = array<i32>} : memref<1024x32xf32, #tpu.memory_space<vmem>>, vector<1x16xf32>,
          %swap3A_1279 = vector.shape_cast %swap3A_1278 : vector<1x16xf32> to vector<16xf32>
          %swap3A_1280 = vector.shape_cast %get3A_1275 : vector<16xf32> to vector<1x16xf32>
          tpu.vector_store %arg8[%swap3A_1276, %swap3A_1277], %swap3A_1280 {add = true, strides = array<i32>} : memref<1024x32xf32, #tpu.memory_space<vmem>>, vector<1x16xf32>,
          %mul3A_1281 = arith.constant 32 : i32
          %mul3A_1282 = arith.muli %scan3A_916, %mul3A_1281 : i32
          %add3A_1283 = arith.constant 13 : i32
          %add3A_1284 = arith.addi %mul3A_1282, %add3A_1283 : i32
          %get3A_1285 = arith.constant 13 : i32
          %get3A_1286 = arith.index_cast %get3A_1285 : i32 to index
          %get3A_1287 = arith.constant 0 : index
          %get3A_1288 = tpu.vector_load %arg10[%get3A_1286, %get3A_1287] {strides = array<i32>} : memref<32x32xf32, #tpu.memory_space<vmem>>, vector<1x16xf32>,
          %get3A_1289 = vector.shape_cast %get3A_1288 : vector<1x16xf32> to vector<16xf32>
          %swap3A_1290 = arith.index_cast %add3A_1284 : i32 to index
          %swap3A_1291 = arith.constant 0 : index
          %swap3A_1292 = tpu.vector_load %arg8[%swap3A_1290, %swap3A_1291] {strides = array<i32>} : memref<1024x32xf32, #tpu.memory_space<vmem>>, vector<1x16xf32>,
          %swap3A_1293 = vector.shape_cast %swap3A_1292 : vector<1x16xf32> to vector<16xf32>
          %swap3A_1294 = vector.shape_cast %get3A_1289 : vector<16xf32> to vector<1x16xf32>
          tpu.vector_store %arg8[%swap3A_1290, %swap3A_1291], %swap3A_1294 {add = true, strides = array<i32>} : memref<1024x32xf32, #tpu.memory_space<vmem>>, vector<1x16xf32>,
          %mul3A_1295 = arith.constant 32 : i32
          %mul3A_1296 = arith.muli %scan3A_916, %mul3A_1295 : i32
          %add3A_1297 = arith.constant 13 : i32
          %add3A_1298 = arith.addi %mul3A_1296, %add3A_1297 : i32
          %get3A_1299 = arith.constant 13 : i32
          %get3A_1300 = arith.index_cast %get3A_1299 : i32 to index
          %get3A_1301 = arith.constant 16 : index
          %get3A_1302 = tpu.vector_load %arg10[%get3A_1300, %get3A_1301] {strides = array<i32>} : memref<32x32xf32, #tpu.memory_space<vmem>>, vector<1x16xf32>,
          %get3A_1303 = vector.shape_cast %get3A_1302 : vector<1x16xf32> to vector<16xf32>
          %swap3A_1304 = arith.index_cast %add3A_1298 : i32 to index
          %swap3A_1305 = arith.constant 16 : index
          %swap3A_1306 = tpu.vector_load %arg8[%swap3A_1304, %swap3A_1305] {strides = array<i32>} : memref<1024x32xf32, #tpu.memory_space<vmem>>, vector<1x16xf32>,
          %swap3A_1307 = vector.shape_cast %swap3A_1306 : vector<1x16xf32> to vector<16xf32>
          %swap3A_1308 = vector.shape_cast %get3A_1303 : vector<16xf32> to vector<1x16xf32>
          tpu.vector_store %arg8[%swap3A_1304, %swap3A_1305], %swap3A_1308 {add = true, strides = array<i32>} : memref<1024x32xf32, #tpu.memory_space<vmem>>, vector<1x16xf32>,
          %mul3A_1309 = arith.constant 32 : i32
          %mul3A_1310 = arith.muli %scan3A_916, %mul3A_1309 : i32
          %add3A_1311 = arith.constant 14 : i32
          %add3A_1312 = arith.addi %mul3A_1310, %add3A_1311 : i32
          %get3A_1313 = arith.constant 14 : i32
          %get3A_1314 = arith.index_cast %get3A_1313 : i32 to index
          %get3A_1315 = arith.constant 0 : index
          %get3A_1316 = tpu.vector_load %arg10[%get3A_1314, %get3A_1315] {strides = array<i32>} : memref<32x32xf32, #tpu.memory_space<vmem>>, vector<1x16xf32>,
          %get3A_1317 = vector.shape_cast %get3A_1316 : vector<1x16xf32> to vector<16xf32>
          %swap3A_1318 = arith.index_cast %add3A_1312 : i32 to index
          %swap3A_1319 = arith.constant 0 : index
          %swap3A_1320 = tpu.vector_load %arg8[%swap3A_1318, %swap3A_1319] {strides = array<i32>} : memref<1024x32xf32, #tpu.memory_space<vmem>>, vector<1x16xf32>,
          %swap3A_1321 = vector.shape_cast %swap3A_1320 : vector<1x16xf32> to vector<16xf32>
          %swap3A_1322 = vector.shape_cast %get3A_1317 : vector<16xf32> to vector<1x16xf32>
          tpu.vector_store %arg8[%swap3A_1318, %swap3A_1319], %swap3A_1322 {add = true, strides = array<i32>} : memref<1024x32xf32, #tpu.memory_space<vmem>>, vector<1x16xf32>,
          %mul3A_1323 = arith.constant 32 : i32
          %mul3A_1324 = arith.muli %scan3A_916, %mul3A_1323 : i32
          %add3A_1325 = arith.constant 14 : i32
          %add3A_1326 = arith.addi %mul3A_1324, %add3A_1325 : i32
          %get3A_1327 = arith.constant 14 : i32
          %get3A_1328 = arith.index_cast %get3A_1327 : i32 to index
          %get3A_1329 = arith.constant 16 : index
          %get3A_1330 = tpu.vector_load %arg10[%get3A_1328, %get3A_1329] {strides = array<i32>} : memref<32x32xf32, #tpu.memory_space<vmem>>, vector<1x16xf32>,
          %get3A_1331 = vector.shape_cast %get3A_1330 : vector<1x16xf32> to vector<16xf32>
          %swap3A_1332 = arith.index_cast %add3A_1326 : i32 to index
          %swap3A_1333 = arith.constant 16 : index
          %swap3A_1334 = tpu.vector_load %arg8[%swap3A_1332, %swap3A_1333] {strides = array<i32>} : memref<1024x32xf32, #tpu.memory_space<vmem>>, vector<1x16xf32>,
          %swap3A_1335 = vector.shape_cast %swap3A_1334 : vector<1x16xf32> to vector<16xf32>
          %swap3A_1336 = vector.shape_cast %get3A_1331 : vector<16xf32> to vector<1x16xf32>
          tpu.vector_store %arg8[%swap3A_1332, %swap3A_1333], %swap3A_1336 {add = true, strides = array<i32>} : memref<1024x32xf32, #tpu.memory_space<vmem>>, vector<1x16xf32>,
          %mul3A_1337 = arith.constant 32 : i32
          %mul3A_1338 = arith.muli %scan3A_916, %mul3A_1337 : i32
          %add3A_1339 = arith.constant 15 : i32
          %add3A_1340 = arith.addi %mul3A_1338, %add3A_1339 : i32
          %get3A_1341 = arith.constant 15 : i32
          %get3A_1342 = arith.index_cast %get3A_1341 : i32 to index
          %get3A_1343 = arith.constant 0 : index
          %get3A_1344 = tpu.vector_load %arg10[%get3A_1342, %get3A_1343] {strides = array<i32>} : memref<32x32xf32, #tpu.memory_space<vmem>>, vector<1x16xf32>,
          %get3A_1345 = vector.shape_cast %get3A_1344 : vector<1x16xf32> to vector<16xf32>
          %swap3A_1346 = arith.index_cast %add3A_1340 : i32 to index
          %swap3A_1347 = arith.constant 0 : index
          %swap3A_1348 = tpu.vector_load %arg8[%swap3A_1346, %swap3A_1347] {strides = array<i32>} : memref<1024x32xf32, #tpu.memory_space<vmem>>, vector<1x16xf32>,
          %swap3A_1349 = vector.shape_cast %swap3A_1348 : vector<1x16xf32> to vector<16xf32>
          %swap3A_1350 = vector.shape_cast %get3A_1345 : vector<16xf32> to vector<1x16xf32>
          tpu.vector_store %arg8[%swap3A_1346, %swap3A_1347], %swap3A_1350 {add = true, strides = array<i32>} : memref<1024x32xf32, #tpu.memory_space<vmem>>, vector<1x16xf32>,
          %mul3A_1351 = arith.constant 32 : i32
          %mul3A_1352 = arith.muli %scan3A_916, %mul3A_1351 : i32
          %add3A_1353 = arith.constant 15 : i32
          %add3A_1354 = arith.addi %mul3A_1352, %add3A_1353 : i32
          %get3A_1355 = arith.constant 15 : i32
          %get3A_1356 = arith.index_cast %get3A_1355 : i32 to index
          %get3A_1357 = arith.constant 16 : index
          %get3A_1358 = tpu.vector_load %arg10[%get3A_1356, %get3A_1357] {strides = array<i32>} : memref<32x32xf32, #tpu.memory_space<vmem>>, vector<1x16xf32>,
          %get3A_1359 = vector.shape_cast %get3A_1358 : vector<1x16xf32> to vector<16xf32>
          %swap3A_1360 = arith.index_cast %add3A_1354 : i32 to index
          %swap3A_1361 = arith.constant 16 : index
          %swap3A_1362 = tpu.vector_load %arg8[%swap3A_1360, %swap3A_1361] {strides = array<i32>} : memref<1024x32xf32, #tpu.memory_space<vmem>>, vector<1x16xf32>,
          %swap3A_1363 = vector.shape_cast %swap3A_1362 : vector<1x16xf32> to vector<16xf32>
          %swap3A_1364 = vector.shape_cast %get3A_1359 : vector<16xf32> to vector<1x16xf32>
          tpu.vector_store %arg8[%swap3A_1360, %swap3A_1361], %swap3A_1364 {add = true, strides = array<i32>} : memref<1024x32xf32, #tpu.memory_space<vmem>>, vector<1x16xf32>,
          %mul3A_1365 = arith.constant 32 : i32
          %mul3A_1366 = arith.muli %scan3A_916, %mul3A_1365 : i32
          %add3A_1367 = arith.constant 16 : i32
          %add3A_1368 = arith.addi %mul3A_1366, %add3A_1367 : i32
          %get3A_1369 = arith.constant 16 : i32
          %get3A_1370 = arith.index_cast %get3A_1369 : i32 to index
          %get3A_1371 = arith.constant 0 : index
          %get3A_1372 = tpu.vector_load %arg10[%get3A_1370, %get3A_1371] {strides = array<i32>} : memref<32x32xf32, #tpu.memory_space<vmem>>, vector<1x16xf32>,
          %get3A_1373 = vector.shape_cast %get3A_1372 : vector<1x16xf32> to vector<16xf32>
          %swap3A_1374 = arith.index_cast %add3A_1368 : i32 to index
          %swap3A_1375 = arith.constant 0 : index
          %swap3A_1376 = tpu.vector_load %arg8[%swap3A_1374, %swap3A_1375] {strides = array<i32>} : memref<1024x32xf32, #tpu.memory_space<vmem>>, vector<1x16xf32>,
          %swap3A_1377 = vector.shape_cast %swap3A_1376 : vector<1x16xf32> to vector<16xf32>
          %swap3A_1378 = vector.shape_cast %get3A_1373 : vector<16xf32> to vector<1x16xf32>
          tpu.vector_store %arg8[%swap3A_1374, %swap3A_1375], %swap3A_1378 {add = true, strides = array<i32>} : memref<1024x32xf32, #tpu.memory_space<vmem>>, vector<1x16xf32>,
          %mul3A_1379 = arith.constant 32 : i32
          %mul3A_1380 = arith.muli %scan3A_916, %mul3A_1379 : i32
          %add3A_1381 = arith.constant 16 : i32
          %add3A_1382 = arith.addi %mul3A_1380, %add3A_1381 : i32
          %get3A_1383 = arith.constant 16 : i32
          %get3A_1384 = arith.index_cast %get3A_1383 : i32 to index
          %get3A_1385 = arith.constant 16 : index
          %get3A_1386 = tpu.vector_load %arg10[%get3A_1384, %get3A_1385] {strides = array<i32>} : memref<32x32xf32, #tpu.memory_space<vmem>>, vector<1x16xf32>,
          %get3A_1387 = vector.shape_cast %get3A_1386 : vector<1x16xf32> to vector<16xf32>
          %swap3A_1388 = arith.index_cast %add3A_1382 : i32 to index
          %swap3A_1389 = arith.constant 16 : index
          %swap3A_1390 = tpu.vector_load %arg8[%swap3A_1388, %swap3A_1389] {strides = array<i32>} : memref<1024x32xf32, #tpu.memory_space<vmem>>, vector<1x16xf32>,
          %swap3A_1391 = vector.shape_cast %swap3A_1390 : vector<1x16xf32> to vector<16xf32>
          %swap3A_1392 = vector.shape_cast %get3A_1387 : vector<16xf32> to vector<1x16xf32>
          tpu.vector_store %arg8[%swap3A_1388, %swap3A_1389], %swap3A_1392 {add = true, strides = array<i32>} : memref<1024x32xf32, #tpu.memory_space<vmem>>, vector<1x16xf32>,
          %mul3A_1393 = arith.constant 32 : i32
          %mul3A_1394 = arith.muli %scan3A_916, %mul3A_1393 : i32
          %add3A_1395 = arith.constant 17 : i32
          %add3A_1396 = arith.addi %mul3A_1394, %add3A_1395 : i32
          %get3A_1397 = arith.constant 17 : i32
          %get3A_1398 = arith.index_cast %get3A_1397 : i32 to index
          %get3A_1399 = arith.constant 0 : index
          %get3A_1400 = tpu.vector_load %arg10[%get3A_1398, %get3A_1399] {strides = array<i32>} : memref<32x32xf32, #tpu.memory_space<vmem>>, vector<1x16xf32>,
          %get3A_1401 = vector.shape_cast %get3A_1400 : vector<1x16xf32> to vector<16xf32>
          %swap3A_1402 = arith.index_cast %add3A_1396 : i32 to index
          %swap3A_1403 = arith.constant 0 : index
          %swap3A_1404 = tpu.vector_load %arg8[%swap3A_1402, %swap3A_1403] {strides = array<i32>} : memref<1024x32xf32, #tpu.memory_space<vmem>>, vector<1x16xf32>,
          %swap3A_1405 = vector.shape_cast %swap3A_1404 : vector<1x16xf32> to vector<16xf32>
          %swap3A_1406 = vector.shape_cast %get3A_1401 : vector<16xf32> to vector<1x16xf32>
          tpu.vector_store %arg8[%swap3A_1402, %swap3A_1403], %swap3A_1406 {add = true, strides = array<i32>} : memref<1024x32xf32, #tpu.memory_space<vmem>>, vector<1x16xf32>,
          %mul3A_1407 = arith.constant 32 : i32
          %mul3A_1408 = arith.muli %scan3A_916, %mul3A_1407 : i32
          %add3A_1409 = arith.constant 17 : i32
          %add3A_1410 = arith.addi %mul3A_1408, %add3A_1409 : i32
          %get3A_1411 = arith.constant 17 : i32
          %get3A_1412 = arith.index_cast %get3A_1411 : i32 to index
          %get3A_1413 = arith.constant 16 : index
          %get3A_1414 = tpu.vector_load %arg10[%get3A_1412, %get3A_1413] {strides = array<i32>} : memref<32x32xf32, #tpu.memory_space<vmem>>, vector<1x16xf32>,
          %get3A_1415 = vector.shape_cast %get3A_1414 : vector<1x16xf32> to vector<16xf32>
          %swap3A_1416 = arith.index_cast %add3A_1410 : i32 to index
          %swap3A_1417 = arith.constant 16 : index
          %swap3A_1418 = tpu.vector_load %arg8[%swap3A_1416, %swap3A_1417] {strides = array<i32>} : memref<1024x32xf32, #tpu.memory_space<vmem>>, vector<1x16xf32>,
          %swap3A_1419 = vector.shape_cast %swap3A_1418 : vector<1x16xf32> to vector<16xf32>
          %swap3A_1420 = vector.shape_cast %get3A_1415 : vector<16xf32> to vector<1x16xf32>
          tpu.vector_store %arg8[%swap3A_1416, %swap3A_1417], %swap3A_1420 {add = true, strides = array<i32>} : memref<1024x32xf32, #tpu.memory_space<vmem>>, vector<1x16xf32>,
          %mul3A_1421 = arith.constant 32 : i32
          %mul3A_1422 = arith.muli %scan3A_916, %mul3A_1421 : i32
          %add3A_1423 = arith.constant 18 : i32
          %add3A_1424 = arith.addi %mul3A_1422, %add3A_1423 : i32
          %get3A_1425 = arith.constant 18 : i32
          %get3A_1426 = arith.index_cast %get3A_1425 : i32 to index
          %get3A_1427 = arith.constant 0 : index
          %get3A_1428 = tpu.vector_load %arg10[%get3A_1426, %get3A_1427] {strides = array<i32>} : memref<32x32xf32, #tpu.memory_space<vmem>>, vector<1x16xf32>,
          %get3A_1429 = vector.shape_cast %get3A_1428 : vector<1x16xf32> to vector<16xf32>
          %swap3A_1430 = arith.index_cast %add3A_1424 : i32 to index
          %swap3A_1431 = arith.constant 0 : index
          %swap3A_1432 = tpu.vector_load %arg8[%swap3A_1430, %swap3A_1431] {strides = array<i32>} : memref<1024x32xf32, #tpu.memory_space<vmem>>, vector<1x16xf32>,
          %swap3A_1433 = vector.shape_cast %swap3A_1432 : vector<1x16xf32> to vector<16xf32>
          %swap3A_1434 = vector.shape_cast %get3A_1429 : vector<16xf32> to vector<1x16xf32>
          tpu.vector_store %arg8[%swap3A_1430, %swap3A_1431], %swap3A_1434 {add = true, strides = array<i32>} : memref<1024x32xf32, #tpu.memory_space<vmem>>, vector<1x16xf32>,
          %mul3A_1435 = arith.constant 32 : i32
          %mul3A_1436 = arith.muli %scan3A_916, %mul3A_1435 : i32
          %add3A_1437 = arith.constant 18 : i32
          %add3A_1438 = arith.addi %mul3A_1436, %add3A_1437 : i32
          %get3A_1439 = arith.constant 18 : i32
          %get3A_1440 = arith.index_cast %get3A_1439 : i32 to index
          %get3A_1441 = arith.constant 16 : index
          %get3A_1442 = tpu.vector_load %arg10[%get3A_1440, %get3A_1441] {strides = array<i32>} : memref<32x32xf32, #tpu.memory_space<vmem>>, vector<1x16xf32>,
          %get3A_1443 = vector.shape_cast %get3A_1442 : vector<1x16xf32> to vector<16xf32>
          %swap3A_1444 = arith.index_cast %add3A_1438 : i32 to index
          %swap3A_1445 = arith.constant 16 : index
          %swap3A_1446 = tpu.vector_load %arg8[%swap3A_1444, %swap3A_1445] {strides = array<i32>} : memref<1024x32xf32, #tpu.memory_space<vmem>>, vector<1x16xf32>,
          %swap3A_1447 = vector.shape_cast %swap3A_1446 : vector<1x16xf32> to vector<16xf32>
          %swap3A_1448 = vector.shape_cast %get3A_1443 : vector<16xf32> to vector<1x16xf32>
          tpu.vector_store %arg8[%swap3A_1444, %swap3A_1445], %swap3A_1448 {add = true, strides = array<i32>} : memref<1024x32xf32, #tpu.memory_space<vmem>>, vector<1x16xf32>,
          %mul3A_1449 = arith.constant 32 : i32
          %mul3A_1450 = arith.muli %scan3A_916, %mul3A_1449 : i32
          %add3A_1451 = arith.constant 19 : i32
          %add3A_1452 = arith.addi %mul3A_1450, %add3A_1451 : i32
          %get3A_1453 = arith.constant 19 : i32
          %get3A_1454 = arith.index_cast %get3A_1453 : i32 to index
          %get3A_1455 = arith.constant 0 : index
          %get3A_1456 = tpu.vector_load %arg10[%get3A_1454, %get3A_1455] {strides = array<i32>} : memref<32x32xf32, #tpu.memory_space<vmem>>, vector<1x16xf32>,
          %get3A_1457 = vector.shape_cast %get3A_1456 : vector<1x16xf32> to vector<16xf32>
          %swap3A_1458 = arith.index_cast %add3A_1452 : i32 to index
          %swap3A_1459 = arith.constant 0 : index
          %swap3A_1460 = tpu.vector_load %arg8[%swap3A_1458, %swap3A_1459] {strides = array<i32>} : memref<1024x32xf32, #tpu.memory_space<vmem>>, vector<1x16xf32>,
          %swap3A_1461 = vector.shape_cast %swap3A_1460 : vector<1x16xf32> to vector<16xf32>
          %swap3A_1462 = vector.shape_cast %get3A_1457 : vector<16xf32> to vector<1x16xf32>
          tpu.vector_store %arg8[%swap3A_1458, %swap3A_1459], %swap3A_1462 {add = true, strides = array<i32>} : memref<1024x32xf32, #tpu.memory_space<vmem>>, vector<1x16xf32>,
          %mul3A_1463 = arith.constant 32 : i32
          %mul3A_1464 = arith.muli %scan3A_916, %mul3A_1463 : i32
          %add3A_1465 = arith.constant 19 : i32
          %add3A_1466 = arith.addi %mul3A_1464, %add3A_1465 : i32
          %get3A_1467 = arith.constant 19 : i32
          %get3A_1468 = arith.index_cast %get3A_1467 : i32 to index
          %get3A_1469 = arith.constant 16 : index
          %get3A_1470 = tpu.vector_load %arg10[%get3A_1468, %get3A_1469] {strides = array<i32>} : memref<32x32xf32, #tpu.memory_space<vmem>>, vector<1x16xf32>,
          %get3A_1471 = vector.shape_cast %get3A_1470 : vector<1x16xf32> to vector<16xf32>
          %swap3A_1472 = arith.index_cast %add3A_1466 : i32 to index
          %swap3A_1473 = arith.constant 16 : index
          %swap3A_1474 = tpu.vector_load %arg8[%swap3A_1472, %swap3A_1473] {strides = array<i32>} : memref<1024x32xf32, #tpu.memory_space<vmem>>, vector<1x16xf32>,
          %swap3A_1475 = vector.shape_cast %swap3A_1474 : vector<1x16xf32> to vector<16xf32>
          %swap3A_1476 = vector.shape_cast %get3A_1471 : vector<16xf32> to vector<1x16xf32>
          tpu.vector_store %arg8[%swap3A_1472, %swap3A_1473], %swap3A_1476 {add = true, strides = array<i32>} : memref<1024x32xf32, #tpu.memory_space<vmem>>, vector<1x16xf32>,
          %mul3A_1477 = arith.constant 32 : i32
          %mul3A_1478 = arith.muli %scan3A_916, %mul3A_1477 : i32
          %add3A_1479 = arith.constant 20 : i32
          %add3A_1480 = arith.addi %mul3A_1478, %add3A_1479 : i32
          %get3A_1481 = arith.constant 20 : i32
          %get3A_1482 = arith.index_cast %get3A_1481 : i32 to index
          %get3A_1483 = arith.constant 0 : index
          %get3A_1484 = tpu.vector_load %arg10[%get3A_1482, %get3A_1483] {strides = array<i32>} : memref<32x32xf32, #tpu.memory_space<vmem>>, vector<1x16xf32>,
          %get3A_1485 = vector.shape_cast %get3A_1484 : vector<1x16xf32> to vector<16xf32>
          %swap3A_1486 = arith.index_cast %add3A_1480 : i32 to index
          %swap3A_1487 = arith.constant 0 : index
          %swap3A_1488 = tpu.vector_load %arg8[%swap3A_1486, %swap3A_1487] {strides = array<i32>} : memref<1024x32xf32, #tpu.memory_space<vmem>>, vector<1x16xf32>,
          %swap3A_1489 = vector.shape_cast %swap3A_1488 : vector<1x16xf32> to vector<16xf32>
          %swap3A_1490 = vector.shape_cast %get3A_1485 : vector<16xf32> to vector<1x16xf32>
          tpu.vector_store %arg8[%swap3A_1486, %swap3A_1487], %swap3A_1490 {add = true, strides = array<i32>} : memref<1024x32xf32, #tpu.memory_space<vmem>>, vector<1x16xf32>,
          %mul3A_1491 = arith.constant 32 : i32
          %mul3A_1492 = arith.muli %scan3A_916, %mul3A_1491 : i32
          %add3A_1493 = arith.constant 20 : i32
          %add3A_1494 = arith.addi %mul3A_1492, %add3A_1493 : i32
          %get3A_1495 = arith.constant 20 : i32
          %get3A_1496 = arith.index_cast %get3A_1495 : i32 to index
          %get3A_1497 = arith.constant 16 : index
          %get3A_1498 = tpu.vector_load %arg10[%get3A_1496, %get3A_1497] {strides = array<i32>} : memref<32x32xf32, #tpu.memory_space<vmem>>, vector<1x16xf32>,
          %get3A_1499 = vector.shape_cast %get3A_1498 : vector<1x16xf32> to vector<16xf32>
          %swap3A_1500 = arith.index_cast %add3A_1494 : i32 to index
          %swap3A_1501 = arith.constant 16 : index
          %swap3A_1502 = tpu.vector_load %arg8[%swap3A_1500, %swap3A_1501] {strides = array<i32>} : memref<1024x32xf32, #tpu.memory_space<vmem>>, vector<1x16xf32>,
          %swap3A_1503 = vector.shape_cast %swap3A_1502 : vector<1x16xf32> to vector<16xf32>
          %swap3A_1504 = vector.shape_cast %get3A_1499 : vector<16xf32> to vector<1x16xf32>
          tpu.vector_store %arg8[%swap3A_1500, %swap3A_1501], %swap3A_1504 {add = true, strides = array<i32>} : memref<1024x32xf32, #tpu.memory_space<vmem>>, vector<1x16xf32>,
          %mul3A_1505 = arith.constant 32 : i32
          %mul3A_1506 = arith.muli %scan3A_916, %mul3A_1505 : i32
          %add3A_1507 = arith.constant 21 : i32
          %add3A_1508 = arith.addi %mul3A_1506, %add3A_1507 : i32
          %get3A_1509 = arith.constant 21 : i32
          %get3A_1510 = arith.index_cast %get3A_1509 : i32 to index
          %get3A_1511 = arith.constant 0 : index
          %get3A_1512 = tpu.vector_load %arg10[%get3A_1510, %get3A_1511] {strides = array<i32>} : memref<32x32xf32, #tpu.memory_space<vmem>>, vector<1x16xf32>,
          %get3A_1513 = vector.shape_cast %get3A_1512 : vector<1x16xf32> to vector<16xf32>
          %swap3A_1514 = arith.index_cast %add3A_1508 : i32 to index
          %swap3A_1515 = arith.constant 0 : index
          %swap3A_1516 = tpu.vector_load %arg8[%swap3A_1514, %swap3A_1515] {strides = array<i32>} : memref<1024x32xf32, #tpu.memory_space<vmem>>, vector<1x16xf32>,
          %swap3A_1517 = vector.shape_cast %swap3A_1516 : vector<1x16xf32> to vector<16xf32>
          %swap3A_1518 = vector.shape_cast %get3A_1513 : vector<16xf32> to vector<1x16xf32>
          tpu.vector_store %arg8[%swap3A_1514, %swap3A_1515], %swap3A_1518 {add = true, strides = array<i32>} : memref<1024x32xf32, #tpu.memory_space<vmem>>, vector<1x16xf32>,
          %mul3A_1519 = arith.constant 32 : i32
          %mul3A_1520 = arith.muli %scan3A_916, %mul3A_1519 : i32
          %add3A_1521 = arith.constant 21 : i32
          %add3A_1522 = arith.addi %mul3A_1520, %add3A_1521 : i32
          %get3A_1523 = arith.constant 21 : i32
          %get3A_1524 = arith.index_cast %get3A_1523 : i32 to index
          %get3A_1525 = arith.constant 16 : index
          %get3A_1526 = tpu.vector_load %arg10[%get3A_1524, %get3A_1525] {strides = array<i32>} : memref<32x32xf32, #tpu.memory_space<vmem>>, vector<1x16xf32>,
          %get3A_1527 = vector.shape_cast %get3A_1526 : vector<1x16xf32> to vector<16xf32>
          %swap3A_1528 = arith.index_cast %add3A_1522 : i32 to index
          %swap3A_1529 = arith.constant 16 : index
          %swap3A_1530 = tpu.vector_load %arg8[%swap3A_1528, %swap3A_1529] {strides = array<i32>} : memref<1024x32xf32, #tpu.memory_space<vmem>>, vector<1x16xf32>,
          %swap3A_1531 = vector.shape_cast %swap3A_1530 : vector<1x16xf32> to vector<16xf32>
          %swap3A_1532 = vector.shape_cast %get3A_1527 : vector<16xf32> to vector<1x16xf32>
          tpu.vector_store %arg8[%swap3A_1528, %swap3A_1529], %swap3A_1532 {add = true, strides = array<i32>} : memref<1024x32xf32, #tpu.memory_space<vmem>>, vector<1x16xf32>,
          %mul3A_1533 = arith.constant 32 : i32
          %mul3A_1534 = arith.muli %scan3A_916, %mul3A_1533 : i32
          %add3A_1535 = arith.constant 22 : i32
          %add3A_1536 = arith.addi %mul3A_1534, %add3A_1535 : i32
          %get3A_1537 = arith.constant 22 : i32
          %get3A_1538 = arith.index_cast %get3A_1537 : i32 to index
          %get3A_1539 = arith.constant 0 : index
          %get3A_1540 = tpu.vector_load %arg10[%get3A_1538, %get3A_1539] {strides = array<i32>} : memref<32x32xf32, #tpu.memory_space<vmem>>, vector<1x16xf32>,
          %get3A_1541 = vector.shape_cast %get3A_1540 : vector<1x16xf32> to vector<16xf32>
          %swap3A_1542 = arith.index_cast %add3A_1536 : i32 to index
          %swap3A_1543 = arith.constant 0 : index
          %swap3A_1544 = tpu.vector_load %arg8[%swap3A_1542, %swap3A_1543] {strides = array<i32>} : memref<1024x32xf32, #tpu.memory_space<vmem>>, vector<1x16xf32>,
          %swap3A_1545 = vector.shape_cast %swap3A_1544 : vector<1x16xf32> to vector<16xf32>
          %swap3A_1546 = vector.shape_cast %get3A_1541 : vector<16xf32> to vector<1x16xf32>
          tpu.vector_store %arg8[%swap3A_1542, %swap3A_1543], %swap3A_1546 {add = true, strides = array<i32>} : memref<1024x32xf32, #tpu.memory_space<vmem>>, vector<1x16xf32>,
          %mul3A_1547 = arith.constant 32 : i32
          %mul3A_1548 = arith.muli %scan3A_916, %mul3A_1547 : i32
          %add3A_1549 = arith.constant 22 : i32
          %add3A_1550 = arith.addi %mul3A_1548, %add3A_1549 : i32
          %get3A_1551 = arith.constant 22 : i32
          %get3A_1552 = arith.index_cast %get3A_1551 : i32 to index
          %get3A_1553 = arith.constant 16 : index
          %get3A_1554 = tpu.vector_load %arg10[%get3A_1552, %get3A_1553] {strides = array<i32>} : memref<32x32xf32, #tpu.memory_space<vmem>>, vector<1x16xf32>,
          %get3A_1555 = vector.shape_cast %get3A_1554 : vector<1x16xf32> to vector<16xf32>
          %swap3A_1556 = arith.index_cast %add3A_1550 : i32 to index
          %swap3A_1557 = arith.constant 16 : index
          %swap3A_1558 = tpu.vector_load %arg8[%swap3A_1556, %swap3A_1557] {strides = array<i32>} : memref<1024x32xf32, #tpu.memory_space<vmem>>, vector<1x16xf32>,
          %swap3A_1559 = vector.shape_cast %swap3A_1558 : vector<1x16xf32> to vector<16xf32>
          %swap3A_1560 = vector.shape_cast %get3A_1555 : vector<16xf32> to vector<1x16xf32>
          tpu.vector_store %arg8[%swap3A_1556, %swap3A_1557], %swap3A_1560 {add = true, strides = array<i32>} : memref<1024x32xf32, #tpu.memory_space<vmem>>, vector<1x16xf32>,
          %mul3A_1561 = arith.constant 32 : i32
          %mul3A_1562 = arith.muli %scan3A_916, %mul3A_1561 : i32
          %add3A_1563 = arith.constant 23 : i32
          %add3A_1564 = arith.addi %mul3A_1562, %add3A_1563 : i32
          %get3A_1565 = arith.constant 23 : i32
          %get3A_1566 = arith.index_cast %get3A_1565 : i32 to index
          %get3A_1567 = arith.constant 0 : index
          %get3A_1568 = tpu.vector_load %arg10[%get3A_1566, %get3A_1567] {strides = array<i32>} : memref<32x32xf32, #tpu.memory_space<vmem>>, vector<1x16xf32>,
          %get3A_1569 = vector.shape_cast %get3A_1568 : vector<1x16xf32> to vector<16xf32>
          %swap3A_1570 = arith.index_cast %add3A_1564 : i32 to index
          %swap3A_1571 = arith.constant 0 : index
          %swap3A_1572 = tpu.vector_load %arg8[%swap3A_1570, %swap3A_1571] {strides = array<i32>} : memref<1024x32xf32, #tpu.memory_space<vmem>>, vector<1x16xf32>,
          %swap3A_1573 = vector.shape_cast %swap3A_1572 : vector<1x16xf32> to vector<16xf32>
          %swap3A_1574 = vector.shape_cast %get3A_1569 : vector<16xf32> to vector<1x16xf32>
          tpu.vector_store %arg8[%swap3A_1570, %swap3A_1571], %swap3A_1574 {add = true, strides = array<i32>} : memref<1024x32xf32, #tpu.memory_space<vmem>>, vector<1x16xf32>,
          %mul3A_1575 = arith.constant 32 : i32
          %mul3A_1576 = arith.muli %scan3A_916, %mul3A_1575 : i32
          %add3A_1577 = arith.constant 23 : i32
          %add3A_1578 = arith.addi %mul3A_1576, %add3A_1577 : i32
          %get3A_1579 = arith.constant 23 : i32
          %get3A_1580 = arith.index_cast %get3A_1579 : i32 to index
          %get3A_1581 = arith.constant 16 : index
          %get3A_1582 = tpu.vector_load %arg10[%get3A_1580, %get3A_1581] {strides = array<i32>} : memref<32x32xf32, #tpu.memory_space<vmem>>, vector<1x16xf32>,
          %get3A_1583 = vector.shape_cast %get3A_1582 : vector<1x16xf32> to vector<16xf32>
          %swap3A_1584 = arith.index_cast %add3A_1578 : i32 to index
          %swap3A_1585 = arith.constant 16 : index
          %swap3A_1586 = tpu.vector_load %arg8[%swap3A_1584, %swap3A_1585] {strides = array<i32>} : memref<1024x32xf32, #tpu.memory_space<vmem>>, vector<1x16xf32>,
          %swap3A_1587 = vector.shape_cast %swap3A_1586 : vector<1x16xf32> to vector<16xf32>
          %swap3A_1588 = vector.shape_cast %get3A_1583 : vector<16xf32> to vector<1x16xf32>
          tpu.vector_store %arg8[%swap3A_1584, %swap3A_1585], %swap3A_1588 {add = true, strides = array<i32>} : memref<1024x32xf32, #tpu.memory_space<vmem>>, vector<1x16xf32>,
          %mul3A_1589 = arith.constant 32 : i32
          %mul3A_1590 = arith.muli %scan3A_916, %mul3A_1589 : i32
          %add3A_1591 = arith.constant 24 : i32
          %add3A_1592 = arith.addi %mul3A_1590, %add3A_1591 : i32
          %get3A_1593 = arith.constant 24 : i32
          %get3A_1594 = arith.index_cast %get3A_1593 : i32 to index
          %get3A_1595 = arith.constant 0 : index
          %get3A_1596 = tpu.vector_load %arg10[%get3A_1594, %get3A_1595] {strides = array<i32>} : memref<32x32xf32, #tpu.memory_space<vmem>>, vector<1x16xf32>,
          %get3A_1597 = vector.shape_cast %get3A_1596 : vector<1x16xf32> to vector<16xf32>
          %swap3A_1598 = arith.index_cast %add3A_1592 : i32 to index
          %swap3A_1599 = arith.constant 0 : index
          %swap3A_1600 = tpu.vector_load %arg8[%swap3A_1598, %swap3A_1599] {strides = array<i32>} : memref<1024x32xf32, #tpu.memory_space<vmem>>, vector<1x16xf32>,
          %swap3A_1601 = vector.shape_cast %swap3A_1600 : vector<1x16xf32> to vector<16xf32>
          %swap3A_1602 = vector.shape_cast %get3A_1597 : vector<16xf32> to vector<1x16xf32>
          tpu.vector_store %arg8[%swap3A_1598, %swap3A_1599], %swap3A_1602 {add = true, strides = array<i32>} : memref<1024x32xf32, #tpu.memory_space<vmem>>, vector<1x16xf32>,
          %mul3A_1603 = arith.constant 32 : i32
          %mul3A_1604 = arith.muli %scan3A_916, %mul3A_1603 : i32
          %add3A_1605 = arith.constant 24 : i32
          %add3A_1606 = arith.addi %mul3A_1604, %add3A_1605 : i32
          %get3A_1607 = arith.constant 24 : i32
          %get3A_1608 = arith.index_cast %get3A_1607 : i32 to index
          %get3A_1609 = arith.constant 16 : index
          %get3A_1610 = tpu.vector_load %arg10[%get3A_1608, %get3A_1609] {strides = array<i32>} : memref<32x32xf32, #tpu.memory_space<vmem>>, vector<1x16xf32>,
          %get3A_1611 = vector.shape_cast %get3A_1610 : vector<1x16xf32> to vector<16xf32>
          %swap3A_1612 = arith.index_cast %add3A_1606 : i32 to index
          %swap3A_1613 = arith.constant 16 : index
          %swap3A_1614 = tpu.vector_load %arg8[%swap3A_1612, %swap3A_1613] {strides = array<i32>} : memref<1024x32xf32, #tpu.memory_space<vmem>>, vector<1x16xf32>,
          %swap3A_1615 = vector.shape_cast %swap3A_1614 : vector<1x16xf32> to vector<16xf32>
          %swap3A_1616 = vector.shape_cast %get3A_1611 : vector<16xf32> to vector<1x16xf32>
          tpu.vector_store %arg8[%swap3A_1612, %swap3A_1613], %swap3A_1616 {add = true, strides = array<i32>} : memref<1024x32xf32, #tpu.memory_space<vmem>>, vector<1x16xf32>,
          %mul3A_1617 = arith.constant 32 : i32
          %mul3A_1618 = arith.muli %scan3A_916, %mul3A_1617 : i32
          %add3A_1619 = arith.constant 25 : i32
          %add3A_1620 = arith.addi %mul3A_1618, %add3A_1619 : i32
          %get3A_1621 = arith.constant 25 : i32
          %get3A_1622 = arith.index_cast %get3A_1621 : i32 to index
          %get3A_1623 = arith.constant 0 : index
          %get3A_1624 = tpu.vector_load %arg10[%get3A_1622, %get3A_1623] {strides = array<i32>} : memref<32x32xf32, #tpu.memory_space<vmem>>, vector<1x16xf32>,
          %get3A_1625 = vector.shape_cast %get3A_1624 : vector<1x16xf32> to vector<16xf32>
          %swap3A_1626 = arith.index_cast %add3A_1620 : i32 to index
          %swap3A_1627 = arith.constant 0 : index
          %swap3A_1628 = tpu.vector_load %arg8[%swap3A_1626, %swap3A_1627] {strides = array<i32>} : memref<1024x32xf32, #tpu.memory_space<vmem>>, vector<1x16xf32>,
          %swap3A_1629 = vector.shape_cast %swap3A_1628 : vector<1x16xf32> to vector<16xf32>
          %swap3A_1630 = vector.shape_cast %get3A_1625 : vector<16xf32> to vector<1x16xf32>
          tpu.vector_store %arg8[%swap3A_1626, %swap3A_1627], %swap3A_1630 {add = true, strides = array<i32>} : memref<1024x32xf32, #tpu.memory_space<vmem>>, vector<1x16xf32>,
          %mul3A_1631 = arith.constant 32 : i32
          %mul3A_1632 = arith.muli %scan3A_916, %mul3A_1631 : i32
          %add3A_1633 = arith.constant 25 : i32
          %add3A_1634 = arith.addi %mul3A_1632, %add3A_1633 : i32
          %get3A_1635 = arith.constant 25 : i32
          %get3A_1636 = arith.index_cast %get3A_1635 : i32 to index
          %get3A_1637 = arith.constant 16 : index
          %get3A_1638 = tpu.vector_load %arg10[%get3A_1636, %get3A_1637] {strides = array<i32>} : memref<32x32xf32, #tpu.memory_space<vmem>>, vector<1x16xf32>,
          %get3A_1639 = vector.shape_cast %get3A_1638 : vector<1x16xf32> to vector<16xf32>
          %swap3A_1640 = arith.index_cast %add3A_1634 : i32 to index
          %swap3A_1641 = arith.constant 16 : index
          %swap3A_1642 = tpu.vector_load %arg8[%swap3A_1640, %swap3A_1641] {strides = array<i32>} : memref<1024x32xf32, #tpu.memory_space<vmem>>, vector<1x16xf32>,
          %swap3A_1643 = vector.shape_cast %swap3A_1642 : vector<1x16xf32> to vector<16xf32>
          %swap3A_1644 = vector.shape_cast %get3A_1639 : vector<16xf32> to vector<1x16xf32>
          tpu.vector_store %arg8[%swap3A_1640, %swap3A_1641], %swap3A_1644 {add = true, strides = array<i32>} : memref<1024x32xf32, #tpu.memory_space<vmem>>, vector<1x16xf32>,
          %mul3A_1645 = arith.constant 32 : i32
          %mul3A_1646 = arith.muli %scan3A_916, %mul3A_1645 : i32
          %add3A_1647 = arith.constant 26 : i32
          %add3A_1648 = arith.addi %mul3A_1646, %add3A_1647 : i32
          %get3A_1649 = arith.constant 26 : i32
          %get3A_1650 = arith.index_cast %get3A_1649 : i32 to index
          %get3A_1651 = arith.constant 0 : index
          %get3A_1652 = tpu.vector_load %arg10[%get3A_1650, %get3A_1651] {strides = array<i32>} : memref<32x32xf32, #tpu.memory_space<vmem>>, vector<1x16xf32>,
          %get3A_1653 = vector.shape_cast %get3A_1652 : vector<1x16xf32> to vector<16xf32>
          %swap3A_1654 = arith.index_cast %add3A_1648 : i32 to index
          %swap3A_1655 = arith.constant 0 : index
          %swap3A_1656 = tpu.vector_load %arg8[%swap3A_1654, %swap3A_1655] {strides = array<i32>} : memref<1024x32xf32, #tpu.memory_space<vmem>>, vector<1x16xf32>,
          %swap3A_1657 = vector.shape_cast %swap3A_1656 : vector<1x16xf32> to vector<16xf32>
          %swap3A_1658 = vector.shape_cast %get3A_1653 : vector<16xf32> to vector<1x16xf32>
          tpu.vector_store %arg8[%swap3A_1654, %swap3A_1655], %swap3A_1658 {add = true, strides = array<i32>} : memref<1024x32xf32, #tpu.memory_space<vmem>>, vector<1x16xf32>,
          %mul3A_1659 = arith.constant 32 : i32
          %mul3A_1660 = arith.muli %scan3A_916, %mul3A_1659 : i32
          %add3A_1661 = arith.constant 26 : i32
          %add3A_1662 = arith.addi %mul3A_1660, %add3A_1661 : i32
          %get3A_1663 = arith.constant 26 : i32
          %get3A_1664 = arith.index_cast %get3A_1663 : i32 to index
          %get3A_1665 = arith.constant 16 : index
          %get3A_1666 = tpu.vector_load %arg10[%get3A_1664, %get3A_1665] {strides = array<i32>} : memref<32x32xf32, #tpu.memory_space<vmem>>, vector<1x16xf32>,
          %get3A_1667 = vector.shape_cast %get3A_1666 : vector<1x16xf32> to vector<16xf32>
          %swap3A_1668 = arith.index_cast %add3A_1662 : i32 to index
          %swap3A_1669 = arith.constant 16 : index
          %swap3A_1670 = tpu.vector_load %arg8[%swap3A_1668, %swap3A_1669] {strides = array<i32>} : memref<1024x32xf32, #tpu.memory_space<vmem>>, vector<1x16xf32>,
          %swap3A_1671 = vector.shape_cast %swap3A_1670 : vector<1x16xf32> to vector<16xf32>
          %swap3A_1672 = vector.shape_cast %get3A_1667 : vector<16xf32> to vector<1x16xf32>
          tpu.vector_store %arg8[%swap3A_1668, %swap3A_1669], %swap3A_1672 {add = true, strides = array<i32>} : memref<1024x32xf32, #tpu.memory_space<vmem>>, vector<1x16xf32>,
          %mul3A_1673 = arith.constant 32 : i32
          %mul3A_1674 = arith.muli %scan3A_916, %mul3A_1673 : i32
          %add3A_1675 = arith.constant 27 : i32
          %add3A_1676 = arith.addi %mul3A_1674, %add3A_1675 : i32
          %get3A_1677 = arith.constant 27 : i32
          %get3A_1678 = arith.index_cast %get3A_1677 : i32 to index
          %get3A_1679 = arith.constant 0 : index
          %get3A_1680 = tpu.vector_load %arg10[%get3A_1678, %get3A_1679] {strides = array<i32>} : memref<32x32xf32, #tpu.memory_space<vmem>>, vector<1x16xf32>,
          %get3A_1681 = vector.shape_cast %get3A_1680 : vector<1x16xf32> to vector<16xf32>
          %swap3A_1682 = arith.index_cast %add3A_1676 : i32 to index
          %swap3A_1683 = arith.constant 0 : index
          %swap3A_1684 = tpu.vector_load %arg8[%swap3A_1682, %swap3A_1683] {strides = array<i32>} : memref<1024x32xf32, #tpu.memory_space<vmem>>, vector<1x16xf32>,
          %swap3A_1685 = vector.shape_cast %swap3A_1684 : vector<1x16xf32> to vector<16xf32>
          %swap3A_1686 = vector.shape_cast %get3A_1681 : vector<16xf32> to vector<1x16xf32>
          tpu.vector_store %arg8[%swap3A_1682, %swap3A_1683], %swap3A_1686 {add = true, strides = array<i32>} : memref<1024x32xf32, #tpu.memory_space<vmem>>, vector<1x16xf32>,
          %mul3A_1687 = arith.constant 32 : i32
          %mul3A_1688 = arith.muli %scan3A_916, %mul3A_1687 : i32
          %add3A_1689 = arith.constant 27 : i32
          %add3A_1690 = arith.addi %mul3A_1688, %add3A_1689 : i32
          %get3A_1691 = arith.constant 27 : i32
          %get3A_1692 = arith.index_cast %get3A_1691 : i32 to index
          %get3A_1693 = arith.constant 16 : index
          %get3A_1694 = tpu.vector_load %arg10[%get3A_1692, %get3A_1693] {strides = array<i32>} : memref<32x32xf32, #tpu.memory_space<vmem>>, vector<1x16xf32>,
          %get3A_1695 = vector.shape_cast %get3A_1694 : vector<1x16xf32> to vector<16xf32>
          %swap3A_1696 = arith.index_cast %add3A_1690 : i32 to index
          %swap3A_1697 = arith.constant 16 : index
          %swap3A_1698 = tpu.vector_load %arg8[%swap3A_1696, %swap3A_1697] {strides = array<i32>} : memref<1024x32xf32, #tpu.memory_space<vmem>>, vector<1x16xf32>,
          %swap3A_1699 = vector.shape_cast %swap3A_1698 : vector<1x16xf32> to vector<16xf32>
          %swap3A_1700 = vector.shape_cast %get3A_1695 : vector<16xf32> to vector<1x16xf32>
          tpu.vector_store %arg8[%swap3A_1696, %swap3A_1697], %swap3A_1700 {add = true, strides = array<i32>} : memref<1024x32xf32, #tpu.memory_space<vmem>>, vector<1x16xf32>,
          %mul3A_1701 = arith.constant 32 : i32
          %mul3A_1702 = arith.muli %scan3A_916, %mul3A_1701 : i32
          %add3A_1703 = arith.constant 28 : i32
          %add3A_1704 = arith.addi %mul3A_1702, %add3A_1703 : i32
          %get3A_1705 = arith.constant 28 : i32
          %get3A_1706 = arith.index_cast %get3A_1705 : i32 to index
          %get3A_1707 = arith.constant 0 : index
          %get3A_1708 = tpu.vector_load %arg10[%get3A_1706, %get3A_1707] {strides = array<i32>} : memref<32x32xf32, #tpu.memory_space<vmem>>, vector<1x16xf32>,
          %get3A_1709 = vector.shape_cast %get3A_1708 : vector<1x16xf32> to vector<16xf32>
          %swap3A_1710 = arith.index_cast %add3A_1704 : i32 to index
          %swap3A_1711 = arith.constant 0 : index
          %swap3A_1712 = tpu.vector_load %arg8[%swap3A_1710, %swap3A_1711] {strides = array<i32>} : memref<1024x32xf32, #tpu.memory_space<vmem>>, vector<1x16xf32>,
          %swap3A_1713 = vector.shape_cast %swap3A_1712 : vector<1x16xf32> to vector<16xf32>
          %swap3A_1714 = vector.shape_cast %get3A_1709 : vector<16xf32> to vector<1x16xf32>
          tpu.vector_store %arg8[%swap3A_1710, %swap3A_1711], %swap3A_1714 {add = true, strides = array<i32>} : memref<1024x32xf32, #tpu.memory_space<vmem>>, vector<1x16xf32>,
          %mul3A_1715 = arith.constant 32 : i32
          %mul3A_1716 = arith.muli %scan3A_916, %mul3A_1715 : i32
          %add3A_1717 = arith.constant 28 : i32
          %add3A_1718 = arith.addi %mul3A_1716, %add3A_1717 : i32
          %get3A_1719 = arith.constant 28 : i32
          %get3A_1720 = arith.index_cast %get3A_1719 : i32 to index
          %get3A_1721 = arith.constant 16 : index
          %get3A_1722 = tpu.vector_load %arg10[%get3A_1720, %get3A_1721] {strides = array<i32>} : memref<32x32xf32, #tpu.memory_space<vmem>>, vector<1x16xf32>,
          %get3A_1723 = vector.shape_cast %get3A_1722 : vector<1x16xf32> to vector<16xf32>
          %swap3A_1724 = arith.index_cast %add3A_1718 : i32 to index
          %swap3A_1725 = arith.constant 16 : index
          %swap3A_1726 = tpu.vector_load %arg8[%swap3A_1724, %swap3A_1725] {strides = array<i32>} : memref<1024x32xf32, #tpu.memory_space<vmem>>, vector<1x16xf32>,
          %swap3A_1727 = vector.shape_cast %swap3A_1726 : vector<1x16xf32> to vector<16xf32>
          %swap3A_1728 = vector.shape_cast %get3A_1723 : vector<16xf32> to vector<1x16xf32>
          tpu.vector_store %arg8[%swap3A_1724, %swap3A_1725], %swap3A_1728 {add = true, strides = array<i32>} : memref<1024x32xf32, #tpu.memory_space<vmem>>, vector<1x16xf32>,
          %mul3A_1729 = arith.constant 32 : i32
          %mul3A_1730 = arith.muli %scan3A_916, %mul3A_1729 : i32
          %add3A_1731 = arith.constant 29 : i32
          %add3A_1732 = arith.addi %mul3A_1730, %add3A_1731 : i32
          %get3A_1733 = arith.constant 29 : i32
          %get3A_1734 = arith.index_cast %get3A_1733 : i32 to index
          %get3A_1735 = arith.constant 0 : index
          %get3A_1736 = tpu.vector_load %arg10[%get3A_1734, %get3A_1735] {strides = array<i32>} : memref<32x32xf32, #tpu.memory_space<vmem>>, vector<1x16xf32>,
          %get3A_1737 = vector.shape_cast %get3A_1736 : vector<1x16xf32> to vector<16xf32>
          %swap3A_1738 = arith.index_cast %add3A_1732 : i32 to index
          %swap3A_1739 = arith.constant 0 : index
          %swap3A_1740 = tpu.vector_load %arg8[%swap3A_1738, %swap3A_1739] {strides = array<i32>} : memref<1024x32xf32, #tpu.memory_space<vmem>>, vector<1x16xf32>,
          %swap3A_1741 = vector.shape_cast %swap3A_1740 : vector<1x16xf32> to vector<16xf32>
          %swap3A_1742 = vector.shape_cast %get3A_1737 : vector<16xf32> to vector<1x16xf32>
          tpu.vector_store %arg8[%swap3A_1738, %swap3A_1739], %swap3A_1742 {add = true, strides = array<i32>} : memref<1024x32xf32, #tpu.memory_space<vmem>>, vector<1x16xf32>,
          %mul3A_1743 = arith.constant 32 : i32
          %mul3A_1744 = arith.muli %scan3A_916, %mul3A_1743 : i32
          %add3A_1745 = arith.constant 29 : i32
          %add3A_1746 = arith.addi %mul3A_1744, %add3A_1745 : i32
          %get3A_1747 = arith.constant 29 : i32
          %get3A_1748 = arith.index_cast %get3A_1747 : i32 to index
          %get3A_1749 = arith.constant 16 : index
          %get3A_1750 = tpu.vector_load %arg10[%get3A_1748, %get3A_1749] {strides = array<i32>} : memref<32x32xf32, #tpu.memory_space<vmem>>, vector<1x16xf32>,
          %get3A_1751 = vector.shape_cast %get3A_1750 : vector<1x16xf32> to vector<16xf32>
          %swap3A_1752 = arith.index_cast %add3A_1746 : i32 to index
          %swap3A_1753 = arith.constant 16 : index
          %swap3A_1754 = tpu.vector_load %arg8[%swap3A_1752, %swap3A_1753] {strides = array<i32>} : memref<1024x32xf32, #tpu.memory_space<vmem>>, vector<1x16xf32>,
          %swap3A_1755 = vector.shape_cast %swap3A_1754 : vector<1x16xf32> to vector<16xf32>
          %swap3A_1756 = vector.shape_cast %get3A_1751 : vector<16xf32> to vector<1x16xf32>
          tpu.vector_store %arg8[%swap3A_1752, %swap3A_1753], %swap3A_1756 {add = true, strides = array<i32>} : memref<1024x32xf32, #tpu.memory_space<vmem>>, vector<1x16xf32>,
          %mul3A_1757 = arith.constant 32 : i32
          %mul3A_1758 = arith.muli %scan3A_916, %mul3A_1757 : i32
          %add3A_1759 = arith.constant 30 : i32
          %add3A_1760 = arith.addi %mul3A_1758, %add3A_1759 : i32
          %get3A_1761 = arith.constant 30 : i32
          %get3A_1762 = arith.index_cast %get3A_1761 : i32 to index
          %get3A_1763 = arith.constant 0 : index
          %get3A_1764 = tpu.vector_load %arg10[%get3A_1762, %get3A_1763] {strides = array<i32>} : memref<32x32xf32, #tpu.memory_space<vmem>>, vector<1x16xf32>,
          %get3A_1765 = vector.shape_cast %get3A_1764 : vector<1x16xf32> to vector<16xf32>
          %swap3A_1766 = arith.index_cast %add3A_1760 : i32 to index
          %swap3A_1767 = arith.constant 0 : index
          %swap3A_1768 = tpu.vector_load %arg8[%swap3A_1766, %swap3A_1767] {strides = array<i32>} : memref<1024x32xf32, #tpu.memory_space<vmem>>, vector<1x16xf32>,
          %swap3A_1769 = vector.shape_cast %swap3A_1768 : vector<1x16xf32> to vector<16xf32>
          %swap3A_1770 = vector.shape_cast %get3A_1765 : vector<16xf32> to vector<1x16xf32>
          tpu.vector_store %arg8[%swap3A_1766, %swap3A_1767], %swap3A_1770 {add = true, strides = array<i32>} : memref<1024x32xf32, #tpu.memory_space<vmem>>, vector<1x16xf32>,
          %mul3A_1771 = arith.constant 32 : i32
          %mul3A_1772 = arith.muli %scan3A_916, %mul3A_1771 : i32
          %add3A_1773 = arith.constant 30 : i32
          %add3A_1774 = arith.addi %mul3A_1772, %add3A_1773 : i32
          %get3A_1775 = arith.constant 30 : i32
          %get3A_1776 = arith.index_cast %get3A_1775 : i32 to index
          %get3A_1777 = arith.constant 16 : index
          %get3A_1778 = tpu.vector_load %arg10[%get3A_1776, %get3A_1777] {strides = array<i32>} : memref<32x32xf32, #tpu.memory_space<vmem>>, vector<1x16xf32>,
          %get3A_1779 = vector.shape_cast %get3A_1778 : vector<1x16xf32> to vector<16xf32>
          %swap3A_1780 = arith.index_cast %add3A_1774 : i32 to index
          %swap3A_1781 = arith.constant 16 : index
          %swap3A_1782 = tpu.vector_load %arg8[%swap3A_1780, %swap3A_1781] {strides = array<i32>} : memref<1024x32xf32, #tpu.memory_space<vmem>>, vector<1x16xf32>,
          %swap3A_1783 = vector.shape_cast %swap3A_1782 : vector<1x16xf32> to vector<16xf32>
          %swap3A_1784 = vector.shape_cast %get3A_1779 : vector<16xf32> to vector<1x16xf32>
          tpu.vector_store %arg8[%swap3A_1780, %swap3A_1781], %swap3A_1784 {add = true, strides = array<i32>} : memref<1024x32xf32, #tpu.memory_space<vmem>>, vector<1x16xf32>,
          %mul3A_1785 = arith.constant 32 : i32
          %mul3A_1786 = arith.muli %scan3A_916, %mul3A_1785 : i32
          %add3A_1787 = arith.constant 31 : i32
          %add3A_1788 = arith.addi %mul3A_1786, %add3A_1787 : i32
          %get3A_1789 = arith.constant 31 : i32
          %get3A_1790 = arith.index_cast %get3A_1789 : i32 to index
          %get3A_1791 = arith.constant 0 : index
          %get3A_1792 = tpu.vector_load %arg10[%get3A_1790, %get3A_1791] {strides = array<i32>} : memref<32x32xf32, #tpu.memory_space<vmem>>, vector<1x16xf32>,
          %get3A_1793 = vector.shape_cast %get3A_1792 : vector<1x16xf32> to vector<16xf32>
          %swap3A_1794 = arith.index_cast %add3A_1788 : i32 to index
          %swap3A_1795 = arith.constant 0 : index
          %swap3A_1796 = tpu.vector_load %arg8[%swap3A_1794, %swap3A_1795] {strides = array<i32>} : memref<1024x32xf32, #tpu.memory_space<vmem>>, vector<1x16xf32>,
          %swap3A_1797 = vector.shape_cast %swap3A_1796 : vector<1x16xf32> to vector<16xf32>
          %swap3A_1798 = vector.shape_cast %get3A_1793 : vector<16xf32> to vector<1x16xf32>
          tpu.vector_store %arg8[%swap3A_1794, %swap3A_1795], %swap3A_1798 {add = true, strides = array<i32>} : memref<1024x32xf32, #tpu.memory_space<vmem>>, vector<1x16xf32>,
          %mul3A_1799 = arith.constant 32 : i32
          %mul3A_1800 = arith.muli %scan3A_916, %mul3A_1799 : i32
          %add3A_1801 = arith.constant 31 : i32
          %add3A_1802 = arith.addi %mul3A_1800, %add3A_1801 : i32
          %get3A_1803 = arith.constant 31 : i32
          %get3A_1804 = arith.index_cast %get3A_1803 : i32 to index
          %get3A_1805 = arith.constant 16 : index
          %get3A_1806 = tpu.vector_load %arg10[%get3A_1804, %get3A_1805] {strides = array<i32>} : memref<32x32xf32, #tpu.memory_space<vmem>>, vector<1x16xf32>,
          %get3A_1807 = vector.shape_cast %get3A_1806 : vector<1x16xf32> to vector<16xf32>
          %swap3A_1808 = arith.index_cast %add3A_1802 : i32 to index
          %swap3A_1809 = arith.constant 16 : index
          %swap3A_1810 = tpu.vector_load %arg8[%swap3A_1808, %swap3A_1809] {strides = array<i32>} : memref<1024x32xf32, #tpu.memory_space<vmem>>, vector<1x16xf32>,
          %swap3A_1811 = vector.shape_cast %swap3A_1810 : vector<1x16xf32> to vector<16xf32>
          %swap3A_1812 = vector.shape_cast %get3A_1807 : vector<16xf32> to vector<1x16xf32>
          tpu.vector_store %arg8[%swap3A_1808, %swap3A_1809], %swap3A_1812 {add = true, strides = array<i32>} : memref<1024x32xf32, #tpu.memory_space<vmem>>, vector<1x16xf32>,
        }
        %scan3A_908 = arith.constant 32 : i32
        %mul3A_909 = arith.constant 1024 : i32
        %mul3A_910 = arith.muli %scan3A_882, %mul3A_909 : i32
        %add3A_911 = arith.addi %mul3A_2, %mul3A_910 : i32
        %dma_start3A_912 = arith.constant 0 : i32
        %dma_start3A_913 = tpu.memref_slice %arg6[%add3A_911, %dma_start3A_912] : memref<524288x32xf32, #tpu.memory_space<hbm>> -> memref<1024x32xf32, #tpu.memory_space<hbm>>
        %dma_start3A_914 = arith.constant 0 : i32
        %dma_start3A_915 = tpu.memref_slice %arg6[%add3A_911, %dma_start3A_914] : memref<524288x32xf32, #tpu.memory_space<hbm>> -> memref<1024x32xf32, #tpu.memory_space<hbm>>
        tpu.enqueue_dma source(%arg8 : memref<1024x32xf32, #tpu.memory_space<vmem>>) target(%dma_start3A_915 : memref<1024x32xf32, #tpu.memory_space<hbm>>) target_semaphore(%arg14 : memref<!tpu.dma_semaphore, #tpu.memory_space<semaphore_mem>>)
      } else {
      }
      %eq3A_886 = arith.constant 1 : i32
      %eq3A_887 = arith.cmpi eq, %rem3A_883, %eq3A_886 : i32
      %convert_element_type3A_888 = arith.extui %eq3A_887 : i1 to i32
      %cond3A_889 = arith.constant 0 : i32
      %cond3A_890 = arith.cmpi ne, %convert_element_type3A_888, %cond3A_889 : i32
      scf.if %cond3A_890 {
        %add3A_891 = arith.constant 1 : i32
        %add3A_892 = arith.addi %scan3A_882, %add3A_891 : i32
        %lt3A = arith.constant 16 : i32
        %lt3A_893 = arith.cmpi slt, %add3A_892, %lt3A : i32
        %convert_element_type3A_894 = arith.extui %lt3A_893 : i1 to i32
        %cond3A_895 = arith.constant 0 : i32
        %cond3A_896 = arith.cmpi ne, %convert_element_type3A_894, %cond3A_895 : i32
        scf.if %cond3A_896 {
          %ge3A = arith.constant 1 : i32
          %ge3A_916 = arith.cmpi sge, %scan3A_882, %ge3A : i32
          %convert_element_type3A_917 = arith.extui %ge3A_916 : i1 to i32
          %cond3A_918 = arith.constant 0 : i32
          %cond3A_919 = arith.cmpi ne, %convert_element_type3A_917, %cond3A_918 : i32
          scf.if %cond3A_919 {
            %dma_wait3A_1026 = arith.constant 0 : i32
            %dma_wait3A_1027 = arith.constant 0 : i32
            %dma_wait3A_1028 = tpu.memref_slice %arg3[%dma_wait3A_1026, %dma_wait3A_1027] : memref<4000000x32xf32, #tpu.memory_space<hbm>> -> memref<1024x32xf32, #tpu.memory_space<hbm>>
            %dma_wait3A_1029 = arith.constant 0 : i32
            %dma_wait3A_1030 = arith.constant 0 : i32
            %dma_wait3A_1031 = tpu.memref_slice %arg3[%dma_wait3A_1029, %dma_wait3A_1030] : memref<4000000x32xf32, #tpu.memory_space<hbm>> -> memref<1024x32xf32, #tpu.memory_space<hbm>>
            tpu.wait_dma2 semaphore(%arg14 : memref<!tpu.dma_semaphore, #tpu.memory_space<semaphore_mem>>) src(%dma_wait3A_1031 : memref<1024x32xf32, #tpu.memory_space<hbm>>) dst(%arg8 : memref<1024x32xf32, #tpu.memory_space<vmem>>)
          } else {
          }
          %add3A_920 = arith.constant 1 : i32
          %add3A_921 = arith.addi %scan3A_882, %add3A_920 : i32
          %mul3A_922 = arith.constant 8 : i32
          %mul3A_923 = arith.muli %add3A_921, %mul3A_922 : i32
          %add3A_924 = arith.constant 0 : i32
          %add3A_925 = arith.addi %mul3A_923, %add3A_924 : i32
          %dma_start3A_926 = arith.constant 0 : i32
          %dma_start3A_927 = arith.constant 0 : i32
          %dma_start3A_928 = tpu.memref_slice %arg8[%dma_start3A_926, %dma_start3A_927] : memref<1024x32xf32, #tpu.memory_space<vmem>> -> memref<128x32xf32, #tpu.memory_space<vmem>>
          %dma_start3A_929 = arith.constant 0 : i32
          %dma_start3A_930 = tpu.memref_slice %arg7[%add3A_925, %dma_start3A_929] : memref<128x128xi32, #tpu.memory_space<vmem>> -> memref<1x128xi32, #tpu.memory_space<vmem>>
          %dma_start3A_931 = tpu.memref_squeeze %dma_start3A_930 : memref<1x128xi32, #tpu.memory_space<vmem>> -> memref<128xi32, #tpu.memory_space<vmem>>
          %dma_start3A_932 = arith.constant 0 : i32
          %dma_start3A_933 = arith.constant 0 : i32
          %dma_start3A_934 = tpu.memref_slice %arg3[%dma_start3A_932, %dma_start3A_933] : memref<4000000x32xf32, #tpu.memory_space<hbm>> -> memref<4000000x32xf32, #tpu.memory_space<hbm>>
          tpu.enqueue_indirect_dma source(%dma_start3A_934 : memref<4000000x32xf32, #tpu.memory_space<hbm>>) target(%dma_start3A_928 : memref<128x32xf32, #tpu.memory_space<vmem>>) offsets(%dma_start3A_931 : memref<128xi32, #tpu.memory_space<vmem>>) semaphore(%arg12 : memref<!tpu.dma_semaphore, #tpu.memory_space<semaphore_mem>>)
          %mul3A_935 = arith.constant 8 : i32
          %mul3A_936 = arith.muli %add3A_921, %mul3A_935 : i32
          %add3A_937 = arith.constant 1 : i32
          %add3A_938 = arith.addi %mul3A_936, %add3A_937 : i32
          %dma_start3A_939 = arith.constant 128 : i32
          %dma_start3A_940 = arith.constant 0 : i32
          %dma_start3A_941 = tpu.memref_slice %arg8[%dma_start3A_939, %dma_start3A_940] : memref<1024x32xf32, #tpu.memory_space<vmem>> -> memref<128x32xf32, #tpu.memory_space<vmem>>
          %dma_start3A_942 = arith.constant 0 : i32
          %dma_start3A_943 = tpu.memref_slice %arg7[%add3A_938, %dma_start3A_942] : memref<128x128xi32, #tpu.memory_space<vmem>> -> memref<1x128xi32, #tpu.memory_space<vmem>>
          %dma_start3A_944 = tpu.memref_squeeze %dma_start3A_943 : memref<1x128xi32, #tpu.memory_space<vmem>> -> memref<128xi32, #tpu.memory_space<vmem>>
          %dma_start3A_945 = arith.constant 0 : i32
          %dma_start3A_946 = arith.constant 0 : i32
          %dma_start3A_947 = tpu.memref_slice %arg3[%dma_start3A_945, %dma_start3A_946] : memref<4000000x32xf32, #tpu.memory_space<hbm>> -> memref<4000000x32xf32, #tpu.memory_space<hbm>>
          tpu.enqueue_indirect_dma source(%dma_start3A_947 : memref<4000000x32xf32, #tpu.memory_space<hbm>>) target(%dma_start3A_941 : memref<128x32xf32, #tpu.memory_space<vmem>>) offsets(%dma_start3A_944 : memref<128xi32, #tpu.memory_space<vmem>>) semaphore(%arg12 : memref<!tpu.dma_semaphore, #tpu.memory_space<semaphore_mem>>)
          %mul3A_948 = arith.constant 8 : i32
          %mul3A_949 = arith.muli %add3A_921, %mul3A_948 : i32
          %add3A_950 = arith.constant 2 : i32
          %add3A_951 = arith.addi %mul3A_949, %add3A_950 : i32
          %dma_start3A_952 = arith.constant 256 : i32
          %dma_start3A_953 = arith.constant 0 : i32
          %dma_start3A_954 = tpu.memref_slice %arg8[%dma_start3A_952, %dma_start3A_953] : memref<1024x32xf32, #tpu.memory_space<vmem>> -> memref<128x32xf32, #tpu.memory_space<vmem>>
          %dma_start3A_955 = arith.constant 0 : i32
          %dma_start3A_956 = tpu.memref_slice %arg7[%add3A_951, %dma_start3A_955] : memref<128x128xi32, #tpu.memory_space<vmem>> -> memref<1x128xi32, #tpu.memory_space<vmem>>
          %dma_start3A_957 = tpu.memref_squeeze %dma_start3A_956 : memref<1x128xi32, #tpu.memory_space<vmem>> -> memref<128xi32, #tpu.memory_space<vmem>>
          %dma_start3A_958 = arith.constant 0 : i32
          %dma_start3A_959 = arith.constant 0 : i32
          %dma_start3A_960 = tpu.memref_slice %arg3[%dma_start3A_958, %dma_start3A_959] : memref<4000000x32xf32, #tpu.memory_space<hbm>> -> memref<4000000x32xf32, #tpu.memory_space<hbm>>
          tpu.enqueue_indirect_dma source(%dma_start3A_960 : memref<4000000x32xf32, #tpu.memory_space<hbm>>) target(%dma_start3A_954 : memref<128x32xf32, #tpu.memory_space<vmem>>) offsets(%dma_start3A_957 : memref<128xi32, #tpu.memory_space<vmem>>) semaphore(%arg12 : memref<!tpu.dma_semaphore, #tpu.memory_space<semaphore_mem>>)
          %mul3A_961 = arith.constant 8 : i32
          %mul3A_962 = arith.muli %add3A_921, %mul3A_961 : i32
          %add3A_963 = arith.constant 3 : i32
          %add3A_964 = arith.addi %mul3A_962, %add3A_963 : i32
          %dma_start3A_965 = arith.constant 384 : i32
          %dma_start3A_966 = arith.constant 0 : i32
          %dma_start3A_967 = tpu.memref_slice %arg8[%dma_start3A_965, %dma_start3A_966] : memref<1024x32xf32, #tpu.memory_space<vmem>> -> memref<128x32xf32, #tpu.memory_space<vmem>>
          %dma_start3A_968 = arith.constant 0 : i32
          %dma_start3A_969 = tpu.memref_slice %arg7[%add3A_964, %dma_start3A_968] : memref<128x128xi32, #tpu.memory_space<vmem>> -> memref<1x128xi32, #tpu.memory_space<vmem>>
          %dma_start3A_970 = tpu.memref_squeeze %dma_start3A_969 : memref<1x128xi32, #tpu.memory_space<vmem>> -> memref<128xi32, #tpu.memory_space<vmem>>
          %dma_start3A_971 = arith.constant 0 : i32
          %dma_start3A_972 = arith.constant 0 : i32
          %dma_start3A_973 = tpu.memref_slice %arg3[%dma_start3A_971, %dma_start3A_972] : memref<4000000x32xf32, #tpu.memory_space<hbm>> -> memref<4000000x32xf32, #tpu.memory_space<hbm>>
          tpu.enqueue_indirect_dma source(%dma_start3A_973 : memref<4000000x32xf32, #tpu.memory_space<hbm>>) target(%dma_start3A_967 : memref<128x32xf32, #tpu.memory_space<vmem>>) offsets(%dma_start3A_970 : memref<128xi32, #tpu.memory_space<vmem>>) semaphore(%arg12 : memref<!tpu.dma_semaphore, #tpu.memory_space<semaphore_mem>>)
          %mul3A_974 = arith.constant 8 : i32
          %mul3A_975 = arith.muli %add3A_921, %mul3A_974 : i32
          %add3A_976 = arith.constant 4 : i32
          %add3A_977 = arith.addi %mul3A_975, %add3A_976 : i32
          %dma_start3A_978 = arith.constant 512 : i32
          %dma_start3A_979 = arith.constant 0 : i32
          %dma_start3A_980 = tpu.memref_slice %arg8[%dma_start3A_978, %dma_start3A_979] : memref<1024x32xf32, #tpu.memory_space<vmem>> -> memref<128x32xf32, #tpu.memory_space<vmem>>
          %dma_start3A_981 = arith.constant 0 : i32
          %dma_start3A_982 = tpu.memref_slice %arg7[%add3A_977, %dma_start3A_981] : memref<128x128xi32, #tpu.memory_space<vmem>> -> memref<1x128xi32, #tpu.memory_space<vmem>>
          %dma_start3A_983 = tpu.memref_squeeze %dma_start3A_982 : memref<1x128xi32, #tpu.memory_space<vmem>> -> memref<128xi32, #tpu.memory_space<vmem>>
          %dma_start3A_984 = arith.constant 0 : i32
          %dma_start3A_985 = arith.constant 0 : i32
          %dma_start3A_986 = tpu.memref_slice %arg3[%dma_start3A_984, %dma_start3A_985] : memref<4000000x32xf32, #tpu.memory_space<hbm>> -> memref<4000000x32xf32, #tpu.memory_space<hbm>>
          tpu.enqueue_indirect_dma source(%dma_start3A_986 : memref<4000000x32xf32, #tpu.memory_space<hbm>>) target(%dma_start3A_980 : memref<128x32xf32, #tpu.memory_space<vmem>>) offsets(%dma_start3A_983 : memref<128xi32, #tpu.memory_space<vmem>>) semaphore(%arg12 : memref<!tpu.dma_semaphore, #tpu.memory_space<semaphore_mem>>)
          %mul3A_987 = arith.constant 8 : i32
          %mul3A_988 = arith.muli %add3A_921, %mul3A_987 : i32
          %add3A_989 = arith.constant 5 : i32
          %add3A_990 = arith.addi %mul3A_988, %add3A_989 : i32
          %dma_start3A_991 = arith.constant 640 : i32
          %dma_start3A_992 = arith.constant 0 : i32
          %dma_start3A_993 = tpu.memref_slice %arg8[%dma_start3A_991, %dma_start3A_992] : memref<1024x32xf32, #tpu.memory_space<vmem>> -> memref<128x32xf32, #tpu.memory_space<vmem>>
          %dma_start3A_994 = arith.constant 0 : i32
          %dma_start3A_995 = tpu.memref_slice %arg7[%add3A_990, %dma_start3A_994] : memref<128x128xi32, #tpu.memory_space<vmem>> -> memref<1x128xi32, #tpu.memory_space<vmem>>
          %dma_start3A_996 = tpu.memref_squeeze %dma_start3A_995 : memref<1x128xi32, #tpu.memory_space<vmem>> -> memref<128xi32, #tpu.memory_space<vmem>>
          %dma_start3A_997 = arith.constant 0 : i32
          %dma_start3A_998 = arith.constant 0 : i32
          %dma_start3A_999 = tpu.memref_slice %arg3[%dma_start3A_997, %dma_start3A_998] : memref<4000000x32xf32, #tpu.memory_space<hbm>> -> memref<4000000x32xf32, #tpu.memory_space<hbm>>
          tpu.enqueue_indirect_dma source(%dma_start3A_999 : memref<4000000x32xf32, #tpu.memory_space<hbm>>) target(%dma_start3A_993 : memref<128x32xf32, #tpu.memory_space<vmem>>) offsets(%dma_start3A_996 : memref<128xi32, #tpu.memory_space<vmem>>) semaphore(%arg12 : memref<!tpu.dma_semaphore, #tpu.memory_space<semaphore_mem>>)
          %mul3A_1000 = arith.constant 8 : i32
          %mul3A_1001 = arith.muli %add3A_921, %mul3A_1000 : i32
          %add3A_1002 = arith.constant 6 : i32
          %add3A_1003 = arith.addi %mul3A_1001, %add3A_1002 : i32
          %dma_start3A_1004 = arith.constant 768 : i32
          %dma_start3A_1005 = arith.constant 0 : i32
          %dma_start3A_1006 = tpu.memref_slice %arg8[%dma_start3A_1004, %dma_start3A_1005] : memref<1024x32xf32, #tpu.memory_space<vmem>> -> memref<128x32xf32, #tpu.memory_space<vmem>>
          %dma_start3A_1007 = arith.constant 0 : i32
          %dma_start3A_1008 = tpu.memref_slice %arg7[%add3A_1003, %dma_start3A_1007] : memref<128x128xi32, #tpu.memory_space<vmem>> -> memref<1x128xi32, #tpu.memory_space<vmem>>
          %dma_start3A_1009 = tpu.memref_squeeze %dma_start3A_1008 : memref<1x128xi32, #tpu.memory_space<vmem>> -> memref<128xi32, #tpu.memory_space<vmem>>
          %dma_start3A_1010 = arith.constant 0 : i32
          %dma_start3A_1011 = arith.constant 0 : i32
          %dma_start3A_1012 = tpu.memref_slice %arg3[%dma_start3A_1010, %dma_start3A_1011] : memref<4000000x32xf32, #tpu.memory_space<hbm>> -> memref<4000000x32xf32, #tpu.memory_space<hbm>>
          tpu.enqueue_indirect_dma source(%dma_start3A_1012 : memref<4000000x32xf32, #tpu.memory_space<hbm>>) target(%dma_start3A_1006 : memref<128x32xf32, #tpu.memory_space<vmem>>) offsets(%dma_start3A_1009 : memref<128xi32, #tpu.memory_space<vmem>>) semaphore(%arg12 : memref<!tpu.dma_semaphore, #tpu.memory_space<semaphore_mem>>)
          %mul3A_1013 = arith.constant 8 : i32
          %mul3A_1014 = arith.muli %add3A_921, %mul3A_1013 : i32
          %add3A_1015 = arith.constant 7 : i32
          %add3A_1016 = arith.addi %mul3A_1014, %add3A_1015 : i32
          %dma_start3A_1017 = arith.constant 896 : i32
          %dma_start3A_1018 = arith.constant 0 : i32
          %dma_start3A_1019 = tpu.memref_slice %arg8[%dma_start3A_1017, %dma_start3A_1018] : memref<1024x32xf32, #tpu.memory_space<vmem>> -> memref<128x32xf32, #tpu.memory_space<vmem>>
          %dma_start3A_1020 = arith.constant 0 : i32
          %dma_start3A_1021 = tpu.memref_slice %arg7[%add3A_1016, %dma_start3A_1020] : memref<128x128xi32, #tpu.memory_space<vmem>> -> memref<1x128xi32, #tpu.memory_space<vmem>>
          %dma_start3A_1022 = tpu.memref_squeeze %dma_start3A_1021 : memref<1x128xi32, #tpu.memory_space<vmem>> -> memref<128xi32, #tpu.memory_space<vmem>>
          %dma_start3A_1023 = arith.constant 0 : i32
          %dma_start3A_1024 = arith.constant 0 : i32
          %dma_start3A_1025 = tpu.memref_slice %arg3[%dma_start3A_1023, %dma_start3A_1024] : memref<4000000x32xf32, #tpu.memory_space<hbm>> -> memref<4000000x32xf32, #tpu.memory_space<hbm>>
          tpu.enqueue_indirect_dma source(%dma_start3A_1025 : memref<4000000x32xf32, #tpu.memory_space<hbm>>) target(%dma_start3A_1019 : memref<128x32xf32, #tpu.memory_space<vmem>>) offsets(%dma_start3A_1022 : memref<128xi32, #tpu.memory_space<vmem>>) semaphore(%arg12 : memref<!tpu.dma_semaphore, #tpu.memory_space<semaphore_mem>>)
        } else {
        }
        %dma_wait3A_897 = arith.constant 0 : i32
        %dma_wait3A_898 = arith.constant 0 : i32
        %dma_wait3A_899 = tpu.memref_slice %arg3[%dma_wait3A_897, %dma_wait3A_898] : memref<4000000x32xf32, #tpu.memory_space<hbm>> -> memref<1024x32xf32, #tpu.memory_space<hbm>>
        %dma_wait3A_900 = arith.constant 0 : i32
        %dma_wait3A_901 = arith.constant 0 : i32
        %dma_wait3A_902 = tpu.memref_slice %arg3[%dma_wait3A_900, %dma_wait3A_901] : memref<4000000x32xf32, #tpu.memory_space<hbm>> -> memref<1024x32xf32, #tpu.memory_space<hbm>>
        tpu.wait_dma2 semaphore(%arg13 : memref<!tpu.dma_semaphore, #tpu.memory_space<semaphore_mem>>) src(%dma_wait3A_902 : memref<1024x32xf32, #tpu.memory_space<hbm>>) dst(%arg8 : memref<1024x32xf32, #tpu.memory_space<vmem>>)
        %scan3A_903 = arith.constant 0 : i32
        %scan3A_904 = arith.constant 0 : i32
        %scan3A_905 = arith.constant 32 : i32
        %scan3A_906 = arith.addi %scan3A_904, %scan3A_905 : i32
        %scan3A_907 = arith.constant 1 : i32
        scf.for %scan3A_916 = %scan3A_904 to %scan3A_906 step %scan3A_907  : i32 {
          %mul3A_917 = arith.constant 32 : i32
          %mul3A_918 = arith.muli %scan3A_916, %mul3A_917 : i32
          %add3A_919 = arith.constant 0 : i32
          %add3A_920 = arith.addi %mul3A_918, %add3A_919 : i32
          %get3A_921 = arith.constant 0 : i32
          %get3A_922 = arith.index_cast %get3A_921 : i32 to index
          %get3A_923 = arith.constant 0 : index
          %get3A_924 = tpu.vector_load %arg10[%get3A_922, %get3A_923] {strides = array<i32>} : memref<32x32xf32, #tpu.memory_space<vmem>>, vector<1x16xf32>,
          %get3A_925 = vector.shape_cast %get3A_924 : vector<1x16xf32> to vector<16xf32>
          %swap3A_926 = arith.index_cast %add3A_920 : i32 to index
          %swap3A_927 = arith.constant 0 : index
          %swap3A_928 = tpu.vector_load %arg9[%swap3A_926, %swap3A_927] {strides = array<i32>} : memref<1024x32xf32, #tpu.memory_space<vmem>>, vector<1x16xf32>,
          %swap3A_929 = vector.shape_cast %swap3A_928 : vector<1x16xf32> to vector<16xf32>
          %swap3A_930 = vector.shape_cast %get3A_925 : vector<16xf32> to vector<1x16xf32>
          tpu.vector_store %arg9[%swap3A_926, %swap3A_927], %swap3A_930 {add = true, strides = array<i32>} : memref<1024x32xf32, #tpu.memory_space<vmem>>, vector<1x16xf32>,
          %mul3A_931 = arith.constant 32 : i32
          %mul3A_932 = arith.muli %scan3A_916, %mul3A_931 : i32
          %add3A_933 = arith.constant 0 : i32
          %add3A_934 = arith.addi %mul3A_932, %add3A_933 : i32
          %get3A_935 = arith.constant 0 : i32
          %get3A_936 = arith.index_cast %get3A_935 : i32 to index
          %get3A_937 = arith.constant 16 : index
          %get3A_938 = tpu.vector_load %arg10[%get3A_936, %get3A_937] {strides = array<i32>} : memref<32x32xf32, #tpu.memory_space<vmem>>, vector<1x16xf32>,
          %get3A_939 = vector.shape_cast %get3A_938 : vector<1x16xf32> to vector<16xf32>
          %swap3A_940 = arith.index_cast %add3A_934 : i32 to index
          %swap3A_941 = arith.constant 16 : index
          %swap3A_942 = tpu.vector_load %arg9[%swap3A_940, %swap3A_941] {strides = array<i32>} : memref<1024x32xf32, #tpu.memory_space<vmem>>, vector<1x16xf32>,
          %swap3A_943 = vector.shape_cast %swap3A_942 : vector<1x16xf32> to vector<16xf32>
          %swap3A_944 = vector.shape_cast %get3A_939 : vector<16xf32> to vector<1x16xf32>
          tpu.vector_store %arg9[%swap3A_940, %swap3A_941], %swap3A_944 {add = true, strides = array<i32>} : memref<1024x32xf32, #tpu.memory_space<vmem>>, vector<1x16xf32>,
          %mul3A_945 = arith.constant 32 : i32
          %mul3A_946 = arith.muli %scan3A_916, %mul3A_945 : i32
          %add3A_947 = arith.constant 1 : i32
          %add3A_948 = arith.addi %mul3A_946, %add3A_947 : i32
          %get3A_949 = arith.constant 1 : i32
          %get3A_950 = arith.index_cast %get3A_949 : i32 to index
          %get3A_951 = arith.constant 0 : index
          %get3A_952 = tpu.vector_load %arg10[%get3A_950, %get3A_951] {strides = array<i32>} : memref<32x32xf32, #tpu.memory_space<vmem>>, vector<1x16xf32>,
          %get3A_953 = vector.shape_cast %get3A_952 : vector<1x16xf32> to vector<16xf32>
          %swap3A_954 = arith.index_cast %add3A_948 : i32 to index
          %swap3A_955 = arith.constant 0 : index
          %swap3A_956 = tpu.vector_load %arg9[%swap3A_954, %swap3A_955] {strides = array<i32>} : memref<1024x32xf32, #tpu.memory_space<vmem>>, vector<1x16xf32>,
          %swap3A_957 = vector.shape_cast %swap3A_956 : vector<1x16xf32> to vector<16xf32>
          %swap3A_958 = vector.shape_cast %get3A_953 : vector<16xf32> to vector<1x16xf32>
          tpu.vector_store %arg9[%swap3A_954, %swap3A_955], %swap3A_958 {add = true, strides = array<i32>} : memref<1024x32xf32, #tpu.memory_space<vmem>>, vector<1x16xf32>,
          %mul3A_959 = arith.constant 32 : i32
          %mul3A_960 = arith.muli %scan3A_916, %mul3A_959 : i32
          %add3A_961 = arith.constant 1 : i32
          %add3A_962 = arith.addi %mul3A_960, %add3A_961 : i32
          %get3A_963 = arith.constant 1 : i32
          %get3A_964 = arith.index_cast %get3A_963 : i32 to index
          %get3A_965 = arith.constant 16 : index
          %get3A_966 = tpu.vector_load %arg10[%get3A_964, %get3A_965] {strides = array<i32>} : memref<32x32xf32, #tpu.memory_space<vmem>>, vector<1x16xf32>,
          %get3A_967 = vector.shape_cast %get3A_966 : vector<1x16xf32> to vector<16xf32>
          %swap3A_968 = arith.index_cast %add3A_962 : i32 to index
          %swap3A_969 = arith.constant 16 : index
          %swap3A_970 = tpu.vector_load %arg9[%swap3A_968, %swap3A_969] {strides = array<i32>} : memref<1024x32xf32, #tpu.memory_space<vmem>>, vector<1x16xf32>,
          %swap3A_971 = vector.shape_cast %swap3A_970 : vector<1x16xf32> to vector<16xf32>
          %swap3A_972 = vector.shape_cast %get3A_967 : vector<16xf32> to vector<1x16xf32>
          tpu.vector_store %arg9[%swap3A_968, %swap3A_969], %swap3A_972 {add = true, strides = array<i32>} : memref<1024x32xf32, #tpu.memory_space<vmem>>, vector<1x16xf32>,
          %mul3A_973 = arith.constant 32 : i32
          %mul3A_974 = arith.muli %scan3A_916, %mul3A_973 : i32
          %add3A_975 = arith.constant 2 : i32
          %add3A_976 = arith.addi %mul3A_974, %add3A_975 : i32
          %get3A_977 = arith.constant 2 : i32
          %get3A_978 = arith.index_cast %get3A_977 : i32 to index
          %get3A_979 = arith.constant 0 : index
          %get3A_980 = tpu.vector_load %arg10[%get3A_978, %get3A_979] {strides = array<i32>} : memref<32x32xf32, #tpu.memory_space<vmem>>, vector<1x16xf32>,
          %get3A_981 = vector.shape_cast %get3A_980 : vector<1x16xf32> to vector<16xf32>
          %swap3A_982 = arith.index_cast %add3A_976 : i32 to index
          %swap3A_983 = arith.constant 0 : index
          %swap3A_984 = tpu.vector_load %arg9[%swap3A_982, %swap3A_983] {strides = array<i32>} : memref<1024x32xf32, #tpu.memory_space<vmem>>, vector<1x16xf32>,
          %swap3A_985 = vector.shape_cast %swap3A_984 : vector<1x16xf32> to vector<16xf32>
          %swap3A_986 = vector.shape_cast %get3A_981 : vector<16xf32> to vector<1x16xf32>
          tpu.vector_store %arg9[%swap3A_982, %swap3A_983], %swap3A_986 {add = true, strides = array<i32>} : memref<1024x32xf32, #tpu.memory_space<vmem>>, vector<1x16xf32>,
          %mul3A_987 = arith.constant 32 : i32
          %mul3A_988 = arith.muli %scan3A_916, %mul3A_987 : i32
          %add3A_989 = arith.constant 2 : i32
          %add3A_990 = arith.addi %mul3A_988, %add3A_989 : i32
          %get3A_991 = arith.constant 2 : i32
          %get3A_992 = arith.index_cast %get3A_991 : i32 to index
          %get3A_993 = arith.constant 16 : index
          %get3A_994 = tpu.vector_load %arg10[%get3A_992, %get3A_993] {strides = array<i32>} : memref<32x32xf32, #tpu.memory_space<vmem>>, vector<1x16xf32>,
          %get3A_995 = vector.shape_cast %get3A_994 : vector<1x16xf32> to vector<16xf32>
          %swap3A_996 = arith.index_cast %add3A_990 : i32 to index
          %swap3A_997 = arith.constant 16 : index
          %swap3A_998 = tpu.vector_load %arg9[%swap3A_996, %swap3A_997] {strides = array<i32>} : memref<1024x32xf32, #tpu.memory_space<vmem>>, vector<1x16xf32>,
          %swap3A_999 = vector.shape_cast %swap3A_998 : vector<1x16xf32> to vector<16xf32>
          %swap3A_1000 = vector.shape_cast %get3A_995 : vector<16xf32> to vector<1x16xf32>
          tpu.vector_store %arg9[%swap3A_996, %swap3A_997], %swap3A_1000 {add = true, strides = array<i32>} : memref<1024x32xf32, #tpu.memory_space<vmem>>, vector<1x16xf32>,
          %mul3A_1001 = arith.constant 32 : i32
          %mul3A_1002 = arith.muli %scan3A_916, %mul3A_1001 : i32
          %add3A_1003 = arith.constant 3 : i32
          %add3A_1004 = arith.addi %mul3A_1002, %add3A_1003 : i32
          %get3A_1005 = arith.constant 3 : i32
          %get3A_1006 = arith.index_cast %get3A_1005 : i32 to index
          %get3A_1007 = arith.constant 0 : index
          %get3A_1008 = tpu.vector_load %arg10[%get3A_1006, %get3A_1007] {strides = array<i32>} : memref<32x32xf32, #tpu.memory_space<vmem>>, vector<1x16xf32>,
          %get3A_1009 = vector.shape_cast %get3A_1008 : vector<1x16xf32> to vector<16xf32>
          %swap3A_1010 = arith.index_cast %add3A_1004 : i32 to index
          %swap3A_1011 = arith.constant 0 : index
          %swap3A_1012 = tpu.vector_load %arg9[%swap3A_1010, %swap3A_1011] {strides = array<i32>} : memref<1024x32xf32, #tpu.memory_space<vmem>>, vector<1x16xf32>,
          %swap3A_1013 = vector.shape_cast %swap3A_1012 : vector<1x16xf32> to vector<16xf32>
          %swap3A_1014 = vector.shape_cast %get3A_1009 : vector<16xf32> to vector<1x16xf32>
          tpu.vector_store %arg9[%swap3A_1010, %swap3A_1011], %swap3A_1014 {add = true, strides = array<i32>} : memref<1024x32xf32, #tpu.memory_space<vmem>>, vector<1x16xf32>,
          %mul3A_1015 = arith.constant 32 : i32
          %mul3A_1016 = arith.muli %scan3A_916, %mul3A_1015 : i32
          %add3A_1017 = arith.constant 3 : i32
          %add3A_1018 = arith.addi %mul3A_1016, %add3A_1017 : i32
          %get3A_1019 = arith.constant 3 : i32
          %get3A_1020 = arith.index_cast %get3A_1019 : i32 to index
          %get3A_1021 = arith.constant 16 : index
          %get3A_1022 = tpu.vector_load %arg10[%get3A_1020, %get3A_1021] {strides = array<i32>} : memref<32x32xf32, #tpu.memory_space<vmem>>, vector<1x16xf32>,
          %get3A_1023 = vector.shape_cast %get3A_1022 : vector<1x16xf32> to vector<16xf32>
          %swap3A_1024 = arith.index_cast %add3A_1018 : i32 to index
          %swap3A_1025 = arith.constant 16 : index
          %swap3A_1026 = tpu.vector_load %arg9[%swap3A_1024, %swap3A_1025] {strides = array<i32>} : memref<1024x32xf32, #tpu.memory_space<vmem>>, vector<1x16xf32>,
          %swap3A_1027 = vector.shape_cast %swap3A_1026 : vector<1x16xf32> to vector<16xf32>
          %swap3A_1028 = vector.shape_cast %get3A_1023 : vector<16xf32> to vector<1x16xf32>
          tpu.vector_store %arg9[%swap3A_1024, %swap3A_1025], %swap3A_1028 {add = true, strides = array<i32>} : memref<1024x32xf32, #tpu.memory_space<vmem>>, vector<1x16xf32>,
          %mul3A_1029 = arith.constant 32 : i32
          %mul3A_1030 = arith.muli %scan3A_916, %mul3A_1029 : i32
          %add3A_1031 = arith.constant 4 : i32
          %add3A_1032 = arith.addi %mul3A_1030, %add3A_1031 : i32
          %get3A_1033 = arith.constant 4 : i32
          %get3A_1034 = arith.index_cast %get3A_1033 : i32 to index
          %get3A_1035 = arith.constant 0 : index
          %get3A_1036 = tpu.vector_load %arg10[%get3A_1034, %get3A_1035] {strides = array<i32>} : memref<32x32xf32, #tpu.memory_space<vmem>>, vector<1x16xf32>,
          %get3A_1037 = vector.shape_cast %get3A_1036 : vector<1x16xf32> to vector<16xf32>
          %swap3A_1038 = arith.index_cast %add3A_1032 : i32 to index
          %swap3A_1039 = arith.constant 0 : index
          %swap3A_1040 = tpu.vector_load %arg9[%swap3A_1038, %swap3A_1039] {strides = array<i32>} : memref<1024x32xf32, #tpu.memory_space<vmem>>, vector<1x16xf32>,
          %swap3A_1041 = vector.shape_cast %swap3A_1040 : vector<1x16xf32> to vector<16xf32>
          %swap3A_1042 = vector.shape_cast %get3A_1037 : vector<16xf32> to vector<1x16xf32>
          tpu.vector_store %arg9[%swap3A_1038, %swap3A_1039], %swap3A_1042 {add = true, strides = array<i32>} : memref<1024x32xf32, #tpu.memory_space<vmem>>, vector<1x16xf32>,
          %mul3A_1043 = arith.constant 32 : i32
          %mul3A_1044 = arith.muli %scan3A_916, %mul3A_1043 : i32
          %add3A_1045 = arith.constant 4 : i32
          %add3A_1046 = arith.addi %mul3A_1044, %add3A_1045 : i32
          %get3A_1047 = arith.constant 4 : i32
          %get3A_1048 = arith.index_cast %get3A_1047 : i32 to index
          %get3A_1049 = arith.constant 16 : index
          %get3A_1050 = tpu.vector_load %arg10[%get3A_1048, %get3A_1049] {strides = array<i32>} : memref<32x32xf32, #tpu.memory_space<vmem>>, vector<1x16xf32>,
          %get3A_1051 = vector.shape_cast %get3A_1050 : vector<1x16xf32> to vector<16xf32>
          %swap3A_1052 = arith.index_cast %add3A_1046 : i32 to index
          %swap3A_1053 = arith.constant 16 : index
          %swap3A_1054 = tpu.vector_load %arg9[%swap3A_1052, %swap3A_1053] {strides = array<i32>} : memref<1024x32xf32, #tpu.memory_space<vmem>>, vector<1x16xf32>,
          %swap3A_1055 = vector.shape_cast %swap3A_1054 : vector<1x16xf32> to vector<16xf32>
          %swap3A_1056 = vector.shape_cast %get3A_1051 : vector<16xf32> to vector<1x16xf32>
          tpu.vector_store %arg9[%swap3A_1052, %swap3A_1053], %swap3A_1056 {add = true, strides = array<i32>} : memref<1024x32xf32, #tpu.memory_space<vmem>>, vector<1x16xf32>,
          %mul3A_1057 = arith.constant 32 : i32
          %mul3A_1058 = arith.muli %scan3A_916, %mul3A_1057 : i32
          %add3A_1059 = arith.constant 5 : i32
          %add3A_1060 = arith.addi %mul3A_1058, %add3A_1059 : i32
          %get3A_1061 = arith.constant 5 : i32
          %get3A_1062 = arith.index_cast %get3A_1061 : i32 to index
          %get3A_1063 = arith.constant 0 : index
          %get3A_1064 = tpu.vector_load %arg10[%get3A_1062, %get3A_1063] {strides = array<i32>} : memref<32x32xf32, #tpu.memory_space<vmem>>, vector<1x16xf32>,
          %get3A_1065 = vector.shape_cast %get3A_1064 : vector<1x16xf32> to vector<16xf32>
          %swap3A_1066 = arith.index_cast %add3A_1060 : i32 to index
          %swap3A_1067 = arith.constant 0 : index
          %swap3A_1068 = tpu.vector_load %arg9[%swap3A_1066, %swap3A_1067] {strides = array<i32>} : memref<1024x32xf32, #tpu.memory_space<vmem>>, vector<1x16xf32>,
          %swap3A_1069 = vector.shape_cast %swap3A_1068 : vector<1x16xf32> to vector<16xf32>
          %swap3A_1070 = vector.shape_cast %get3A_1065 : vector<16xf32> to vector<1x16xf32>
          tpu.vector_store %arg9[%swap3A_1066, %swap3A_1067], %swap3A_1070 {add = true, strides = array<i32>} : memref<1024x32xf32, #tpu.memory_space<vmem>>, vector<1x16xf32>,
          %mul3A_1071 = arith.constant 32 : i32
          %mul3A_1072 = arith.muli %scan3A_916, %mul3A_1071 : i32
          %add3A_1073 = arith.constant 5 : i32
          %add3A_1074 = arith.addi %mul3A_1072, %add3A_1073 : i32
          %get3A_1075 = arith.constant 5 : i32
          %get3A_1076 = arith.index_cast %get3A_1075 : i32 to index
          %get3A_1077 = arith.constant 16 : index
          %get3A_1078 = tpu.vector_load %arg10[%get3A_1076, %get3A_1077] {strides = array<i32>} : memref<32x32xf32, #tpu.memory_space<vmem>>, vector<1x16xf32>,
          %get3A_1079 = vector.shape_cast %get3A_1078 : vector<1x16xf32> to vector<16xf32>
          %swap3A_1080 = arith.index_cast %add3A_1074 : i32 to index
          %swap3A_1081 = arith.constant 16 : index
          %swap3A_1082 = tpu.vector_load %arg9[%swap3A_1080, %swap3A_1081] {strides = array<i32>} : memref<1024x32xf32, #tpu.memory_space<vmem>>, vector<1x16xf32>,
          %swap3A_1083 = vector.shape_cast %swap3A_1082 : vector<1x16xf32> to vector<16xf32>
          %swap3A_1084 = vector.shape_cast %get3A_1079 : vector<16xf32> to vector<1x16xf32>
          tpu.vector_store %arg9[%swap3A_1080, %swap3A_1081], %swap3A_1084 {add = true, strides = array<i32>} : memref<1024x32xf32, #tpu.memory_space<vmem>>, vector<1x16xf32>,
          %mul3A_1085 = arith.constant 32 : i32
          %mul3A_1086 = arith.muli %scan3A_916, %mul3A_1085 : i32
          %add3A_1087 = arith.constant 6 : i32
          %add3A_1088 = arith.addi %mul3A_1086, %add3A_1087 : i32
          %get3A_1089 = arith.constant 6 : i32
          %get3A_1090 = arith.index_cast %get3A_1089 : i32 to index
          %get3A_1091 = arith.constant 0 : index
          %get3A_1092 = tpu.vector_load %arg10[%get3A_1090, %get3A_1091] {strides = array<i32>} : memref<32x32xf32, #tpu.memory_space<vmem>>, vector<1x16xf32>,
          %get3A_1093 = vector.shape_cast %get3A_1092 : vector<1x16xf32> to vector<16xf32>
          %swap3A_1094 = arith.index_cast %add3A_1088 : i32 to index
          %swap3A_1095 = arith.constant 0 : index
          %swap3A_1096 = tpu.vector_load %arg9[%swap3A_1094, %swap3A_1095] {strides = array<i32>} : memref<1024x32xf32, #tpu.memory_space<vmem>>, vector<1x16xf32>,
          %swap3A_1097 = vector.shape_cast %swap3A_1096 : vector<1x16xf32> to vector<16xf32>
          %swap3A_1098 = vector.shape_cast %get3A_1093 : vector<16xf32> to vector<1x16xf32>
          tpu.vector_store %arg9[%swap3A_1094, %swap3A_1095], %swap3A_1098 {add = true, strides = array<i32>} : memref<1024x32xf32, #tpu.memory_space<vmem>>, vector<1x16xf32>,
          %mul3A_1099 = arith.constant 32 : i32
          %mul3A_1100 = arith.muli %scan3A_916, %mul3A_1099 : i32
          %add3A_1101 = arith.constant 6 : i32
          %add3A_1102 = arith.addi %mul3A_1100, %add3A_1101 : i32
          %get3A_1103 = arith.constant 6 : i32
          %get3A_1104 = arith.index_cast %get3A_1103 : i32 to index
          %get3A_1105 = arith.constant 16 : index
          %get3A_1106 = tpu.vector_load %arg10[%get3A_1104, %get3A_1105] {strides = array<i32>} : memref<32x32xf32, #tpu.memory_space<vmem>>, vector<1x16xf32>,
          %get3A_1107 = vector.shape_cast %get3A_1106 : vector<1x16xf32> to vector<16xf32>
          %swap3A_1108 = arith.index_cast %add3A_1102 : i32 to index
          %swap3A_1109 = arith.constant 16 : index
          %swap3A_1110 = tpu.vector_load %arg9[%swap3A_1108, %swap3A_1109] {strides = array<i32>} : memref<1024x32xf32, #tpu.memory_space<vmem>>, vector<1x16xf32>,
          %swap3A_1111 = vector.shape_cast %swap3A_1110 : vector<1x16xf32> to vector<16xf32>
          %swap3A_1112 = vector.shape_cast %get3A_1107 : vector<16xf32> to vector<1x16xf32>
          tpu.vector_store %arg9[%swap3A_1108, %swap3A_1109], %swap3A_1112 {add = true, strides = array<i32>} : memref<1024x32xf32, #tpu.memory_space<vmem>>, vector<1x16xf32>,
          %mul3A_1113 = arith.constant 32 : i32
          %mul3A_1114 = arith.muli %scan3A_916, %mul3A_1113 : i32
          %add3A_1115 = arith.constant 7 : i32
          %add3A_1116 = arith.addi %mul3A_1114, %add3A_1115 : i32
          %get3A_1117 = arith.constant 7 : i32
          %get3A_1118 = arith.index_cast %get3A_1117 : i32 to index
          %get3A_1119 = arith.constant 0 : index
          %get3A_1120 = tpu.vector_load %arg10[%get3A_1118, %get3A_1119] {strides = array<i32>} : memref<32x32xf32, #tpu.memory_space<vmem>>, vector<1x16xf32>,
          %get3A_1121 = vector.shape_cast %get3A_1120 : vector<1x16xf32> to vector<16xf32>
          %swap3A_1122 = arith.index_cast %add3A_1116 : i32 to index
          %swap3A_1123 = arith.constant 0 : index
          %swap3A_1124 = tpu.vector_load %arg9[%swap3A_1122, %swap3A_1123] {strides = array<i32>} : memref<1024x32xf32, #tpu.memory_space<vmem>>, vector<1x16xf32>,
          %swap3A_1125 = vector.shape_cast %swap3A_1124 : vector<1x16xf32> to vector<16xf32>
          %swap3A_1126 = vector.shape_cast %get3A_1121 : vector<16xf32> to vector<1x16xf32>
          tpu.vector_store %arg9[%swap3A_1122, %swap3A_1123], %swap3A_1126 {add = true, strides = array<i32>} : memref<1024x32xf32, #tpu.memory_space<vmem>>, vector<1x16xf32>,
          %mul3A_1127 = arith.constant 32 : i32
          %mul3A_1128 = arith.muli %scan3A_916, %mul3A_1127 : i32
          %add3A_1129 = arith.constant 7 : i32
          %add3A_1130 = arith.addi %mul3A_1128, %add3A_1129 : i32
          %get3A_1131 = arith.constant 7 : i32
          %get3A_1132 = arith.index_cast %get3A_1131 : i32 to index
          %get3A_1133 = arith.constant 16 : index
          %get3A_1134 = tpu.vector_load %arg10[%get3A_1132, %get3A_1133] {strides = array<i32>} : memref<32x32xf32, #tpu.memory_space<vmem>>, vector<1x16xf32>,
          %get3A_1135 = vector.shape_cast %get3A_1134 : vector<1x16xf32> to vector<16xf32>
          %swap3A_1136 = arith.index_cast %add3A_1130 : i32 to index
          %swap3A_1137 = arith.constant 16 : index
          %swap3A_1138 = tpu.vector_load %arg9[%swap3A_1136, %swap3A_1137] {strides = array<i32>} : memref<1024x32xf32, #tpu.memory_space<vmem>>, vector<1x16xf32>,
          %swap3A_1139 = vector.shape_cast %swap3A_1138 : vector<1x16xf32> to vector<16xf32>
          %swap3A_1140 = vector.shape_cast %get3A_1135 : vector<16xf32> to vector<1x16xf32>
          tpu.vector_store %arg9[%swap3A_1136, %swap3A_1137], %swap3A_1140 {add = true, strides = array<i32>} : memref<1024x32xf32, #tpu.memory_space<vmem>>, vector<1x16xf32>,
          %mul3A_1141 = arith.constant 32 : i32
          %mul3A_1142 = arith.muli %scan3A_916, %mul3A_1141 : i32
          %add3A_1143 = arith.constant 8 : i32
          %add3A_1144 = arith.addi %mul3A_1142, %add3A_1143 : i32
          %get3A_1145 = arith.constant 8 : i32
          %get3A_1146 = arith.index_cast %get3A_1145 : i32 to index
          %get3A_1147 = arith.constant 0 : index
          %get3A_1148 = tpu.vector_load %arg10[%get3A_1146, %get3A_1147] {strides = array<i32>} : memref<32x32xf32, #tpu.memory_space<vmem>>, vector<1x16xf32>,
          %get3A_1149 = vector.shape_cast %get3A_1148 : vector<1x16xf32> to vector<16xf32>
          %swap3A_1150 = arith.index_cast %add3A_1144 : i32 to index
          %swap3A_1151 = arith.constant 0 : index
          %swap3A_1152 = tpu.vector_load %arg9[%swap3A_1150, %swap3A_1151] {strides = array<i32>} : memref<1024x32xf32, #tpu.memory_space<vmem>>, vector<1x16xf32>,
          %swap3A_1153 = vector.shape_cast %swap3A_1152 : vector<1x16xf32> to vector<16xf32>
          %swap3A_1154 = vector.shape_cast %get3A_1149 : vector<16xf32> to vector<1x16xf32>
          tpu.vector_store %arg9[%swap3A_1150, %swap3A_1151], %swap3A_1154 {add = true, strides = array<i32>} : memref<1024x32xf32, #tpu.memory_space<vmem>>, vector<1x16xf32>,
          %mul3A_1155 = arith.constant 32 : i32
          %mul3A_1156 = arith.muli %scan3A_916, %mul3A_1155 : i32
          %add3A_1157 = arith.constant 8 : i32
          %add3A_1158 = arith.addi %mul3A_1156, %add3A_1157 : i32
          %get3A_1159 = arith.constant 8 : i32
          %get3A_1160 = arith.index_cast %get3A_1159 : i32 to index
          %get3A_1161 = arith.constant 16 : index
          %get3A_1162 = tpu.vector_load %arg10[%get3A_1160, %get3A_1161] {strides = array<i32>} : memref<32x32xf32, #tpu.memory_space<vmem>>, vector<1x16xf32>,
          %get3A_1163 = vector.shape_cast %get3A_1162 : vector<1x16xf32> to vector<16xf32>
          %swap3A_1164 = arith.index_cast %add3A_1158 : i32 to index
          %swap3A_1165 = arith.constant 16 : index
          %swap3A_1166 = tpu.vector_load %arg9[%swap3A_1164, %swap3A_1165] {strides = array<i32>} : memref<1024x32xf32, #tpu.memory_space<vmem>>, vector<1x16xf32>,
          %swap3A_1167 = vector.shape_cast %swap3A_1166 : vector<1x16xf32> to vector<16xf32>
          %swap3A_1168 = vector.shape_cast %get3A_1163 : vector<16xf32> to vector<1x16xf32>
          tpu.vector_store %arg9[%swap3A_1164, %swap3A_1165], %swap3A_1168 {add = true, strides = array<i32>} : memref<1024x32xf32, #tpu.memory_space<vmem>>, vector<1x16xf32>,
          %mul3A_1169 = arith.constant 32 : i32
          %mul3A_1170 = arith.muli %scan3A_916, %mul3A_1169 : i32
          %add3A_1171 = arith.constant 9 : i32
          %add3A_1172 = arith.addi %mul3A_1170, %add3A_1171 : i32
          %get3A_1173 = arith.constant 9 : i32
          %get3A_1174 = arith.index_cast %get3A_1173 : i32 to index
          %get3A_1175 = arith.constant 0 : index
          %get3A_1176 = tpu.vector_load %arg10[%get3A_1174, %get3A_1175] {strides = array<i32>} : memref<32x32xf32, #tpu.memory_space<vmem>>, vector<1x16xf32>,
          %get3A_1177 = vector.shape_cast %get3A_1176 : vector<1x16xf32> to vector<16xf32>
          %swap3A_1178 = arith.index_cast %add3A_1172 : i32 to index
          %swap3A_1179 = arith.constant 0 : index
          %swap3A_1180 = tpu.vector_load %arg9[%swap3A_1178, %swap3A_1179] {strides = array<i32>} : memref<1024x32xf32, #tpu.memory_space<vmem>>, vector<1x16xf32>,
          %swap3A_1181 = vector.shape_cast %swap3A_1180 : vector<1x16xf32> to vector<16xf32>
          %swap3A_1182 = vector.shape_cast %get3A_1177 : vector<16xf32> to vector<1x16xf32>
          tpu.vector_store %arg9[%swap3A_1178, %swap3A_1179], %swap3A_1182 {add = true, strides = array<i32>} : memref<1024x32xf32, #tpu.memory_space<vmem>>, vector<1x16xf32>,
          %mul3A_1183 = arith.constant 32 : i32
          %mul3A_1184 = arith.muli %scan3A_916, %mul3A_1183 : i32
          %add3A_1185 = arith.constant 9 : i32
          %add3A_1186 = arith.addi %mul3A_1184, %add3A_1185 : i32
          %get3A_1187 = arith.constant 9 : i32
          %get3A_1188 = arith.index_cast %get3A_1187 : i32 to index
          %get3A_1189 = arith.constant 16 : index
          %get3A_1190 = tpu.vector_load %arg10[%get3A_1188, %get3A_1189] {strides = array<i32>} : memref<32x32xf32, #tpu.memory_space<vmem>>, vector<1x16xf32>,
          %get3A_1191 = vector.shape_cast %get3A_1190 : vector<1x16xf32> to vector<16xf32>
          %swap3A_1192 = arith.index_cast %add3A_1186 : i32 to index
          %swap3A_1193 = arith.constant 16 : index
          %swap3A_1194 = tpu.vector_load %arg9[%swap3A_1192, %swap3A_1193] {strides = array<i32>} : memref<1024x32xf32, #tpu.memory_space<vmem>>, vector<1x16xf32>,
          %swap3A_1195 = vector.shape_cast %swap3A_1194 : vector<1x16xf32> to vector<16xf32>
          %swap3A_1196 = vector.shape_cast %get3A_1191 : vector<16xf32> to vector<1x16xf32>
          tpu.vector_store %arg9[%swap3A_1192, %swap3A_1193], %swap3A_1196 {add = true, strides = array<i32>} : memref<1024x32xf32, #tpu.memory_space<vmem>>, vector<1x16xf32>,
          %mul3A_1197 = arith.constant 32 : i32
          %mul3A_1198 = arith.muli %scan3A_916, %mul3A_1197 : i32
          %add3A_1199 = arith.constant 10 : i32
          %add3A_1200 = arith.addi %mul3A_1198, %add3A_1199 : i32
          %get3A_1201 = arith.constant 10 : i32
          %get3A_1202 = arith.index_cast %get3A_1201 : i32 to index
          %get3A_1203 = arith.constant 0 : index
          %get3A_1204 = tpu.vector_load %arg10[%get3A_1202, %get3A_1203] {strides = array<i32>} : memref<32x32xf32, #tpu.memory_space<vmem>>, vector<1x16xf32>,
          %get3A_1205 = vector.shape_cast %get3A_1204 : vector<1x16xf32> to vector<16xf32>
          %swap3A_1206 = arith.index_cast %add3A_1200 : i32 to index
          %swap3A_1207 = arith.constant 0 : index
          %swap3A_1208 = tpu.vector_load %arg9[%swap3A_1206, %swap3A_1207] {strides = array<i32>} : memref<1024x32xf32, #tpu.memory_space<vmem>>, vector<1x16xf32>,
          %swap3A_1209 = vector.shape_cast %swap3A_1208 : vector<1x16xf32> to vector<16xf32>
          %swap3A_1210 = vector.shape_cast %get3A_1205 : vector<16xf32> to vector<1x16xf32>
          tpu.vector_store %arg9[%swap3A_1206, %swap3A_1207], %swap3A_1210 {add = true, strides = array<i32>} : memref<1024x32xf32, #tpu.memory_space<vmem>>, vector<1x16xf32>,
          %mul3A_1211 = arith.constant 32 : i32
          %mul3A_1212 = arith.muli %scan3A_916, %mul3A_1211 : i32
          %add3A_1213 = arith.constant 10 : i32
          %add3A_1214 = arith.addi %mul3A_1212, %add3A_1213 : i32
          %get3A_1215 = arith.constant 10 : i32
          %get3A_1216 = arith.index_cast %get3A_1215 : i32 to index
          %get3A_1217 = arith.constant 16 : index
          %get3A_1218 = tpu.vector_load %arg10[%get3A_1216, %get3A_1217] {strides = array<i32>} : memref<32x32xf32, #tpu.memory_space<vmem>>, vector<1x16xf32>,
          %get3A_1219 = vector.shape_cast %get3A_1218 : vector<1x16xf32> to vector<16xf32>
          %swap3A_1220 = arith.index_cast %add3A_1214 : i32 to index
          %swap3A_1221 = arith.constant 16 : index
          %swap3A_1222 = tpu.vector_load %arg9[%swap3A_1220, %swap3A_1221] {strides = array<i32>} : memref<1024x32xf32, #tpu.memory_space<vmem>>, vector<1x16xf32>,
          %swap3A_1223 = vector.shape_cast %swap3A_1222 : vector<1x16xf32> to vector<16xf32>
          %swap3A_1224 = vector.shape_cast %get3A_1219 : vector<16xf32> to vector<1x16xf32>
          tpu.vector_store %arg9[%swap3A_1220, %swap3A_1221], %swap3A_1224 {add = true, strides = array<i32>} : memref<1024x32xf32, #tpu.memory_space<vmem>>, vector<1x16xf32>,
          %mul3A_1225 = arith.constant 32 : i32
          %mul3A_1226 = arith.muli %scan3A_916, %mul3A_1225 : i32
          %add3A_1227 = arith.constant 11 : i32
          %add3A_1228 = arith.addi %mul3A_1226, %add3A_1227 : i32
          %get3A_1229 = arith.constant 11 : i32
          %get3A_1230 = arith.index_cast %get3A_1229 : i32 to index
          %get3A_1231 = arith.constant 0 : index
          %get3A_1232 = tpu.vector_load %arg10[%get3A_1230, %get3A_1231] {strides = array<i32>} : memref<32x32xf32, #tpu.memory_space<vmem>>, vector<1x16xf32>,
          %get3A_1233 = vector.shape_cast %get3A_1232 : vector<1x16xf32> to vector<16xf32>
          %swap3A_1234 = arith.index_cast %add3A_1228 : i32 to index
          %swap3A_1235 = arith.constant 0 : index
          %swap3A_1236 = tpu.vector_load %arg9[%swap3A_1234, %swap3A_1235] {strides = array<i32>} : memref<1024x32xf32, #tpu.memory_space<vmem>>, vector<1x16xf32>,
          %swap3A_1237 = vector.shape_cast %swap3A_1236 : vector<1x16xf32> to vector<16xf32>
          %swap3A_1238 = vector.shape_cast %get3A_1233 : vector<16xf32> to vector<1x16xf32>
          tpu.vector_store %arg9[%swap3A_1234, %swap3A_1235], %swap3A_1238 {add = true, strides = array<i32>} : memref<1024x32xf32, #tpu.memory_space<vmem>>, vector<1x16xf32>,
          %mul3A_1239 = arith.constant 32 : i32
          %mul3A_1240 = arith.muli %scan3A_916, %mul3A_1239 : i32
          %add3A_1241 = arith.constant 11 : i32
          %add3A_1242 = arith.addi %mul3A_1240, %add3A_1241 : i32
          %get3A_1243 = arith.constant 11 : i32
          %get3A_1244 = arith.index_cast %get3A_1243 : i32 to index
          %get3A_1245 = arith.constant 16 : index
          %get3A_1246 = tpu.vector_load %arg10[%get3A_1244, %get3A_1245] {strides = array<i32>} : memref<32x32xf32, #tpu.memory_space<vmem>>, vector<1x16xf32>,
          %get3A_1247 = vector.shape_cast %get3A_1246 : vector<1x16xf32> to vector<16xf32>
          %swap3A_1248 = arith.index_cast %add3A_1242 : i32 to index
          %swap3A_1249 = arith.constant 16 : index
          %swap3A_1250 = tpu.vector_load %arg9[%swap3A_1248, %swap3A_1249] {strides = array<i32>} : memref<1024x32xf32, #tpu.memory_space<vmem>>, vector<1x16xf32>,
          %swap3A_1251 = vector.shape_cast %swap3A_1250 : vector<1x16xf32> to vector<16xf32>
          %swap3A_1252 = vector.shape_cast %get3A_1247 : vector<16xf32> to vector<1x16xf32>
          tpu.vector_store %arg9[%swap3A_1248, %swap3A_1249], %swap3A_1252 {add = true, strides = array<i32>} : memref<1024x32xf32, #tpu.memory_space<vmem>>, vector<1x16xf32>,
          %mul3A_1253 = arith.constant 32 : i32
          %mul3A_1254 = arith.muli %scan3A_916, %mul3A_1253 : i32
          %add3A_1255 = arith.constant 12 : i32
          %add3A_1256 = arith.addi %mul3A_1254, %add3A_1255 : i32
          %get3A_1257 = arith.constant 12 : i32
          %get3A_1258 = arith.index_cast %get3A_1257 : i32 to index
          %get3A_1259 = arith.constant 0 : index
          %get3A_1260 = tpu.vector_load %arg10[%get3A_1258, %get3A_1259] {strides = array<i32>} : memref<32x32xf32, #tpu.memory_space<vmem>>, vector<1x16xf32>,
          %get3A_1261 = vector.shape_cast %get3A_1260 : vector<1x16xf32> to vector<16xf32>
          %swap3A_1262 = arith.index_cast %add3A_1256 : i32 to index
          %swap3A_1263 = arith.constant 0 : index
          %swap3A_1264 = tpu.vector_load %arg9[%swap3A_1262, %swap3A_1263] {strides = array<i32>} : memref<1024x32xf32, #tpu.memory_space<vmem>>, vector<1x16xf32>,
          %swap3A_1265 = vector.shape_cast %swap3A_1264 : vector<1x16xf32> to vector<16xf32>
          %swap3A_1266 = vector.shape_cast %get3A_1261 : vector<16xf32> to vector<1x16xf32>
          tpu.vector_store %arg9[%swap3A_1262, %swap3A_1263], %swap3A_1266 {add = true, strides = array<i32>} : memref<1024x32xf32, #tpu.memory_space<vmem>>, vector<1x16xf32>,
          %mul3A_1267 = arith.constant 32 : i32
          %mul3A_1268 = arith.muli %scan3A_916, %mul3A_1267 : i32
          %add3A_1269 = arith.constant 12 : i32
          %add3A_1270 = arith.addi %mul3A_1268, %add3A_1269 : i32
          %get3A_1271 = arith.constant 12 : i32
          %get3A_1272 = arith.index_cast %get3A_1271 : i32 to index
          %get3A_1273 = arith.constant 16 : index
          %get3A_1274 = tpu.vector_load %arg10[%get3A_1272, %get3A_1273] {strides = array<i32>} : memref<32x32xf32, #tpu.memory_space<vmem>>, vector<1x16xf32>,
          %get3A_1275 = vector.shape_cast %get3A_1274 : vector<1x16xf32> to vector<16xf32>
          %swap3A_1276 = arith.index_cast %add3A_1270 : i32 to index
          %swap3A_1277 = arith.constant 16 : index
          %swap3A_1278 = tpu.vector_load %arg9[%swap3A_1276, %swap3A_1277] {strides = array<i32>} : memref<1024x32xf32, #tpu.memory_space<vmem>>, vector<1x16xf32>,
          %swap3A_1279 = vector.shape_cast %swap3A_1278 : vector<1x16xf32> to vector<16xf32>
          %swap3A_1280 = vector.shape_cast %get3A_1275 : vector<16xf32> to vector<1x16xf32>
          tpu.vector_store %arg9[%swap3A_1276, %swap3A_1277], %swap3A_1280 {add = true, strides = array<i32>} : memref<1024x32xf32, #tpu.memory_space<vmem>>, vector<1x16xf32>,
          %mul3A_1281 = arith.constant 32 : i32
          %mul3A_1282 = arith.muli %scan3A_916, %mul3A_1281 : i32
          %add3A_1283 = arith.constant 13 : i32
          %add3A_1284 = arith.addi %mul3A_1282, %add3A_1283 : i32
          %get3A_1285 = arith.constant 13 : i32
          %get3A_1286 = arith.index_cast %get3A_1285 : i32 to index
          %get3A_1287 = arith.constant 0 : index
          %get3A_1288 = tpu.vector_load %arg10[%get3A_1286, %get3A_1287] {strides = array<i32>} : memref<32x32xf32, #tpu.memory_space<vmem>>, vector<1x16xf32>,
          %get3A_1289 = vector.shape_cast %get3A_1288 : vector<1x16xf32> to vector<16xf32>
          %swap3A_1290 = arith.index_cast %add3A_1284 : i32 to index
          %swap3A_1291 = arith.constant 0 : index
          %swap3A_1292 = tpu.vector_load %arg9[%swap3A_1290, %swap3A_1291] {strides = array<i32>} : memref<1024x32xf32, #tpu.memory_space<vmem>>, vector<1x16xf32>,
          %swap3A_1293 = vector.shape_cast %swap3A_1292 : vector<1x16xf32> to vector<16xf32>
          %swap3A_1294 = vector.shape_cast %get3A_1289 : vector<16xf32> to vector<1x16xf32>
          tpu.vector_store %arg9[%swap3A_1290, %swap3A_1291], %swap3A_1294 {add = true, strides = array<i32>} : memref<1024x32xf32, #tpu.memory_space<vmem>>, vector<1x16xf32>,
          %mul3A_1295 = arith.constant 32 : i32
          %mul3A_1296 = arith.muli %scan3A_916, %mul3A_1295 : i32
          %add3A_1297 = arith.constant 13 : i32
          %add3A_1298 = arith.addi %mul3A_1296, %add3A_1297 : i32
          %get3A_1299 = arith.constant 13 : i32
          %get3A_1300 = arith.index_cast %get3A_1299 : i32 to index
          %get3A_1301 = arith.constant 16 : index
          %get3A_1302 = tpu.vector_load %arg10[%get3A_1300, %get3A_1301] {strides = array<i32>} : memref<32x32xf32, #tpu.memory_space<vmem>>, vector<1x16xf32>,
          %get3A_1303 = vector.shape_cast %get3A_1302 : vector<1x16xf32> to vector<16xf32>
          %swap3A_1304 = arith.index_cast %add3A_1298 : i32 to index
          %swap3A_1305 = arith.constant 16 : index
          %swap3A_1306 = tpu.vector_load %arg9[%swap3A_1304, %swap3A_1305] {strides = array<i32>} : memref<1024x32xf32, #tpu.memory_space<vmem>>, vector<1x16xf32>,
          %swap3A_1307 = vector.shape_cast %swap3A_1306 : vector<1x16xf32> to vector<16xf32>
          %swap3A_1308 = vector.shape_cast %get3A_1303 : vector<16xf32> to vector<1x16xf32>
          tpu.vector_store %arg9[%swap3A_1304, %swap3A_1305], %swap3A_1308 {add = true, strides = array<i32>} : memref<1024x32xf32, #tpu.memory_space<vmem>>, vector<1x16xf32>,
          %mul3A_1309 = arith.constant 32 : i32
          %mul3A_1310 = arith.muli %scan3A_916, %mul3A_1309 : i32
          %add3A_1311 = arith.constant 14 : i32
          %add3A_1312 = arith.addi %mul3A_1310, %add3A_1311 : i32
          %get3A_1313 = arith.constant 14 : i32
          %get3A_1314 = arith.index_cast %get3A_1313 : i32 to index
          %get3A_1315 = arith.constant 0 : index
          %get3A_1316 = tpu.vector_load %arg10[%get3A_1314, %get3A_1315] {strides = array<i32>} : memref<32x32xf32, #tpu.memory_space<vmem>>, vector<1x16xf32>,
          %get3A_1317 = vector.shape_cast %get3A_1316 : vector<1x16xf32> to vector<16xf32>
          %swap3A_1318 = arith.index_cast %add3A_1312 : i32 to index
          %swap3A_1319 = arith.constant 0 : index
          %swap3A_1320 = tpu.vector_load %arg9[%swap3A_1318, %swap3A_1319] {strides = array<i32>} : memref<1024x32xf32, #tpu.memory_space<vmem>>, vector<1x16xf32>,
          %swap3A_1321 = vector.shape_cast %swap3A_1320 : vector<1x16xf32> to vector<16xf32>
          %swap3A_1322 = vector.shape_cast %get3A_1317 : vector<16xf32> to vector<1x16xf32>
          tpu.vector_store %arg9[%swap3A_1318, %swap3A_1319], %swap3A_1322 {add = true, strides = array<i32>} : memref<1024x32xf32, #tpu.memory_space<vmem>>, vector<1x16xf32>,
          %mul3A_1323 = arith.constant 32 : i32
          %mul3A_1324 = arith.muli %scan3A_916, %mul3A_1323 : i32
          %add3A_1325 = arith.constant 14 : i32
          %add3A_1326 = arith.addi %mul3A_1324, %add3A_1325 : i32
          %get3A_1327 = arith.constant 14 : i32
          %get3A_1328 = arith.index_cast %get3A_1327 : i32 to index
          %get3A_1329 = arith.constant 16 : index
          %get3A_1330 = tpu.vector_load %arg10[%get3A_1328, %get3A_1329] {strides = array<i32>} : memref<32x32xf32, #tpu.memory_space<vmem>>, vector<1x16xf32>,
          %get3A_1331 = vector.shape_cast %get3A_1330 : vector<1x16xf32> to vector<16xf32>
          %swap3A_1332 = arith.index_cast %add3A_1326 : i32 to index
          %swap3A_1333 = arith.constant 16 : index
          %swap3A_1334 = tpu.vector_load %arg9[%swap3A_1332, %swap3A_1333] {strides = array<i32>} : memref<1024x32xf32, #tpu.memory_space<vmem>>, vector<1x16xf32>,
          %swap3A_1335 = vector.shape_cast %swap3A_1334 : vector<1x16xf32> to vector<16xf32>
          %swap3A_1336 = vector.shape_cast %get3A_1331 : vector<16xf32> to vector<1x16xf32>
          tpu.vector_store %arg9[%swap3A_1332, %swap3A_1333], %swap3A_1336 {add = true, strides = array<i32>} : memref<1024x32xf32, #tpu.memory_space<vmem>>, vector<1x16xf32>,
          %mul3A_1337 = arith.constant 32 : i32
          %mul3A_1338 = arith.muli %scan3A_916, %mul3A_1337 : i32
          %add3A_1339 = arith.constant 15 : i32
          %add3A_1340 = arith.addi %mul3A_1338, %add3A_1339 : i32
          %get3A_1341 = arith.constant 15 : i32
          %get3A_1342 = arith.index_cast %get3A_1341 : i32 to index
          %get3A_1343 = arith.constant 0 : index
          %get3A_1344 = tpu.vector_load %arg10[%get3A_1342, %get3A_1343] {strides = array<i32>} : memref<32x32xf32, #tpu.memory_space<vmem>>, vector<1x16xf32>,
          %get3A_1345 = vector.shape_cast %get3A_1344 : vector<1x16xf32> to vector<16xf32>
          %swap3A_1346 = arith.index_cast %add3A_1340 : i32 to index
          %swap3A_1347 = arith.constant 0 : index
          %swap3A_1348 = tpu.vector_load %arg9[%swap3A_1346, %swap3A_1347] {strides = array<i32>} : memref<1024x32xf32, #tpu.memory_space<vmem>>, vector<1x16xf32>,
          %swap3A_1349 = vector.shape_cast %swap3A_1348 : vector<1x16xf32> to vector<16xf32>
          %swap3A_1350 = vector.shape_cast %get3A_1345 : vector<16xf32> to vector<1x16xf32>
          tpu.vector_store %arg9[%swap3A_1346, %swap3A_1347], %swap3A_1350 {add = true, strides = array<i32>} : memref<1024x32xf32, #tpu.memory_space<vmem>>, vector<1x16xf32>,
          %mul3A_1351 = arith.constant 32 : i32
          %mul3A_1352 = arith.muli %scan3A_916, %mul3A_1351 : i32
          %add3A_1353 = arith.constant 15 : i32
          %add3A_1354 = arith.addi %mul3A_1352, %add3A_1353 : i32
          %get3A_1355 = arith.constant 15 : i32
          %get3A_1356 = arith.index_cast %get3A_1355 : i32 to index
          %get3A_1357 = arith.constant 16 : index
          %get3A_1358 = tpu.vector_load %arg10[%get3A_1356, %get3A_1357] {strides = array<i32>} : memref<32x32xf32, #tpu.memory_space<vmem>>, vector<1x16xf32>,
          %get3A_1359 = vector.shape_cast %get3A_1358 : vector<1x16xf32> to vector<16xf32>
          %swap3A_1360 = arith.index_cast %add3A_1354 : i32 to index
          %swap3A_1361 = arith.constant 16 : index
          %swap3A_1362 = tpu.vector_load %arg9[%swap3A_1360, %swap3A_1361] {strides = array<i32>} : memref<1024x32xf32, #tpu.memory_space<vmem>>, vector<1x16xf32>,
          %swap3A_1363 = vector.shape_cast %swap3A_1362 : vector<1x16xf32> to vector<16xf32>
          %swap3A_1364 = vector.shape_cast %get3A_1359 : vector<16xf32> to vector<1x16xf32>
          tpu.vector_store %arg9[%swap3A_1360, %swap3A_1361], %swap3A_1364 {add = true, strides = array<i32>} : memref<1024x32xf32, #tpu.memory_space<vmem>>, vector<1x16xf32>,
          %mul3A_1365 = arith.constant 32 : i32
          %mul3A_1366 = arith.muli %scan3A_916, %mul3A_1365 : i32
          %add3A_1367 = arith.constant 16 : i32
          %add3A_1368 = arith.addi %mul3A_1366, %add3A_1367 : i32
          %get3A_1369 = arith.constant 16 : i32
          %get3A_1370 = arith.index_cast %get3A_1369 : i32 to index
          %get3A_1371 = arith.constant 0 : index
          %get3A_1372 = tpu.vector_load %arg10[%get3A_1370, %get3A_1371] {strides = array<i32>} : memref<32x32xf32, #tpu.memory_space<vmem>>, vector<1x16xf32>,
          %get3A_1373 = vector.shape_cast %get3A_1372 : vector<1x16xf32> to vector<16xf32>
          %swap3A_1374 = arith.index_cast %add3A_1368 : i32 to index
          %swap3A_1375 = arith.constant 0 : index
          %swap3A_1376 = tpu.vector_load %arg9[%swap3A_1374, %swap3A_1375] {strides = array<i32>} : memref<1024x32xf32, #tpu.memory_space<vmem>>, vector<1x16xf32>,
          %swap3A_1377 = vector.shape_cast %swap3A_1376 : vector<1x16xf32> to vector<16xf32>
          %swap3A_1378 = vector.shape_cast %get3A_1373 : vector<16xf32> to vector<1x16xf32>
          tpu.vector_store %arg9[%swap3A_1374, %swap3A_1375], %swap3A_1378 {add = true, strides = array<i32>} : memref<1024x32xf32, #tpu.memory_space<vmem>>, vector<1x16xf32>,
          %mul3A_1379 = arith.constant 32 : i32
          %mul3A_1380 = arith.muli %scan3A_916, %mul3A_1379 : i32
          %add3A_1381 = arith.constant 16 : i32
          %add3A_1382 = arith.addi %mul3A_1380, %add3A_1381 : i32
          %get3A_1383 = arith.constant 16 : i32
          %get3A_1384 = arith.index_cast %get3A_1383 : i32 to index
          %get3A_1385 = arith.constant 16 : index
          %get3A_1386 = tpu.vector_load %arg10[%get3A_1384, %get3A_1385] {strides = array<i32>} : memref<32x32xf32, #tpu.memory_space<vmem>>, vector<1x16xf32>,
          %get3A_1387 = vector.shape_cast %get3A_1386 : vector<1x16xf32> to vector<16xf32>
          %swap3A_1388 = arith.index_cast %add3A_1382 : i32 to index
          %swap3A_1389 = arith.constant 16 : index
          %swap3A_1390 = tpu.vector_load %arg9[%swap3A_1388, %swap3A_1389] {strides = array<i32>} : memref<1024x32xf32, #tpu.memory_space<vmem>>, vector<1x16xf32>,
          %swap3A_1391 = vector.shape_cast %swap3A_1390 : vector<1x16xf32> to vector<16xf32>
          %swap3A_1392 = vector.shape_cast %get3A_1387 : vector<16xf32> to vector<1x16xf32>
          tpu.vector_store %arg9[%swap3A_1388, %swap3A_1389], %swap3A_1392 {add = true, strides = array<i32>} : memref<1024x32xf32, #tpu.memory_space<vmem>>, vector<1x16xf32>,
          %mul3A_1393 = arith.constant 32 : i32
          %mul3A_1394 = arith.muli %scan3A_916, %mul3A_1393 : i32
          %add3A_1395 = arith.constant 17 : i32
          %add3A_1396 = arith.addi %mul3A_1394, %add3A_1395 : i32
          %get3A_1397 = arith.constant 17 : i32
          %get3A_1398 = arith.index_cast %get3A_1397 : i32 to index
          %get3A_1399 = arith.constant 0 : index
          %get3A_1400 = tpu.vector_load %arg10[%get3A_1398, %get3A_1399] {strides = array<i32>} : memref<32x32xf32, #tpu.memory_space<vmem>>, vector<1x16xf32>,
          %get3A_1401 = vector.shape_cast %get3A_1400 : vector<1x16xf32> to vector<16xf32>
          %swap3A_1402 = arith.index_cast %add3A_1396 : i32 to index
          %swap3A_1403 = arith.constant 0 : index
          %swap3A_1404 = tpu.vector_load %arg9[%swap3A_1402, %swap3A_1403] {strides = array<i32>} : memref<1024x32xf32, #tpu.memory_space<vmem>>, vector<1x16xf32>,
          %swap3A_1405 = vector.shape_cast %swap3A_1404 : vector<1x16xf32> to vector<16xf32>
          %swap3A_1406 = vector.shape_cast %get3A_1401 : vector<16xf32> to vector<1x16xf32>
          tpu.vector_store %arg9[%swap3A_1402, %swap3A_1403], %swap3A_1406 {add = true, strides = array<i32>} : memref<1024x32xf32, #tpu.memory_space<vmem>>, vector<1x16xf32>,
          %mul3A_1407 = arith.constant 32 : i32
          %mul3A_1408 = arith.muli %scan3A_916, %mul3A_1407 : i32
          %add3A_1409 = arith.constant 17 : i32
          %add3A_1410 = arith.addi %mul3A_1408, %add3A_1409 : i32
          %get3A_1411 = arith.constant 17 : i32
          %get3A_1412 = arith.index_cast %get3A_1411 : i32 to index
          %get3A_1413 = arith.constant 16 : index
          %get3A_1414 = tpu.vector_load %arg10[%get3A_1412, %get3A_1413] {strides = array<i32>} : memref<32x32xf32, #tpu.memory_space<vmem>>, vector<1x16xf32>,
          %get3A_1415 = vector.shape_cast %get3A_1414 : vector<1x16xf32> to vector<16xf32>
          %swap3A_1416 = arith.index_cast %add3A_1410 : i32 to index
          %swap3A_1417 = arith.constant 16 : index
          %swap3A_1418 = tpu.vector_load %arg9[%swap3A_1416, %swap3A_1417] {strides = array<i32>} : memref<1024x32xf32, #tpu.memory_space<vmem>>, vector<1x16xf32>,
          %swap3A_1419 = vector.shape_cast %swap3A_1418 : vector<1x16xf32> to vector<16xf32>
          %swap3A_1420 = vector.shape_cast %get3A_1415 : vector<16xf32> to vector<1x16xf32>
          tpu.vector_store %arg9[%swap3A_1416, %swap3A_1417], %swap3A_1420 {add = true, strides = array<i32>} : memref<1024x32xf32, #tpu.memory_space<vmem>>, vector<1x16xf32>,
          %mul3A_1421 = arith.constant 32 : i32
          %mul3A_1422 = arith.muli %scan3A_916, %mul3A_1421 : i32
          %add3A_1423 = arith.constant 18 : i32
          %add3A_1424 = arith.addi %mul3A_1422, %add3A_1423 : i32
          %get3A_1425 = arith.constant 18 : i32
          %get3A_1426 = arith.index_cast %get3A_1425 : i32 to index
          %get3A_1427 = arith.constant 0 : index
          %get3A_1428 = tpu.vector_load %arg10[%get3A_1426, %get3A_1427] {strides = array<i32>} : memref<32x32xf32, #tpu.memory_space<vmem>>, vector<1x16xf32>,
          %get3A_1429 = vector.shape_cast %get3A_1428 : vector<1x16xf32> to vector<16xf32>
          %swap3A_1430 = arith.index_cast %add3A_1424 : i32 to index
          %swap3A_1431 = arith.constant 0 : index
          %swap3A_1432 = tpu.vector_load %arg9[%swap3A_1430, %swap3A_1431] {strides = array<i32>} : memref<1024x32xf32, #tpu.memory_space<vmem>>, vector<1x16xf32>,
          %swap3A_1433 = vector.shape_cast %swap3A_1432 : vector<1x16xf32> to vector<16xf32>
          %swap3A_1434 = vector.shape_cast %get3A_1429 : vector<16xf32> to vector<1x16xf32>
          tpu.vector_store %arg9[%swap3A_1430, %swap3A_1431], %swap3A_1434 {add = true, strides = array<i32>} : memref<1024x32xf32, #tpu.memory_space<vmem>>, vector<1x16xf32>,
          %mul3A_1435 = arith.constant 32 : i32
          %mul3A_1436 = arith.muli %scan3A_916, %mul3A_1435 : i32
          %add3A_1437 = arith.constant 18 : i32
          %add3A_1438 = arith.addi %mul3A_1436, %add3A_1437 : i32
          %get3A_1439 = arith.constant 18 : i32
          %get3A_1440 = arith.index_cast %get3A_1439 : i32 to index
          %get3A_1441 = arith.constant 16 : index
          %get3A_1442 = tpu.vector_load %arg10[%get3A_1440, %get3A_1441] {strides = array<i32>} : memref<32x32xf32, #tpu.memory_space<vmem>>, vector<1x16xf32>,
          %get3A_1443 = vector.shape_cast %get3A_1442 : vector<1x16xf32> to vector<16xf32>
          %swap3A_1444 = arith.index_cast %add3A_1438 : i32 to index
          %swap3A_1445 = arith.constant 16 : index
          %swap3A_1446 = tpu.vector_load %arg9[%swap3A_1444, %swap3A_1445] {strides = array<i32>} : memref<1024x32xf32, #tpu.memory_space<vmem>>, vector<1x16xf32>,
          %swap3A_1447 = vector.shape_cast %swap3A_1446 : vector<1x16xf32> to vector<16xf32>
          %swap3A_1448 = vector.shape_cast %get3A_1443 : vector<16xf32> to vector<1x16xf32>
          tpu.vector_store %arg9[%swap3A_1444, %swap3A_1445], %swap3A_1448 {add = true, strides = array<i32>} : memref<1024x32xf32, #tpu.memory_space<vmem>>, vector<1x16xf32>,
          %mul3A_1449 = arith.constant 32 : i32
          %mul3A_1450 = arith.muli %scan3A_916, %mul3A_1449 : i32
          %add3A_1451 = arith.constant 19 : i32
          %add3A_1452 = arith.addi %mul3A_1450, %add3A_1451 : i32
          %get3A_1453 = arith.constant 19 : i32
          %get3A_1454 = arith.index_cast %get3A_1453 : i32 to index
          %get3A_1455 = arith.constant 0 : index
          %get3A_1456 = tpu.vector_load %arg10[%get3A_1454, %get3A_1455] {strides = array<i32>} : memref<32x32xf32, #tpu.memory_space<vmem>>, vector<1x16xf32>,
          %get3A_1457 = vector.shape_cast %get3A_1456 : vector<1x16xf32> to vector<16xf32>
          %swap3A_1458 = arith.index_cast %add3A_1452 : i32 to index
          %swap3A_1459 = arith.constant 0 : index
          %swap3A_1460 = tpu.vector_load %arg9[%swap3A_1458, %swap3A_1459] {strides = array<i32>} : memref<1024x32xf32, #tpu.memory_space<vmem>>, vector<1x16xf32>,
          %swap3A_1461 = vector.shape_cast %swap3A_1460 : vector<1x16xf32> to vector<16xf32>
          %swap3A_1462 = vector.shape_cast %get3A_1457 : vector<16xf32> to vector<1x16xf32>
          tpu.vector_store %arg9[%swap3A_1458, %swap3A_1459], %swap3A_1462 {add = true, strides = array<i32>} : memref<1024x32xf32, #tpu.memory_space<vmem>>, vector<1x16xf32>,
          %mul3A_1463 = arith.constant 32 : i32
          %mul3A_1464 = arith.muli %scan3A_916, %mul3A_1463 : i32
          %add3A_1465 = arith.constant 19 : i32
          %add3A_1466 = arith.addi %mul3A_1464, %add3A_1465 : i32
          %get3A_1467 = arith.constant 19 : i32
          %get3A_1468 = arith.index_cast %get3A_1467 : i32 to index
          %get3A_1469 = arith.constant 16 : index
          %get3A_1470 = tpu.vector_load %arg10[%get3A_1468, %get3A_1469] {strides = array<i32>} : memref<32x32xf32, #tpu.memory_space<vmem>>, vector<1x16xf32>,
          %get3A_1471 = vector.shape_cast %get3A_1470 : vector<1x16xf32> to vector<16xf32>
          %swap3A_1472 = arith.index_cast %add3A_1466 : i32 to index
          %swap3A_1473 = arith.constant 16 : index
          %swap3A_1474 = tpu.vector_load %arg9[%swap3A_1472, %swap3A_1473] {strides = array<i32>} : memref<1024x32xf32, #tpu.memory_space<vmem>>, vector<1x16xf32>,
          %swap3A_1475 = vector.shape_cast %swap3A_1474 : vector<1x16xf32> to vector<16xf32>
          %swap3A_1476 = vector.shape_cast %get3A_1471 : vector<16xf32> to vector<1x16xf32>
          tpu.vector_store %arg9[%swap3A_1472, %swap3A_1473], %swap3A_1476 {add = true, strides = array<i32>} : memref<1024x32xf32, #tpu.memory_space<vmem>>, vector<1x16xf32>,
          %mul3A_1477 = arith.constant 32 : i32
          %mul3A_1478 = arith.muli %scan3A_916, %mul3A_1477 : i32
          %add3A_1479 = arith.constant 20 : i32
          %add3A_1480 = arith.addi %mul3A_1478, %add3A_1479 : i32
          %get3A_1481 = arith.constant 20 : i32
          %get3A_1482 = arith.index_cast %get3A_1481 : i32 to index
          %get3A_1483 = arith.constant 0 : index
          %get3A_1484 = tpu.vector_load %arg10[%get3A_1482, %get3A_1483] {strides = array<i32>} : memref<32x32xf32, #tpu.memory_space<vmem>>, vector<1x16xf32>,
          %get3A_1485 = vector.shape_cast %get3A_1484 : vector<1x16xf32> to vector<16xf32>
          %swap3A_1486 = arith.index_cast %add3A_1480 : i32 to index
          %swap3A_1487 = arith.constant 0 : index
          %swap3A_1488 = tpu.vector_load %arg9[%swap3A_1486, %swap3A_1487] {strides = array<i32>} : memref<1024x32xf32, #tpu.memory_space<vmem>>, vector<1x16xf32>,
          %swap3A_1489 = vector.shape_cast %swap3A_1488 : vector<1x16xf32> to vector<16xf32>
          %swap3A_1490 = vector.shape_cast %get3A_1485 : vector<16xf32> to vector<1x16xf32>
          tpu.vector_store %arg9[%swap3A_1486, %swap3A_1487], %swap3A_1490 {add = true, strides = array<i32>} : memref<1024x32xf32, #tpu.memory_space<vmem>>, vector<1x16xf32>,
          %mul3A_1491 = arith.constant 32 : i32
          %mul3A_1492 = arith.muli %scan3A_916, %mul3A_1491 : i32
          %add3A_1493 = arith.constant 20 : i32
          %add3A_1494 = arith.addi %mul3A_1492, %add3A_1493 : i32
          %get3A_1495 = arith.constant 20 : i32
          %get3A_1496 = arith.index_cast %get3A_1495 : i32 to index
          %get3A_1497 = arith.constant 16 : index
          %get3A_1498 = tpu.vector_load %arg10[%get3A_1496, %get3A_1497] {strides = array<i32>} : memref<32x32xf32, #tpu.memory_space<vmem>>, vector<1x16xf32>,
          %get3A_1499 = vector.shape_cast %get3A_1498 : vector<1x16xf32> to vector<16xf32>
          %swap3A_1500 = arith.index_cast %add3A_1494 : i32 to index
          %swap3A_1501 = arith.constant 16 : index
          %swap3A_1502 = tpu.vector_load %arg9[%swap3A_1500, %swap3A_1501] {strides = array<i32>} : memref<1024x32xf32, #tpu.memory_space<vmem>>, vector<1x16xf32>,
          %swap3A_1503 = vector.shape_cast %swap3A_1502 : vector<1x16xf32> to vector<16xf32>
          %swap3A_1504 = vector.shape_cast %get3A_1499 : vector<16xf32> to vector<1x16xf32>
          tpu.vector_store %arg9[%swap3A_1500, %swap3A_1501], %swap3A_1504 {add = true, strides = array<i32>} : memref<1024x32xf32, #tpu.memory_space<vmem>>, vector<1x16xf32>,
          %mul3A_1505 = arith.constant 32 : i32
          %mul3A_1506 = arith.muli %scan3A_916, %mul3A_1505 : i32
          %add3A_1507 = arith.constant 21 : i32
          %add3A_1508 = arith.addi %mul3A_1506, %add3A_1507 : i32
          %get3A_1509 = arith.constant 21 : i32
          %get3A_1510 = arith.index_cast %get3A_1509 : i32 to index
          %get3A_1511 = arith.constant 0 : index
          %get3A_1512 = tpu.vector_load %arg10[%get3A_1510, %get3A_1511] {strides = array<i32>} : memref<32x32xf32, #tpu.memory_space<vmem>>, vector<1x16xf32>,
          %get3A_1513 = vector.shape_cast %get3A_1512 : vector<1x16xf32> to vector<16xf32>
          %swap3A_1514 = arith.index_cast %add3A_1508 : i32 to index
          %swap3A_1515 = arith.constant 0 : index
          %swap3A_1516 = tpu.vector_load %arg9[%swap3A_1514, %swap3A_1515] {strides = array<i32>} : memref<1024x32xf32, #tpu.memory_space<vmem>>, vector<1x16xf32>,
          %swap3A_1517 = vector.shape_cast %swap3A_1516 : vector<1x16xf32> to vector<16xf32>
          %swap3A_1518 = vector.shape_cast %get3A_1513 : vector<16xf32> to vector<1x16xf32>
          tpu.vector_store %arg9[%swap3A_1514, %swap3A_1515], %swap3A_1518 {add = true, strides = array<i32>} : memref<1024x32xf32, #tpu.memory_space<vmem>>, vector<1x16xf32>,
          %mul3A_1519 = arith.constant 32 : i32
          %mul3A_1520 = arith.muli %scan3A_916, %mul3A_1519 : i32
          %add3A_1521 = arith.constant 21 : i32
          %add3A_1522 = arith.addi %mul3A_1520, %add3A_1521 : i32
          %get3A_1523 = arith.constant 21 : i32
          %get3A_1524 = arith.index_cast %get3A_1523 : i32 to index
          %get3A_1525 = arith.constant 16 : index
          %get3A_1526 = tpu.vector_load %arg10[%get3A_1524, %get3A_1525] {strides = array<i32>} : memref<32x32xf32, #tpu.memory_space<vmem>>, vector<1x16xf32>,
          %get3A_1527 = vector.shape_cast %get3A_1526 : vector<1x16xf32> to vector<16xf32>
          %swap3A_1528 = arith.index_cast %add3A_1522 : i32 to index
          %swap3A_1529 = arith.constant 16 : index
          %swap3A_1530 = tpu.vector_load %arg9[%swap3A_1528, %swap3A_1529] {strides = array<i32>} : memref<1024x32xf32, #tpu.memory_space<vmem>>, vector<1x16xf32>,
          %swap3A_1531 = vector.shape_cast %swap3A_1530 : vector<1x16xf32> to vector<16xf32>
          %swap3A_1532 = vector.shape_cast %get3A_1527 : vector<16xf32> to vector<1x16xf32>
          tpu.vector_store %arg9[%swap3A_1528, %swap3A_1529], %swap3A_1532 {add = true, strides = array<i32>} : memref<1024x32xf32, #tpu.memory_space<vmem>>, vector<1x16xf32>,
          %mul3A_1533 = arith.constant 32 : i32
          %mul3A_1534 = arith.muli %scan3A_916, %mul3A_1533 : i32
          %add3A_1535 = arith.constant 22 : i32
          %add3A_1536 = arith.addi %mul3A_1534, %add3A_1535 : i32
          %get3A_1537 = arith.constant 22 : i32
          %get3A_1538 = arith.index_cast %get3A_1537 : i32 to index
          %get3A_1539 = arith.constant 0 : index
          %get3A_1540 = tpu.vector_load %arg10[%get3A_1538, %get3A_1539] {strides = array<i32>} : memref<32x32xf32, #tpu.memory_space<vmem>>, vector<1x16xf32>,
          %get3A_1541 = vector.shape_cast %get3A_1540 : vector<1x16xf32> to vector<16xf32>
          %swap3A_1542 = arith.index_cast %add3A_1536 : i32 to index
          %swap3A_1543 = arith.constant 0 : index
          %swap3A_1544 = tpu.vector_load %arg9[%swap3A_1542, %swap3A_1543] {strides = array<i32>} : memref<1024x32xf32, #tpu.memory_space<vmem>>, vector<1x16xf32>,
          %swap3A_1545 = vector.shape_cast %swap3A_1544 : vector<1x16xf32> to vector<16xf32>
          %swap3A_1546 = vector.shape_cast %get3A_1541 : vector<16xf32> to vector<1x16xf32>
          tpu.vector_store %arg9[%swap3A_1542, %swap3A_1543], %swap3A_1546 {add = true, strides = array<i32>} : memref<1024x32xf32, #tpu.memory_space<vmem>>, vector<1x16xf32>,
          %mul3A_1547 = arith.constant 32 : i32
          %mul3A_1548 = arith.muli %scan3A_916, %mul3A_1547 : i32
          %add3A_1549 = arith.constant 22 : i32
          %add3A_1550 = arith.addi %mul3A_1548, %add3A_1549 : i32
          %get3A_1551 = arith.constant 22 : i32
          %get3A_1552 = arith.index_cast %get3A_1551 : i32 to index
          %get3A_1553 = arith.constant 16 : index
          %get3A_1554 = tpu.vector_load %arg10[%get3A_1552, %get3A_1553] {strides = array<i32>} : memref<32x32xf32, #tpu.memory_space<vmem>>, vector<1x16xf32>,
          %get3A_1555 = vector.shape_cast %get3A_1554 : vector<1x16xf32> to vector<16xf32>
          %swap3A_1556 = arith.index_cast %add3A_1550 : i32 to index
          %swap3A_1557 = arith.constant 16 : index
          %swap3A_1558 = tpu.vector_load %arg9[%swap3A_1556, %swap3A_1557] {strides = array<i32>} : memref<1024x32xf32, #tpu.memory_space<vmem>>, vector<1x16xf32>,
          %swap3A_1559 = vector.shape_cast %swap3A_1558 : vector<1x16xf32> to vector<16xf32>
          %swap3A_1560 = vector.shape_cast %get3A_1555 : vector<16xf32> to vector<1x16xf32>
          tpu.vector_store %arg9[%swap3A_1556, %swap3A_1557], %swap3A_1560 {add = true, strides = array<i32>} : memref<1024x32xf32, #tpu.memory_space<vmem>>, vector<1x16xf32>,
          %mul3A_1561 = arith.constant 32 : i32
          %mul3A_1562 = arith.muli %scan3A_916, %mul3A_1561 : i32
          %add3A_1563 = arith.constant 23 : i32
          %add3A_1564 = arith.addi %mul3A_1562, %add3A_1563 : i32
          %get3A_1565 = arith.constant 23 : i32
          %get3A_1566 = arith.index_cast %get3A_1565 : i32 to index
          %get3A_1567 = arith.constant 0 : index
          %get3A_1568 = tpu.vector_load %arg10[%get3A_1566, %get3A_1567] {strides = array<i32>} : memref<32x32xf32, #tpu.memory_space<vmem>>, vector<1x16xf32>,
          %get3A_1569 = vector.shape_cast %get3A_1568 : vector<1x16xf32> to vector<16xf32>
          %swap3A_1570 = arith.index_cast %add3A_1564 : i32 to index
          %swap3A_1571 = arith.constant 0 : index
          %swap3A_1572 = tpu.vector_load %arg9[%swap3A_1570, %swap3A_1571] {strides = array<i32>} : memref<1024x32xf32, #tpu.memory_space<vmem>>, vector<1x16xf32>,
          %swap3A_1573 = vector.shape_cast %swap3A_1572 : vector<1x16xf32> to vector<16xf32>
          %swap3A_1574 = vector.shape_cast %get3A_1569 : vector<16xf32> to vector<1x16xf32>
          tpu.vector_store %arg9[%swap3A_1570, %swap3A_1571], %swap3A_1574 {add = true, strides = array<i32>} : memref<1024x32xf32, #tpu.memory_space<vmem>>, vector<1x16xf32>,
          %mul3A_1575 = arith.constant 32 : i32
          %mul3A_1576 = arith.muli %scan3A_916, %mul3A_1575 : i32
          %add3A_1577 = arith.constant 23 : i32
          %add3A_1578 = arith.addi %mul3A_1576, %add3A_1577 : i32
          %get3A_1579 = arith.constant 23 : i32
          %get3A_1580 = arith.index_cast %get3A_1579 : i32 to index
          %get3A_1581 = arith.constant 16 : index
          %get3A_1582 = tpu.vector_load %arg10[%get3A_1580, %get3A_1581] {strides = array<i32>} : memref<32x32xf32, #tpu.memory_space<vmem>>, vector<1x16xf32>,
          %get3A_1583 = vector.shape_cast %get3A_1582 : vector<1x16xf32> to vector<16xf32>
          %swap3A_1584 = arith.index_cast %add3A_1578 : i32 to index
          %swap3A_1585 = arith.constant 16 : index
          %swap3A_1586 = tpu.vector_load %arg9[%swap3A_1584, %swap3A_1585] {strides = array<i32>} : memref<1024x32xf32, #tpu.memory_space<vmem>>, vector<1x16xf32>,
          %swap3A_1587 = vector.shape_cast %swap3A_1586 : vector<1x16xf32> to vector<16xf32>
          %swap3A_1588 = vector.shape_cast %get3A_1583 : vector<16xf32> to vector<1x16xf32>
          tpu.vector_store %arg9[%swap3A_1584, %swap3A_1585], %swap3A_1588 {add = true, strides = array<i32>} : memref<1024x32xf32, #tpu.memory_space<vmem>>, vector<1x16xf32>,
          %mul3A_1589 = arith.constant 32 : i32
          %mul3A_1590 = arith.muli %scan3A_916, %mul3A_1589 : i32
          %add3A_1591 = arith.constant 24 : i32
          %add3A_1592 = arith.addi %mul3A_1590, %add3A_1591 : i32
          %get3A_1593 = arith.constant 24 : i32
          %get3A_1594 = arith.index_cast %get3A_1593 : i32 to index
          %get3A_1595 = arith.constant 0 : index
          %get3A_1596 = tpu.vector_load %arg10[%get3A_1594, %get3A_1595] {strides = array<i32>} : memref<32x32xf32, #tpu.memory_space<vmem>>, vector<1x16xf32>,
          %get3A_1597 = vector.shape_cast %get3A_1596 : vector<1x16xf32> to vector<16xf32>
          %swap3A_1598 = arith.index_cast %add3A_1592 : i32 to index
          %swap3A_1599 = arith.constant 0 : index
          %swap3A_1600 = tpu.vector_load %arg9[%swap3A_1598, %swap3A_1599] {strides = array<i32>} : memref<1024x32xf32, #tpu.memory_space<vmem>>, vector<1x16xf32>,
          %swap3A_1601 = vector.shape_cast %swap3A_1600 : vector<1x16xf32> to vector<16xf32>
          %swap3A_1602 = vector.shape_cast %get3A_1597 : vector<16xf32> to vector<1x16xf32>
          tpu.vector_store %arg9[%swap3A_1598, %swap3A_1599], %swap3A_1602 {add = true, strides = array<i32>} : memref<1024x32xf32, #tpu.memory_space<vmem>>, vector<1x16xf32>,
          %mul3A_1603 = arith.constant 32 : i32
          %mul3A_1604 = arith.muli %scan3A_916, %mul3A_1603 : i32
          %add3A_1605 = arith.constant 24 : i32
          %add3A_1606 = arith.addi %mul3A_1604, %add3A_1605 : i32
          %get3A_1607 = arith.constant 24 : i32
          %get3A_1608 = arith.index_cast %get3A_1607 : i32 to index
          %get3A_1609 = arith.constant 16 : index
          %get3A_1610 = tpu.vector_load %arg10[%get3A_1608, %get3A_1609] {strides = array<i32>} : memref<32x32xf32, #tpu.memory_space<vmem>>, vector<1x16xf32>,
          %get3A_1611 = vector.shape_cast %get3A_1610 : vector<1x16xf32> to vector<16xf32>
          %swap3A_1612 = arith.index_cast %add3A_1606 : i32 to index
          %swap3A_1613 = arith.constant 16 : index
          %swap3A_1614 = tpu.vector_load %arg9[%swap3A_1612, %swap3A_1613] {strides = array<i32>} : memref<1024x32xf32, #tpu.memory_space<vmem>>, vector<1x16xf32>,
          %swap3A_1615 = vector.shape_cast %swap3A_1614 : vector<1x16xf32> to vector<16xf32>
          %swap3A_1616 = vector.shape_cast %get3A_1611 : vector<16xf32> to vector<1x16xf32>
          tpu.vector_store %arg9[%swap3A_1612, %swap3A_1613], %swap3A_1616 {add = true, strides = array<i32>} : memref<1024x32xf32, #tpu.memory_space<vmem>>, vector<1x16xf32>,
          %mul3A_1617 = arith.constant 32 : i32
          %mul3A_1618 = arith.muli %scan3A_916, %mul3A_1617 : i32
          %add3A_1619 = arith.constant 25 : i32
          %add3A_1620 = arith.addi %mul3A_1618, %add3A_1619 : i32
          %get3A_1621 = arith.constant 25 : i32
          %get3A_1622 = arith.index_cast %get3A_1621 : i32 to index
          %get3A_1623 = arith.constant 0 : index
          %get3A_1624 = tpu.vector_load %arg10[%get3A_1622, %get3A_1623] {strides = array<i32>} : memref<32x32xf32, #tpu.memory_space<vmem>>, vector<1x16xf32>,
          %get3A_1625 = vector.shape_cast %get3A_1624 : vector<1x16xf32> to vector<16xf32>
          %swap3A_1626 = arith.index_cast %add3A_1620 : i32 to index
          %swap3A_1627 = arith.constant 0 : index
          %swap3A_1628 = tpu.vector_load %arg9[%swap3A_1626, %swap3A_1627] {strides = array<i32>} : memref<1024x32xf32, #tpu.memory_space<vmem>>, vector<1x16xf32>,
          %swap3A_1629 = vector.shape_cast %swap3A_1628 : vector<1x16xf32> to vector<16xf32>
          %swap3A_1630 = vector.shape_cast %get3A_1625 : vector<16xf32> to vector<1x16xf32>
          tpu.vector_store %arg9[%swap3A_1626, %swap3A_1627], %swap3A_1630 {add = true, strides = array<i32>} : memref<1024x32xf32, #tpu.memory_space<vmem>>, vector<1x16xf32>,
          %mul3A_1631 = arith.constant 32 : i32
          %mul3A_1632 = arith.muli %scan3A_916, %mul3A_1631 : i32
          %add3A_1633 = arith.constant 25 : i32
          %add3A_1634 = arith.addi %mul3A_1632, %add3A_1633 : i32
          %get3A_1635 = arith.constant 25 : i32
          %get3A_1636 = arith.index_cast %get3A_1635 : i32 to index
          %get3A_1637 = arith.constant 16 : index
          %get3A_1638 = tpu.vector_load %arg10[%get3A_1636, %get3A_1637] {strides = array<i32>} : memref<32x32xf32, #tpu.memory_space<vmem>>, vector<1x16xf32>,
          %get3A_1639 = vector.shape_cast %get3A_1638 : vector<1x16xf32> to vector<16xf32>
          %swap3A_1640 = arith.index_cast %add3A_1634 : i32 to index
          %swap3A_1641 = arith.constant 16 : index
          %swap3A_1642 = tpu.vector_load %arg9[%swap3A_1640, %swap3A_1641] {strides = array<i32>} : memref<1024x32xf32, #tpu.memory_space<vmem>>, vector<1x16xf32>,
          %swap3A_1643 = vector.shape_cast %swap3A_1642 : vector<1x16xf32> to vector<16xf32>
          %swap3A_1644 = vector.shape_cast %get3A_1639 : vector<16xf32> to vector<1x16xf32>
          tpu.vector_store %arg9[%swap3A_1640, %swap3A_1641], %swap3A_1644 {add = true, strides = array<i32>} : memref<1024x32xf32, #tpu.memory_space<vmem>>, vector<1x16xf32>,
          %mul3A_1645 = arith.constant 32 : i32
          %mul3A_1646 = arith.muli %scan3A_916, %mul3A_1645 : i32
          %add3A_1647 = arith.constant 26 : i32
          %add3A_1648 = arith.addi %mul3A_1646, %add3A_1647 : i32
          %get3A_1649 = arith.constant 26 : i32
          %get3A_1650 = arith.index_cast %get3A_1649 : i32 to index
          %get3A_1651 = arith.constant 0 : index
          %get3A_1652 = tpu.vector_load %arg10[%get3A_1650, %get3A_1651] {strides = array<i32>} : memref<32x32xf32, #tpu.memory_space<vmem>>, vector<1x16xf32>,
          %get3A_1653 = vector.shape_cast %get3A_1652 : vector<1x16xf32> to vector<16xf32>
          %swap3A_1654 = arith.index_cast %add3A_1648 : i32 to index
          %swap3A_1655 = arith.constant 0 : index
          %swap3A_1656 = tpu.vector_load %arg9[%swap3A_1654, %swap3A_1655] {strides = array<i32>} : memref<1024x32xf32, #tpu.memory_space<vmem>>, vector<1x16xf32>,
          %swap3A_1657 = vector.shape_cast %swap3A_1656 : vector<1x16xf32> to vector<16xf32>
          %swap3A_1658 = vector.shape_cast %get3A_1653 : vector<16xf32> to vector<1x16xf32>
          tpu.vector_store %arg9[%swap3A_1654, %swap3A_1655], %swap3A_1658 {add = true, strides = array<i32>} : memref<1024x32xf32, #tpu.memory_space<vmem>>, vector<1x16xf32>,
          %mul3A_1659 = arith.constant 32 : i32
          %mul3A_1660 = arith.muli %scan3A_916, %mul3A_1659 : i32
          %add3A_1661 = arith.constant 26 : i32
          %add3A_1662 = arith.addi %mul3A_1660, %add3A_1661 : i32
          %get3A_1663 = arith.constant 26 : i32
          %get3A_1664 = arith.index_cast %get3A_1663 : i32 to index
          %get3A_1665 = arith.constant 16 : index
          %get3A_1666 = tpu.vector_load %arg10[%get3A_1664, %get3A_1665] {strides = array<i32>} : memref<32x32xf32, #tpu.memory_space<vmem>>, vector<1x16xf32>,
          %get3A_1667 = vector.shape_cast %get3A_1666 : vector<1x16xf32> to vector<16xf32>
          %swap3A_1668 = arith.index_cast %add3A_1662 : i32 to index
          %swap3A_1669 = arith.constant 16 : index
          %swap3A_1670 = tpu.vector_load %arg9[%swap3A_1668, %swap3A_1669] {strides = array<i32>} : memref<1024x32xf32, #tpu.memory_space<vmem>>, vector<1x16xf32>,
          %swap3A_1671 = vector.shape_cast %swap3A_1670 : vector<1x16xf32> to vector<16xf32>
          %swap3A_1672 = vector.shape_cast %get3A_1667 : vector<16xf32> to vector<1x16xf32>
          tpu.vector_store %arg9[%swap3A_1668, %swap3A_1669], %swap3A_1672 {add = true, strides = array<i32>} : memref<1024x32xf32, #tpu.memory_space<vmem>>, vector<1x16xf32>,
          %mul3A_1673 = arith.constant 32 : i32
          %mul3A_1674 = arith.muli %scan3A_916, %mul3A_1673 : i32
          %add3A_1675 = arith.constant 27 : i32
          %add3A_1676 = arith.addi %mul3A_1674, %add3A_1675 : i32
          %get3A_1677 = arith.constant 27 : i32
          %get3A_1678 = arith.index_cast %get3A_1677 : i32 to index
          %get3A_1679 = arith.constant 0 : index
          %get3A_1680 = tpu.vector_load %arg10[%get3A_1678, %get3A_1679] {strides = array<i32>} : memref<32x32xf32, #tpu.memory_space<vmem>>, vector<1x16xf32>,
          %get3A_1681 = vector.shape_cast %get3A_1680 : vector<1x16xf32> to vector<16xf32>
          %swap3A_1682 = arith.index_cast %add3A_1676 : i32 to index
          %swap3A_1683 = arith.constant 0 : index
          %swap3A_1684 = tpu.vector_load %arg9[%swap3A_1682, %swap3A_1683] {strides = array<i32>} : memref<1024x32xf32, #tpu.memory_space<vmem>>, vector<1x16xf32>,
          %swap3A_1685 = vector.shape_cast %swap3A_1684 : vector<1x16xf32> to vector<16xf32>
          %swap3A_1686 = vector.shape_cast %get3A_1681 : vector<16xf32> to vector<1x16xf32>
          tpu.vector_store %arg9[%swap3A_1682, %swap3A_1683], %swap3A_1686 {add = true, strides = array<i32>} : memref<1024x32xf32, #tpu.memory_space<vmem>>, vector<1x16xf32>,
          %mul3A_1687 = arith.constant 32 : i32
          %mul3A_1688 = arith.muli %scan3A_916, %mul3A_1687 : i32
          %add3A_1689 = arith.constant 27 : i32
          %add3A_1690 = arith.addi %mul3A_1688, %add3A_1689 : i32
          %get3A_1691 = arith.constant 27 : i32
          %get3A_1692 = arith.index_cast %get3A_1691 : i32 to index
          %get3A_1693 = arith.constant 16 : index
          %get3A_1694 = tpu.vector_load %arg10[%get3A_1692, %get3A_1693] {strides = array<i32>} : memref<32x32xf32, #tpu.memory_space<vmem>>, vector<1x16xf32>,
          %get3A_1695 = vector.shape_cast %get3A_1694 : vector<1x16xf32> to vector<16xf32>
          %swap3A_1696 = arith.index_cast %add3A_1690 : i32 to index
          %swap3A_1697 = arith.constant 16 : index
          %swap3A_1698 = tpu.vector_load %arg9[%swap3A_1696, %swap3A_1697] {strides = array<i32>} : memref<1024x32xf32, #tpu.memory_space<vmem>>, vector<1x16xf32>,
          %swap3A_1699 = vector.shape_cast %swap3A_1698 : vector<1x16xf32> to vector<16xf32>
          %swap3A_1700 = vector.shape_cast %get3A_1695 : vector<16xf32> to vector<1x16xf32>
          tpu.vector_store %arg9[%swap3A_1696, %swap3A_1697], %swap3A_1700 {add = true, strides = array<i32>} : memref<1024x32xf32, #tpu.memory_space<vmem>>, vector<1x16xf32>,
          %mul3A_1701 = arith.constant 32 : i32
          %mul3A_1702 = arith.muli %scan3A_916, %mul3A_1701 : i32
          %add3A_1703 = arith.constant 28 : i32
          %add3A_1704 = arith.addi %mul3A_1702, %add3A_1703 : i32
          %get3A_1705 = arith.constant 28 : i32
          %get3A_1706 = arith.index_cast %get3A_1705 : i32 to index
          %get3A_1707 = arith.constant 0 : index
          %get3A_1708 = tpu.vector_load %arg10[%get3A_1706, %get3A_1707] {strides = array<i32>} : memref<32x32xf32, #tpu.memory_space<vmem>>, vector<1x16xf32>,
          %get3A_1709 = vector.shape_cast %get3A_1708 : vector<1x16xf32> to vector<16xf32>
          %swap3A_1710 = arith.index_cast %add3A_1704 : i32 to index
          %swap3A_1711 = arith.constant 0 : index
          %swap3A_1712 = tpu.vector_load %arg9[%swap3A_1710, %swap3A_1711] {strides = array<i32>} : memref<1024x32xf32, #tpu.memory_space<vmem>>, vector<1x16xf32>,
          %swap3A_1713 = vector.shape_cast %swap3A_1712 : vector<1x16xf32> to vector<16xf32>
          %swap3A_1714 = vector.shape_cast %get3A_1709 : vector<16xf32> to vector<1x16xf32>
          tpu.vector_store %arg9[%swap3A_1710, %swap3A_1711], %swap3A_1714 {add = true, strides = array<i32>} : memref<1024x32xf32, #tpu.memory_space<vmem>>, vector<1x16xf32>,
          %mul3A_1715 = arith.constant 32 : i32
          %mul3A_1716 = arith.muli %scan3A_916, %mul3A_1715 : i32
          %add3A_1717 = arith.constant 28 : i32
          %add3A_1718 = arith.addi %mul3A_1716, %add3A_1717 : i32
          %get3A_1719 = arith.constant 28 : i32
          %get3A_1720 = arith.index_cast %get3A_1719 : i32 to index
          %get3A_1721 = arith.constant 16 : index
          %get3A_1722 = tpu.vector_load %arg10[%get3A_1720, %get3A_1721] {strides = array<i32>} : memref<32x32xf32, #tpu.memory_space<vmem>>, vector<1x16xf32>,
          %get3A_1723 = vector.shape_cast %get3A_1722 : vector<1x16xf32> to vector<16xf32>
          %swap3A_1724 = arith.index_cast %add3A_1718 : i32 to index
          %swap3A_1725 = arith.constant 16 : index
          %swap3A_1726 = tpu.vector_load %arg9[%swap3A_1724, %swap3A_1725] {strides = array<i32>} : memref<1024x32xf32, #tpu.memory_space<vmem>>, vector<1x16xf32>,
          %swap3A_1727 = vector.shape_cast %swap3A_1726 : vector<1x16xf32> to vector<16xf32>
          %swap3A_1728 = vector.shape_cast %get3A_1723 : vector<16xf32> to vector<1x16xf32>
          tpu.vector_store %arg9[%swap3A_1724, %swap3A_1725], %swap3A_1728 {add = true, strides = array<i32>} : memref<1024x32xf32, #tpu.memory_space<vmem>>, vector<1x16xf32>,
          %mul3A_1729 = arith.constant 32 : i32
          %mul3A_1730 = arith.muli %scan3A_916, %mul3A_1729 : i32
          %add3A_1731 = arith.constant 29 : i32
          %add3A_1732 = arith.addi %mul3A_1730, %add3A_1731 : i32
          %get3A_1733 = arith.constant 29 : i32
          %get3A_1734 = arith.index_cast %get3A_1733 : i32 to index
          %get3A_1735 = arith.constant 0 : index
          %get3A_1736 = tpu.vector_load %arg10[%get3A_1734, %get3A_1735] {strides = array<i32>} : memref<32x32xf32, #tpu.memory_space<vmem>>, vector<1x16xf32>,
          %get3A_1737 = vector.shape_cast %get3A_1736 : vector<1x16xf32> to vector<16xf32>
          %swap3A_1738 = arith.index_cast %add3A_1732 : i32 to index
          %swap3A_1739 = arith.constant 0 : index
          %swap3A_1740 = tpu.vector_load %arg9[%swap3A_1738, %swap3A_1739] {strides = array<i32>} : memref<1024x32xf32, #tpu.memory_space<vmem>>, vector<1x16xf32>,
          %swap3A_1741 = vector.shape_cast %swap3A_1740 : vector<1x16xf32> to vector<16xf32>
          %swap3A_1742 = vector.shape_cast %get3A_1737 : vector<16xf32> to vector<1x16xf32>
          tpu.vector_store %arg9[%swap3A_1738, %swap3A_1739], %swap3A_1742 {add = true, strides = array<i32>} : memref<1024x32xf32, #tpu.memory_space<vmem>>, vector<1x16xf32>,
          %mul3A_1743 = arith.constant 32 : i32
          %mul3A_1744 = arith.muli %scan3A_916, %mul3A_1743 : i32
          %add3A_1745 = arith.constant 29 : i32
          %add3A_1746 = arith.addi %mul3A_1744, %add3A_1745 : i32
          %get3A_1747 = arith.constant 29 : i32
          %get3A_1748 = arith.index_cast %get3A_1747 : i32 to index
          %get3A_1749 = arith.constant 16 : index
          %get3A_1750 = tpu.vector_load %arg10[%get3A_1748, %get3A_1749] {strides = array<i32>} : memref<32x32xf32, #tpu.memory_space<vmem>>, vector<1x16xf32>,
          %get3A_1751 = vector.shape_cast %get3A_1750 : vector<1x16xf32> to vector<16xf32>
          %swap3A_1752 = arith.index_cast %add3A_1746 : i32 to index
          %swap3A_1753 = arith.constant 16 : index
          %swap3A_1754 = tpu.vector_load %arg9[%swap3A_1752, %swap3A_1753] {strides = array<i32>} : memref<1024x32xf32, #tpu.memory_space<vmem>>, vector<1x16xf32>,
          %swap3A_1755 = vector.shape_cast %swap3A_1754 : vector<1x16xf32> to vector<16xf32>
          %swap3A_1756 = vector.shape_cast %get3A_1751 : vector<16xf32> to vector<1x16xf32>
          tpu.vector_store %arg9[%swap3A_1752, %swap3A_1753], %swap3A_1756 {add = true, strides = array<i32>} : memref<1024x32xf32, #tpu.memory_space<vmem>>, vector<1x16xf32>,
          %mul3A_1757 = arith.constant 32 : i32
          %mul3A_1758 = arith.muli %scan3A_916, %mul3A_1757 : i32
          %add3A_1759 = arith.constant 30 : i32
          %add3A_1760 = arith.addi %mul3A_1758, %add3A_1759 : i32
          %get3A_1761 = arith.constant 30 : i32
          %get3A_1762 = arith.index_cast %get3A_1761 : i32 to index
          %get3A_1763 = arith.constant 0 : index
          %get3A_1764 = tpu.vector_load %arg10[%get3A_1762, %get3A_1763] {strides = array<i32>} : memref<32x32xf32, #tpu.memory_space<vmem>>, vector<1x16xf32>,
          %get3A_1765 = vector.shape_cast %get3A_1764 : vector<1x16xf32> to vector<16xf32>
          %swap3A_1766 = arith.index_cast %add3A_1760 : i32 to index
          %swap3A_1767 = arith.constant 0 : index
          %swap3A_1768 = tpu.vector_load %arg9[%swap3A_1766, %swap3A_1767] {strides = array<i32>} : memref<1024x32xf32, #tpu.memory_space<vmem>>, vector<1x16xf32>,
          %swap3A_1769 = vector.shape_cast %swap3A_1768 : vector<1x16xf32> to vector<16xf32>
          %swap3A_1770 = vector.shape_cast %get3A_1765 : vector<16xf32> to vector<1x16xf32>
          tpu.vector_store %arg9[%swap3A_1766, %swap3A_1767], %swap3A_1770 {add = true, strides = array<i32>} : memref<1024x32xf32, #tpu.memory_space<vmem>>, vector<1x16xf32>,
          %mul3A_1771 = arith.constant 32 : i32
          %mul3A_1772 = arith.muli %scan3A_916, %mul3A_1771 : i32
          %add3A_1773 = arith.constant 30 : i32
          %add3A_1774 = arith.addi %mul3A_1772, %add3A_1773 : i32
          %get3A_1775 = arith.constant 30 : i32
          %get3A_1776 = arith.index_cast %get3A_1775 : i32 to index
          %get3A_1777 = arith.constant 16 : index
          %get3A_1778 = tpu.vector_load %arg10[%get3A_1776, %get3A_1777] {strides = array<i32>} : memref<32x32xf32, #tpu.memory_space<vmem>>, vector<1x16xf32>,
          %get3A_1779 = vector.shape_cast %get3A_1778 : vector<1x16xf32> to vector<16xf32>
          %swap3A_1780 = arith.index_cast %add3A_1774 : i32 to index
          %swap3A_1781 = arith.constant 16 : index
          %swap3A_1782 = tpu.vector_load %arg9[%swap3A_1780, %swap3A_1781] {strides = array<i32>} : memref<1024x32xf32, #tpu.memory_space<vmem>>, vector<1x16xf32>,
          %swap3A_1783 = vector.shape_cast %swap3A_1782 : vector<1x16xf32> to vector<16xf32>
          %swap3A_1784 = vector.shape_cast %get3A_1779 : vector<16xf32> to vector<1x16xf32>
          tpu.vector_store %arg9[%swap3A_1780, %swap3A_1781], %swap3A_1784 {add = true, strides = array<i32>} : memref<1024x32xf32, #tpu.memory_space<vmem>>, vector<1x16xf32>,
          %mul3A_1785 = arith.constant 32 : i32
          %mul3A_1786 = arith.muli %scan3A_916, %mul3A_1785 : i32
          %add3A_1787 = arith.constant 31 : i32
          %add3A_1788 = arith.addi %mul3A_1786, %add3A_1787 : i32
          %get3A_1789 = arith.constant 31 : i32
          %get3A_1790 = arith.index_cast %get3A_1789 : i32 to index
          %get3A_1791 = arith.constant 0 : index
          %get3A_1792 = tpu.vector_load %arg10[%get3A_1790, %get3A_1791] {strides = array<i32>} : memref<32x32xf32, #tpu.memory_space<vmem>>, vector<1x16xf32>,
          %get3A_1793 = vector.shape_cast %get3A_1792 : vector<1x16xf32> to vector<16xf32>
          %swap3A_1794 = arith.index_cast %add3A_1788 : i32 to index
          %swap3A_1795 = arith.constant 0 : index
          %swap3A_1796 = tpu.vector_load %arg9[%swap3A_1794, %swap3A_1795] {strides = array<i32>} : memref<1024x32xf32, #tpu.memory_space<vmem>>, vector<1x16xf32>,
          %swap3A_1797 = vector.shape_cast %swap3A_1796 : vector<1x16xf32> to vector<16xf32>
          %swap3A_1798 = vector.shape_cast %get3A_1793 : vector<16xf32> to vector<1x16xf32>
          tpu.vector_store %arg9[%swap3A_1794, %swap3A_1795], %swap3A_1798 {add = true, strides = array<i32>} : memref<1024x32xf32, #tpu.memory_space<vmem>>, vector<1x16xf32>,
          %mul3A_1799 = arith.constant 32 : i32
          %mul3A_1800 = arith.muli %scan3A_916, %mul3A_1799 : i32
          %add3A_1801 = arith.constant 31 : i32
          %add3A_1802 = arith.addi %mul3A_1800, %add3A_1801 : i32
          %get3A_1803 = arith.constant 31 : i32
          %get3A_1804 = arith.index_cast %get3A_1803 : i32 to index
          %get3A_1805 = arith.constant 16 : index
          %get3A_1806 = tpu.vector_load %arg10[%get3A_1804, %get3A_1805] {strides = array<i32>} : memref<32x32xf32, #tpu.memory_space<vmem>>, vector<1x16xf32>,
          %get3A_1807 = vector.shape_cast %get3A_1806 : vector<1x16xf32> to vector<16xf32>
          %swap3A_1808 = arith.index_cast %add3A_1802 : i32 to index
          %swap3A_1809 = arith.constant 16 : index
          %swap3A_1810 = tpu.vector_load %arg9[%swap3A_1808, %swap3A_1809] {strides = array<i32>} : memref<1024x32xf32, #tpu.memory_space<vmem>>, vector<1x16xf32>,
          %swap3A_1811 = vector.shape_cast %swap3A_1810 : vector<1x16xf32> to vector<16xf32>
          %swap3A_1812 = vector.shape_cast %get3A_1807 : vector<16xf32> to vector<1x16xf32>
          tpu.vector_store %arg9[%swap3A_1808, %swap3A_1809], %swap3A_1812 {add = true, strides = array<i32>} : memref<1024x32xf32, #tpu.memory_space<vmem>>, vector<1x16xf32>,
        }
        %scan3A_908 = arith.constant 32 : i32
        %mul3A_909 = arith.constant 1024 : i32
        %mul3A_910 = arith.muli %scan3A_882, %mul3A_909 : i32
        %add3A_911 = arith.addi %mul3A_2, %mul3A_910 : i32
        %dma_start3A_912 = arith.constant 0 : i32
        %dma_start3A_913 = tpu.memref_slice %arg6[%add3A_911, %dma_start3A_912] : memref<524288x32xf32, #tpu.memory_space<hbm>> -> memref<1024x32xf32, #tpu.memory_space<hbm>>
        %dma_start3A_914 = arith.constant 0 : i32
        %dma_start3A_915 = tpu.memref_slice %arg6[%add3A_911, %dma_start3A_914] : memref<524288x32xf32, #tpu.memory_space<hbm>> -> memref<1024x32xf32, #tpu.memory_space<hbm>>
        tpu.enqueue_dma source(%arg9 : memref<1024x32xf32, #tpu.memory_space<vmem>>) target(%dma_start3A_915 : memref<1024x32xf32, #tpu.memory_space<hbm>>) target_semaphore(%arg15 : memref<!tpu.dma_semaphore, #tpu.memory_space<semaphore_mem>>)
      } else {
      }
    }
    %scan3A_870 = arith.constant 16 : i32
    %dma_wait3A = arith.constant 0 : i32
    %dma_wait3A_871 = arith.constant 0 : i32
    %dma_wait3A_872 = tpu.memref_slice %arg3[%dma_wait3A, %dma_wait3A_871] : memref<4000000x32xf32, #tpu.memory_space<hbm>> -> memref<1024x32xf32, #tpu.memory_space<hbm>>
    %dma_wait3A_873 = arith.constant 0 : i32
    %dma_wait3A_874 = arith.constant 0 : i32
    %dma_wait3A_875 = tpu.memref_slice %arg3[%dma_wait3A_873, %dma_wait3A_874] : memref<4000000x32xf32, #tpu.memory_space<hbm>> -> memref<1024x32xf32, #tpu.memory_space<hbm>>
    tpu.wait_dma2 semaphore(%arg14 : memref<!tpu.dma_semaphore, #tpu.memory_space<semaphore_mem>>) src(%dma_wait3A_875 : memref<1024x32xf32, #tpu.memory_space<hbm>>) dst(%arg8 : memref<1024x32xf32, #tpu.memory_space<vmem>>)
    %dma_wait3A_876 = arith.constant 0 : i32
    %dma_wait3A_877 = arith.constant 0 : i32
    %dma_wait3A_878 = tpu.memref_slice %arg3[%dma_wait3A_876, %dma_wait3A_877] : memref<4000000x32xf32, #tpu.memory_space<hbm>> -> memref<1024x32xf32, #tpu.memory_space<hbm>>
    %dma_wait3A_879 = arith.constant 0 : i32
    %dma_wait3A_880 = arith.constant 0 : i32
    %dma_wait3A_881 = tpu.memref_slice %arg3[%dma_wait3A_879, %dma_wait3A_880] : memref<4000000x32xf32, #tpu.memory_space<hbm>> -> memref<1024x32xf32, #tpu.memory_space<hbm>>
    tpu.wait_dma2 semaphore(%arg15 : memref<!tpu.dma_semaphore, #tpu.memory_space<semaphore_mem>>) src(%dma_wait3A_881 : memref<1024x32xf32, #tpu.memory_space<hbm>>) dst(%arg8 : memref<1024x32xf32, #tpu.memory_space<vmem>>)
    return
  }
}

</mosaic_0001>

<sc_bundles>
// kernel: kernel.3.cloned.1.call-start
scs
__scs_entry_jumppad:
0x0: {  	(pc) =	sbr.rel $0x88, $3  }
0x1: {  	(tag) =	ssettag $0x0;
	lr =	simm.s32 $0x1  }
0x2: {  	[smem:$0x3F9D] =	sst lr;
	_ =	strace $0xD0000000  }
0x3: {  	_ = 	snop  }
0x4: {  	_ = 	snop  }
0x5: {  	_ = 	snop  }
0x6: {  	_ = 	snop  }
0x7: {  	_ = 	snop  }
__scs_overlays_trampoline_lowered:
0x8: {  	[smem:$0x3FAC] =	sst s0  }
0x9: {  	[smem:$0x3FAD] =	sst s1  }
0xa: {  	[smem:$0x3FAE] =	sst s2  }
0xb: {  	[smem:$0x3FAF] =	sst s3  }
0xc: {  	[smem:$0x3FB0] =	sst s4  }
0xd: {  	[smem:$0x3FB1] =	sst s5  }
0xe: {  	[smem:$0x3FB2] =	sst s6  }
0xf: {  	[smem:$0x3FB3] =	sst s7  }
0x10: {  	[smem:$0x3FB4] =	sst s8  }
0x11: {  	[smem:$0x3FB5] =	sst s9;
	s0 =	simm.s32 @!p0 $0x0  }
0x12: {  	s1 =	sld [smem:$0x3F9B];
	s0 =	simm.s32 @p0 $0x1  }
0x13: {  	[smem:$0x3FB6] =	sst s0;
	s0 =	simm.s32 @!p1 $0x0  }
0x14: {  	s2 =	sld [smem:$0x3F9A];
	s0 =	simm.s32 @p1 $0x1  }
0x15: {  	[smem:$0x3FB7] =	sst s0;
	s0 =	simm.s32 @!p2 $0x0  }
0x16: {  	s3 =	sld [smem:$0x3FDB];
	s0 =	simm.s32 @p2 $0x1  }
0x17: {  	s4 =	simm.s32 $0x1BF5;
	[smem:$0x3FB9] =	sst s0  }
0x18: {  	s0 =	sld [smem:$0x3F9C];
	_ =	swait.ge [sflag:s4], $0x0  }
0x19: {  	s7 =	sld [smem:$0x3F9D]  }
0x1a: {  	s8 =	sadd.s32 $0xFFFFE003, lr  }
0x1b: {  	s9 =	sadd.s32 $0xFFFFFEF7, lr;
	s5 =	simm.s32 $0xFFFFFFFF;
	p2 =	slt.u32 s8, $0xFFFFF086  }
0x1c: {  	p1 =	slt.u32 s9, $0xF7A;
	s5 =	simm.s32 @!p2 $0x0  }
0x1d: {  	s5 =	simm.s32 @p1 $0x1;
	p0 =	seq.s32 s7, s2  }
0x1e: {  	s7 =	smul.u32 @!p0 $0xF7A, s2;
	p2 =	seq.s32 @!p0 s5, $0x0  }
0x1f: {  	s9 =	smul.u32 $0xF7A, s1;
	s8 =	simm.s32 @!p0 $0x1BF5;
	p2 =	por !p2, p0  }
0x20: {  	[sflag:s8] =	ssyncset.s32 @!p0 $0xFFFFF086;
	s6 =	sadd.s32 @!p0 s3, s7;
	s7 =	simm.s32 @!p0 $0x108  }
0x21: {  	s3 =	sadd.s32 s3, s9;
	s6 =	sadd.s32 @!p0 $0x88, s6;
	s7 =	simm.s32 @p2 $0x1082  }
0x22: {  	[simem:s7], [sflag:s8] =	dma.local @!p0 [hbm:s6], $0xF7A  }
0x23: {  	s9 =	sor.u32 $0xD0000000, s2;
	s6 =	simm.s32 $0x108;
	_ =	swait.ge @!p0 [sflag:s8], $0x0  }
0x24: {  	s3 =	sadd.s32 $0x88, s3;
	s6 =	simm.s32 @!p1 $0x1082;
	[sflag:s4] =	ssyncset.s32 $0xFFFFF086  }
0x25: {  	[simem:s6], [sflag:s4] =	dma.local [hbm:s3], $0xF7A  }
0x26: {  	[smem:$0x3F9D] =	sst s1;
	(tag) =	ssettag s2;
	_ =	strace s9  }
0x27: {  	s1 =	sld [smem:$0x3FAD]  }
0x28: {  	s2 =	sld [smem:$0x3FAE]  }
0x29: {  	s4 =	sld [smem:$0x3FB0]  }
0x2a: {  	p0 =	seq.s32 s5, $0x0;
	s5 =	sld [smem:$0x3FB1]  }
0x2b: {  	s6 =	sld [smem:$0x3FB2]  }
0x2c: {  	s7 =	sld [smem:$0x3FB3]  }
0x2d: {  	s3 =	simm.s32 $0x108;
	s8 =	sld [smem:$0x3FB4]  }
0x2e: {  	s3 =	simm.s32 @!p0 $0x1082;
	s9 =	sld [smem:$0x3FB5]  }
0x2f: {  	lr =	sadd.s32 s0, s3;
	s0 =	sld [smem:$0x3FAC]  }
0x30: {  	s3 =	sld [smem:$0x3FAF]  }
0x31: {  	[smem:$0x3FB8] =	sst s10  }
0x32: {  	s10 =	sld [smem:$0x3FB6];
	_ =	sdelay $0x3  }
0x33: {  	p0 =	seq.s32 s10, $0x1;
	s10 =	sld [smem:$0x3FB8];
	_ =	sdelay $0x3  }
0x34: {  	[smem:$0x3FB8] =	sst s10  }
0x35: {  	s10 =	sld [smem:$0x3FB7];
	_ =	sdelay $0x3  }
0x36: {  	p1 =	seq.s32 s10, $0x1;
	s10 =	sld [smem:$0x3FB8];
	_ =	sdelay $0x3  }
0x37: {  	[smem:$0x3FB8] =	sst s10  }
0x38: {  	s10 =	sld [smem:$0x3FB9]  }
0x39: {  	_ = 	snop;
	(pc) =	sbr.ind lr, $3  }
0x3a: {  	_ = 	snop  }
0x3b: {  	_ = 	snop  }
0x3c: {  	p2 =	seq.s32 s10, $0x1;
	s10 =	sld [smem:$0x3FB8]  }
0x3d: {  	_ =	shalt  }
0x3e: {  	_ =	shalt  }
0x3f: {  	_ =	shalt  }
0x40: {  	_ =	shalt  }
0x41: {  	_ =	shalt  }
0x42: {  	_ =	shalt  }
0x43: {  	_ =	shalt  }
0x44: {  	_ =	shalt  }
0x45: {  	_ =	shalt  }
0x46: {  	_ =	shalt  }
0x47: {  	_ =	shalt  }
0x48: {  	_ =	shalt  }
0x49: {  	_ =	shalt  }
0x4a: {  	_ =	shalt  }
0x4b: {  	_ =	shalt  }
0x4c: {  	_ =	shalt  }
0x4d: {  	_ =	shalt  }
0x4e: {  	_ =	shalt  }
0x4f: {  	_ =	shalt  }
0x50: {  	_ =	shalt  }
0x51: {  	_ =	shalt  }
0x52: {  	_ =	shalt  }
0x53: {  	_ =	shalt  }
0x54: {  	_ =	shalt  }
0x55: {  	_ =	shalt  }
0x56: {  	_ =	shalt  }
0x57: {  	_ =	shalt  }
0x58: {  	_ =	shalt  }
0x59: {  	_ =	shalt  }
0x5a: {  	_ =	shalt  }
0x5b: {  	_ =	shalt  }
0x5c: {  	_ =	shalt  }
0x5d: {  	_ =	shalt  }
0x5e: {  	_ =	shalt  }
0x5f: {  	_ =	shalt  }
0x60: {  	_ =	shalt  }
0x61: {  	_ =	shalt  }
0x62: {  	_ =	shalt  }
0x63: {  	_ =	shalt  }
0x64: {  	_ =	shalt  }
0x65: {  	_ =	shalt  }
0x66: {  	_ =	shalt  }
0x67: {  	_ =	shalt  }
0x68: {  	_ =	shalt  }
0x69: {  	_ =	shalt  }
0x6a: {  	_ =	shalt  }
0x6b: {  	_ =	shalt  }
0x6c: {  	_ =	shalt  }
0x6d: {  	_ =	shalt  }
0x6e: {  	_ =	shalt  }
0x6f: {  	_ =	shalt  }
0x70: {  	_ =	shalt  }
0x71: {  	_ =	shalt  }
0x72: {  	_ =	shalt  }
0x73: {  	_ =	shalt  }
0x74: {  	_ =	shalt  }
0x75: {  	_ =	shalt  }
0x76: {  	_ =	shalt  }
0x77: {  	_ =	shalt  }
0x78: {  	_ =	shalt  }
0x79: {  	_ =	shalt  }
0x7a: {  	_ =	shalt  }
0x7b: {  	_ =	shalt  }
0x7c: {  	_ =	shalt  }
0x7d: {  	_ =	shalt  }
0x7e: {  	_ =	shalt  }
0x7f: {  	_ =	shalt  }
0x80: {  	_ =	shalt  }
0x81: {  	_ =	shalt  }
0x82: {  	_ =	shalt  }
0x83: {  	_ =	shalt  }
0x84: {  	_ =	shalt  }
0x85: {  	_ =	shalt  }
0x86: {  	_ =	shalt  }
0x87: {  	_ =	shalt  }
.Lfunc_end0:
.L_simem_size_0:
called_computation.2_lowered:
.L_overlay_start_0:
0x88: {  	s2 =	sld [smem:$0x3FD9]  }
0x89: {  	s3 =	sld [smem:$0x3FFE];
	_ =	sdelay $0x1  }
0x8a: {  	s1 =	srdreg.scid  }
0x8b: {  	s0 =	sand.u32 $0x1, s1  }
0x8c: {  	s17 =	sshll.u32 s0, $0xA;
	s2 =	sadd.s32 s3, s2  }
0x8d: {  	s2 =	sadd.s32 s2, s17  }
0x8e: {  	[smem:$0x3FC4] =	sst s2  }
0x8f: {  	_ = 	snop  }
0x90: {  	s2 =	sld [smem:$0x3FC6]  }
0x91: {  	s18 =	sld [smem:$0x3FD0];
	(tm) =	ssettm $0x1  }
0x92: {  	s4 =	sld [smem:$0x3FFB];
	_ =	sdelay $0x3  }
0x93: {  	_ =	strace s4  }
0x94: {  	s4 =	sld [smem:$0x3FFC];
	_ =	sdelay $0x3  }
0x95: {  	_ =	strace s4  }
0x96: {  	s4 =	sld [smem:$0x3FFD];
	_ =	sdelay $0x3  }
0x97: {  	_ =	strace s4  }
0x98: {  	_ =	strace $0x8FFFFFFF  }
0x99: {  	s19 =	sld [smem:$0x3FDB];
	_ =	sdelay $0x1  }
0x9a: {  	s5 =	simm.s32 $_scs_section_size  }
0x9b: {  	s6 =	simm.s32 $_size__tile_overlayer_lowered;
	s7 =	simm.s32 $_tile_overlayer_lowered  }
0x9c: {  	s22 =	simm.s32 $0x1BFF;
	s21 =	sshll.u32 s7, $0x1;
	s4 =	sadd.s32 s5, s19  }
0x9d: {  	s8 =	simm.s32 $0x0;
	s20 =	sshll.u32 s6, $0x1;
	s6 =	sadd.s32 s21, s4  }
0x9e: {  	[timem:s8], [sflag:s22] =	dma.local [hbm:s6], s20  }
0x9f: {  	_ =	swait.ge [sflag:s22], s20  }
0xa0: {  	s5 =	ssub.s32 $0x0, s20;
	[sflag:s22] =	ssyncset.done $0x0  }
0xa1: {  	[sflag:s22] =	ssyncadd.s32 s5;
	_ =	sdelay $0x1  }
0xa2: {  	s23 =	simm.s32 $0x1B8B  }
0xa3: {  	_ =	swait.ge [sflag:s23], $0x1  }
0xa4: {  	[sflag:s23] =	ssyncset.done $0x0  }
0xa5: {  	s25 =	simm.s32 $0x1B8E;
	s24 =	sld [smem:$0x3FFE];
	[sflag:s23] =	ssyncadd.s32 $0xFFFFFFFF  }
0xa6: {  	s26 =	simm.s32 $execute0_lowered;
	[smem:$0x3FD2] =	sst s25  }
0xa7: {  	s6 =	sshll.u32 s26, $0x1;
	_ =	strace $0x80000049;
	[dreg:$0x1] =	wrdreg $0xFFFFFFFF  }
0xa8: {  	s28 =	simm.s32 $_size_execute0_lowered;
	s4 =	sadd.s32 s4, s6;
	[dreg:$0x0] =	wrdreg $0x0  }
0xa9: {  	s6 =	sshll.u32 s28, $0x1;
	[dreg:$0x2] =	wrdreg s4  }
0xaa: {  	[dreg:$0x3] =	wrdreg s6  }
0xab: {  	[dreg:$0x4] =	wrdreg $0xC0  }
0xac: {  	_ =	task [dreg:s8], $0x5FFFF  }
0xad: {  	[dreg:$0x1] =	wrdreg $0xFFFFFFFF  }
0xae: {  	[dreg:$0x0] =	wrdreg $0x60  }
0xaf: {  	[dreg:$0x2] =	wrdreg s24  }
0xb0: {  	[dreg:$0x3] =	wrdreg s2  }
0xb1: {  	[dreg:$0x4] =	wrdreg s18  }
0xb2: {  	[dreg:$0x5] =	wrdreg $0x9  }
0xb3: {  	_ =	task.clear_ibuf [dreg:s8], $0x6FFFF;
	_ =	strace $0x90000049  }
0xb4: {  	s29 =	simm.s32 $0x9;
	_ =	strace $0x8000004B  }
0xb5: {  	_ =	swait.ge [sflag:s29], $0x1  }
0xb6: {  	[sflag:s29] =	ssyncadd.s32 $0xFFFFFFFF  }
0xb7: {  	_ =	strace $0x9000004B  }
0xb8: {  	_ =	sfence  }
0xb9: {  	s30 =	sld [smem:$0x0];
	_ =	sdelay $0x2  }
0xba: {  	s31 =	sshll.u32 s1, $0xD;
	s1 =	sshrl.u32 s1, $0x2  }
0xbb: {  	s3 =	sand.u32 $0x4000, s31;
	s1 =	sadd.s32 s1, s30  }
0xbc: {  	s0 =	sor.u32 s3, s0;
	s1 =	sshll.u32 s1, $0x11  }
0xbd: {  	s0 =	sor.u32 s1, s0  }
0xbe: {  	s0 =	sadd.s32 $0x8F2B, s0  }
0xbf: {  	[sflag:s0] =	ssyncadd.remote.s32 $0x1  }
0xc0: {  	_ =	sfence.sel $0xFFFF  }
0xc1: {  	[dreg:$0x0] =	wrdreg $0xFFFFFFFF;
	(pc) =	sbr.abs _section_cstart, $3  }
0xc2: {  	[dreg:$0x1] =	wrdreg $0xFFFFFFFF  }
0xc3: {  	_ =	task.clear_ibuf [dreg:s8], $0x2FFFF;
	_ =	strace $0x9FFFFFFF  }
0xc4: {  	(tm) =	ssettm $0x7FFFFFFF  }
0xc5: {  	_ =	shalt  }
tec
execute0_lowered:
.L_overlay_start_1:
0x0: {  	(tag) =	ssettag $0x1  }
0x1: {  	s0 =	rddreg [dreg:$0x0]  }
0x2: {  	s1 =	srdreg.scid;
	s3 =	stileid.u32  }
0x3: {  	s2 =	rddreg [dreg:$0x2];
	s9 =	simm.s32 $0x5;
	s12 =	simm.s32 $0x80  }
0x4: {  	s13 =	simm.s32 $0x4000;
	s23 =	simm.s32 $0x300;
	s24 =	simm.s32 $0xA000  }
0x5: {  	s28 =	simm.s32 $0x2;
	s29 =	simm.s32 $0xC000;
	s30 =	simm.s32 $0x3  }
0x6: {  	s31 =	simm.s32 $0x4;
	s10 =	simm.s32 $0x10000;
	s11 =	simm.s32 $0x11000  }
0x7: {  	s14 =	simm.s32 $0x12000;
	s15 =	simm.s32 $0x13000;
	s16 =	simm.s32 $0x1  }
0x8: {  	s17 =	simm.s32 $0x0;
	s1 =	sand.u32 $0x1, s1;
	s4 =	sshll.u32 s3, $0x1  }
0x9: {  	s3 =	simm.s32 $0x0;
	s5 =	sadd.s32 $0xF53400, s0;
	s6 =	sor.u32 s1, s4  }
0xa: {  	[smem:$0x7FF] =	sst s3;
	s1 =	ssub.s32 $0x2, s1;
	s4 =	sshll.u32 s6, $0xB  }
.Ltmp0:
0xb: {  	_ =	strace $0x8000004A;
	s25 =	sshrl.u32 s1, $0x1;
	(pc) =	sbr.rel .LBB2_1-.Ltmp0, $4  }
0xc: {  	s26 =	sshll.u32 s6, $0x10;
	s7 =	sadd.s32 s4, s0;
	s4 =	sadd.s32 $0xF53600, s0  }
0xd: {  	s0 =	ssub.s32 s1, s25;
	s25 =	simm.s32 $0x380;
	s1 =	simm.s32 $0xD000  }
0xe: {  	s6 =	sadd.s32 $0xF43400, s7;
	s7 =	sadd.s32 s2, s26;
	s8 =	smax.u32 s0, $0x1  }
0xf: {  	s26 =	simm.s32 $0xB000;
	s0 =	simm.s32 $0xE000;
	s2 =	simm.s32 $0xF000  }
.LBB2_16:
0x10: {  	s17 =	sadd.s32 $0x1, s17  }
0x11: {  	_ =	swait.ge [sflag:s30], $0x8000;
	p0 =	sne.s32 s17, s8  }
.Ltmp1:
0x12: {  	[sflag:s30] =	ssyncset.done $0x0;
	(pc) =	sbr.rel @!p0 .LBB2_17-.Ltmp1, $4  }
0x13: {  	[sflag:s30] =	ssyncadd.s32 $0xFFFF8000  }
0x14: {  	_ =	swait.ge [sflag:s31], $0x8000  }
0x15: {  	[sflag:s31] =	ssyncset.done $0x0  }
0x16: {  	[sflag:s31] =	ssyncadd.s32 $0xFFFF8000  }
.LBB2_1:
0x17: {  	[tilespmem:s3], [sflag:$0x5] =	stream.linear.gather [hbm4b:s6+s3], $0x4000, $0x38;
	[tilespmem:$0x14420] =	vst v63  }
0x18: {  	_ =	swait.ge [sflag:s9], $0x4000  }
0x19: {  	[sflag:s9] =	ssyncset.done $0x0  }
0x1a: {  	s18 =	simm.s32 $0x0;
	[sflag:s9] =	ssyncadd.s32 $0xFFFFC000  }
0x1b: {  	v2 =	vld [tilespmem:s18+$0x0]  }
0x1c: {  	v4 =	vld [tilespmem:s18+$0x10]  }
0x1d: {  	v3 =	vld [tilespmem:s18+$0x20]  }
0x1e: {  	v1 =	vld [tilespmem:s18+$0x30]  }
0x1f: {  	v0 =	vld [tilespmem:s18+$0x40]  }
0x20: {  	v5 =	vshll.u32 v2, $0x2;
	v2 =	vld [tilespmem:s18+$0x50]  }
0x21: {  	s19 =	simm.s32 $0x200;
	[tilespmem:s18+$0x0] =	vst v5;
	v5 =	vshll.u32 v4, $0x2;
	v4 =	vld [tilespmem:s18+$0x60]  }
.LBB2_2:
0x22: {  	s20 =	sshra.s32 s19, $0x2;
	p0 =	sne.s32 s19, $0xFE00;
	[tilespmem:s18+$0x10] =	vst v5;
	v3 =	vshll.u32 v3, $0x2;
	v5 =	vld [tilespmem:s18+$0x70]  }
0x23: {  	v6 =	vld [tilespmem:s20+$0x0];
	[tilespmem:s18+$0x20] =	vst v3;
	v1 =	vshll.u32 v1, $0x2  }
0x24: {  	v7 =	vld [tilespmem:s20+$0x10];
	[tilespmem:s18+$0x30] =	vst v1;
	v0 =	vshll.u32 v0, $0x2  }
.Ltmp2:
0x25: {  	v3 =	vld [tilespmem:s20+$0x20];
	[tilespmem:s18+$0x40] =	vst v0;
	v0 =	vshll.u32 v2, $0x2;
	(pc) =	sbr.rel @p0 .LBB2_2-.Ltmp2, $4  }
0x26: {  	v1 =	vld [tilespmem:s20+$0x30];
	[tilespmem:s18+$0x50] =	vst v0;
	v2 =	vshll.u32 v4, $0x2  }
0x27: {  	v0 =	vld [tilespmem:s20+$0x40];
	[tilespmem:s18+$0x60] =	vst v2;
	v4 =	vshll.u32 v5, $0x2  }
0x28: {  	v5 =	vshll.u32 v6, $0x2;
	v2 =	vld [tilespmem:s20+$0x50];
	[tilespmem:s18+$0x70] =	vst v4;
	s18 =	smov.u32 s20  }
0x29: {  	s19 =	sadd.s32 $0x200, s19;
	[tilespmem:s18+$0x0] =	vst v5;
	v5 =	vshll.u32 v7, $0x2;
	v4 =	vld [tilespmem:s18+$0x60]  }
0x2a: {  	[tilespmem:s18+$0x10] =	vst v5;
	v3 =	vshll.u32 v3, $0x2;
	v45 =	vld [tilespmem:s18+$0x70]  }
0x2b: {  	[tilespmem:s18+$0x20] =	vst v3;
	v1 =	vshll.u32 v1, $0x2  }
0x2c: {  	[tilespmem:s18+$0x30] =	vst v1;
	v0 =	vshll.u32 v0, $0x2  }
0x2d: {  	[tilespmem:s18+$0x40] =	vst v0;
	v46 =	vshll.u32 v2, $0x2  }
0x2e: {  	[tilespmem:s18+$0x50] =	vst v46;
	v47 =	vshll.u32 v4, $0x2  }
0x2f: {  	[tilespmem:s18+$0x60] =	vst v47;
	v48 =	vshll.u32 v45, $0x2  }
0x30: {  	s19 =	simm.s32 $0x14000;
	[tilespmem:s18+$0x70] =	vst v48;
	s18 =	simm.s32 $0x0  }
0x31: {  	[tilespmem:s19], [sflag:$0x5] =	stream.linear.gather [hbm4b:s5+s18], $0x400, $0x38;
	[tilespmem:$0x14420] =	vst v63  }
0x32: {  	_ =	swait.ge [sflag:s9], $0x400  }
0x33: {  	[sflag:s9] =	ssyncset.done $0x0  }
0x34: {  	[sflag:s9] =	ssyncadd.s32 $0xFFFFFC00  }
0x35: {  	s20 =	simm.s32 $0x14400;
	s22 =	rddreg [dreg:$0x1]  }
0x36: {  	[tilespmem:s20], [sflag:$0x5] =	stream.linear.gather [hbm4b:s22+s18], $0x20, $0x38;
	[tilespmem:$0x14420] =	vst v63  }
0x37: {  	_ =	swait.ge [sflag:s9], $0x20  }
0x38: {  	[sflag:s9] =	ssyncset.done $0x0  }
0x39: {  	[sflag:s9] =	ssyncadd.s32 $0xFFFFFFE0  }
0x3a: {  	v0 =	vld [tilespmem:$0x14400]  }
0x3b: {  	v49 =	vld [tilespmem:$0x14000]  }
0x3c: {  	v50 =	vld [tilespmem:$0x14020]  }
0x3d: {  	v51 =	vld [tilespmem:$0x14040]  }
0x3e: {  	v52 =	vld [tilespmem:$0x14060]  }
0x3f: {  	v53 =	vld [tilespmem:$0x14080]  }
0x40: {  	v6 =	vld [tilespmem:$0x140A0]  }
0x41: {  	v7 =	vld [tilespmem:$0x140C0];
	v1 =	vadd.f32 v49, v0  }
0x42: {  	v8 =	vld [tilespmem:$0x140E0];
	v2 =	vadd.f32 v50, v0  }
0x43: {  	v55 =	vld [tilespmem:$0x14100];
	v54 =	vadd.f32 v51, v0;
	[tilespmem:$0x14000] =	vst v1  }
0x44: {  	v57 =	vld [tilespmem:$0x14120];
	v56 =	vadd.f32 v52, v0;
	[tilespmem:$0x14020] =	vst v2  }
0x45: {  	v59 =	vld [tilespmem:$0x14140];
	v58 =	vadd.f32 v53, v0;
	[tilespmem:$0x14040] =	vst v54  }
0x46: {  	v61 =	vld [tilespmem:$0x14160];
	v60 =	vadd.f32 v6, v0;
	[tilespmem:$0x14060] =	vst v56  }
0x47: {  	v63 =	vld [tilespmem:$0x14180];
	v62 =	vadd.f32 v7, v0;
	[tilespmem:$0x14080] =	vst v58  }
0x48: {  	v13 =	vld [tilespmem:$0x141A0];
	v12 =	vadd.f32 v8, v0;
	[tilespmem:$0x140A0] =	vst v60  }
0x49: {  	v15 =	vld [tilespmem:$0x141C0];
	v14 =	vadd.f32 v55, v0;
	[tilespmem:$0x140C0] =	vst v62  }
0x4a: {  	v17 =	vld [tilespmem:$0x141E0];
	v16 =	vadd.f32 v57, v0;
	[tilespmem:$0x140E0] =	vst v12  }
0x4b: {  	v19 =	vld [tilespmem:$0x14200];
	v18 =	vadd.f32 v59, v0;
	[tilespmem:$0x14100] =	vst v14  }
0x4c: {  	v21 =	vld [tilespmem:$0x14220];
	v20 =	vadd.f32 v61, v0;
	[tilespmem:$0x14120] =	vst v16  }
0x4d: {  	v23 =	vld [tilespmem:$0x14240];
	v22 =	vadd.f32 v63, v0;
	[tilespmem:$0x14140] =	vst v18  }
0x4e: {  	v25 =	vld [tilespmem:$0x14260];
	v24 =	vadd.f32 v13, v0;
	[tilespmem:$0x14160] =	vst v20  }
0x4f: {  	v27 =	vld [tilespmem:$0x14280];
	v26 =	vadd.f32 v15, v0;
	[tilespmem:$0x14180] =	vst v22  }
0x50: {  	v29 =	vld [tilespmem:$0x142A0];
	v28 =	vadd.f32 v17, v0;
	[tilespmem:$0x141A0] =	vst v24  }
0x51: {  	v31 =	vld [tilespmem:$0x142C0];
	v30 =	vadd.f32 v19, v0;
	[tilespmem:$0x141C0] =	vst v26  }
0x52: {  	v33 =	vld [tilespmem:$0x142E0];
	v32 =	vadd.f32 v21, v0;
	[tilespmem:$0x141E0] =	vst v28  }
0x53: {  	v35 =	vld [tilespmem:$0x14300];
	v34 =	vadd.f32 v23, v0;
	[tilespmem:$0x14200] =	vst v30  }
0x54: {  	v37 =	vld [tilespmem:$0x14320];
	v36 =	vadd.f32 v25, v0;
	[tilespmem:$0x14220] =	vst v32  }
0x55: {  	v39 =	vld [tilespmem:$0x14340];
	v38 =	vadd.f32 v27, v0;
	[tilespmem:$0x14240] =	vst v34  }
0x56: {  	v41 =	vld [tilespmem:$0x14360];
	v40 =	vadd.f32 v29, v0;
	[tilespmem:$0x14260] =	vst v36  }
0x57: {  	v43 =	vld [tilespmem:$0x14380];
	v42 =	vadd.f32 v31, v0;
	[tilespmem:$0x14280] =	vst v38  }
0x58: {  	v45 =	vld [tilespmem:$0x143A0];
	v44 =	vadd.f32 v33, v0;
	[tilespmem:$0x142A0] =	vst v40  }
0x59: {  	v47 =	vld [tilespmem:$0x143C0];
	v46 =	vadd.f32 v35, v0;
	[tilespmem:$0x142C0] =	vst v42  }
0x5a: {  	v3 =	vld [tilespmem:$0x14410];
	v48 =	vadd.f32 v37, v0;
	[tilespmem:$0x142E0] =	vst v44  }
0x5b: {  	v10 =	vld [tilespmem:$0x140F0];
	v50 =	vadd.f32 v39, v0;
	[tilespmem:$0x14300] =	vst v46  }
0x5c: {  	v49 =	vld [tilespmem:$0x143E0];
	v51 =	vadd.f32 v41, v0;
	[tilespmem:$0x14320] =	vst v48  }
0x5d: {  	v52 =	vld [tilespmem:$0x14010];
	v53 =	vadd.f32 v43, v0;
	[tilespmem:$0x14340] =	vst v50  }
0x5e: {  	v55 =	vadd.f32 v45, v0;
	v59 =	vld [tilespmem:$0x14090];
	[tilespmem:$0x14360] =	vst v51  }
0x5f: {  	v57 =	vadd.f32 v47, v0;
	v61 =	vld [tilespmem:$0x140B0];
	[tilespmem:$0x14380] =	vst v53  }
0x60: {  	v63 =	vld [tilespmem:$0x140D0];
	v19 =	vadd.f32 v10, v3;
	[tilespmem:$0x143A0] =	vst v55  }
0x61: {  	v54 =	vld [tilespmem:$0x14030];
	[tilespmem:$0x143C0] =	vst v57;
	v0 =	vadd.f32 v49, v0  }
0x62: {  	v56 =	vld [tilespmem:$0x14050];
	[tilespmem:$0x140F0] =	vst v19;
	v60 =	vadd.f32 v52, v3  }
0x63: {  	v58 =	vld [tilespmem:$0x14070];
	v13 =	vadd.f32 v59, v3;
	[tilespmem:$0x143E0] =	vst v0  }
0x64: {  	v12 =	vld [tilespmem:$0x14110];
	v15 =	vadd.f32 v61, v3;
	[tilespmem:$0x14010] =	vst v60  }
0x65: {  	v14 =	vld [tilespmem:$0x14130];
	v17 =	vadd.f32 v63, v3;
	[tilespmem:$0x14090] =	vst v13  }
0x66: {  	v16 =	vld [tilespmem:$0x14150];
	v62 =	vadd.f32 v54, v3;
	[tilespmem:$0x140B0] =	vst v15  }
0x67: {  	v18 =	vld [tilespmem:$0x14170];
	v9 =	vadd.f32 v56, v3;
	[tilespmem:$0x140D0] =	vst v17  }
0x68: {  	v20 =	vld [tilespmem:$0x14190];
	v11 =	vadd.f32 v58, v3;
	[tilespmem:$0x14030] =	vst v62  }
0x69: {  	v22 =	vld [tilespmem:$0x141B0];
	v21 =	vadd.f32 v12, v3;
	[tilespmem:$0x14050] =	vst v9  }
0x6a: {  	v24 =	vld [tilespmem:$0x141D0];
	v23 =	vadd.f32 v14, v3;
	[tilespmem:$0x14070] =	vst v11  }
0x6b: {  	v26 =	vld [tilespmem:$0x141F0];
	v25 =	vadd.f32 v16, v3;
	[tilespmem:$0x14110] =	vst v21  }
0x6c: {  	v28 =	vld [tilespmem:$0x14210];
	v27 =	vadd.f32 v18, v3;
	[tilespmem:$0x14130] =	vst v23  }
0x6d: {  	v30 =	vld [tilespmem:$0x14230];
	v29 =	vadd.f32 v20, v3;
	[tilespmem:$0x14150] =	vst v25  }
0x6e: {  	v32 =	vld [tilespmem:$0x14250];
	v31 =	vadd.f32 v22, v3;
	[tilespmem:$0x14170] =	vst v27  }
0x6f: {  	v34 =	vld [tilespmem:$0x14270];
	v33 =	vadd.f32 v24, v3;
	[tilespmem:$0x14190] =	vst v29  }
0x70: {  	v36 =	vld [tilespmem:$0x14290];
	v35 =	vadd.f32 v26, v3;
	[tilespmem:$0x141B0] =	vst v31  }
0x71: {  	v38 =	vld [tilespmem:$0x142B0];
	v37 =	vadd.f32 v28, v3;
	[tilespmem:$0x141D0] =	vst v33  }
0x72: {  	v40 =	vld [tilespmem:$0x142D0];
	v39 =	vadd.f32 v30, v3;
	[tilespmem:$0x141F0] =	vst v35  }
0x73: {  	v42 =	vld [tilespmem:$0x142F0];
	v41 =	vadd.f32 v32, v3;
	[tilespmem:$0x14210] =	vst v37  }
0x74: {  	v44 =	vld [tilespmem:$0x14310];
	v43 =	vadd.f32 v34, v3;
	[tilespmem:$0x14230] =	vst v39  }
0x75: {  	v46 =	vld [tilespmem:$0x14330];
	v45 =	vadd.f32 v36, v3;
	[tilespmem:$0x14250] =	vst v41  }
0x76: {  	v48 =	vld [tilespmem:$0x14350];
	v47 =	vadd.f32 v38, v3;
	[tilespmem:$0x14270] =	vst v43  }
0x77: {  	v50 =	vld [tilespmem:$0x14370];
	v49 =	vadd.f32 v40, v3;
	[tilespmem:$0x14290] =	vst v45  }
0x78: {  	v52 =	vld [tilespmem:$0x14390];
	v51 =	vadd.f32 v42, v3;
	[tilespmem:$0x142B0] =	vst v47  }
0x79: {  	v53 =	vadd.f32 v44, v3;
	v54 =	vld [tilespmem:$0x143B0];
	[tilespmem:$0x142D0] =	vst v49  }
0x7a: {  	v55 =	vadd.f32 v46, v3;
	v56 =	vld [tilespmem:$0x143D0];
	[tilespmem:$0x142F0] =	vst v51  }
0x7b: {  	v57 =	vadd.f32 v48, v3;
	v58 =	vld [tilespmem:$0x143F0];
	[tilespmem:$0x14310] =	vst v53  }
0x7c: {  	v59 =	vadd.f32 v50, v3;
	[tilespmem:$0x14330] =	vst v55  }
0x7d: {  	[tilespmem:$0x14350] =	vst v57;
	v60 =	vadd.f32 v52, v3  }
0x7e: {  	[tilespmem:$0x14370] =	vst v59;
	v61 =	vadd.f32 v54, v3  }
0x7f: {  	[tilespmem:$0x14390] =	vst v60;
	v62 =	vadd.f32 v56, v3  }
0x80: {  	v63 =	vadd.f32 v58, v3;
	[tilespmem:$0x143B0] =	vst v61  }
0x81: {  	[tilespmem:$0x143D0] =	vst v62  }
0x82: {  	[tilespmem:$0x143F0] =	vst v63  }
0x83: {  	[tilespmem:s13], [sflag:$0x1] =	stream.indirect.gather [hbm4b:s4+s12], $0x20, s18, s12, $0xb8;
	[tilespmem:$0x14420] =	vst v63  }
0x84: {  	s20 =	simm.s32 $0x5000  }
0x85: {  	[tilespmem:s20], [sflag:$0x1] =	stream.indirect.gather [hbm4b:s4+s12], $0x20, s12, s12, $0xb8;
	[tilespmem:$0x14420] =	vst v63  }
0x86: {  	s21 =	simm.s32 $0x100;
	s22 =	simm.s32 $0x6000  }
0x87: {  	[tilespmem:s22], [sflag:$0x1] =	stream.indirect.gather [hbm4b:s4+s12], $0x20, s21, s12, $0xb8;
	[tilespmem:$0x14420] =	vst v63  }
0x88: {  	s21 =	simm.s32 $0x180;
	s22 =	simm.s32 $0x7000  }
0x89: {  	[tilespmem:s22], [sflag:$0x1] =	stream.indirect.gather [hbm4b:s4+s12], $0x20, s21, s12, $0xb8;
	[tilespmem:$0x14420] =	vst v63  }
0x8a: {  	s21 =	simm.s32 $0x200;
	s22 =	simm.s32 $0x8000  }
0x8b: {  	[tilespmem:s22], [sflag:$0x1] =	stream.indirect.gather [hbm4b:s4+s12], $0x20, s21, s12, $0xb8;
	[tilespmem:$0x14420] =	vst v63  }
0x8c: {  	s21 =	simm.s32 $0x280;
	s22 =	simm.s32 $0x9000  }
0x8d: {  	[tilespmem:s22], [sflag:$0x1] =	stream.indirect.gather [hbm4b:s4+s12], $0x20, s21, s12, $0xb8;
	[tilespmem:$0x14420] =	vst v63  }
.Ltmp3:
0x8e: {  	_ = 	snop;
	(pc) =	sbr.rel .LBB2_4-.Ltmp3, $4  }
0x8f: {  	_ = 	snop  }
0x90: {  	[tilespmem:s24], [sflag:$0x1] =	stream.indirect.gather [hbm4b:s4+s12], $0x20, s23, s12, $0xb8;
	[tilespmem:$0x14420] =	vst v63  }
0x91: {  	_ = 	snop  }
0x92: {  	[tilespmem:s26], [sflag:$0x1] =	stream.indirect.gather [hbm4b:s4+s12], $0x20, s25, s12, $0xb8;
	[tilespmem:$0x14420] =	vst v63  }
.LBB2_11:
0x93: {  	s19 =	sshra.s32 s19, $0x2  }
0x94: {  	[tilespmem:s19+$0x4000] =	vst.add.f32.msk $0xffff, v0  }
0x95: {  	v0 =	vld [tilespmem:$0x14010];
	_ =	sdelay $0x4  }
0x96: {  	[tilespmem:s19+$0x4010] =	vst.add.f32.msk $0xffff, v0  }
0x97: {  	v0 =	vld [tilespmem:$0x14020];
	_ =	sdelay $0x4  }
0x98: {  	[tilespmem:s19+$0x4020] =	vst.add.f32.msk $0xffff, v0  }
0x99: {  	v0 =	vld [tilespmem:$0x14030];
	_ =	sdelay $0x4  }
0x9a: {  	[tilespmem:s19+$0x4030] =	vst.add.f32.msk $0xffff, v0  }
0x9b: {  	v0 =	vld [tilespmem:$0x14040];
	_ =	sdelay $0x4  }
0x9c: {  	[tilespmem:s19+$0x4040] =	vst.add.f32.msk $0xffff, v0  }
0x9d: {  	v0 =	vld [tilespmem:$0x14050];
	_ =	sdelay $0x4  }
0x9e: {  	[tilespmem:s19+$0x4050] =	vst.add.f32.msk $0xffff, v0  }
0x9f: {  	v0 =	vld [tilespmem:$0x14060];
	_ =	sdelay $0x4  }
0xa0: {  	[tilespmem:s19+$0x4060] =	vst.add.f32.msk $0xffff, v0  }
0xa1: {  	v0 =	vld [tilespmem:$0x14070];
	_ =	sdelay $0x4  }
0xa2: {  	[tilespmem:s19+$0x4070] =	vst.add.f32.msk $0xffff, v0  }
0xa3: {  	v0 =	vld [tilespmem:$0x14080];
	_ =	sdelay $0x4  }
0xa4: {  	[tilespmem:s19+$0x4080] =	vst.add.f32.msk $0xffff, v0  }
0xa5: {  	v0 =	vld [tilespmem:$0x14090];
	_ =	sdelay $0x4  }
0xa6: {  	[tilespmem:s19+$0x4090] =	vst.add.f32.msk $0xffff, v0  }
0xa7: {  	v0 =	vld [tilespmem:$0x140A0];
	_ =	sdelay $0x4  }
0xa8: {  	[tilespmem:s19+$0x40A0] =	vst.add.f32.msk $0xffff, v0  }
0xa9: {  	v0 =	vld [tilespmem:$0x140B0];
	_ =	sdelay $0x4  }
0xaa: {  	[tilespmem:s19+$0x40B0] =	vst.add.f32.msk $0xffff, v0  }
0xab: {  	v0 =	vld [tilespmem:$0x140C0];
	_ =	sdelay $0x4  }
0xac: {  	[tilespmem:s19+$0x40C0] =	vst.add.f32.msk $0xffff, v0  }
0xad: {  	v0 =	vld [tilespmem:$0x140D0];
	_ =	sdelay $0x4  }
0xae: {  	[tilespmem:s19+$0x40D0] =	vst.add.f32.msk $0xffff, v0  }
0xaf: {  	v0 =	vld [tilespmem:$0x140E0];
	_ =	sdelay $0x4  }
0xb0: {  	[tilespmem:s19+$0x40E0] =	vst.add.f32.msk $0xffff, v0  }
0xb1: {  	v0 =	vld [tilespmem:$0x140F0];
	_ =	sdelay $0x4  }
0xb2: {  	[tilespmem:s19+$0x40F0] =	vst.add.f32.msk $0xffff, v0  }
0xb3: {  	v0 =	vld [tilespmem:$0x14100];
	_ =	sdelay $0x4  }
0xb4: {  	[tilespmem:s19+$0x4100] =	vst.add.f32.msk $0xffff, v0  }
0xb5: {  	v0 =	vld [tilespmem:$0x14110];
	_ =	sdelay $0x4  }
0xb6: {  	[tilespmem:s19+$0x4110] =	vst.add.f32.msk $0xffff, v0  }
0xb7: {  	v0 =	vld [tilespmem:$0x14120];
	_ =	sdelay $0x4  }
0xb8: {  	[tilespmem:s19+$0x4120] =	vst.add.f32.msk $0xffff, v0  }
0xb9: {  	v0 =	vld [tilespmem:$0x14130];
	_ =	sdelay $0x4  }
0xba: {  	[tilespmem:s19+$0x4130] =	vst.add.f32.msk $0xffff, v0  }
0xbb: {  	v0 =	vld [tilespmem:$0x14140];
	_ =	sdelay $0x4  }
0xbc: {  	[tilespmem:s19+$0x4140] =	vst.add.f32.msk $0xffff, v0  }
0xbd: {  	v0 =	vld [tilespmem:$0x14150];
	_ =	sdelay $0x4  }
0xbe: {  	[tilespmem:s19+$0x4150] =	vst.add.f32.msk $0xffff, v0  }
0xbf: {  	v0 =	vld [tilespmem:$0x14160];
	_ =	sdelay $0x4  }
0xc0: {  	[tilespmem:s19+$0x4160] =	vst.add.f32.msk $0xffff, v0  }
0xc1: {  	v0 =	vld [tilespmem:$0x14170];
	_ =	sdelay $0x4  }
0xc2: {  	[tilespmem:s19+$0x4170] =	vst.add.f32.msk $0xffff, v0  }
0xc3: {  	v0 =	vld [tilespmem:$0x14180];
	_ =	sdelay $0x4  }
0xc4: {  	[tilespmem:s19+$0x4180] =	vst.add.f32.msk $0xffff, v0  }
0xc5: {  	v0 =	vld [tilespmem:$0x14190];
	_ =	sdelay $0x4  }
0xc6: {  	[tilespmem:s19+$0x4190] =	vst.add.f32.msk $0xffff, v0  }
0xc7: {  	v0 =	vld [tilespmem:$0x141A0];
	_ =	sdelay $0x4  }
0xc8: {  	[tilespmem:s19+$0x41A0] =	vst.add.f32.msk $0xffff, v0  }
0xc9: {  	v0 =	vld [tilespmem:$0x141B0];
	_ =	sdelay $0x4  }
0xca: {  	[tilespmem:s19+$0x41B0] =	vst.add.f32.msk $0xffff, v0  }
0xcb: {  	v0 =	vld [tilespmem:$0x141C0];
	_ =	sdelay $0x4  }
0xcc: {  	[tilespmem:s19+$0x41C0] =	vst.add.f32.msk $0xffff, v0  }
0xcd: {  	v0 =	vld [tilespmem:$0x141D0];
	_ =	sdelay $0x4  }
0xce: {  	[tilespmem:s19+$0x41D0] =	vst.add.f32.msk $0xffff, v0  }
0xcf: {  	v0 =	vld [tilespmem:$0x141E0];
	_ =	sdelay $0x4  }
0xd0: {  	[tilespmem:s19+$0x41E0] =	vst.add.f32.msk $0xffff, v0  }
0xd1: {  	v0 =	vld [tilespmem:$0x141F0];
	_ =	sdelay $0x4  }
0xd2: {  	[tilespmem:s19+$0x41F0] =	vst.add.f32.msk $0xffff, v0  }
0xd3: {  	v0 =	vld [tilespmem:$0x14200];
	_ =	sdelay $0x4  }
0xd4: {  	[tilespmem:s19+$0x4200] =	vst.add.f32.msk $0xffff, v0  }
0xd5: {  	v0 =	vld [tilespmem:$0x14210];
	_ =	sdelay $0x4  }
0xd6: {  	[tilespmem:s19+$0x4210] =	vst.add.f32.msk $0xffff, v0  }
0xd7: {  	v0 =	vld [tilespmem:$0x14220];
	_ =	sdelay $0x4  }
0xd8: {  	[tilespmem:s19+$0x4220] =	vst.add.f32.msk $0xffff, v0  }
0xd9: {  	v0 =	vld [tilespmem:$0x14230];
	_ =	sdelay $0x4  }
0xda: {  	[tilespmem:s19+$0x4230] =	vst.add.f32.msk $0xffff, v0  }
0xdb: {  	v0 =	vld [tilespmem:$0x14240];
	_ =	sdelay $0x4  }
0xdc: {  	[tilespmem:s19+$0x4240] =	vst.add.f32.msk $0xffff, v0  }
0xdd: {  	v0 =	vld [tilespmem:$0x14250];
	_ =	sdelay $0x4  }
0xde: {  	[tilespmem:s19+$0x4250] =	vst.add.f32.msk $0xffff, v0  }
0xdf: {  	v0 =	vld [tilespmem:$0x14260];
	_ =	sdelay $0x4  }
0xe0: {  	[tilespmem:s19+$0x4260] =	vst.add.f32.msk $0xffff, v0  }
0xe1: {  	v0 =	vld [tilespmem:$0x14270];
	_ =	sdelay $0x4  }
0xe2: {  	[tilespmem:s19+$0x4270] =	vst.add.f32.msk $0xffff, v0  }
0xe3: {  	v0 =	vld [tilespmem:$0x14280];
	_ =	sdelay $0x4  }
0xe4: {  	[tilespmem:s19+$0x4280] =	vst.add.f32.msk $0xffff, v0  }
0xe5: {  	v0 =	vld [tilespmem:$0x14290];
	_ =	sdelay $0x4  }
0xe6: {  	[tilespmem:s19+$0x4290] =	vst.add.f32.msk $0xffff, v0  }
0xe7: {  	v0 =	vld [tilespmem:$0x142A0];
	_ =	sdelay $0x4  }
0xe8: {  	[tilespmem:s19+$0x42A0] =	vst.add.f32.msk $0xffff, v0  }
0xe9: {  	v0 =	vld [tilespmem:$0x142B0];
	_ =	sdelay $0x4  }
0xea: {  	[tilespmem:s19+$0x42B0] =	vst.add.f32.msk $0xffff, v0  }
0xeb: {  	v0 =	vld [tilespmem:$0x142C0];
	_ =	sdelay $0x4  }
0xec: {  	[tilespmem:s19+$0x42C0] =	vst.add.f32.msk $0xffff, v0  }
0xed: {  	v0 =	vld [tilespmem:$0x142D0];
	_ =	sdelay $0x4  }
0xee: {  	[tilespmem:s19+$0x42D0] =	vst.add.f32.msk $0xffff, v0  }
0xef: {  	v0 =	vld [tilespmem:$0x142E0];
	_ =	sdelay $0x4  }
0xf0: {  	[tilespmem:s19+$0x42E0] =	vst.add.f32.msk $0xffff, v0  }
0xf1: {  	v0 =	vld [tilespmem:$0x142F0];
	_ =	sdelay $0x4  }
0xf2: {  	[tilespmem:s19+$0x42F0] =	vst.add.f32.msk $0xffff, v0  }
0xf3: {  	v0 =	vld [tilespmem:$0x14300];
	_ =	sdelay $0x4  }
0xf4: {  	[tilespmem:s19+$0x4300] =	vst.add.f32.msk $0xffff, v0  }
0xf5: {  	v0 =	vld [tilespmem:$0x14310];
	_ =	sdelay $0x4  }
0xf6: {  	[tilespmem:s19+$0x4310] =	vst.add.f32.msk $0xffff, v0  }
0xf7: {  	v0 =	vld [tilespmem:$0x14320];
	_ =	sdelay $0x4  }
0xf8: {  	[tilespmem:s19+$0x4320] =	vst.add.f32.msk $0xffff, v0  }
0xf9: {  	v0 =	vld [tilespmem:$0x14330];
	_ =	sdelay $0x4  }
0xfa: {  	[tilespmem:s19+$0x4330] =	vst.add.f32.msk $0xffff, v0  }
0xfb: {  	v0 =	vld [tilespmem:$0x14340];
	_ =	sdelay $0x4  }
0xfc: {  	[tilespmem:s19+$0x4340] =	vst.add.f32.msk $0xffff, v0  }
0xfd: {  	v0 =	vld [tilespmem:$0x14350];
	_ =	sdelay $0x4  }
0xfe: {  	[tilespmem:s19+$0x4350] =	vst.add.f32.msk $0xffff, v0  }
0xff: {  	v0 =	vld [tilespmem:$0x14360];
	_ =	sdelay $0x4  }
0x100: {  	[tilespmem:s19+$0x4360] =	vst.add.f32.msk $0xffff, v0  }
0x101: {  	v0 =	vld [tilespmem:$0x14370];
	_ =	sdelay $0x4  }
0x102: {  	[tilespmem:s19+$0x4370] =	vst.add.f32.msk $0xffff, v0  }
0x103: {  	v0 =	vld [tilespmem:$0x14380];
	_ =	sdelay $0x4  }
0x104: {  	[tilespmem:s19+$0x4380] =	vst.add.f32.msk $0xffff, v0  }
0x105: {  	v0 =	vld [tilespmem:$0x14390];
	_ =	sdelay $0x4  }
0x106: {  	[tilespmem:s19+$0x4390] =	vst.add.f32.msk $0xffff, v0  }
0x107: {  	v0 =	vld [tilespmem:$0x143A0];
	_ =	sdelay $0x4  }
0x108: {  	[tilespmem:s19+$0x43A0] =	vst.add.f32.msk $0xffff, v0  }
0x109: {  	v0 =	vld [tilespmem:$0x143B0];
	_ =	sdelay $0x4  }
0x10a: {  	[tilespmem:s19+$0x43B0] =	vst.add.f32.msk $0xffff, v0  }
0x10b: {  	v0 =	vld [tilespmem:$0x143C0];
	_ =	sdelay $0x4  }
0x10c: {  	[tilespmem:s19+$0x43C0] =	vst.add.f32.msk $0xffff, v0  }
0x10d: {  	v0 =	vld [tilespmem:$0x143D0];
	_ =	sdelay $0x4  }
0x10e: {  	[tilespmem:s19+$0x43D0] =	vst.add.f32.msk $0xffff, v0  }
0x10f: {  	v0 =	vld [tilespmem:$0x143E0];
	_ =	sdelay $0x4  }
0x110: {  	[tilespmem:s19+$0x43E0] =	vst.add.f32.msk $0xffff, v0  }
0x111: {  	v0 =	vld [tilespmem:$0x143F0];
	_ =	sdelay $0x3  }
0x112: {  	s20 =	sshll.u32 s18, $0xC  }
0x113: {  	s22 =	sadd.s32 s20, s7;
	[tilespmem:s19+$0x43F0] =	vst.add.f32.msk $0xffff, v0  }
0x114: {  	[hbm4b:s22+s3] =	stream.linear.scatter [tilespmem:s13], [sflag:$0x3], $0x8000, $0x38;
	[tilespmem:$0x14420] =	vst v63  }
.LBB2_15:
0x115: {  	s18 =	sadd.s32 $0x1, s18  }
0x116: {  	p0 =	sne.s32 s18, $0x10  }
.Ltmp4:
0x117: {  	_ = 	snop;
	(pc) =	sbr.rel @!p0 .LBB2_16-.Ltmp4, $1  }
0x118: {  	_ =	sdelay $0x3  }
.LBB2_4:
0x119: {  	s19 =	sand.u32 $0x1, s18  }
0x11a: {  	p0 =	seq.s32 s19, $0x1  }
.Ltmp5:
0x11b: {  	_ = 	snop;
	(pc) =	sbr.rel @!p0 .LBB2_5-.Ltmp5, $1  }
0x11c: {  	_ =	sdelay $0x3  }
0x11d: {  	p0 =	seq.s32 s18, $0xF  }
0x11e: {  	s19 =	simm.s32 @!p0 $0x3  }
0x11f: {  	_ =	swait.ge @!p0 [sflag:s19], $0x8000  }
0x120: {  	s20 =	sshll.u32 @!p0 s18, $0xA;
	[sflag:s19] =	ssyncset.done @!p0 $0x0  }
0x121: {  	[sflag:s19] =	ssyncadd.s32 @!p0 $0xFFFF8000;
	s19 =	sand.u32 @!p0 $0x3FFFFC00, s20  }
0x122: {  	s21 =	simm.s32 @!p0 $0x80;
	s22 =	simm.s32 @!p0 $0x4000;
	s20 =	sadd.s32 @!p0 $0x400, s19  }
0x123: {  	[tilespmem:s22], [sflag:$0x1] =	stream.indirect.gather @!p0 [hbm4b:s4+s21], $0x20, s20, s21, $0xb8;
	[tilespmem:$0x14420] =	vst v63  }
0x124: {  	s20 =	sadd.s32 @!p0 $0x480, s19;
	s22 =	simm.s32 @!p0 $0x5000  }
0x125: {  	[tilespmem:s22], [sflag:$0x1] =	stream.indirect.gather @!p0 [hbm4b:s4+s21], $0x20, s20, s21, $0xb8;
	[tilespmem:$0x14420] =	vst v63  }
0x126: {  	s20 =	sadd.s32 @!p0 $0x500, s19;
	s22 =	simm.s32 @!p0 $0x6000  }
0x127: {  	[tilespmem:s22], [sflag:$0x1] =	stream.indirect.gather @!p0 [hbm4b:s4+s21], $0x20, s20, s21, $0xb8;
	[tilespmem:$0x14420] =	vst v63  }
0x128: {  	s20 =	sadd.s32 @!p0 $0x580, s19;
	s22 =	simm.s32 @!p0 $0x7000  }
0x129: {  	[tilespmem:s22], [sflag:$0x1] =	stream.indirect.gather @!p0 [hbm4b:s4+s21], $0x20, s20, s21, $0xb8;
	[tilespmem:$0x14420] =	vst v63  }
0x12a: {  	s20 =	sadd.s32 @!p0 $0x600, s19;
	s22 =	simm.s32 @!p0 $0x8000  }
0x12b: {  	[tilespmem:s22], [sflag:$0x1] =	stream.indirect.gather @!p0 [hbm4b:s4+s21], $0x20, s20, s21, $0xb8;
	[tilespmem:$0x14420] =	vst v63  }
0x12c: {  	s20 =	sadd.s32 @!p0 $0x680, s19;
	s22 =	simm.s32 @!p0 $0x9000  }
0x12d: {  	[tilespmem:s22], [sflag:$0x1] =	stream.indirect.gather @!p0 [hbm4b:s4+s21], $0x20, s20, s21, $0xb8;
	[tilespmem:$0x14420] =	vst v63  }
0x12e: {  	s20 =	sadd.s32 @!p0 $0x700, s19;
	s22 =	simm.s32 @!p0 $0xA000  }
0x12f: {  	[tilespmem:s22], [sflag:$0x1] =	stream.indirect.gather @!p0 [hbm4b:s4+s21], $0x20, s20, s21, $0xb8;
	[tilespmem:$0x14420] =	vst v63  }
0x130: {  	s19 =	sadd.s32 @!p0 $0x780, s19;
	s20 =	simm.s32 @!p0 $0xB000  }
0x131: {  	[tilespmem:s20], [sflag:$0x1] =	stream.indirect.gather @!p0 [hbm4b:s4+s21], $0x20, s19, s21, $0xb8;
	[tilespmem:$0x14420] =	vst v63  }
0x132: {  	_ =	swait.ge [sflag:s28], $0x8000  }
0x133: {  	[sflag:s28] =	ssyncset.done $0x0  }
0x134: {  	[sflag:s28] =	ssyncadd.s32 $0xFFFF8000  }
0x135: {  	s19 =	simm.s32 $0x0;
	s20 =	simm.s32 $0x1000;
	v0 =	vld [tilespmem:$0x14000]  }
.LBB2_13:
0x136: {  	p0 =	sne.s32 s20, $0x1F000;
	_ =	sdelay $0x2  }
0x137: {  	s21 =	sshra.s32 s19, $0x2;
	s19 =	smov.u32 s20  }
0x138: {  	[tilespmem:s21+$0xC000] =	vst.add.f32.msk $0xffff, v0  }
0x139: {  	v0 =	vld [tilespmem:$0x14010];
	_ =	sdelay $0x4  }
0x13a: {  	[tilespmem:s21+$0xC010] =	vst.add.f32.msk $0xffff, v0  }
0x13b: {  	v0 =	vld [tilespmem:$0x14020];
	_ =	sdelay $0x4  }
0x13c: {  	[tilespmem:s21+$0xC020] =	vst.add.f32.msk $0xffff, v0  }
0x13d: {  	v0 =	vld [tilespmem:$0x14030];
	_ =	sdelay $0x4  }
0x13e: {  	[tilespmem:s21+$0xC030] =	vst.add.f32.msk $0xffff, v0  }
0x13f: {  	v0 =	vld [tilespmem:$0x14040];
	_ =	sdelay $0x4  }
0x140: {  	[tilespmem:s21+$0xC040] =	vst.add.f32.msk $0xffff, v0  }
0x141: {  	v0 =	vld [tilespmem:$0x14050];
	_ =	sdelay $0x4  }
0x142: {  	[tilespmem:s21+$0xC050] =	vst.add.f32.msk $0xffff, v0  }
0x143: {  	v0 =	vld [tilespmem:$0x14060];
	_ =	sdelay $0x4  }
0x144: {  	[tilespmem:s21+$0xC060] =	vst.add.f32.msk $0xffff, v0  }
0x145: {  	v0 =	vld [tilespmem:$0x14070];
	_ =	sdelay $0x4  }
0x146: {  	[tilespmem:s21+$0xC070] =	vst.add.f32.msk $0xffff, v0  }
0x147: {  	v0 =	vld [tilespmem:$0x14080];
	_ =	sdelay $0x4  }
0x148: {  	[tilespmem:s21+$0xC080] =	vst.add.f32.msk $0xffff, v0  }
0x149: {  	v0 =	vld [tilespmem:$0x14090];
	_ =	sdelay $0x4  }
0x14a: {  	[tilespmem:s21+$0xC090] =	vst.add.f32.msk $0xffff, v0  }
0x14b: {  	v0 =	vld [tilespmem:$0x140A0];
	_ =	sdelay $0x4  }
0x14c: {  	[tilespmem:s21+$0xC0A0] =	vst.add.f32.msk $0xffff, v0  }
0x14d: {  	v0 =	vld [tilespmem:$0x140B0];
	_ =	sdelay $0x4  }
0x14e: {  	[tilespmem:s21+$0xC0B0] =	vst.add.f32.msk $0xffff, v0  }
0x14f: {  	v0 =	vld [tilespmem:$0x140C0];
	_ =	sdelay $0x4  }
0x150: {  	[tilespmem:s21+$0xC0C0] =	vst.add.f32.msk $0xffff, v0  }
0x151: {  	v0 =	vld [tilespmem:$0x140D0];
	_ =	sdelay $0x4  }
0x152: {  	[tilespmem:s21+$0xC0D0] =	vst.add.f32.msk $0xffff, v0  }
0x153: {  	v0 =	vld [tilespmem:$0x140E0];
	_ =	sdelay $0x4  }
0x154: {  	[tilespmem:s21+$0xC0E0] =	vst.add.f32.msk $0xffff, v0  }
0x155: {  	v0 =	vld [tilespmem:$0x140F0];
	_ =	sdelay $0x4  }
0x156: {  	[tilespmem:s21+$0xC0F0] =	vst.add.f32.msk $0xffff, v0  }
0x157: {  	v0 =	vld [tilespmem:$0x14100];
	_ =	sdelay $0x4  }
0x158: {  	[tilespmem:s21+$0xC100] =	vst.add.f32.msk $0xffff, v0  }
0x159: {  	v0 =	vld [tilespmem:$0x14110];
	_ =	sdelay $0x4  }
0x15a: {  	[tilespmem:s21+$0xC110] =	vst.add.f32.msk $0xffff, v0  }
0x15b: {  	v0 =	vld [tilespmem:$0x14120];
	_ =	sdelay $0x4  }
0x15c: {  	[tilespmem:s21+$0xC120] =	vst.add.f32.msk $0xffff, v0  }
0x15d: {  	v0 =	vld [tilespmem:$0x14130];
	_ =	sdelay $0x4  }
0x15e: {  	[tilespmem:s21+$0xC130] =	vst.add.f32.msk $0xffff, v0  }
0x15f: {  	v0 =	vld [tilespmem:$0x14140];
	_ =	sdelay $0x4  }
0x160: {  	[tilespmem:s21+$0xC140] =	vst.add.f32.msk $0xffff, v0  }
0x161: {  	v0 =	vld [tilespmem:$0x14150];
	_ =	sdelay $0x4  }
0x162: {  	[tilespmem:s21+$0xC150] =	vst.add.f32.msk $0xffff, v0  }
0x163: {  	v0 =	vld [tilespmem:$0x14160];
	_ =	sdelay $0x4  }
0x164: {  	[tilespmem:s21+$0xC160] =	vst.add.f32.msk $0xffff, v0  }
0x165: {  	v0 =	vld [tilespmem:$0x14170];
	_ =	sdelay $0x4  }
0x166: {  	[tilespmem:s21+$0xC170] =	vst.add.f32.msk $0xffff, v0  }
0x167: {  	v0 =	vld [tilespmem:$0x14180];
	_ =	sdelay $0x4  }
0x168: {  	[tilespmem:s21+$0xC180] =	vst.add.f32.msk $0xffff, v0  }
0x169: {  	v0 =	vld [tilespmem:$0x14190];
	_ =	sdelay $0x4  }
0x16a: {  	[tilespmem:s21+$0xC190] =	vst.add.f32.msk $0xffff, v0  }
0x16b: {  	v0 =	vld [tilespmem:$0x141A0];
	_ =	sdelay $0x4  }
0x16c: {  	[tilespmem:s21+$0xC1A0] =	vst.add.f32.msk $0xffff, v0  }
0x16d: {  	v0 =	vld [tilespmem:$0x141B0];
	_ =	sdelay $0x4  }
0x16e: {  	[tilespmem:s21+$0xC1B0] =	vst.add.f32.msk $0xffff, v0  }
0x16f: {  	v0 =	vld [tilespmem:$0x141C0];
	_ =	sdelay $0x4  }
0x170: {  	[tilespmem:s21+$0xC1C0] =	vst.add.f32.msk $0xffff, v0  }
0x171: {  	v0 =	vld [tilespmem:$0x141D0];
	_ =	sdelay $0x4  }
0x172: {  	[tilespmem:s21+$0xC1D0] =	vst.add.f32.msk $0xffff, v0  }
0x173: {  	v0 =	vld [tilespmem:$0x141E0];
	_ =	sdelay $0x4  }
0x174: {  	[tilespmem:s21+$0xC1E0] =	vst.add.f32.msk $0xffff, v0  }
0x175: {  	v0 =	vld [tilespmem:$0x141F0];
	_ =	sdelay $0x4  }
0x176: {  	[tilespmem:s21+$0xC1F0] =	vst.add.f32.msk $0xffff, v0  }
0x177: {  	v0 =	vld [tilespmem:$0x14200];
	_ =	sdelay $0x4  }
0x178: {  	[tilespmem:s21+$0xC200] =	vst.add.f32.msk $0xffff, v0  }
0x179: {  	v0 =	vld [tilespmem:$0x14210];
	_ =	sdelay $0x4  }
0x17a: {  	[tilespmem:s21+$0xC210] =	vst.add.f32.msk $0xffff, v0  }
0x17b: {  	v0 =	vld [tilespmem:$0x14220];
	_ =	sdelay $0x4  }
0x17c: {  	[tilespmem:s21+$0xC220] =	vst.add.f32.msk $0xffff, v0  }
0x17d: {  	v0 =	vld [tilespmem:$0x14230];
	_ =	sdelay $0x4  }
0x17e: {  	[tilespmem:s21+$0xC230] =	vst.add.f32.msk $0xffff, v0  }
0x17f: {  	v0 =	vld [tilespmem:$0x14240];
	_ =	sdelay $0x4  }
0x180: {  	[tilespmem:s21+$0xC240] =	vst.add.f32.msk $0xffff, v0  }
0x181: {  	v0 =	vld [tilespmem:$0x14250];
	_ =	sdelay $0x4  }
0x182: {  	[tilespmem:s21+$0xC250] =	vst.add.f32.msk $0xffff, v0  }
0x183: {  	v0 =	vld [tilespmem:$0x14260];
	_ =	sdelay $0x4  }
0x184: {  	[tilespmem:s21+$0xC260] =	vst.add.f32.msk $0xffff, v0  }
0x185: {  	v0 =	vld [tilespmem:$0x14270];
	_ =	sdelay $0x4  }
0x186: {  	[tilespmem:s21+$0xC270] =	vst.add.f32.msk $0xffff, v0  }
0x187: {  	v0 =	vld [tilespmem:$0x14280];
	_ =	sdelay $0x4  }
0x188: {  	[tilespmem:s21+$0xC280] =	vst.add.f32.msk $0xffff, v0  }
0x189: {  	v0 =	vld [tilespmem:$0x14290];
	_ =	sdelay $0x4  }
0x18a: {  	[tilespmem:s21+$0xC290] =	vst.add.f32.msk $0xffff, v0  }
0x18b: {  	v0 =	vld [tilespmem:$0x142A0];
	_ =	sdelay $0x4  }
0x18c: {  	[tilespmem:s21+$0xC2A0] =	vst.add.f32.msk $0xffff, v0  }
0x18d: {  	v0 =	vld [tilespmem:$0x142B0];
	_ =	sdelay $0x4  }
0x18e: {  	[tilespmem:s21+$0xC2B0] =	vst.add.f32.msk $0xffff, v0  }
0x18f: {  	v0 =	vld [tilespmem:$0x142C0];
	_ =	sdelay $0x4  }
0x190: {  	[tilespmem:s21+$0xC2C0] =	vst.add.f32.msk $0xffff, v0  }
0x191: {  	v0 =	vld [tilespmem:$0x142D0];
	_ =	sdelay $0x4  }
0x192: {  	[tilespmem:s21+$0xC2D0] =	vst.add.f32.msk $0xffff, v0  }
0x193: {  	v0 =	vld [tilespmem:$0x142E0];
	_ =	sdelay $0x4  }
0x194: {  	[tilespmem:s21+$0xC2E0] =	vst.add.f32.msk $0xffff, v0  }
0x195: {  	v0 =	vld [tilespmem:$0x142F0];
	_ =	sdelay $0x4  }
0x196: {  	[tilespmem:s21+$0xC2F0] =	vst.add.f32.msk $0xffff, v0  }
0x197: {  	v0 =	vld [tilespmem:$0x14300];
	_ =	sdelay $0x4  }
0x198: {  	[tilespmem:s21+$0xC300] =	vst.add.f32.msk $0xffff, v0  }
0x199: {  	v0 =	vld [tilespmem:$0x14310];
	_ =	sdelay $0x4  }
0x19a: {  	[tilespmem:s21+$0xC310] =	vst.add.f32.msk $0xffff, v0  }
0x19b: {  	v0 =	vld [tilespmem:$0x14320];
	_ =	sdelay $0x4  }
0x19c: {  	[tilespmem:s21+$0xC320] =	vst.add.f32.msk $0xffff, v0  }
0x19d: {  	v0 =	vld [tilespmem:$0x14330];
	_ =	sdelay $0x4  }
0x19e: {  	[tilespmem:s21+$0xC330] =	vst.add.f32.msk $0xffff, v0  }
0x19f: {  	v0 =	vld [tilespmem:$0x14340];
	_ =	sdelay $0x4  }
0x1a0: {  	[tilespmem:s21+$0xC340] =	vst.add.f32.msk $0xffff, v0  }
0x1a1: {  	v0 =	vld [tilespmem:$0x14350];
	_ =	sdelay $0x4  }
0x1a2: {  	[tilespmem:s21+$0xC350] =	vst.add.f32.msk $0xffff, v0  }
0x1a3: {  	v0 =	vld [tilespmem:$0x14360];
	_ =	sdelay $0x4  }
0x1a4: {  	[tilespmem:s21+$0xC360] =	vst.add.f32.msk $0xffff, v0  }
0x1a5: {  	v0 =	vld [tilespmem:$0x14370];
	_ =	sdelay $0x4  }
0x1a6: {  	[tilespmem:s21+$0xC370] =	vst.add.f32.msk $0xffff, v0  }
0x1a7: {  	v0 =	vld [tilespmem:$0x14380];
	_ =	sdelay $0x4  }
0x1a8: {  	[tilespmem:s21+$0xC380] =	vst.add.f32.msk $0xffff, v0  }
0x1a9: {  	v0 =	vld [tilespmem:$0x14390];
	_ =	sdelay $0x4  }
0x1aa: {  	[tilespmem:s21+$0xC390] =	vst.add.f32.msk $0xffff, v0  }
0x1ab: {  	v0 =	vld [tilespmem:$0x143A0];
	_ =	sdelay $0x4  }
0x1ac: {  	[tilespmem:s21+$0xC3A0] =	vst.add.f32.msk $0xffff, v0  }
0x1ad: {  	v0 =	vld [tilespmem:$0x143B0];
	_ =	sdelay $0x4  }
0x1ae: {  	[tilespmem:s21+$0xC3B0] =	vst.add.f32.msk $0xffff, v0  }
0x1af: {  	v0 =	vld [tilespmem:$0x143C0];
	_ =	sdelay $0x4  }
0x1b0: {  	[tilespmem:s21+$0xC3C0] =	vst.add.f32.msk $0xffff, v0  }
0x1b1: {  	v0 =	vld [tilespmem:$0x143D0];
	_ =	sdelay $0x4  }
0x1b2: {  	[tilespmem:s21+$0xC3D0] =	vst.add.f32.msk $0xffff, v0  }
0x1b3: {  	v0 =	vld [tilespmem:$0x143E0];
	_ =	sdelay $0x4  }
0x1b4: {  	[tilespmem:s21+$0xC3E0] =	vst.add.f32.msk $0xffff, v0  }
0x1b5: {  	v0 =	vld [tilespmem:$0x143F0];
	_ =	sdelay $0x1  }
.Ltmp6:
0x1b6: {  	(pc) =	sbr.rel @p0 .LBB2_13-.Ltmp6, $3  }
0x1b7: {  	_ =	sdelay $0x1  }
0x1b8: {  	[tilespmem:s21+$0xC3F0] =	vst.add.f32.msk $0xffff, v0  }
0x1b9: {  	s20 =	sadd.s32 $0x1000, s20;
	v0 =	vld [tilespmem:$0x14000]  }
0x1ba: {  	_ =	sdelay $0x2  }
0x1bb: {  	s19 =	sshra.s32 s19, $0x2  }
0x1bc: {  	[tilespmem:s19+$0xC000] =	vst.add.f32.msk $0xffff, v0  }
0x1bd: {  	v0 =	vld [tilespmem:$0x14010];
	_ =	sdelay $0x4  }
0x1be: {  	[tilespmem:s19+$0xC010] =	vst.add.f32.msk $0xffff, v0  }
0x1bf: {  	v0 =	vld [tilespmem:$0x14020];
	_ =	sdelay $0x4  }
0x1c0: {  	[tilespmem:s19+$0xC020] =	vst.add.f32.msk $0xffff, v0  }
0x1c1: {  	v0 =	vld [tilespmem:$0x14030];
	_ =	sdelay $0x4  }
0x1c2: {  	[tilespmem:s19+$0xC030] =	vst.add.f32.msk $0xffff, v0  }
0x1c3: {  	v0 =	vld [tilespmem:$0x14040];
	_ =	sdelay $0x4  }
0x1c4: {  	[tilespmem:s19+$0xC040] =	vst.add.f32.msk $0xffff, v0  }
0x1c5: {  	v0 =	vld [tilespmem:$0x14050];
	_ =	sdelay $0x4  }
0x1c6: {  	[tilespmem:s19+$0xC050] =	vst.add.f32.msk $0xffff, v0  }
0x1c7: {  	v0 =	vld [tilespmem:$0x14060];
	_ =	sdelay $0x4  }
0x1c8: {  	[tilespmem:s19+$0xC060] =	vst.add.f32.msk $0xffff, v0  }
0x1c9: {  	v0 =	vld [tilespmem:$0x14070];
	_ =	sdelay $0x4  }
0x1ca: {  	[tilespmem:s19+$0xC070] =	vst.add.f32.msk $0xffff, v0  }
0x1cb: {  	v0 =	vld [tilespmem:$0x14080];
	_ =	sdelay $0x4  }
0x1cc: {  	[tilespmem:s19+$0xC080] =	vst.add.f32.msk $0xffff, v0  }
0x1cd: {  	v0 =	vld [tilespmem:$0x14090];
	_ =	sdelay $0x4  }
0x1ce: {  	[tilespmem:s19+$0xC090] =	vst.add.f32.msk $0xffff, v0  }
0x1cf: {  	v0 =	vld [tilespmem:$0x140A0];
	_ =	sdelay $0x4  }
0x1d0: {  	[tilespmem:s19+$0xC0A0] =	vst.add.f32.msk $0xffff, v0  }
0x1d1: {  	v0 =	vld [tilespmem:$0x140B0];
	_ =	sdelay $0x4  }
0x1d2: {  	[tilespmem:s19+$0xC0B0] =	vst.add.f32.msk $0xffff, v0  }
0x1d3: {  	v0 =	vld [tilespmem:$0x140C0];
	_ =	sdelay $0x4  }
0x1d4: {  	[tilespmem:s19+$0xC0C0] =	vst.add.f32.msk $0xffff, v0  }
0x1d5: {  	v0 =	vld [tilespmem:$0x140D0];
	_ =	sdelay $0x4  }
0x1d6: {  	[tilespmem:s19+$0xC0D0] =	vst.add.f32.msk $0xffff, v0  }
0x1d7: {  	v0 =	vld [tilespmem:$0x140E0];
	_ =	sdelay $0x4  }
0x1d8: {  	[tilespmem:s19+$0xC0E0] =	vst.add.f32.msk $0xffff, v0  }
0x1d9: {  	v0 =	vld [tilespmem:$0x140F0];
	_ =	sdelay $0x4  }
0x1da: {  	[tilespmem:s19+$0xC0F0] =	vst.add.f32.msk $0xffff, v0  }
0x1db: {  	v0 =	vld [tilespmem:$0x14100];
	_ =	sdelay $0x4  }
0x1dc: {  	[tilespmem:s19+$0xC100] =	vst.add.f32.msk $0xffff, v0  }
0x1dd: {  	v0 =	vld [tilespmem:$0x14110];
	_ =	sdelay $0x4  }
0x1de: {  	[tilespmem:s19+$0xC110] =	vst.add.f32.msk $0xffff, v0  }
0x1df: {  	v0 =	vld [tilespmem:$0x14120];
	_ =	sdelay $0x4  }
0x1e0: {  	[tilespmem:s19+$0xC120] =	vst.add.f32.msk $0xffff, v0  }
0x1e1: {  	v0 =	vld [tilespmem:$0x14130];
	_ =	sdelay $0x4  }
0x1e2: {  	[tilespmem:s19+$0xC130] =	vst.add.f32.msk $0xffff, v0  }
0x1e3: {  	v0 =	vld [tilespmem:$0x14140];
	_ =	sdelay $0x4  }
0x1e4: {  	[tilespmem:s19+$0xC140] =	vst.add.f32.msk $0xffff, v0  }
0x1e5: {  	v0 =	vld [tilespmem:$0x14150];
	_ =	sdelay $0x4  }
0x1e6: {  	[tilespmem:s19+$0xC150] =	vst.add.f32.msk $0xffff, v0  }
0x1e7: {  	v0 =	vld [tilespmem:$0x14160];
	_ =	sdelay $0x4  }
0x1e8: {  	[tilespmem:s19+$0xC160] =	vst.add.f32.msk $0xffff, v0  }
0x1e9: {  	v0 =	vld [tilespmem:$0x14170];
	_ =	sdelay $0x4  }
0x1ea: {  	[tilespmem:s19+$0xC170] =	vst.add.f32.msk $0xffff, v0  }
0x1eb: {  	v0 =	vld [tilespmem:$0x14180];
	_ =	sdelay $0x4  }
0x1ec: {  	[tilespmem:s19+$0xC180] =	vst.add.f32.msk $0xffff, v0  }
0x1ed: {  	v0 =	vld [tilespmem:$0x14190];
	_ =	sdelay $0x4  }
0x1ee: {  	[tilespmem:s19+$0xC190] =	vst.add.f32.msk $0xffff, v0  }
0x1ef: {  	v0 =	vld [tilespmem:$0x141A0];
	_ =	sdelay $0x4  }
0x1f0: {  	[tilespmem:s19+$0xC1A0] =	vst.add.f32.msk $0xffff, v0  }
0x1f1: {  	v0 =	vld [tilespmem:$0x141B0];
	_ =	sdelay $0x4  }
0x1f2: {  	[tilespmem:s19+$0xC1B0] =	vst.add.f32.msk $0xffff, v0  }
0x1f3: {  	v0 =	vld [tilespmem:$0x141C0];
	_ =	sdelay $0x4  }
0x1f4: {  	[tilespmem:s19+$0xC1C0] =	vst.add.f32.msk $0xffff, v0  }
0x1f5: {  	v0 =	vld [tilespmem:$0x141D0];
	_ =	sdelay $0x4  }
0x1f6: {  	[tilespmem:s19+$0xC1D0] =	vst.add.f32.msk $0xffff, v0  }
0x1f7: {  	v0 =	vld [tilespmem:$0x141E0];
	_ =	sdelay $0x4  }
0x1f8: {  	[tilespmem:s19+$0xC1E0] =	vst.add.f32.msk $0xffff, v0  }
0x1f9: {  	v0 =	vld [tilespmem:$0x141F0];
	_ =	sdelay $0x4  }
0x1fa: {  	[tilespmem:s19+$0xC1F0] =	vst.add.f32.msk $0xffff, v0  }
0x1fb: {  	v0 =	vld [tilespmem:$0x14200];
	_ =	sdelay $0x4  }
0x1fc: {  	[tilespmem:s19+$0xC200] =	vst.add.f32.msk $0xffff, v0  }
0x1fd: {  	v0 =	vld [tilespmem:$0x14210];
	_ =	sdelay $0x4  }
0x1fe: {  	[tilespmem:s19+$0xC210] =	vst.add.f32.msk $0xffff, v0  }
0x1ff: {  	v0 =	vld [tilespmem:$0x14220];
	_ =	sdelay $0x4  }
0x200: {  	[tilespmem:s19+$0xC220] =	vst.add.f32.msk $0xffff, v0  }
0x201: {  	v0 =	vld [tilespmem:$0x14230];
	_ =	sdelay $0x4  }
0x202: {  	[tilespmem:s19+$0xC230] =	vst.add.f32.msk $0xffff, v0  }
0x203: {  	v0 =	vld [tilespmem:$0x14240];
	_ =	sdelay $0x4  }
0x204: {  	[tilespmem:s19+$0xC240] =	vst.add.f32.msk $0xffff, v0  }
0x205: {  	v0 =	vld [tilespmem:$0x14250];
	_ =	sdelay $0x4  }
0x206: {  	[tilespmem:s19+$0xC250] =	vst.add.f32.msk $0xffff, v0  }
0x207: {  	v0 =	vld [tilespmem:$0x14260];
	_ =	sdelay $0x4  }
0x208: {  	[tilespmem:s19+$0xC260] =	vst.add.f32.msk $0xffff, v0  }
0x209: {  	v0 =	vld [tilespmem:$0x14270];
	_ =	sdelay $0x4  }
0x20a: {  	[tilespmem:s19+$0xC270] =	vst.add.f32.msk $0xffff, v0  }
0x20b: {  	v0 =	vld [tilespmem:$0x14280];
	_ =	sdelay $0x4  }
0x20c: {  	[tilespmem:s19+$0xC280] =	vst.add.f32.msk $0xffff, v0  }
0x20d: {  	v0 =	vld [tilespmem:$0x14290];
	_ =	sdelay $0x4  }
0x20e: {  	[tilespmem:s19+$0xC290] =	vst.add.f32.msk $0xffff, v0  }
0x20f: {  	v0 =	vld [tilespmem:$0x142A0];
	_ =	sdelay $0x4  }
0x210: {  	[tilespmem:s19+$0xC2A0] =	vst.add.f32.msk $0xffff, v0  }
0x211: {  	v0 =	vld [tilespmem:$0x142B0];
	_ =	sdelay $0x4  }
0x212: {  	[tilespmem:s19+$0xC2B0] =	vst.add.f32.msk $0xffff, v0  }
0x213: {  	v0 =	vld [tilespmem:$0x142C0];
	_ =	sdelay $0x4  }
0x214: {  	[tilespmem:s19+$0xC2C0] =	vst.add.f32.msk $0xffff, v0  }
0x215: {  	v0 =	vld [tilespmem:$0x142D0];
	_ =	sdelay $0x4  }
0x216: {  	[tilespmem:s19+$0xC2D0] =	vst.add.f32.msk $0xffff, v0  }
0x217: {  	v0 =	vld [tilespmem:$0x142E0];
	_ =	sdelay $0x4  }
0x218: {  	[tilespmem:s19+$0xC2E0] =	vst.add.f32.msk $0xffff, v0  }
0x219: {  	v0 =	vld [tilespmem:$0x142F0];
	_ =	sdelay $0x4  }
0x21a: {  	[tilespmem:s19+$0xC2F0] =	vst.add.f32.msk $0xffff, v0  }
0x21b: {  	v0 =	vld [tilespmem:$0x14300];
	_ =	sdelay $0x4  }
0x21c: {  	[tilespmem:s19+$0xC300] =	vst.add.f32.msk $0xffff, v0  }
0x21d: {  	v0 =	vld [tilespmem:$0x14310];
	_ =	sdelay $0x4  }
0x21e: {  	[tilespmem:s19+$0xC310] =	vst.add.f32.msk $0xffff, v0  }
0x21f: {  	v0 =	vld [tilespmem:$0x14320];
	_ =	sdelay $0x4  }
0x220: {  	[tilespmem:s19+$0xC320] =	vst.add.f32.msk $0xffff, v0  }
0x221: {  	v0 =	vld [tilespmem:$0x14330];
	_ =	sdelay $0x4  }
0x222: {  	[tilespmem:s19+$0xC330] =	vst.add.f32.msk $0xffff, v0  }
0x223: {  	v0 =	vld [tilespmem:$0x14340];
	_ =	sdelay $0x4  }
0x224: {  	[tilespmem:s19+$0xC340] =	vst.add.f32.msk $0xffff, v0  }
0x225: {  	v0 =	vld [tilespmem:$0x14350];
	_ =	sdelay $0x4  }
0x226: {  	[tilespmem:s19+$0xC350] =	vst.add.f32.msk $0xffff, v0  }
0x227: {  	v0 =	vld [tilespmem:$0x14360];
	_ =	sdelay $0x4  }
0x228: {  	[tilespmem:s19+$0xC360] =	vst.add.f32.msk $0xffff, v0  }
0x229: {  	v0 =	vld [tilespmem:$0x14370];
	_ =	sdelay $0x4  }
0x22a: {  	[tilespmem:s19+$0xC370] =	vst.add.f32.msk $0xffff, v0  }
0x22b: {  	v0 =	vld [tilespmem:$0x14380];
	_ =	sdelay $0x4  }
0x22c: {  	[tilespmem:s19+$0xC380] =	vst.add.f32.msk $0xffff, v0  }
0x22d: {  	v0 =	vld [tilespmem:$0x14390];
	_ =	sdelay $0x4  }
0x22e: {  	[tilespmem:s19+$0xC390] =	vst.add.f32.msk $0xffff, v0  }
0x22f: {  	v0 =	vld [tilespmem:$0x143A0];
	_ =	sdelay $0x4  }
0x230: {  	[tilespmem:s19+$0xC3A0] =	vst.add.f32.msk $0xffff, v0  }
0x231: {  	v0 =	vld [tilespmem:$0x143B0];
	_ =	sdelay $0x4  }
0x232: {  	[tilespmem:s19+$0xC3B0] =	vst.add.f32.msk $0xffff, v0  }
0x233: {  	v0 =	vld [tilespmem:$0x143C0];
	_ =	sdelay $0x4  }
0x234: {  	[tilespmem:s19+$0xC3C0] =	vst.add.f32.msk $0xffff, v0  }
0x235: {  	v0 =	vld [tilespmem:$0x143D0];
	_ =	sdelay $0x4  }
0x236: {  	[tilespmem:s19+$0xC3D0] =	vst.add.f32.msk $0xffff, v0  }
0x237: {  	v0 =	vld [tilespmem:$0x143E0];
	_ =	sdelay $0x4  }
0x238: {  	[tilespmem:s19+$0xC3E0] =	vst.add.f32.msk $0xffff, v0  }
0x239: {  	v0 =	vld [tilespmem:$0x143F0];
	_ =	sdelay $0x1  }
.Ltmp7:
0x23a: {  	_ = 	snop;
	(pc) =	sbr.rel .LBB2_15-.Ltmp7, $4  }
0x23b: {  	_ = 	snop  }
0x23c: {  	s20 =	sshll.u32 s18, $0xC  }
0x23d: {  	s22 =	sadd.s32 s20, s7;
	[tilespmem:s19+$0xC3F0] =	vst.add.f32.msk $0xffff, v0  }
0x23e: {  	[hbm4b:s22+s3] =	stream.linear.scatter [tilespmem:s29], [sflag:$0x4], $0x8000, $0x38;
	[tilespmem:$0x14420] =	vst v63  }
.LBB2_5:
0x23f: {  	p0 =	seq.s32 s18, $0x0  }
.Ltmp8:
0x240: {  	_ = 	snop;
	(pc) =	sbr.rel @p0 .LBB2_8-.Ltmp8, $1  }
0x241: {  	_ =	sdelay $0x3  }
0x242: {  	p0 =	seq.s32 s18, $0xF  }
.Ltmp9:
0x243: {  	_ = 	snop;
	(pc) =	sbr.rel @p0 .LBB2_9-.Ltmp9, $1  }
0x244: {  	_ =	sdelay $0x3  }
0x245: {  	_ =	swait.ge [sflag:s31], $0x8000  }
0x246: {  	[sflag:s31] =	ssyncset.done $0x0  }
0x247: {  	[sflag:s31] =	ssyncadd.s32 $0xFFFF8000  }
.LBB2_8:
0x248: {  	s19 =	sshll.u32 s18, $0xA  }
0x249: {  	s19 =	sand.u32 $0x3FFFFC00, s19  }
0x24a: {  	s20 =	sadd.s32 $0x400, s19  }
0x24b: {  	[tilespmem:s29], [sflag:$0x2] =	stream.indirect.gather [hbm4b:s4+s12], $0x20, s20, s12, $0xb8;
	[tilespmem:$0x14420] =	vst v63  }
0x24c: {  	s21 =	sadd.s32 $0x480, s19  }
0x24d: {  	[tilespmem:s1], [sflag:$0x2] =	stream.indirect.gather [hbm4b:s4+s12], $0x20, s21, s12, $0xb8;
	[tilespmem:$0x14420] =	vst v63  }
0x24e: {  	s22 =	sadd.s32 $0x500, s19  }
0x24f: {  	[tilespmem:s0], [sflag:$0x2] =	stream.indirect.gather [hbm4b:s4+s12], $0x20, s22, s12, $0xb8;
	[tilespmem:$0x14420] =	vst v63  }
0x250: {  	s21 =	sadd.s32 $0x580, s19  }
0x251: {  	[tilespmem:s2], [sflag:$0x2] =	stream.indirect.gather [hbm4b:s4+s12], $0x20, s21, s12, $0xb8;
	[tilespmem:$0x14420] =	vst v63  }
0x252: {  	s22 =	sadd.s32 $0x600, s19  }
0x253: {  	[tilespmem:s10], [sflag:$0x2] =	stream.indirect.gather [hbm4b:s4+s12], $0x20, s22, s12, $0xb8;
	[tilespmem:$0x14420] =	vst v63  }
0x254: {  	s21 =	sadd.s32 $0x680, s19  }
0x255: {  	[tilespmem:s11], [sflag:$0x2] =	stream.indirect.gather [hbm4b:s4+s12], $0x20, s21, s12, $0xb8;
	[tilespmem:$0x14420] =	vst v63  }
0x256: {  	s22 =	sadd.s32 $0x700, s19  }
0x257: {  	[tilespmem:s14], [sflag:$0x2] =	stream.indirect.gather [hbm4b:s4+s12], $0x20, s22, s12, $0xb8;
	[tilespmem:$0x14420] =	vst v63  }
0x258: {  	s19 =	sadd.s32 $0x780, s19  }
0x259: {  	[tilespmem:s15], [sflag:$0x2] =	stream.indirect.gather [hbm4b:s4+s12], $0x20, s19, s12, $0xb8;
	[tilespmem:$0x14420] =	vst v63  }
.LBB2_9:
0x25a: {  	_ =	swait.ge [sflag:s16], $0x8000  }
0x25b: {  	[sflag:s16] =	ssyncset.done $0x0  }
0x25c: {  	[sflag:s16] =	ssyncadd.s32 $0xFFFF8000  }
0x25d: {  	s19 =	simm.s32 $0x0;
	s20 =	simm.s32 $0x1000;
	v0 =	vld [tilespmem:$0x14000]  }
.LBB2_10:
0x25e: {  	p0 =	sne.s32 s20, $0x1F000;
	_ =	sdelay $0x2  }
0x25f: {  	s21 =	sshra.s32 s19, $0x2;
	s19 =	smov.u32 s20  }
0x260: {  	[tilespmem:s21+$0x4000] =	vst.add.f32.msk $0xffff, v0  }
0x261: {  	v0 =	vld [tilespmem:$0x14010];
	_ =	sdelay $0x4  }
0x262: {  	[tilespmem:s21+$0x4010] =	vst.add.f32.msk $0xffff, v0  }
0x263: {  	v0 =	vld [tilespmem:$0x14020];
	_ =	sdelay $0x4  }
0x264: {  	[tilespmem:s21+$0x4020] =	vst.add.f32.msk $0xffff, v0  }
0x265: {  	v0 =	vld [tilespmem:$0x14030];
	_ =	sdelay $0x4  }
0x266: {  	[tilespmem:s21+$0x4030] =	vst.add.f32.msk $0xffff, v0  }
0x267: {  	v0 =	vld [tilespmem:$0x14040];
	_ =	sdelay $0x4  }
0x268: {  	[tilespmem:s21+$0x4040] =	vst.add.f32.msk $0xffff, v0  }
0x269: {  	v0 =	vld [tilespmem:$0x14050];
	_ =	sdelay $0x4  }
0x26a: {  	[tilespmem:s21+$0x4050] =	vst.add.f32.msk $0xffff, v0  }
0x26b: {  	v0 =	vld [tilespmem:$0x14060];
	_ =	sdelay $0x4  }
0x26c: {  	[tilespmem:s21+$0x4060] =	vst.add.f32.msk $0xffff, v0  }
0x26d: {  	v0 =	vld [tilespmem:$0x14070];
	_ =	sdelay $0x4  }
0x26e: {  	[tilespmem:s21+$0x4070] =	vst.add.f32.msk $0xffff, v0  }
0x26f: {  	v0 =	vld [tilespmem:$0x14080];
	_ =	sdelay $0x4  }
0x270: {  	[tilespmem:s21+$0x4080] =	vst.add.f32.msk $0xffff, v0  }
0x271: {  	v0 =	vld [tilespmem:$0x14090];
	_ =	sdelay $0x4  }
0x272: {  	[tilespmem:s21+$0x4090] =	vst.add.f32.msk $0xffff, v0  }
0x273: {  	v0 =	vld [tilespmem:$0x140A0];
	_ =	sdelay $0x4  }
0x274: {  	[tilespmem:s21+$0x40A0] =	vst.add.f32.msk $0xffff, v0  }
0x275: {  	v0 =	vld [tilespmem:$0x140B0];
	_ =	sdelay $0x4  }
0x276: {  	[tilespmem:s21+$0x40B0] =	vst.add.f32.msk $0xffff, v0  }
0x277: {  	v0 =	vld [tilespmem:$0x140C0];
	_ =	sdelay $0x4  }
0x278: {  	[tilespmem:s21+$0x40C0] =	vst.add.f32.msk $0xffff, v0  }
0x279: {  	v0 =	vld [tilespmem:$0x140D0];
	_ =	sdelay $0x4  }
0x27a: {  	[tilespmem:s21+$0x40D0] =	vst.add.f32.msk $0xffff, v0  }
0x27b: {  	v0 =	vld [tilespmem:$0x140E0];
	_ =	sdelay $0x4  }
0x27c: {  	[tilespmem:s21+$0x40E0] =	vst.add.f32.msk $0xffff, v0  }
0x27d: {  	v0 =	vld [tilespmem:$0x140F0];
	_ =	sdelay $0x4  }
0x27e: {  	[tilespmem:s21+$0x40F0] =	vst.add.f32.msk $0xffff, v0  }
0x27f: {  	v0 =	vld [tilespmem:$0x14100];
	_ =	sdelay $0x4  }
0x280: {  	[tilespmem:s21+$0x4100] =	vst.add.f32.msk $0xffff, v0  }
0x281: {  	v0 =	vld [tilespmem:$0x14110];
	_ =	sdelay $0x4  }
0x282: {  	[tilespmem:s21+$0x4110] =	vst.add.f32.msk $0xffff, v0  }
0x283: {  	v0 =	vld [tilespmem:$0x14120];
	_ =	sdelay $0x4  }
0x284: {  	[tilespmem:s21+$0x4120] =	vst.add.f32.msk $0xffff, v0  }
0x285: {  	v0 =	vld [tilespmem:$0x14130];
	_ =	sdelay $0x4  }
0x286: {  	[tilespmem:s21+$0x4130] =	vst.add.f32.msk $0xffff, v0  }
0x287: {  	v0 =	vld [tilespmem:$0x14140];
	_ =	sdelay $0x4  }
0x288: {  	[tilespmem:s21+$0x4140] =	vst.add.f32.msk $0xffff, v0  }
0x289: {  	v0 =	vld [tilespmem:$0x14150];
	_ =	sdelay $0x4  }
0x28a: {  	[tilespmem:s21+$0x4150] =	vst.add.f32.msk $0xffff, v0  }
0x28b: {  	v0 =	vld [tilespmem:$0x14160];
	_ =	sdelay $0x4  }
0x28c: {  	[tilespmem:s21+$0x4160] =	vst.add.f32.msk $0xffff, v0  }
0x28d: {  	v0 =	vld [tilespmem:$0x14170];
	_ =	sdelay $0x4  }
0x28e: {  	[tilespmem:s21+$0x4170] =	vst.add.f32.msk $0xffff, v0  }
0x28f: {  	v0 =	vld [tilespmem:$0x14180];
	_ =	sdelay $0x4  }
0x290: {  	[tilespmem:s21+$0x4180] =	vst.add.f32.msk $0xffff, v0  }
0x291: {  	v0 =	vld [tilespmem:$0x14190];
	_ =	sdelay $0x4  }
0x292: {  	[tilespmem:s21+$0x4190] =	vst.add.f32.msk $0xffff, v0  }
0x293: {  	v0 =	vld [tilespmem:$0x141A0];
	_ =	sdelay $0x4  }
0x294: {  	[tilespmem:s21+$0x41A0] =	vst.add.f32.msk $0xffff, v0  }
0x295: {  	v0 =	vld [tilespmem:$0x141B0];
	_ =	sdelay $0x4  }
0x296: {  	[tilespmem:s21+$0x41B0] =	vst.add.f32.msk $0xffff, v0  }
0x297: {  	v0 =	vld [tilespmem:$0x141C0];
	_ =	sdelay $0x4  }
0x298: {  	[tilespmem:s21+$0x41C0] =	vst.add.f32.msk $0xffff, v0  }
0x299: {  	v0 =	vld [tilespmem:$0x141D0];
	_ =	sdelay $0x4  }
0x29a: {  	[tilespmem:s21+$0x41D0] =	vst.add.f32.msk $0xffff, v0  }
0x29b: {  	v0 =	vld [tilespmem:$0x141E0];
	_ =	sdelay $0x4  }
0x29c: {  	[tilespmem:s21+$0x41E0] =	vst.add.f32.msk $0xffff, v0  }
0x29d: {  	v0 =	vld [tilespmem:$0x141F0];
	_ =	sdelay $0x4  }
0x29e: {  	[tilespmem:s21+$0x41F0] =	vst.add.f32.msk $0xffff, v0  }
0x29f: {  	v0 =	vld [tilespmem:$0x14200];
	_ =	sdelay $0x4  }
0x2a0: {  	[tilespmem:s21+$0x4200] =	vst.add.f32.msk $0xffff, v0  }
0x2a1: {  	v0 =	vld [tilespmem:$0x14210];
	_ =	sdelay $0x4  }
0x2a2: {  	[tilespmem:s21+$0x4210] =	vst.add.f32.msk $0xffff, v0  }
0x2a3: {  	v0 =	vld [tilespmem:$0x14220];
	_ =	sdelay $0x4  }
0x2a4: {  	[tilespmem:s21+$0x4220] =	vst.add.f32.msk $0xffff, v0  }
0x2a5: {  	v0 =	vld [tilespmem:$0x14230];
	_ =	sdelay $0x4  }
0x2a6: {  	[tilespmem:s21+$0x4230] =	vst.add.f32.msk $0xffff, v0  }
0x2a7: {  	v0 =	vld [tilespmem:$0x14240];
	_ =	sdelay $0x4  }
0x2a8: {  	[tilespmem:s21+$0x4240] =	vst.add.f32.msk $0xffff, v0  }
0x2a9: {  	v0 =	vld [tilespmem:$0x14250];
	_ =	sdelay $0x4  }
0x2aa: {  	[tilespmem:s21+$0x4250] =	vst.add.f32.msk $0xffff, v0  }
0x2ab: {  	v0 =	vld [tilespmem:$0x14260];
	_ =	sdelay $0x4  }
0x2ac: {  	[tilespmem:s21+$0x4260] =	vst.add.f32.msk $0xffff, v0  }
0x2ad: {  	v0 =	vld [tilespmem:$0x14270];
	_ =	sdelay $0x4  }
0x2ae: {  	[tilespmem:s21+$0x4270] =	vst.add.f32.msk $0xffff, v0  }
0x2af: {  	v0 =	vld [tilespmem:$0x14280];
	_ =	sdelay $0x4  }
0x2b0: {  	[tilespmem:s21+$0x4280] =	vst.add.f32.msk $0xffff, v0  }
0x2b1: {  	v0 =	vld [tilespmem:$0x14290];
	_ =	sdelay $0x4  }
0x2b2: {  	[tilespmem:s21+$0x4290] =	vst.add.f32.msk $0xffff, v0  }
0x2b3: {  	v0 =	vld [tilespmem:$0x142A0];
	_ =	sdelay $0x4  }
0x2b4: {  	[tilespmem:s21+$0x42A0] =	vst.add.f32.msk $0xffff, v0  }
0x2b5: {  	v0 =	vld [tilespmem:$0x142B0];
	_ =	sdelay $0x4  }
0x2b6: {  	[tilespmem:s21+$0x42B0] =	vst.add.f32.msk $0xffff, v0  }
0x2b7: {  	v0 =	vld [tilespmem:$0x142C0];
	_ =	sdelay $0x4  }
0x2b8: {  	[tilespmem:s21+$0x42C0] =	vst.add.f32.msk $0xffff, v0  }
0x2b9: {  	v0 =	vld [tilespmem:$0x142D0];
	_ =	sdelay $0x4  }
0x2ba: {  	[tilespmem:s21+$0x42D0] =	vst.add.f32.msk $0xffff, v0  }
0x2bb: {  	v0 =	vld [tilespmem:$0x142E0];
	_ =	sdelay $0x4  }
0x2bc: {  	[tilespmem:s21+$0x42E0] =	vst.add.f32.msk $0xffff, v0  }
0x2bd: {  	v0 =	vld [tilespmem:$0x142F0];
	_ =	sdelay $0x4  }
0x2be: {  	[tilespmem:s21+$0x42F0] =	vst.add.f32.msk $0xffff, v0  }
0x2bf: {  	v0 =	vld [tilespmem:$0x14300];
	_ =	sdelay $0x4  }
0x2c0: {  	[tilespmem:s21+$0x4300] =	vst.add.f32.msk $0xffff, v0  }
0x2c1: {  	v0 =	vld [tilespmem:$0x14310];
	_ =	sdelay $0x4  }
0x2c2: {  	[tilespmem:s21+$0x4310] =	vst.add.f32.msk $0xffff, v0  }
0x2c3: {  	v0 =	vld [tilespmem:$0x14320];
	_ =	sdelay $0x4  }
0x2c4: {  	[tilespmem:s21+$0x4320] =	vst.add.f32.msk $0xffff, v0  }
0x2c5: {  	v0 =	vld [tilespmem:$0x14330];
	_ =	sdelay $0x4  }
0x2c6: {  	[tilespmem:s21+$0x4330] =	vst.add.f32.msk $0xffff, v0  }
0x2c7: {  	v0 =	vld [tilespmem:$0x14340];
	_ =	sdelay $0x4  }
0x2c8: {  	[tilespmem:s21+$0x4340] =	vst.add.f32.msk $0xffff, v0  }
0x2c9: {  	v0 =	vld [tilespmem:$0x14350];
	_ =	sdelay $0x4  }
0x2ca: {  	[tilespmem:s21+$0x4350] =	vst.add.f32.msk $0xffff, v0  }
0x2cb: {  	v0 =	vld [tilespmem:$0x14360];
	_ =	sdelay $0x4  }
0x2cc: {  	[tilespmem:s21+$0x4360] =	vst.add.f32.msk $0xffff, v0  }
0x2cd: {  	v0 =	vld [tilespmem:$0x14370];
	_ =	sdelay $0x4  }
0x2ce: {  	[tilespmem:s21+$0x4370] =	vst.add.f32.msk $0xffff, v0  }
0x2cf: {  	v0 =	vld [tilespmem:$0x14380];
	_ =	sdelay $0x4  }
0x2d0: {  	[tilespmem:s21+$0x4380] =	vst.add.f32.msk $0xffff, v0  }
0x2d1: {  	v0 =	vld [tilespmem:$0x14390];
	_ =	sdelay $0x4  }
0x2d2: {  	[tilespmem:s21+$0x4390] =	vst.add.f32.msk $0xffff, v0  }
0x2d3: {  	v0 =	vld [tilespmem:$0x143A0];
	_ =	sdelay $0x4  }
0x2d4: {  	[tilespmem:s21+$0x43A0] =	vst.add.f32.msk $0xffff, v0  }
0x2d5: {  	v0 =	vld [tilespmem:$0x143B0];
	_ =	sdelay $0x4  }
0x2d6: {  	[tilespmem:s21+$0x43B0] =	vst.add.f32.msk $0xffff, v0  }
0x2d7: {  	v0 =	vld [tilespmem:$0x143C0];
	_ =	sdelay $0x4  }
0x2d8: {  	[tilespmem:s21+$0x43C0] =	vst.add.f32.msk $0xffff, v0  }
0x2d9: {  	v0 =	vld [tilespmem:$0x143D0];
	_ =	sdelay $0x4  }
0x2da: {  	[tilespmem:s21+$0x43D0] =	vst.add.f32.msk $0xffff, v0  }
0x2db: {  	v0 =	vld [tilespmem:$0x143E0];
	_ =	sdelay $0x4  }
0x2dc: {  	[tilespmem:s21+$0x43E0] =	vst.add.f32.msk $0xffff, v0  }
0x2dd: {  	v0 =	vld [tilespmem:$0x143F0];
	_ =	sdelay $0x1  }
.Ltmp10:
0x2de: {  	(pc) =	sbr.rel @p0 .LBB2_10-.Ltmp10, $3  }
0x2df: {  	_ =	sdelay $0x1  }
0x2e0: {  	[tilespmem:s21+$0x43F0] =	vst.add.f32.msk $0xffff, v0  }
0x2e1: {  	s20 =	sadd.s32 $0x1000, s20;
	v0 =	vld [tilespmem:$0x14000]  }
.Ltmp11:
0x2e2: {  	_ = 	snop;
	(pc) =	sbr.rel .LBB2_11-.Ltmp11, $1  }
0x2e3: {  	_ =	sdelay $0x3  }
.LBB2_17:
0x2e4: {  	_ =	sfence.sel $0x180000  }
0x2e5: {  	[bflag:$0x0] =	sbarrier.arrive $0xFFFF  }
0x2e6: {  	_ =	strace $0x9000004A  }
0x2e7: {  	s0 =	stileid.u32;
	[bflag:$0x2] =	sbarrier.arrive $0xFFFF  }
0x2e8: {  	p0 =	sne.s32 s0, $0x0;
	s0 =	rddreg [dreg:$0x3]  }
0x2e9: {  	s0 =	sadd.s32 @!p0 $0x100000, s0  }
0x2ea: {  	[sflag:s0] =	ssyncadd.tile.s32 @!p0 $0x1;
	_ =	shalt  }
.Lfunc_end2:
_tile_overlayer_lowered:
.L_overlay_start_2:
0x2eb: {  	(tag) =	ssettag $0x2  }
0x2ec: {  	s0 =	rddreg [dreg:$0x0];
	s2 =	stileid.u32  }
0x2ed: {  	s1 =	rddreg [dreg:$0x1];
	p0 =	sne.s32 s2, $0x0  }
0x2ee: {  	s3 =	rddreg [dreg:$0x2];
	[bflag:$0x3] =	sbarrier.arrive $0xFFFF;
	s2 =	simm.s32 @!p0 $0x1C05  }
0x2ef: {  	[timem:s3], [sflag:s2] =	dma.local @!p0 [hbm:s0], s1  }
0x2f0: {  	s0 =	simm.s32 @!p0 $0x5  }
0x2f1: {  	_ =	swait.ge @!p0 [sflag:s0], s1  }
0x2f2: {  	s1 =	ssub.s32 @!p0 $0x0, s1;
	[sflag:s0] =	ssyncset.done @!p0 $0x0  }
0x2f3: {  	[sflag:s0] =	ssyncadd.s32 @!p0 s1  }
0x2f4: {  	[bflag:$0x3] =	sbarrier.arrive $0xFFFF  }
0x2f5: {  	_ =	shalt  }

// kernel: sparse-core-data-format-call.1.cloned.1.call-start
scs
called_computation.1_lowered:
.L_overlay_start_0:
0x0: {  	s2 =	sld [smem:$0x3FD9]  }
0x1: {  	s3 =	sld [smem:$0x3FFE];
	_ =	sdelay $0x1  }
0x2: {  	s1 =	srdreg.scid  }
0x3: {  	s0 =	sand.u32 $0x1, s1  }
0x4: {  	s18 =	sshll.u32 s0, $0xA;
	s2 =	sadd.s32 s3, s2  }
0x5: {  	s2 =	sadd.s32 s2, s18  }
0x6: {  	[smem:$0x3FC4] =	sst s2  }
0x7: {  	_ = 	snop  }
0x8: {  	s2 =	sld [smem:$0x3FC8];
	(tm) =	ssettm $0x1  }
0x9: {  	s19 =	sld [smem:$0x3FFB];
	_ =	sdelay $0x3  }
0xa: {  	_ =	strace s19  }
0xb: {  	s3 =	sld [smem:$0x3FFC];
	_ =	sdelay $0x3  }
0xc: {  	_ =	strace s3  }
0xd: {  	s3 =	sld [smem:$0x3FFD];
	_ =	sdelay $0x3  }
0xe: {  	_ =	strace s3  }
0xf: {  	_ =	strace $0x8FFFFFFF  }
0x10: {  	s20 =	sld [smem:$0x3FDB];
	_ =	sdelay $0x1  }
0x11: {  	s4 =	simm.s32 $_scs_section_size  }
0x12: {  	s5 =	simm.s32 $_size__tile_overlayer_lowered;
	s6 =	simm.s32 $_tile_overlayer_lowered  }
0x13: {  	s23 =	simm.s32 $0x1BFF;
	s22 =	sshll.u32 s6, $0x1;
	s3 =	sadd.s32 s4, s20  }
0x14: {  	s7 =	simm.s32 $0x0;
	s21 =	sshll.u32 s5, $0x1;
	s5 =	sadd.s32 s22, s3  }
0x15: {  	[timem:s7], [sflag:s23] =	dma.local [hbm:s5], s21  }
0x16: {  	_ =	swait.ge [sflag:s23], s21  }
0x17: {  	s4 =	ssub.s32 $0x0, s21;
	[sflag:s23] =	ssyncset.done $0x0  }
0x18: {  	[sflag:s23] =	ssyncadd.s32 s4;
	_ =	sdelay $0x1  }
0x19: {  	s24 =	simm.s32 $0x1B8B  }
0x1a: {  	_ =	swait.ge [sflag:s24], $0x1  }
0x1b: {  	[sflag:s24] =	ssyncset.done $0x0  }
0x1c: {  	s26 =	simm.s32 $0x1B8E;
	s25 =	sld [smem:$0x3FFE];
	[sflag:s24] =	ssyncadd.s32 $0xFFFFFFFF  }
0x1d: {  	s27 =	simm.s32 $execute0_lowered;
	[smem:$0x3FD2] =	sst s26  }
0x1e: {  	s5 =	sshll.u32 s27, $0x1;
	_ =	strace $0x80000046;
	[dreg:$0x1] =	wrdreg $0xFFFFFFFF  }
0x1f: {  	s28 =	simm.s32 $_size_execute0_lowered;
	s3 =	sadd.s32 s3, s5;
	[dreg:$0x0] =	wrdreg $0x0  }
0x20: {  	s5 =	sshll.u32 s28, $0x1;
	[dreg:$0x2] =	wrdreg s3  }
0x21: {  	[dreg:$0x3] =	wrdreg s5  }
0x22: {  	[dreg:$0x4] =	wrdreg $0xC0  }
0x23: {  	_ =	task [dreg:s7], $0x5FFFF  }
0x24: {  	[dreg:$0x1] =	wrdreg $0xFFFFFFFF  }
0x25: {  	[dreg:$0x0] =	wrdreg $0x60  }
0x26: {  	[dreg:$0x2] =	wrdreg s2  }
0x27: {  	[dreg:$0x3] =	wrdreg s25  }
0x28: {  	[dreg:$0x4] =	wrdreg $0x9  }
0x29: {  	_ =	task.clear_ibuf [dreg:s7], $0x5FFFF;
	_ =	strace $0x90000046  }
0x2a: {  	s29 =	simm.s32 $0x9;
	_ =	strace $0x80000048  }
0x2b: {  	_ =	swait.ge [sflag:s29], $0x1  }
0x2c: {  	[sflag:s29] =	ssyncadd.s32 $0xFFFFFFFF  }
0x2d: {  	_ =	strace $0x90000048  }
0x2e: {  	_ =	sfence  }
0x2f: {  	s30 =	sld [smem:$0x0];
	_ =	sdelay $0x2  }
0x30: {  	s31 =	sshll.u32 s1, $0xD;
	s1 =	sshrl.u32 s1, $0x2  }
0x31: {  	s3 =	sand.u32 $0x4000, s31;
	s1 =	sadd.s32 s1, s30  }
0x32: {  	s0 =	sor.u32 s3, s0;
	s1 =	sshll.u32 s1, $0x11  }
0x33: {  	s0 =	sor.u32 s1, s0  }
0x34: {  	s0 =	sadd.s32 $0x8F2B, s0  }
0x35: {  	[sflag:s0] =	ssyncadd.remote.s32 $0x1  }
0x36: {  	_ =	sfence.sel $0xFFFF  }
0x37: {  	[dreg:$0x0] =	wrdreg $0xFFFFFFFF;
	(pc) =	sbr.abs _section_cstart, $3  }
0x38: {  	[dreg:$0x1] =	wrdreg $0xFFFFFFFF  }
0x39: {  	_ =	task.clear_ibuf [dreg:s7], $0x2FFFF;
	_ =	strace $0x9FFFFFFF  }
0x3a: {  	(tm) =	ssettm $0x7FFFFFFF  }
0x3b: {  	_ =	shalt  }
tec
execute0_lowered:
.L_overlay_start_1:
0x0: {  	(tag) =	ssettag $0x1  }
0x1: {  	s0 =	srdreg.scid;
	s2 =	rddreg [dreg:$0x0]  }
0x2: {  	s5 =	rddreg [dreg:$0x1];
	s1 =	stileid.u32  }
0x3: {  	s4 =	simm.s32 $0x1;
	s6 =	simm.s32 $0x2;
	s15 =	simm.s32 $0x0  }
0x4: {  	p0 =	por $0x0, $0x0;
	s8 =	simm.s32 $0x80;
	s0 =	sshll.u32 s0, $0x4  }
0x5: {  	s14 =	simm.s32 $0x0;
	s9 =	simm.s32 $0x0;
	s3 =	sand.u32 $0x10, s0  }
.Ltmp0:
0x6: {  	s10 =	simm.s32 $0x0;
	s3 =	sor.u32 s1, s3;
	(pc) =	sbr.rel .LBB1_1-.Ltmp0, $4  }
0x7: {  	s0 =	rddreg [dreg:$0x2];
	_ =	strace $0x80000047;
	s3 =	sshll.u32 s3, $0x7  }
0x8: {  	s12 =	simm.s32 $0x0;
	[sflag:s4] =	ssyncpa.u1 $0x0;
	s7 =	ssub.s32 $0xF4200, s3  }
0x9: {  	s13 =	simm.s32 $0x0;
	[sflag:s6] =	ssyncpa.u1 $0x0;
	s6 =	sshrl.u32 s7, $0xC  }
0xa: {  	s5 =	sadd.s32 $0x1000, s5;
	s11 =	smov.u32 s3;
	s7 =	sadd.s32 $0x2, s6  }
.LBB1_5:
0xb: {  	p1 =	slt.u32 s13, $0x2  }
0xc: {  	s17 =	smov.u32 s15;
	p2 =	sgt.s32 @!p1 s15, $0xF41C0;
	s16 =	sshra.s32 @!p1 s15, $0x1F  }
0xd: {  	p3 =	sgt.s32 @!p1 s14, $0x60;
	s18 =	sshra.s32 @!p1 s14, $0x1F;
	p2 =	por !p2, p1  }
0xe: {  	s15 =	sand.u32 @!p1 s16, s15;
	p3 =	por !p3, p1;
	s16 =	smov.u32 s14  }
0xf: {  	s14 =	sand.u32 @!p1 s18, s14;
	s17 =	simm.s32 @p2 $0xF41C0;
	s16 =	simm.s32 @p3 $0x60  }
0x10: {  	s15 =	ssub.s32 @!p1 s17, s15;
	s14 =	ssub.s32 @!p1 s16, s14  }
0x11: {  	s18 =	smov.u32 s12;
	s16 =	sadd.s32 @!p1 $0xFFF0BE40, s15;
	s17 =	sadd.s32 @!p1 $0xFFFFFFA0, s14  }
0x12: {  	s15 =	ssub.s32 @!p1 $0xF4240, s15;
	p2 =	sgt.s32 @!p1 s16, $0x7F;
	p3 =	sgt.s32 @!p1 s17, $0x1F  }
0x13: {  	s14 =	ssub.s32 @!p1 $0x80, s14;
	p2 =	por !p2, p1;
	p3 =	por !p3, p1  }
0x14: {  	s16 =	sadd.s32 $0x1000, s11;
	s15 =	simm.s32 @!p2 $0x0;
	s14 =	simm.s32 @!p3 $0x0  }
0x15: {  	p2 =	sgt.s32 s16, $0xF423F;
	s14 =	smul.u32 @!p1 s14, s15;
	s15 =	sadd.s32 $0x20, s12  }
0x16: {  	s18 =	smov.u32 @p2 s15  }
0x17: {  	s16 =	smov.u32 @p2 s3;
	p2 =	sgt.s32 s18, $0x1F  }
0x18: {  	s18 =	simm.s32 @p2 $0x0;
	p2 =	sne.s32 s13, s7  }
.Ltmp1:
0x19: {  	p0 =	por !p0, !p0;
	s17 =	simm.s32 @!p1 $0x2;
	(pc) =	sbr.rel @!p2 .LBB1_6-.Ltmp1, $4  }
0x1a: {  	s15 =	smov.u32 s9;
	s9 =	smov.u32 s11;
	s14 =	sand.u32 @!p1 $0x3FFFFFFF, s14  }
0x1b: {  	s11 =	smov.u32 s16;
	_ =	swait.ge @!p1 [sflag:s17], s14;
	s19 =	ssub.s32 @!p1 $0x0, s14  }
0x1c: {  	s14 =	smov.u32 s10;
	s13 =	sadd.s32 $0x1, s13;
	[sflag:s17] =	ssyncset.done @!p1 $0x0  }
0x1d: {  	s10 =	smov.u32 s12;
	s12 =	smov.u32 s18;
	[sflag:s17] =	ssyncadd.s32 @!p1 s19  }
.LBB1_1:
0x1e: {  	p1 =	sgt.u32 s13, s6  }
0x1f: {  	s16 =	sshrl.u32 @!p1 s12, $0x3  }
0x20: {  	s17 =	sshll.u32 @!p1 s11, $0x3;
	s16 =	smul.u32 @!p1 $0x7A1400, s16  }
0x21: {  	s18 =	sshll.u32 @!p1 s12, $0x7;
	s17 =	sand.u32 @!p1 $0xFFFFFC00, s17  }
0x22: {  	s16 =	sadd.s32 @!p1 s16, s17;
	s17 =	sand.u32 @!p1 $0x380, s18  }
0x23: {  	s18 =	sand.u32 @!p1 $0x7F, s11;
	s16 =	sor.u32 @!p1 s17, s16  }
0x24: {  	s17 =	sor.u32 @!p1 s18, s16  }
0x25: {  	s18 =	smulhi.u32 @!p1 $0x218D6287, s17;
	_ =	sdelay $0x1  }
0x26: {  	s16 =	smulhi.u32 @!p1 $0x218D6287, s16;
	s18 =	sshrl.u32 @!p1 s18, $0x11  }
0x27: {  	s18 =	smul.u32 @!p1 $0xF4280, s18  }
0x28: {  	s19 =	sxor.u32 @!p1 $0xFFFFFFFF, s13;
	s16 =	sshrl.u32 @!p1 s16, $0x11  }
0x29: {  	s19 =	sshll.u32 @!p1 s19, $0xC;
	s16 =	sand.u32 @!p1 $0x1F, s16;
	s17 =	ssub.s32 @!p1 s17, s18  }
0x2a: {  	s16 =	smul.u32 @!p1 $0x1E850, s16;
	s18 =	sshrl.u32 @!p1 s17, $0x3;
	s17 =	sand.u32 @!p1 $0x7, s17  }
0x2b: {  	s19 =	sand.u32 @!p1 $0x1000, s19;
	s18 =	sadd.s32 @!p1 s2, s18;
	s17 =	sshll.u32 @!p1 s17, $0x12  }
0x2c: {  	s16 =	sadd.s32 @!p1 s16, s18;
	s17 =	sor.u32 @!p1 $0x400, s17;
	s18 =	simm.s32 @!p1 $0x7A1400  }
0x2d: {  	[tilespmem:s19], [sflag:$0x1] =	stream.strided.gather @!p1 [hbm4b:s16+s17], $0x1000, s18, s17, $0x38;
	[tilespmem:$0x4100] =	vst v63  }
0x2e: {  	p1 =	seq.s32 s13, $0x0  }
0x2f: {  	p2 =	sge.u32 @!p1 s13, s7  }
0x30: {  	p1 =	por p1, p2  }
.Ltmp2:
0x31: {  	_ = 	snop;
	(pc) =	sbr.rel @p1 .LBB1_5-.Ltmp2, $1  }
0x32: {  	_ =	sdelay $0x3  }
0x33: {  	s16 =	simm.s32 $0x1  }
0x34: {  	_ =	swait.ge [sflag:s4], $0x1000;
	s16 =	simm.s32 @!p0 $0x0  }
0x35: {  	[sflag:s4] =	ssyncset.done $0x0;
	s17 =	sshll.u32 s16, $0xC  }
0x36: {  	[sflag:s4] =	ssyncadd.s32 $0xFFFFF000;
	s17 =	sor.u32 $0x40, s17  }
0x37: {  	s16 =	smul.u32 $0x4200, s16;
	v0 =	vld [tilespmem:s17+$0x30]  }
0x38: {  	v1 =	vld [tilespmem:s17+$0xFFFFFFD0]  }
0x39: {  	s16 =	sshrl.u32 s16, $0x2;
	v5 =	vld [tilespmem:s17+$0xFFFFFFE0]  }
0x3a: {  	v6 =	vld [tilespmem:s17+$0xFFFFFFF0];
	s19 =	sor.u32 $0x2000, s16  }
0x3b: {  	s31 =	sand.u32 $0x1, s13;
	v4 =	vld [tilespmem:s17+$0x0];
	s18 =	sadd.s32 $0x0, s19  }
0x3c: {  	v3 =	vld [tilespmem:s17+$0x10];
	s16 =	smul.u32 $0x4200, s31;
	[tilespmem:s18+$0xE70 ss:$0x21] =	vst.msk $0xffff, v0  }
0x3d: {  	v2 =	vld [tilespmem:s17+$0x20];
	[tilespmem:s18+$0x210 ss:$0x21] =	vst.msk $0xffff, v1  }
0x3e: {  	s16 =	sshrl.u32 s16, $0x2;
	v1 =	vld [tilespmem:s17+$0xFFFFFFC0];
	[tilespmem:s18+$0x420 ss:$0x21] =	vst.msk $0xffff, v5;
	s17 =	sadd.s32 $0x80, s17  }
0x3f: {  	s20 =	simm.s32 $0x4;
	s21 =	simm.s32 $0x8;
	s16 =	sor.u32 $0x2000, s16;
	[tilespmem:s18+$0x630 ss:$0x21] =	vst.msk $0xffff, v6;
	v0 =	vld [tilespmem:s17+$0x30]  }
.LBB1_3:
0x40: {  	p1 =	sne.s32 s21, $0x7C;
	v5 =	vld [tilespmem:s17+$0xFFFFFFD0];
	[tilespmem:s18+$0x840 ss:$0x21] =	vst.msk $0xffff, v4  }
0x41: {  	v6 =	vld [tilespmem:s17+$0xFFFFFFE0];
	[tilespmem:s18+$0xA50 ss:$0x21] =	vst.msk $0xffff, v3  }
0x42: {  	s22 =	sshra.s32 s20, $0x2;
	s20 =	smov.u32 s21;
	v7 =	vld [tilespmem:s17+$0xFFFFFFF0];
	[tilespmem:s18+$0xC60 ss:$0x21] =	vst.msk $0xffff, v2  }
.Ltmp3:
0x43: {  	v4 =	vld [tilespmem:s17+$0x0];
	[tilespmem:s18+$0x0 ss:$0x21] =	vst.msk $0xffff, v1;
	s18 =	sadd.s32 s22, s19;
	(pc) =	sbr.rel @p1 .LBB1_3-.Ltmp3, $4  }
0x44: {  	v3 =	vld [tilespmem:s17+$0x10];
	[tilespmem:s18+$0xE70 ss:$0x21] =	vst.msk $0xffff, v0  }
0x45: {  	[tilespmem:s18+$0x210 ss:$0x21] =	vst.msk $0xffff, v5;
	v2 =	vld [tilespmem:s17+$0x20]  }
0x46: {  	v1 =	vld [tilespmem:s17+$0xFFFFFFC0];
	[tilespmem:s18+$0x420 ss:$0x21] =	vst.msk $0xffff, v6;
	s17 =	sadd.s32 $0x80, s17  }
0x47: {  	s21 =	sadd.s32 $0x4, s21;
	v0 =	vld [tilespmem:s17+$0x30];
	[tilespmem:s18+$0x630 ss:$0x21] =	vst.msk $0xffff, v7  }
0x48: {  	s21 =	sshll.u32 s9, $0x7;
	s22 =	sshll.u32 s10, $0x3;
	s20 =	sshra.s32 s20, $0x2  }
0x49: {  	p1 =	sgt.s32 s9, $0xF41C0;
	s30 =	sshra.s32 s9, $0x1F;
	s25 =	sshra.s32 s10, $0x1F  }
0x4a: {  	v5 =	vld [tilespmem:s17+$0xFFFFFFD0];
	s28 =	sshrl.u32 s10, $0x3;
	s23 =	sand.u32 $0xFFFFFC00, s21;
	s22 =	sand.u32 $0xFFFFFC00, s22  }
0x4b: {  	[tilespmem:s18+$0x840 ss:$0x21] =	vst.msk $0xffff, v4;
	v58 =	vld [tilespmem:s17+$0xFFFFFFE0];
	s21 =	sand.u32 $0x380, s21;
	s19 =	sadd.s32 s20, s19;
	s22 =	sadd.s32 s22, s23  }
0x4c: {  	v59 =	vld [tilespmem:s17+$0xFFFFFFF0];
	[tilespmem:s18+$0xA50 ss:$0x21] =	vst.msk $0xffff, v3;
	s29 =	sor.u32 s21, s22;
	s21 =	smov.u32 s9;
	s22 =	sand.u32 s30, s9  }
0x4d: {  	v60 =	vld [tilespmem:s17+$0x0];
	[tilespmem:s18+$0xC60 ss:$0x21] =	vst.msk $0xffff, v2;
	s30 =	sand.u32 $0x7, s10;
	s20 =	sshrl.u32 s29, $0x7;
	s21 =	simm.s32 @!p1 $0xF41C0  }
0x4e: {  	v61 =	vld [tilespmem:s17+$0x10];
	[tilespmem:s18+$0x0 ss:$0x21] =	vst.msk $0xffff, v1;
	p1 =	sgt.s32 s10, $0x60;
	s24 =	ssub.s32 s21, s22;
	s21 =	smov.u32 s10  }
0x4f: {  	v62 =	vld [tilespmem:s17+$0x20];
	[tilespmem:s19+$0xE70 ss:$0x21] =	vst.msk $0xffff, v0;
	s31 =	smulhi.u32 $0x218DEF5, s20;
	s22 =	sand.u32 s25, s10;
	s21 =	simm.s32 @!p1 $0x60  }
0x50: {  	v63 =	vld [tilespmem:s17+$0xFFFFFFC0];
	[tilespmem:s19+$0x210 ss:$0x21] =	vst.msk $0xffff, v5;
	s26 =	sadd.s32 $0xFFF0BE40, s24;
	s17 =	ssub.s32 $0xF4240, s24;
	s21 =	ssub.s32 s21, s22  }
0x51: {  	[tilespmem:s19+$0x420 ss:$0x21] =	vst.msk $0xffff, v58;
	s23 =	sshrl.u32 s31, $0xD;
	p1 =	sgt.s32 s26, $0x7F;
	s27 =	sadd.s32 $0xFFFFFFA0, s21  }
0x52: {  	[tilespmem:s19+$0x630 ss:$0x21] =	vst.msk $0xffff, v59;
	s23 =	smul.u32 $0xF4240, s23;
	s18 =	ssub.s32 $0x80, s21;
	p2 =	sgt.s32 s27, $0x1F  }
.Ltmp4:
0x53: {  	[tilespmem:s19+$0x840 ss:$0x21] =	vst.msk $0xffff, v60;
	s17 =	simm.s32 @p1 $0x0;
	s18 =	simm.s32 @p2 $0x0;
	(pc) =	sbr.rel .LBB1_5-.Ltmp4, $4  }
0x54: {  	s29 =	sand.u32 $0xF, s28;
	[tilespmem:s19+$0xA50 ss:$0x21] =	vst.msk $0xffff, v61;
	s20 =	ssub.s32 s20, s23;
	s17 =	smul.u32 s18, s17  }
0x55: {  	[tilespmem:s19+$0xC60 ss:$0x21] =	vst.msk $0xffff, v62;
	s21 =	sshll.u32 s30, $0x12;
	s20 =	sshll.u32 s20, $0x4;
	s18 =	sadd.s32 s5, s29  }
0x56: {  	[tilespmem:s19+$0x0 ss:$0x21] =	vst.msk $0xffff, v63;
	s31 =	sor.u32 $0x20, s21;
	s18 =	sadd.s32 s20, s18;
	s17 =	sand.u32 $0x3FFFFFFF, s17  }
0x57: {  	[hbm4b:s18+s31] =	stream.strided.scatter [tilespmem:s16], [sflag:$0x2], s17, s8, s31, $0x10;
	[tilespmem:$0x4100] =	vst v63  }
.LBB1_6:
0x58: {  	_ =	sfence.sel $0x180000  }
0x59: {  	s2 =	simm.s32 $0x1;
	[bflag:$0x0] =	sbarrier.arrive $0xFFFF  }
0x5a: {  	s31 =	simm.s32 $0x2;
	[sflag:s2] =	ssyncpa.u1 $0x1  }
0x5b: {  	[sflag:s31] =	ssyncpa.u1 $0x1  }
0x5c: {  	p0 =	sne.s32 s1, $0x0;
	_ =	strace $0x90000047  }
0x5d: {  	s0 =	sadd.s32 @!p0 $0x100000, s0;
	[bflag:$0x2] =	sbarrier.arrive $0xFFFF  }
0x5e: {  	[sflag:s0] =	ssyncadd.tile.s32 @!p0 $0x1;
	_ =	shalt  }
.Lfunc_end1:
_tile_overlayer_lowered:
.L_overlay_start_2:
0x5f: {  	(tag) =	ssettag $0x2  }
0x60: {  	s0 =	rddreg [dreg:$0x0];
	s2 =	stileid.u32  }
0x61: {  	s1 =	rddreg [dreg:$0x1];
	p0 =	sne.s32 s2, $0x0  }
0x62: {  	s3 =	rddreg [dreg:$0x2];
	[bflag:$0x3] =	sbarrier.arrive $0xFFFF;
	s2 =	simm.s32 @!p0 $0x1C01  }
0x63: {  	[timem:s3], [sflag:s2] =	dma.local @!p0 [hbm:s0], s1  }
0x64: {  	s0 =	simm.s32 @!p0 $0x1  }
0x65: {  	_ =	swait.ge @!p0 [sflag:s0], s1  }
0x66: {  	s1 =	ssub.s32 @!p0 $0x0, s1;
	[sflag:s0] =	ssyncset.done @!p0 $0x0  }
0x67: {  	[sflag:s0] =	ssyncadd.s32 @!p0 s1  }
0x68: {  	[bflag:$0x3] =	sbarrier.arrive $0xFFFF  }
0x69: {  	_ =	shalt  }

// kernel: sparse-core-data-format-call.cloned.1.call-start
scs
called_computation_lowered:
.L_overlay_start_0:
0x0: {  	s2 =	sld [smem:$0x3FD9]  }
0x1: {  	s3 =	sld [smem:$0x3FFE];
	_ =	sdelay $0x1  }
0x2: {  	s1 =	srdreg.scid  }
0x3: {  	s0 =	sand.u32 $0x1, s1  }
0x4: {  	s18 =	sshll.u32 s0, $0xA;
	s2 =	sadd.s32 s3, s2  }
0x5: {  	s2 =	sadd.s32 s2, s18  }
0x6: {  	[smem:$0x3FC4] =	sst s2  }
0x7: {  	_ = 	snop  }
0x8: {  	s2 =	sld [smem:$0x3FD0];
	(tm) =	ssettm $0x1  }
0x9: {  	s19 =	sld [smem:$0x3FFB];
	_ =	sdelay $0x3  }
0xa: {  	_ =	strace s19  }
0xb: {  	s3 =	sld [smem:$0x3FFC];
	_ =	sdelay $0x3  }
0xc: {  	_ =	strace s3  }
0xd: {  	s3 =	sld [smem:$0x3FFD];
	_ =	sdelay $0x3  }
0xe: {  	_ =	strace s3  }
0xf: {  	_ =	strace $0x8FFFFFFF  }
0x10: {  	s20 =	sld [smem:$0x3FDB];
	_ =	sdelay $0x1  }
0x11: {  	s4 =	simm.s32 $_scs_section_size  }
0x12: {  	s5 =	simm.s32 $_size__tile_overlayer_lowered;
	s6 =	simm.s32 $_tile_overlayer_lowered  }
0x13: {  	s23 =	simm.s32 $0x1BFF;
	s22 =	sshll.u32 s6, $0x1;
	s3 =	sadd.s32 s4, s20  }
0x14: {  	s7 =	simm.s32 $0x0;
	s21 =	sshll.u32 s5, $0x1;
	s5 =	sadd.s32 s22, s3  }
0x15: {  	[timem:s7], [sflag:s23] =	dma.local [hbm:s5], s21  }
0x16: {  	_ =	swait.ge [sflag:s23], s21  }
0x17: {  	s4 =	ssub.s32 $0x0, s21;
	[sflag:s23] =	ssyncset.done $0x0  }
0x18: {  	[sflag:s23] =	ssyncadd.s32 s4;
	_ =	sdelay $0x1  }
0x19: {  	s24 =	simm.s32 $0x1B8B  }
0x1a: {  	_ =	swait.ge [sflag:s24], $0x1  }
0x1b: {  	[sflag:s24] =	ssyncset.done $0x0  }
0x1c: {  	s26 =	simm.s32 $0x1B8E;
	s25 =	sld [smem:$0x3FFE];
	[sflag:s24] =	ssyncadd.s32 $0xFFFFFFFF  }
0x1d: {  	s27 =	simm.s32 $execute0_lowered;
	[smem:$0x3FD2] =	sst s26  }
0x1e: {  	s5 =	sshll.u32 s27, $0x1;
	_ =	strace $0x8000004C;
	[dreg:$0x1] =	wrdreg $0xFFFFFFFF  }
0x1f: {  	s28 =	simm.s32 $_size_execute0_lowered;
	s3 =	sadd.s32 s3, s5;
	[dreg:$0x0] =	wrdreg $0x0  }
0x20: {  	s5 =	sshll.u32 s28, $0x1;
	[dreg:$0x2] =	wrdreg s3  }
0x21: {  	[dreg:$0x3] =	wrdreg s5  }
0x22: {  	[dreg:$0x4] =	wrdreg $0xC0  }
0x23: {  	_ =	task [dreg:s7], $0x5FFFF  }
0x24: {  	[dreg:$0x1] =	wrdreg $0xFFFFFFFF  }
0x25: {  	[dreg:$0x0] =	wrdreg $0x60  }
0x26: {  	[dreg:$0x2] =	wrdreg s25  }
0x27: {  	[dreg:$0x3] =	wrdreg s2  }
0x28: {  	[dreg:$0x4] =	wrdreg $0x9  }
0x29: {  	_ =	task.clear_ibuf [dreg:s7], $0x5FFFF;
	_ =	strace $0x9000004C  }
0x2a: {  	s29 =	simm.s32 $0x9;
	_ =	strace $0x8000004E  }
0x2b: {  	_ =	swait.ge [sflag:s29], $0x1  }
0x2c: {  	[sflag:s29] =	ssyncadd.s32 $0xFFFFFFFF  }
0x2d: {  	_ =	strace $0x9000004E  }
0x2e: {  	_ =	sfence  }
0x2f: {  	s30 =	sld [smem:$0x0];
	_ =	sdelay $0x2  }
0x30: {  	s31 =	sshll.u32 s1, $0xD;
	s1 =	sshrl.u32 s1, $0x2  }
0x31: {  	s3 =	sand.u32 $0x4000, s31;
	s1 =	sadd.s32 s1, s30  }
0x32: {  	s0 =	sor.u32 s3, s0;
	s1 =	sshll.u32 s1, $0x11  }
0x33: {  	s0 =	sor.u32 s1, s0  }
0x34: {  	s0 =	sadd.s32 $0x8F2B, s0  }
0x35: {  	[sflag:s0] =	ssyncadd.remote.s32 $0x1  }
0x36: {  	_ =	sfence.sel $0xFFFF  }
0x37: {  	[dreg:$0x0] =	wrdreg $0xFFFFFFFF;
	(pc) =	sbr.abs _section_cstart, $3  }
0x38: {  	[dreg:$0x1] =	wrdreg $0xFFFFFFFF  }
0x39: {  	_ =	task.clear_ibuf [dreg:s7], $0x2FFFF;
	_ =	strace $0x9FFFFFFF  }
0x3a: {  	(tm) =	ssettm $0x7FFFFFFF  }
0x3b: {  	_ =	shalt  }
tec
execute0_lowered:
.L_overlay_start_1:
0x0: {  	(tag) =	ssettag $0x1  }
0x1: {  	s0 =	srdreg.scid  }
0x2: {  	s1 =	sshll.u32 s0, $0x4  }
0x3: {  	s6 =	rddreg [dreg:$0x0];
	s0 =	stileid.u32;
	s1 =	sand.u32 $0x10, s1  }
0x4: {  	s3 =	rddreg [dreg:$0x1];
	s5 =	simm.s32 $0x1;
	s1 =	sor.u32 s0, s1  }
0x5: {  	s31 =	simm.s32 $0x2;
	s12 =	simm.s32 $0x0;
	s2 =	sshll.u32 s1, $0x7  }
0x6: {  	s8 =	simm.s32 $0x20000;
	s13 =	simm.s32 $0x0;
	s4 =	ssub.s32 $0x4000, s2  }
0x7: {  	s9 =	simm.s32 $0x0;
	s11 =	simm.s32 $0x0;
	s30 =	sand.u32 $0xF80, s4  }
.Ltmp0:
0x8: {  	s6 =	sadd.s32 $0x1000, s6;
	p0 =	sne.s32 s30, $0x0;
	(pc) =	sbr.rel .LBB1_1-.Ltmp0, $4  }
0x9: {  	s1 =	rddreg [dreg:$0x2];
	s7 =	sshrl.u32 s4, $0xC;
	s5 =	simm.s32 @!p0 $0x0  }
0xa: {  	_ =	strace $0x8000004D;
	s4 =	simm.s32 $0x1;
	s5 =	sadd.s32 s5, s7  }
0xb: {  	s10 =	smov.u32 s2;
	[sflag:s4] =	ssyncpa.u1 $0x0;
	s5 =	sshll.u32 s5, $0x5  }
0xc: {  	[sflag:s31] =	ssyncpa.u1 $0x0;
	p0 =	por $0x0, $0x0;
	s7 =	sor.u32 $0x1, s5  }
.LBB1_4:
0xd: {  	s16 =	sshll.u32 s13, $0x3;
	s17 =	sand.u32 $0x78, s13  }
0xe: {  	s30 =	sand.u32 $0xF800, s13;
	s12 =	sshll.u32 s12, $0x10;
	s16 =	sand.u32 $0x3C00, s16  }
0xf: {  	s31 =	sand.u32 $0x7, s13;
	s16 =	sor.u32 s17, s16;
	s17 =	sadd.s32 s3, s30  }
0x10: {  	s13 =	sshll.u32 s31, $0x12;
	s16 =	sshrl.u32 s16, $0x3;
	s12 =	sadd.s32 s12, s17  }
0x11: {  	[tilespmem:s15+$0x0 ss:$0x81] =	vst.msk $0xffff, v0;
	s13 =	sor.u32 $0x400, s13;
	s12 =	sadd.s32 s16, s12  }
0x12: {  	[hbm4b:s12+s13] =	stream.strided.scatter [tilespmem:s14], [sflag:$0x2], $0x1000, s8, s13, $0x20;
	[tilespmem:$0x4040] =	vst v63  }
.LBB1_5:
0x13: {  	s14 =	sadd.s32 $0x1, s9  }
0x14: {  	s12 =	sadd.s32 $0x1000, s10;
	s16 =	smov.u32 s10;
	p2 =	sgt.s32 s14, $0x1F  }
0x15: {  	s16 =	smov.u32 @p2 s12  }
0x16: {  	s14 =	simm.s32 @p2 $0x0;
	p2 =	sgt.s32 s16, $0x3FFF  }
0x17: {  	s16 =	smov.u32 @p2 s2;
	p2 =	sne.s32 s11, s7  }
.Ltmp1:
0x18: {  	p1 =	slt.u32 s11, $0x2;
	(pc) =	sbr.rel @!p2 .LBB1_6-.Ltmp1, $4  }
0x19: {  	s15 =	simm.s32 @!p1 $0x2  }
0x1a: {  	s13 =	smov.u32 s10;
	p0 =	por !p0, !p0;
	_ =	swait.ge @!p1 [sflag:s15], $0x1000  }
0x1b: {  	s12 =	smov.u32 s9;
	[sflag:s15] =	ssyncset.done @!p1 $0x0;
	s9 =	smov.u32 s14  }
0x1c: {  	s11 =	sadd.s32 $0x1, s11;
	[sflag:s15] =	ssyncadd.s32 @!p1 $0xFFFFF000;
	s10 =	smov.u32 s16  }
.LBB1_1:
0x1d: {  	p1 =	sge.u32 s11, s5  }
0x1e: {  	s31 =	sadd.s32 $0xFFFFFFFF, s11;
	s14 =	sxor.u32 @!p1 $0xFFFFFFFF, s11  }
0x1f: {  	s15 =	sshll.u32 @!p1 s10, $0x9;
	s16 =	sshll.u32 @!p1 s9, $0x4;
	s17 =	simm.s32 @!p1 $0x1000  }
0x20: {  	s14 =	sshll.u32 @!p1 s14, $0xC;
	s16 =	sand.u32 @!p1 $0x1F0, s16;
	s15 =	sadd.s32 @!p1 s6, s15  }
0x21: {  	s14 =	sand.u32 @!p1 $0x1000, s14;
	s15 =	sadd.s32 @!p1 s16, s15;
	s16 =	simm.s32 @!p1 $0x20  }
0x22: {  	[tilespmem:s14], [sflag:$0x1] =	stream.strided.gather @!p1 [hbm4b:s15+s16], $0x1000, s17, s16, $0x38;
	[tilespmem:$0x4040] =	vst v63  }
0x23: {  	p1 =	sge.u32 s31, s5  }
.Ltmp2:
0x24: {  	_ = 	snop;
	(pc) =	sbr.rel @p1 .LBB1_5-.Ltmp2, $1  }
0x25: {  	_ =	sdelay $0x3  }
0x26: {  	s14 =	simm.s32 $0x1  }
0x27: {  	_ =	swait.ge [sflag:s4], $0x1000;
	s14 =	simm.s32 @!p0 $0x0  }
0x28: {  	[sflag:s4] =	ssyncset.done $0x0;
	s15 =	sshll.u32 s14, $0xC  }
0x29: {  	[sflag:s4] =	ssyncadd.s32 $0xFFFFF000;
	s18 =	sor.u32 $0x10, s15  }
0x2a: {  	s14 =	smul.u32 $0x4080, s14;
	v1 =	vld [tilespmem:s18+$0x0]  }
0x2b: {  	s30 =	sand.u32 $0x1, s11;
	v0 =	vld [tilespmem:s18+$0xFFFFFFF0]  }
0x2c: {  	s15 =	smul.u32 $0x4080, s30;
	s14 =	sshrl.u32 s14, $0x2  }
0x2d: {  	s16 =	sor.u32 $0x2000, s14  }
0x2e: {  	s31 =	sshrl.u32 s15, $0x2;
	s15 =	sadd.s32 $0x0, s16  }
0x2f: {  	s17 =	simm.s32 $0x4;
	s18 =	sadd.s32 $0x20, s18;
	s14 =	sor.u32 $0x2000, s31;
	[tilespmem:s15+$0x810 ss:$0x81] =	vst.msk $0xffff, v1  }
.LBB1_3:
0x30: {  	v1 =	vld [tilespmem:s18+$0x0];
	p1 =	sne.s32 s17, $0x1FC;
	[tilespmem:s15+$0x0 ss:$0x81] =	vst.msk $0xffff, v0;
	s15 =	smov.u32 s17;
	s17 =	sadd.s32 $0x4, s17  }
.Ltmp3:
0x31: {  	v0 =	vld [tilespmem:s18+$0xFFFFFFF0];
	(pc) =	sbr.rel @p1 .LBB1_3-.Ltmp3, $4  }
0x32: {  	_ = 	snop  }
0x33: {  	s15 =	sshra.s32 s15, $0x2  }
0x34: {  	s15 =	sadd.s32 s15, s16  }
0x35: {  	s18 =	sadd.s32 $0x20, s18;
	[tilespmem:s15+$0x810 ss:$0x81] =	vst.msk $0xffff, v1  }
.Ltmp4:
0x36: {  	_ = 	snop;
	(pc) =	sbr.rel .LBB1_4-.Ltmp4, $1  }
0x37: {  	_ =	sdelay $0x3  }
.LBB1_6:
0x38: {  	_ =	sfence.sel $0x180000  }
0x39: {  	s2 =	simm.s32 $0x1;
	[bflag:$0x0] =	sbarrier.arrive $0xFFFF  }
0x3a: {  	s31 =	simm.s32 $0x2;
	[sflag:s2] =	ssyncpa.u1 $0x1  }
0x3b: {  	[sflag:s31] =	ssyncpa.u1 $0x1  }
0x3c: {  	p0 =	sne.s32 s0, $0x0;
	_ =	strace $0x9000004D  }
0x3d: {  	s0 =	sadd.s32 @!p0 $0x100000, s1;
	[bflag:$0x2] =	sbarrier.arrive $0xFFFF  }
0x3e: {  	[sflag:s0] =	ssyncadd.tile.s32 @!p0 $0x1;
	_ =	shalt  }
.Lfunc_end1:
_tile_overlayer_lowered:
.L_overlay_start_2:
0x3f: {  	(tag) =	ssettag $0x2  }
0x40: {  	s0 =	rddreg [dreg:$0x0];
	s2 =	stileid.u32  }
0x41: {  	s1 =	rddreg [dreg:$0x1];
	p0 =	sne.s32 s2, $0x0  }
0x42: {  	s3 =	rddreg [dreg:$0x2];
	[bflag:$0x3] =	sbarrier.arrive $0xFFFF;
	s2 =	simm.s32 @!p0 $0x1C01  }
0x43: {  	[timem:s3], [sflag:s2] =	dma.local @!p0 [hbm:s0], s1  }
0x44: {  	s0 =	simm.s32 @!p0 $0x1  }
0x45: {  	_ =	swait.ge @!p0 [sflag:s0], s1  }
0x46: {  	s1 =	ssub.s32 @!p0 $0x0, s1;
	[sflag:s0] =	ssyncset.done @!p0 $0x0  }
0x47: {  	[sflag:s0] =	ssyncadd.s32 @!p0 s1  }
0x48: {  	[bflag:$0x3] =	sbarrier.arrive $0xFFFF  }
0x49: {  	_ =	shalt  }

</sc_bundles>
